<compile_context>
chip_gen: v7x
topology: tpu7x:2x2x1
jax: 0.10.2.dev20260603
libtpu: 0.0.44.dev20260713+nightly
codegen_flags: <defaults>
</compile_context>

<pallas_src>
import functools

import jax
import jax.numpy as jnp
from jax import lax
from jax.experimental import pallas as pl
from jax.experimental.pallas import tpu as pltpu
from jax.experimental.pallas import tpu_sc as plsc

_B = 1024
_INPUT = 511
_D = 128
_NVR = _D // 16
_NC = 2
_NS = 16
_PW = 16
_CB = 128
_NBB = _B // _CB
_NCHUNK = _PW * _NBB
_NSLOT = 4


def _sc_body(xt_ref, tok_ref, seg_ref, pos_ref, out_ref,
             idx_v, bias_v, seg_v, rows, gsems, ssems):
    w = lax.axis_index("s") * _NC + lax.axis_index("c")
    p_base = w * _PW

    pltpu.sync_copy(xt_ref.at[pl.ds(p_base, _PW)], idx_v)

    pltpu.sync_copy(pos_ref.at[pl.ds(p_base, _PW)], bias_v)
    pltpu.sync_copy(seg_ref, seg_v)
    for i in range(_PW):
        seg_row = jnp.where(p_base + i >= 256, 1, 0)
        for j in range(_NVR):
            sl = pl.ds(16 * j, 16)
            bias_v[i, sl] = bias_v[i, sl] + seg_v[seg_row, sl]

    def start_gather(t, sl_):
        pltpu.async_copy(tok_ref.at[idx_v.at[t >> 3, t & 7]],
                         rows[sl_], gsems[sl_])

    def wait_gather(sl_):
        pltpu.make_async_copy(tok_ref.at[pl.ds(0, _CB)], rows[sl_],
                              gsems[sl_]).wait()

    def start_store(t, sl_):
        pi = t >> 3
        b0 = (t & 7) * _CB
        p = p_base + pi

        @pl.when(p < _INPUT)
        def _():
            pltpu.async_copy(rows[sl_], out_ref.at[p, pl.ds(b0, _CB)],
                             ssems[sl_])

    def wait_store(t, sl_):
        p = p_base + (t >> 3)

        @pl.when(p < _INPUT)
        def _():
            pltpu.make_async_copy(tok_ref.at[pl.ds(0, _CB)], rows[sl_],
                                  ssems[sl_]).wait()

    def add_bias(t, sl_):
        row_v = rows[sl_]
        pi = t >> 3
        bias_regs = [bias_v[pi, pl.ds(16 * j, 16)] for j in range(_NVR)]

        def body(i, carry):
            for u in range(4):
                r = 4 * i + u
                for j in range(_NVR):
                    plsc.addupdate(row_v.at[r, pl.ds(16 * j, 16)],
                                   bias_regs[j])
            return carry

        lax.fori_loop(0, _CB // 4, body, 0)

    start_gather(0, 0)
    start_gather(1, 1)

    def ring_body(i, carry):
        for u in range(_NSLOT):
            t = _NSLOT * i + u
            s2 = (u + 2) % _NSLOT

            @pl.when(t >= 2)
            def _():
                wait_store(t - 2, s2)

            @pl.when(t + 2 < _NCHUNK)
            def _():
                start_gather(t + 2, s2)

            wait_gather(u)
            add_bias(t, u)
            start_store(t, u)
        return carry

    lax.fori_loop(0, _NCHUNK // _NSLOT, ring_body, 0)

    wait_store(_NCHUNK - 2, (_NSLOT - 2) % _NSLOT)
    wait_store(_NCHUNK - 1, (_NSLOT - 1) % _NSLOT)


@jax.jit
def _run(x_t3, token_table, segment_table, position_table):
    mesh = plsc.VectorSubcoreMesh(core_axis_name="c", subcore_axis_name="s")
    fn = functools.partial(
        pl.kernel,
        mesh=mesh,
        out_type=jax.ShapeDtypeStruct((_INPUT, _B, _D), jnp.float32),
        scratch_types=[
            pltpu.VMEM((_PW, _NBB, _CB), jnp.int32),
            pltpu.VMEM((_PW, _D), jnp.float32),
            pltpu.VMEM((2, _D), jnp.float32),
            [pltpu.VMEM((_CB, _D), jnp.float32) for _ in range(_NSLOT)],
            [pltpu.SemaphoreType.DMA for _ in range(_NSLOT)],
            [pltpu.SemaphoreType.DMA for _ in range(_NSLOT)],
        ],
    )(_sc_body)
    return fn(x_t3, token_table, segment_table, position_table)


def kernel(x, token_table, segment_table, position_table):
    x_pad = jnp.pad(x, ((0, 0), (0, 1)))
    x_t3 = x_pad.T.reshape(_INPUT + 1, _NBB, _CB)
    out_t = _run(x_t3, token_table, segment_table, position_table)
    return out_t.transpose(1, 0, 2)

# --- scband reference (transcript-rebuilt; emitter-appended) ---
"""Pipeline reference for scband-input-representation-22282290331962 (READ-ONLY COPY).

The authoritative reference and input builder live on the scoring server;
editing this copy changes nothing except your own understanding.
"""

import jax, jax.numpy as jnp
import numpy as np

VOCAB = 100000
D = 128
BLOCK = 254
INPUT = 2 * BLOCK + 3  # 511
B = 1024


def setup_inputs(seed: int = 0) -> dict:
    key = jax.random.key(seed)
    k1, k2, k3, k4 = jax.random.split(key, 4)
    x = jax.random.randint(k1, (B, INPUT), 0, VOCAB, dtype=jnp.int32)
    token_table = jax.random.normal(k2, (VOCAB, D), dtype=jnp.float32) * 0.02
    segment_table = jax.random.normal(k3, (2, D), dtype=jnp.float32) * 0.02
    position_table = jax.random.normal(k4, (INPUT + 1, D), dtype=jnp.float32) * 0.02
    return {
        "x": x,
        "token_table": token_table,
        "segment_table": segment_table,
        "position_table": position_table,
    }


def reference(x, token_table, segment_table, position_table):
    # Training-mode branch of InputRepresentation.forward (torch default is training=True).
    # segment_index buffer: [0]*(block+1) + [0] + [1]*(block+1), length = 2*block+3 = INPUT
    segment_index = jnp.array([0] * (BLOCK + 1) + [0] + [1] * (BLOCK + 1), dtype=jnp.int32)
    position_index = jnp.arange(INPUT, dtype=jnp.int32)
    token_embeddings = jnp.take(token_table, x, axis=0)            # [B, INPUT, D] gather
    segment_embeddings = jnp.take(segment_table, segment_index, axis=0)   # [INPUT, D]
    position_embeddings = jnp.take(position_table, position_index, axis=0)  # [INPUT, D]
    out = position_embeddings + token_embeddings + segment_embeddings
    return out

if __name__ == "__main__":
    import jax
    _d = setup_inputs()
    print(jax.jit(kernel)(*tuple(_d.values())))

</pallas_src>

<mosaic_0001>
#map = affine_map<(d0, d1) -> (0, 0, 0)>
#map1 = affine_map<(d0, d1) -> (0, 0)>
module attributes {stable_mosaic.version = 14 : i64} {
  func.func @_sc_body(%arg0: i32, %arg1: i32, %arg2: memref<512x8x128xi32, #tpu.memory_space<hbm>>, %arg3: memref<100000x128xf32, #tpu.memory_space<hbm>>, %arg4: memref<2x128xf32, #tpu.memory_space<hbm>>, %arg5: memref<512x128xf32, #tpu.memory_space<hbm>>, %arg6: memref<511x1024x128xf32, #tpu.memory_space<hbm>>, %arg7: memref<16x8x128xi32, #tpu.memory_space<vmem>>, %arg8: memref<16x128xf32, #tpu.memory_space<vmem>>, %arg9: memref<2x128xf32, #tpu.memory_space<vmem>>, %arg10: memref<128x128xf32, #tpu.memory_space<vmem>>, %arg11: memref<128x128xf32, #tpu.memory_space<vmem>>, %arg12: memref<128x128xf32, #tpu.memory_space<vmem>>, %arg13: memref<128x128xf32, #tpu.memory_space<vmem>>, %arg14: memref<!tpu.dma_semaphore, #tpu.memory_space<semaphore_mem>>, %arg15: memref<!tpu.dma_semaphore, #tpu.memory_space<semaphore_mem>>, %arg16: memref<!tpu.dma_semaphore, #tpu.memory_space<semaphore_mem>>, %arg17: memref<!tpu.dma_semaphore, #tpu.memory_space<semaphore_mem>>, %arg18: memref<!tpu.dma_semaphore, #tpu.memory_space<semaphore_mem>>, %arg19: memref<!tpu.dma_semaphore, #tpu.memory_space<semaphore_mem>>, %arg20: memref<!tpu.dma_semaphore, #tpu.memory_space<semaphore_mem>>, %arg21: memref<!tpu.dma_semaphore, #tpu.memory_space<semaphore_mem>>) attributes {dimension_semantics = [#tpu.dimension_semantics<core_parallel>, #tpu.dimension_semantics<subcore_parallel>], iteration_bounds = array<i64: 2, 16>, scalar_prefetch = 0 : i64, scratch_operands = 15 : i64, tpu.core_type = #tpu.core_type<sc_vector_subcore>, window_params = [{transform_indices = #map}, {transform_indices = #map1}, {transform_indices = #map1}, {transform_indices = #map1}, {transform_indices = #map}]} {
    %mul3A = arith.constant 2 : i32
    %mul3A_0 = arith.muli %arg1, %mul3A : i32
    %add3A = arith.addi %mul3A_0, %arg0 : i32
    %mul3A_1 = arith.constant 16 : i32
    %mul3A_2 = arith.muli %add3A, %mul3A_1 : i32
    "tpu.region"() ({
      %run_scoped3A = tpu.sem_alloc : memref<!tpu.dma_semaphore, #tpu.memory_space<semaphore_mem>>
      %dma_start3A_2189 = arith.constant 0 : i32
      %dma_start3A_2190 = arith.constant 0 : i32
      %dma_start3A_2191 = tpu.memref_slice %arg2[%mul3A_2, %dma_start3A_2189, %dma_start3A_2190] : memref<512x8x128xi32, #tpu.memory_space<hbm>> -> memref<16x8x128xi32, #tpu.memory_space<hbm>>
      %dma_start3A_2192 = arith.constant 0 : i32
      %dma_start3A_2193 = arith.constant 0 : i32
      %dma_start3A_2194 = tpu.memref_slice %arg2[%mul3A_2, %dma_start3A_2192, %dma_start3A_2193] : memref<512x8x128xi32, #tpu.memory_space<hbm>> -> memref<16x8x128xi32, #tpu.memory_space<hbm>>
      tpu.enqueue_dma source(%dma_start3A_2194 : memref<16x8x128xi32, #tpu.memory_space<hbm>>) target(%arg7 : memref<16x8x128xi32, #tpu.memory_space<vmem>>) target_semaphore(%run_scoped3A : memref<!tpu.dma_semaphore, #tpu.memory_space<semaphore_mem>>)
      %dma_wait3A = arith.constant 0 : i32
      %dma_wait3A_2195 = arith.constant 0 : i32
      %dma_wait3A_2196 = tpu.memref_slice %arg2[%mul3A_2, %dma_wait3A, %dma_wait3A_2195] : memref<512x8x128xi32, #tpu.memory_space<hbm>> -> memref<16x8x128xi32, #tpu.memory_space<hbm>>
      %dma_wait3A_2197 = arith.constant 0 : i32
      %dma_wait3A_2198 = arith.constant 0 : i32
      %dma_wait3A_2199 = tpu.memref_slice %arg2[%mul3A_2, %dma_wait3A_2197, %dma_wait3A_2198] : memref<512x8x128xi32, #tpu.memory_space<hbm>> -> memref<16x8x128xi32, #tpu.memory_space<hbm>>
      tpu.wait_dma2 semaphore(%run_scoped3A : memref<!tpu.dma_semaphore, #tpu.memory_space<semaphore_mem>>) src(%dma_wait3A_2199 : memref<16x8x128xi32, #tpu.memory_space<hbm>>) dst(%arg7 : memref<16x8x128xi32, #tpu.memory_space<vmem>>)
      tpu.yield
    }) : () -> ()
    "tpu.region"() ({
      %run_scoped3A = tpu.sem_alloc : memref<!tpu.dma_semaphore, #tpu.memory_space<semaphore_mem>>
      %dma_start3A_2189 = arith.constant 0 : i32
      %dma_start3A_2190 = tpu.memref_slice %arg5[%mul3A_2, %dma_start3A_2189] : memref<512x128xf32, #tpu.memory_space<hbm>> -> memref<16x128xf32, #tpu.memory_space<hbm>>
      %dma_start3A_2191 = arith.constant 0 : i32
      %dma_start3A_2192 = tpu.memref_slice %arg5[%mul3A_2, %dma_start3A_2191] : memref<512x128xf32, #tpu.memory_space<hbm>> -> memref<16x128xf32, #tpu.memory_space<hbm>>
      tpu.enqueue_dma source(%dma_start3A_2192 : memref<16x128xf32, #tpu.memory_space<hbm>>) target(%arg8 : memref<16x128xf32, #tpu.memory_space<vmem>>) target_semaphore(%run_scoped3A : memref<!tpu.dma_semaphore, #tpu.memory_space<semaphore_mem>>)
      %dma_wait3A = arith.constant 0 : i32
      %dma_wait3A_2193 = tpu.memref_slice %arg5[%mul3A_2, %dma_wait3A] : memref<512x128xf32, #tpu.memory_space<hbm>> -> memref<16x128xf32, #tpu.memory_space<hbm>>
      %dma_wait3A_2194 = arith.constant 0 : i32
      %dma_wait3A_2195 = tpu.memref_slice %arg5[%mul3A_2, %dma_wait3A_2194] : memref<512x128xf32, #tpu.memory_space<hbm>> -> memref<16x128xf32, #tpu.memory_space<hbm>>
      tpu.wait_dma2 semaphore(%run_scoped3A : memref<!tpu.dma_semaphore, #tpu.memory_space<semaphore_mem>>) src(%dma_wait3A_2195 : memref<16x128xf32, #tpu.memory_space<hbm>>) dst(%arg8 : memref<16x128xf32, #tpu.memory_space<vmem>>)
      tpu.yield
    }) : () -> ()
    "tpu.region"() ({
      %run_scoped3A = tpu.sem_alloc : memref<!tpu.dma_semaphore, #tpu.memory_space<semaphore_mem>>
      tpu.enqueue_dma source(%arg4 : memref<2x128xf32, #tpu.memory_space<hbm>>) target(%arg9 : memref<2x128xf32, #tpu.memory_space<vmem>>) target_semaphore(%run_scoped3A : memref<!tpu.dma_semaphore, #tpu.memory_space<semaphore_mem>>)
      tpu.wait_dma2 semaphore(%run_scoped3A : memref<!tpu.dma_semaphore, #tpu.memory_space<semaphore_mem>>) src(%arg4 : memref<2x128xf32, #tpu.memory_space<hbm>>) dst(%arg9 : memref<2x128xf32, #tpu.memory_space<vmem>>)
      tpu.yield
    }) : () -> ()
    %add3A_3 = arith.constant 0 : i32
    %add3A_4 = arith.addi %mul3A_2, %add3A_3 : i32
    %ge3A = arith.constant 256 : i32
    %ge3A_5 = arith.cmpi sge, %add3A_4, %ge3A : i32
    %jit3A = arith.constant 1 : i32
    %jit3A_6 = arith.constant 0 : i32
    %select_n3A = arith.select %ge3A_5, %jit3A, %jit3A_6 : i32
    %get3A = arith.constant 0 : i32
    %get3A_7 = arith.index_cast %get3A : i32 to index
    %get3A_8 = arith.constant 0 : index
    %get3A_9 = tpu.vector_load %arg8[%get3A_7, %get3A_8] {strides = array<i32>} : memref<16x128xf32, #tpu.memory_space<vmem>>, vector<1x16xf32>,
    %get3A_10 = vector.shape_cast %get3A_9 : vector<1x16xf32> to vector<16xf32>
    %get3A_11 = arith.index_cast %select_n3A : i32 to index
    %get3A_12 = arith.constant 0 : index
    %get3A_13 = tpu.vector_load %arg9[%get3A_11, %get3A_12] {strides = array<i32>} : memref<2x128xf32, #tpu.memory_space<vmem>>, vector<1x16xf32>,
    %get3A_14 = vector.shape_cast %get3A_13 : vector<1x16xf32> to vector<16xf32>
    %add3A_15 = arith.addf %get3A_10, %get3A_14 : vector<16xf32>
    %swap3A = arith.constant 0 : i32
    %swap3A_16 = arith.index_cast %swap3A : i32 to index
    %swap3A_17 = arith.constant 0 : index
    %swap3A_18 = tpu.vector_load %arg8[%swap3A_16, %swap3A_17] {strides = array<i32>} : memref<16x128xf32, #tpu.memory_space<vmem>>, vector<1x16xf32>,
    %swap3A_19 = vector.shape_cast %swap3A_18 : vector<1x16xf32> to vector<16xf32>
    %swap3A_20 = vector.shape_cast %add3A_15 : vector<16xf32> to vector<1x16xf32>
    tpu.vector_store %arg8[%swap3A_16, %swap3A_17], %swap3A_20 {strides = array<i32>} : memref<16x128xf32, #tpu.memory_space<vmem>>, vector<1x16xf32>,
    %get3A_21 = arith.constant 0 : i32
    %get3A_22 = arith.index_cast %get3A_21 : i32 to index
    %get3A_23 = arith.constant 16 : index
    %get3A_24 = tpu.vector_load %arg8[%get3A_22, %get3A_23] {strides = array<i32>} : memref<16x128xf32, #tpu.memory_space<vmem>>, vector<1x16xf32>,
    %get3A_25 = vector.shape_cast %get3A_24 : vector<1x16xf32> to vector<16xf32>
    %get3A_26 = arith.index_cast %select_n3A : i32 to index
    %get3A_27 = arith.constant 16 : index
    %get3A_28 = tpu.vector_load %arg9[%get3A_26, %get3A_27] {strides = array<i32>} : memref<2x128xf32, #tpu.memory_space<vmem>>, vector<1x16xf32>,
    %get3A_29 = vector.shape_cast %get3A_28 : vector<1x16xf32> to vector<16xf32>
    %add3A_30 = arith.addf %get3A_25, %get3A_29 : vector<16xf32>
    %swap3A_31 = arith.constant 0 : i32
    %swap3A_32 = arith.index_cast %swap3A_31 : i32 to index
    %swap3A_33 = arith.constant 16 : index
    %swap3A_34 = tpu.vector_load %arg8[%swap3A_32, %swap3A_33] {strides = array<i32>} : memref<16x128xf32, #tpu.memory_space<vmem>>, vector<1x16xf32>,
    %swap3A_35 = vector.shape_cast %swap3A_34 : vector<1x16xf32> to vector<16xf32>
    %swap3A_36 = vector.shape_cast %add3A_30 : vector<16xf32> to vector<1x16xf32>
    tpu.vector_store %arg8[%swap3A_32, %swap3A_33], %swap3A_36 {strides = array<i32>} : memref<16x128xf32, #tpu.memory_space<vmem>>, vector<1x16xf32>,
    %get3A_37 = arith.constant 0 : i32
    %get3A_38 = arith.index_cast %get3A_37 : i32 to index
    %get3A_39 = arith.constant 32 : index
    %get3A_40 = tpu.vector_load %arg8[%get3A_38, %get3A_39] {strides = array<i32>} : memref<16x128xf32, #tpu.memory_space<vmem>>, vector<1x16xf32>,
    %get3A_41 = vector.shape_cast %get3A_40 : vector<1x16xf32> to vector<16xf32>
    %get3A_42 = arith.index_cast %select_n3A : i32 to index
    %get3A_43 = arith.constant 32 : index
    %get3A_44 = tpu.vector_load %arg9[%get3A_42, %get3A_43] {strides = array<i32>} : memref<2x128xf32, #tpu.memory_space<vmem>>, vector<1x16xf32>,
    %get3A_45 = vector.shape_cast %get3A_44 : vector<1x16xf32> to vector<16xf32>
    %add3A_46 = arith.addf %get3A_41, %get3A_45 : vector<16xf32>
    %swap3A_47 = arith.constant 0 : i32
    %swap3A_48 = arith.index_cast %swap3A_47 : i32 to index
    %swap3A_49 = arith.constant 32 : index
    %swap3A_50 = tpu.vector_load %arg8[%swap3A_48, %swap3A_49] {strides = array<i32>} : memref<16x128xf32, #tpu.memory_space<vmem>>, vector<1x16xf32>,
    %swap3A_51 = vector.shape_cast %swap3A_50 : vector<1x16xf32> to vector<16xf32>
    %swap3A_52 = vector.shape_cast %add3A_46 : vector<16xf32> to vector<1x16xf32>
    tpu.vector_store %arg8[%swap3A_48, %swap3A_49], %swap3A_52 {strides = array<i32>} : memref<16x128xf32, #tpu.memory_space<vmem>>, vector<1x16xf32>,
    %get3A_53 = arith.constant 0 : i32
    %get3A_54 = arith.index_cast %get3A_53 : i32 to index
    %get3A_55 = arith.constant 48 : index
    %get3A_56 = tpu.vector_load %arg8[%get3A_54, %get3A_55] {strides = array<i32>} : memref<16x128xf32, #tpu.memory_space<vmem>>, vector<1x16xf32>,
    %get3A_57 = vector.shape_cast %get3A_56 : vector<1x16xf32> to vector<16xf32>
    %get3A_58 = arith.index_cast %select_n3A : i32 to index
    %get3A_59 = arith.constant 48 : index
    %get3A_60 = tpu.vector_load %arg9[%get3A_58, %get3A_59] {strides = array<i32>} : memref<2x128xf32, #tpu.memory_space<vmem>>, vector<1x16xf32>,
    %get3A_61 = vector.shape_cast %get3A_60 : vector<1x16xf32> to vector<16xf32>
    %add3A_62 = arith.addf %get3A_57, %get3A_61 : vector<16xf32>
    %swap3A_63 = arith.constant 0 : i32
    %swap3A_64 = arith.index_cast %swap3A_63 : i32 to index
    %swap3A_65 = arith.constant 48 : index
    %swap3A_66 = tpu.vector_load %arg8[%swap3A_64, %swap3A_65] {strides = array<i32>} : memref<16x128xf32, #tpu.memory_space<vmem>>, vector<1x16xf32>,
    %swap3A_67 = vector.shape_cast %swap3A_66 : vector<1x16xf32> to vector<16xf32>
    %swap3A_68 = vector.shape_cast %add3A_62 : vector<16xf32> to vector<1x16xf32>
    tpu.vector_store %arg8[%swap3A_64, %swap3A_65], %swap3A_68 {strides = array<i32>} : memref<16x128xf32, #tpu.memory_space<vmem>>, vector<1x16xf32>,
    %get3A_69 = arith.constant 0 : i32
    %get3A_70 = arith.index_cast %get3A_69 : i32 to index
    %get3A_71 = arith.constant 64 : index
    %get3A_72 = tpu.vector_load %arg8[%get3A_70, %get3A_71] {strides = array<i32>} : memref<16x128xf32, #tpu.memory_space<vmem>>, vector<1x16xf32>,
    %get3A_73 = vector.shape_cast %get3A_72 : vector<1x16xf32> to vector<16xf32>
    %get3A_74 = arith.index_cast %select_n3A : i32 to index
    %get3A_75 = arith.constant 64 : index
    %get3A_76 = tpu.vector_load %arg9[%get3A_74, %get3A_75] {strides = array<i32>} : memref<2x128xf32, #tpu.memory_space<vmem>>, vector<1x16xf32>,
    %get3A_77 = vector.shape_cast %get3A_76 : vector<1x16xf32> to vector<16xf32>
    %add3A_78 = arith.addf %get3A_73, %get3A_77 : vector<16xf32>
    %swap3A_79 = arith.constant 0 : i32
    %swap3A_80 = arith.index_cast %swap3A_79 : i32 to index
    %swap3A_81 = arith.constant 64 : index
    %swap3A_82 = tpu.vector_load %arg8[%swap3A_80, %swap3A_81] {strides = array<i32>} : memref<16x128xf32, #tpu.memory_space<vmem>>, vector<1x16xf32>,
    %swap3A_83 = vector.shape_cast %swap3A_82 : vector<1x16xf32> to vector<16xf32>
    %swap3A_84 = vector.shape_cast %add3A_78 : vector<16xf32> to vector<1x16xf32>
    tpu.vector_store %arg8[%swap3A_80, %swap3A_81], %swap3A_84 {strides = array<i32>} : memref<16x128xf32, #tpu.memory_space<vmem>>, vector<1x16xf32>,
    %get3A_85 = arith.constant 0 : i32
    %get3A_86 = arith.index_cast %get3A_85 : i32 to index
    %get3A_87 = arith.constant 80 : index
    %get3A_88 = tpu.vector_load %arg8[%get3A_86, %get3A_87] {strides = array<i32>} : memref<16x128xf32, #tpu.memory_space<vmem>>, vector<1x16xf32>,
    %get3A_89 = vector.shape_cast %get3A_88 : vector<1x16xf32> to vector<16xf32>
    %get3A_90 = arith.index_cast %select_n3A : i32 to index
    %get3A_91 = arith.constant 80 : index
    %get3A_92 = tpu.vector_load %arg9[%get3A_90, %get3A_91] {strides = array<i32>} : memref<2x128xf32, #tpu.memory_space<vmem>>, vector<1x16xf32>,
    %get3A_93 = vector.shape_cast %get3A_92 : vector<1x16xf32> to vector<16xf32>
    %add3A_94 = arith.addf %get3A_89, %get3A_93 : vector<16xf32>
    %swap3A_95 = arith.constant 0 : i32
    %swap3A_96 = arith.index_cast %swap3A_95 : i32 to index
    %swap3A_97 = arith.constant 80 : index
    %swap3A_98 = tpu.vector_load %arg8[%swap3A_96, %swap3A_97] {strides = array<i32>} : memref<16x128xf32, #tpu.memory_space<vmem>>, vector<1x16xf32>,
    %swap3A_99 = vector.shape_cast %swap3A_98 : vector<1x16xf32> to vector<16xf32>
    %swap3A_100 = vector.shape_cast %add3A_94 : vector<16xf32> to vector<1x16xf32>
    tpu.vector_store %arg8[%swap3A_96, %swap3A_97], %swap3A_100 {strides = array<i32>} : memref<16x128xf32, #tpu.memory_space<vmem>>, vector<1x16xf32>,
    %get3A_101 = arith.constant 0 : i32
    %get3A_102 = arith.index_cast %get3A_101 : i32 to index
    %get3A_103 = arith.constant 96 : index
    %get3A_104 = tpu.vector_load %arg8[%get3A_102, %get3A_103] {strides = array<i32>} : memref<16x128xf32, #tpu.memory_space<vmem>>, vector<1x16xf32>,
    %get3A_105 = vector.shape_cast %get3A_104 : vector<1x16xf32> to vector<16xf32>
    %get3A_106 = arith.index_cast %select_n3A : i32 to index
    %get3A_107 = arith.constant 96 : index
    %get3A_108 = tpu.vector_load %arg9[%get3A_106, %get3A_107] {strides = array<i32>} : memref<2x128xf32, #tpu.memory_space<vmem>>, vector<1x16xf32>,
    %get3A_109 = vector.shape_cast %get3A_108 : vector<1x16xf32> to vector<16xf32>
    %add3A_110 = arith.addf %get3A_105, %get3A_109 : vector<16xf32>
    %swap3A_111 = arith.constant 0 : i32
    %swap3A_112 = arith.index_cast %swap3A_111 : i32 to index
    %swap3A_113 = arith.constant 96 : index
    %swap3A_114 = tpu.vector_load %arg8[%swap3A_112, %swap3A_113] {strides = array<i32>} : memref<16x128xf32, #tpu.memory_space<vmem>>, vector<1x16xf32>,
    %swap3A_115 = vector.shape_cast %swap3A_114 : vector<1x16xf32> to vector<16xf32>
    %swap3A_116 = vector.shape_cast %add3A_110 : vector<16xf32> to vector<1x16xf32>
    tpu.vector_store %arg8[%swap3A_112, %swap3A_113], %swap3A_116 {strides = array<i32>} : memref<16x128xf32, #tpu.memory_space<vmem>>, vector<1x16xf32>,
    %get3A_117 = arith.constant 0 : i32
    %get3A_118 = arith.index_cast %get3A_117 : i32 to index
    %get3A_119 = arith.constant 112 : index
    %get3A_120 = tpu.vector_load %arg8[%get3A_118, %get3A_119] {strides = array<i32>} : memref<16x128xf32, #tpu.memory_space<vmem>>, vector<1x16xf32>,
    %get3A_121 = vector.shape_cast %get3A_120 : vector<1x16xf32> to vector<16xf32>
    %get3A_122 = arith.index_cast %select_n3A : i32 to index
    %get3A_123 = arith.constant 112 : index
    %get3A_124 = tpu.vector_load %arg9[%get3A_122, %get3A_123] {strides = array<i32>} : memref<2x128xf32, #tpu.memory_space<vmem>>, vector<1x16xf32>,
    %get3A_125 = vector.shape_cast %get3A_124 : vector<1x16xf32> to vector<16xf32>
    %add3A_126 = arith.addf %get3A_121, %get3A_125 : vector<16xf32>
    %swap3A_127 = arith.constant 0 : i32
    %swap3A_128 = arith.index_cast %swap3A_127 : i32 to index
    %swap3A_129 = arith.constant 112 : index
    %swap3A_130 = tpu.vector_load %arg8[%swap3A_128, %swap3A_129] {strides = array<i32>} : memref<16x128xf32, #tpu.memory_space<vmem>>, vector<1x16xf32>,
    %swap3A_131 = vector.shape_cast %swap3A_130 : vector<1x16xf32> to vector<16xf32>
    %swap3A_132 = vector.shape_cast %add3A_126 : vector<16xf32> to vector<1x16xf32>
    tpu.vector_store %arg8[%swap3A_128, %swap3A_129], %swap3A_132 {strides = array<i32>} : memref<16x128xf32, #tpu.memory_space<vmem>>, vector<1x16xf32>,
    %add3A_133 = arith.constant 1 : i32
    %add3A_134 = arith.addi %mul3A_2, %add3A_133 : i32
    %ge3A_135 = arith.constant 256 : i32
    %ge3A_136 = arith.cmpi sge, %add3A_134, %ge3A_135 : i32
    %jit3A_137 = arith.constant 1 : i32
    %jit3A_138 = arith.constant 0 : i32
    %select_n3A_139 = arith.select %ge3A_136, %jit3A_137, %jit3A_138 : i32
    %get3A_140 = arith.constant 1 : i32
    %get3A_141 = arith.index_cast %get3A_140 : i32 to index
    %get3A_142 = arith.constant 0 : index
    %get3A_143 = tpu.vector_load %arg8[%get3A_141, %get3A_142] {strides = array<i32>} : memref<16x128xf32, #tpu.memory_space<vmem>>, vector<1x16xf32>,
    %get3A_144 = vector.shape_cast %get3A_143 : vector<1x16xf32> to vector<16xf32>
    %get3A_145 = arith.index_cast %select_n3A_139 : i32 to index
    %get3A_146 = arith.constant 0 : index
    %get3A_147 = tpu.vector_load %arg9[%get3A_145, %get3A_146] {strides = array<i32>} : memref<2x128xf32, #tpu.memory_space<vmem>>, vector<1x16xf32>,
    %get3A_148 = vector.shape_cast %get3A_147 : vector<1x16xf32> to vector<16xf32>
    %add3A_149 = arith.addf %get3A_144, %get3A_148 : vector<16xf32>
    %swap3A_150 = arith.constant 1 : i32
    %swap3A_151 = arith.index_cast %swap3A_150 : i32 to index
    %swap3A_152 = arith.constant 0 : index
    %swap3A_153 = tpu.vector_load %arg8[%swap3A_151, %swap3A_152] {strides = array<i32>} : memref<16x128xf32, #tpu.memory_space<vmem>>, vector<1x16xf32>,
    %swap3A_154 = vector.shape_cast %swap3A_153 : vector<1x16xf32> to vector<16xf32>
    %swap3A_155 = vector.shape_cast %add3A_149 : vector<16xf32> to vector<1x16xf32>
    tpu.vector_store %arg8[%swap3A_151, %swap3A_152], %swap3A_155 {strides = array<i32>} : memref<16x128xf32, #tpu.memory_space<vmem>>, vector<1x16xf32>,
    %get3A_156 = arith.constant 1 : i32
    %get3A_157 = arith.index_cast %get3A_156 : i32 to index
    %get3A_158 = arith.constant 16 : index
    %get3A_159 = tpu.vector_load %arg8[%get3A_157, %get3A_158] {strides = array<i32>} : memref<16x128xf32, #tpu.memory_space<vmem>>, vector<1x16xf32>,
    %get3A_160 = vector.shape_cast %get3A_159 : vector<1x16xf32> to vector<16xf32>
    %get3A_161 = arith.index_cast %select_n3A_139 : i32 to index
    %get3A_162 = arith.constant 16 : index
    %get3A_163 = tpu.vector_load %arg9[%get3A_161, %get3A_162] {strides = array<i32>} : memref<2x128xf32, #tpu.memory_space<vmem>>, vector<1x16xf32>,
    %get3A_164 = vector.shape_cast %get3A_163 : vector<1x16xf32> to vector<16xf32>
    %add3A_165 = arith.addf %get3A_160, %get3A_164 : vector<16xf32>
    %swap3A_166 = arith.constant 1 : i32
    %swap3A_167 = arith.index_cast %swap3A_166 : i32 to index
    %swap3A_168 = arith.constant 16 : index
    %swap3A_169 = tpu.vector_load %arg8[%swap3A_167, %swap3A_168] {strides = array<i32>} : memref<16x128xf32, #tpu.memory_space<vmem>>, vector<1x16xf32>,
    %swap3A_170 = vector.shape_cast %swap3A_169 : vector<1x16xf32> to vector<16xf32>
    %swap3A_171 = vector.shape_cast %add3A_165 : vector<16xf32> to vector<1x16xf32>
    tpu.vector_store %arg8[%swap3A_167, %swap3A_168], %swap3A_171 {strides = array<i32>} : memref<16x128xf32, #tpu.memory_space<vmem>>, vector<1x16xf32>,
    %get3A_172 = arith.constant 1 : i32
    %get3A_173 = arith.index_cast %get3A_172 : i32 to index
    %get3A_174 = arith.constant 32 : index
    %get3A_175 = tpu.vector_load %arg8[%get3A_173, %get3A_174] {strides = array<i32>} : memref<16x128xf32, #tpu.memory_space<vmem>>, vector<1x16xf32>,
    %get3A_176 = vector.shape_cast %get3A_175 : vector<1x16xf32> to vector<16xf32>
    %get3A_177 = arith.index_cast %select_n3A_139 : i32 to index
    %get3A_178 = arith.constant 32 : index
    %get3A_179 = tpu.vector_load %arg9[%get3A_177, %get3A_178] {strides = array<i32>} : memref<2x128xf32, #tpu.memory_space<vmem>>, vector<1x16xf32>,
    %get3A_180 = vector.shape_cast %get3A_179 : vector<1x16xf32> to vector<16xf32>
    %add3A_181 = arith.addf %get3A_176, %get3A_180 : vector<16xf32>
    %swap3A_182 = arith.constant 1 : i32
    %swap3A_183 = arith.index_cast %swap3A_182 : i32 to index
    %swap3A_184 = arith.constant 32 : index
    %swap3A_185 = tpu.vector_load %arg8[%swap3A_183, %swap3A_184] {strides = array<i32>} : memref<16x128xf32, #tpu.memory_space<vmem>>, vector<1x16xf32>,
    %swap3A_186 = vector.shape_cast %swap3A_185 : vector<1x16xf32> to vector<16xf32>
    %swap3A_187 = vector.shape_cast %add3A_181 : vector<16xf32> to vector<1x16xf32>
    tpu.vector_store %arg8[%swap3A_183, %swap3A_184], %swap3A_187 {strides = array<i32>} : memref<16x128xf32, #tpu.memory_space<vmem>>, vector<1x16xf32>,
    %get3A_188 = arith.constant 1 : i32
    %get3A_189 = arith.index_cast %get3A_188 : i32 to index
    %get3A_190 = arith.constant 48 : index
    %get3A_191 = tpu.vector_load %arg8[%get3A_189, %get3A_190] {strides = array<i32>} : memref<16x128xf32, #tpu.memory_space<vmem>>, vector<1x16xf32>,
    %get3A_192 = vector.shape_cast %get3A_191 : vector<1x16xf32> to vector<16xf32>
    %get3A_193 = arith.index_cast %select_n3A_139 : i32 to index
    %get3A_194 = arith.constant 48 : index
    %get3A_195 = tpu.vector_load %arg9[%get3A_193, %get3A_194] {strides = array<i32>} : memref<2x128xf32, #tpu.memory_space<vmem>>, vector<1x16xf32>,
    %get3A_196 = vector.shape_cast %get3A_195 : vector<1x16xf32> to vector<16xf32>
    %add3A_197 = arith.addf %get3A_192, %get3A_196 : vector<16xf32>
    %swap3A_198 = arith.constant 1 : i32
    %swap3A_199 = arith.index_cast %swap3A_198 : i32 to index
    %swap3A_200 = arith.constant 48 : index
    %swap3A_201 = tpu.vector_load %arg8[%swap3A_199, %swap3A_200] {strides = array<i32>} : memref<16x128xf32, #tpu.memory_space<vmem>>, vector<1x16xf32>,
    %swap3A_202 = vector.shape_cast %swap3A_201 : vector<1x16xf32> to vector<16xf32>
    %swap3A_203 = vector.shape_cast %add3A_197 : vector<16xf32> to vector<1x16xf32>
    tpu.vector_store %arg8[%swap3A_199, %swap3A_200], %swap3A_203 {strides = array<i32>} : memref<16x128xf32, #tpu.memory_space<vmem>>, vector<1x16xf32>,
    %get3A_204 = arith.constant 1 : i32
    %get3A_205 = arith.index_cast %get3A_204 : i32 to index
    %get3A_206 = arith.constant 64 : index
    %get3A_207 = tpu.vector_load %arg8[%get3A_205, %get3A_206] {strides = array<i32>} : memref<16x128xf32, #tpu.memory_space<vmem>>, vector<1x16xf32>,
    %get3A_208 = vector.shape_cast %get3A_207 : vector<1x16xf32> to vector<16xf32>
    %get3A_209 = arith.index_cast %select_n3A_139 : i32 to index
    %get3A_210 = arith.constant 64 : index
    %get3A_211 = tpu.vector_load %arg9[%get3A_209, %get3A_210] {strides = array<i32>} : memref<2x128xf32, #tpu.memory_space<vmem>>, vector<1x16xf32>,
    %get3A_212 = vector.shape_cast %get3A_211 : vector<1x16xf32> to vector<16xf32>
    %add3A_213 = arith.addf %get3A_208, %get3A_212 : vector<16xf32>
    %swap3A_214 = arith.constant 1 : i32
    %swap3A_215 = arith.index_cast %swap3A_214 : i32 to index
    %swap3A_216 = arith.constant 64 : index
    %swap3A_217 = tpu.vector_load %arg8[%swap3A_215, %swap3A_216] {strides = array<i32>} : memref<16x128xf32, #tpu.memory_space<vmem>>, vector<1x16xf32>,
    %swap3A_218 = vector.shape_cast %swap3A_217 : vector<1x16xf32> to vector<16xf32>
    %swap3A_219 = vector.shape_cast %add3A_213 : vector<16xf32> to vector<1x16xf32>
    tpu.vector_store %arg8[%swap3A_215, %swap3A_216], %swap3A_219 {strides = array<i32>} : memref<16x128xf32, #tpu.memory_space<vmem>>, vector<1x16xf32>,
    %get3A_220 = arith.constant 1 : i32
    %get3A_221 = arith.index_cast %get3A_220 : i32 to index
    %get3A_222 = arith.constant 80 : index
    %get3A_223 = tpu.vector_load %arg8[%get3A_221, %get3A_222] {strides = array<i32>} : memref<16x128xf32, #tpu.memory_space<vmem>>, vector<1x16xf32>,
    %get3A_224 = vector.shape_cast %get3A_223 : vector<1x16xf32> to vector<16xf32>
    %get3A_225 = arith.index_cast %select_n3A_139 : i32 to index
    %get3A_226 = arith.constant 80 : index
    %get3A_227 = tpu.vector_load %arg9[%get3A_225, %get3A_226] {strides = array<i32>} : memref<2x128xf32, #tpu.memory_space<vmem>>, vector<1x16xf32>,
    %get3A_228 = vector.shape_cast %get3A_227 : vector<1x16xf32> to vector<16xf32>
    %add3A_229 = arith.addf %get3A_224, %get3A_228 : vector<16xf32>
    %swap3A_230 = arith.constant 1 : i32
    %swap3A_231 = arith.index_cast %swap3A_230 : i32 to index
    %swap3A_232 = arith.constant 80 : index
    %swap3A_233 = tpu.vector_load %arg8[%swap3A_231, %swap3A_232] {strides = array<i32>} : memref<16x128xf32, #tpu.memory_space<vmem>>, vector<1x16xf32>,
    %swap3A_234 = vector.shape_cast %swap3A_233 : vector<1x16xf32> to vector<16xf32>
    %swap3A_235 = vector.shape_cast %add3A_229 : vector<16xf32> to vector<1x16xf32>
    tpu.vector_store %arg8[%swap3A_231, %swap3A_232], %swap3A_235 {strides = array<i32>} : memref<16x128xf32, #tpu.memory_space<vmem>>, vector<1x16xf32>,
    %get3A_236 = arith.constant 1 : i32
    %get3A_237 = arith.index_cast %get3A_236 : i32 to index
    %get3A_238 = arith.constant 96 : index
    %get3A_239 = tpu.vector_load %arg8[%get3A_237, %get3A_238] {strides = array<i32>} : memref<16x128xf32, #tpu.memory_space<vmem>>, vector<1x16xf32>,
    %get3A_240 = vector.shape_cast %get3A_239 : vector<1x16xf32> to vector<16xf32>
    %get3A_241 = arith.index_cast %select_n3A_139 : i32 to index
    %get3A_242 = arith.constant 96 : index
    %get3A_243 = tpu.vector_load %arg9[%get3A_241, %get3A_242] {strides = array<i32>} : memref<2x128xf32, #tpu.memory_space<vmem>>, vector<1x16xf32>,
    %get3A_244 = vector.shape_cast %get3A_243 : vector<1x16xf32> to vector<16xf32>
    %add3A_245 = arith.addf %get3A_240, %get3A_244 : vector<16xf32>
    %swap3A_246 = arith.constant 1 : i32
    %swap3A_247 = arith.index_cast %swap3A_246 : i32 to index
    %swap3A_248 = arith.constant 96 : index
    %swap3A_249 = tpu.vector_load %arg8[%swap3A_247, %swap3A_248] {strides = array<i32>} : memref<16x128xf32, #tpu.memory_space<vmem>>, vector<1x16xf32>,
    %swap3A_250 = vector.shape_cast %swap3A_249 : vector<1x16xf32> to vector<16xf32>
    %swap3A_251 = vector.shape_cast %add3A_245 : vector<16xf32> to vector<1x16xf32>
    tpu.vector_store %arg8[%swap3A_247, %swap3A_248], %swap3A_251 {strides = array<i32>} : memref<16x128xf32, #tpu.memory_space<vmem>>, vector<1x16xf32>,
    %get3A_252 = arith.constant 1 : i32
    %get3A_253 = arith.index_cast %get3A_252 : i32 to index
    %get3A_254 = arith.constant 112 : index
    %get3A_255 = tpu.vector_load %arg8[%get3A_253, %get3A_254] {strides = array<i32>} : memref<16x128xf32, #tpu.memory_space<vmem>>, vector<1x16xf32>,
    %get3A_256 = vector.shape_cast %get3A_255 : vector<1x16xf32> to vector<16xf32>
    %get3A_257 = arith.index_cast %select_n3A_139 : i32 to index
    %get3A_258 = arith.constant 112 : index
    %get3A_259 = tpu.vector_load %arg9[%get3A_257, %get3A_258] {strides = array<i32>} : memref<2x128xf32, #tpu.memory_space<vmem>>, vector<1x16xf32>,
    %get3A_260 = vector.shape_cast %get3A_259 : vector<1x16xf32> to vector<16xf32>
    %add3A_261 = arith.addf %get3A_256, %get3A_260 : vector<16xf32>
    %swap3A_262 = arith.constant 1 : i32
    %swap3A_263 = arith.index_cast %swap3A_262 : i32 to index
    %swap3A_264 = arith.constant 112 : index
    %swap3A_265 = tpu.vector_load %arg8[%swap3A_263, %swap3A_264] {strides = array<i32>} : memref<16x128xf32, #tpu.memory_space<vmem>>, vector<1x16xf32>,
    %swap3A_266 = vector.shape_cast %swap3A_265 : vector<1x16xf32> to vector<16xf32>
    %swap3A_267 = vector.shape_cast %add3A_261 : vector<16xf32> to vector<1x16xf32>
    tpu.vector_store %arg8[%swap3A_263, %swap3A_264], %swap3A_267 {strides = array<i32>} : memref<16x128xf32, #tpu.memory_space<vmem>>, vector<1x16xf32>,
    %add3A_268 = arith.constant 2 : i32
    %add3A_269 = arith.addi %mul3A_2, %add3A_268 : i32
    %ge3A_270 = arith.constant 256 : i32
    %ge3A_271 = arith.cmpi sge, %add3A_269, %ge3A_270 : i32
    %jit3A_272 = arith.constant 1 : i32
    %jit3A_273 = arith.constant 0 : i32
    %select_n3A_274 = arith.select %ge3A_271, %jit3A_272, %jit3A_273 : i32
    %get3A_275 = arith.constant 2 : i32
    %get3A_276 = arith.index_cast %get3A_275 : i32 to index
    %get3A_277 = arith.constant 0 : index
    %get3A_278 = tpu.vector_load %arg8[%get3A_276, %get3A_277] {strides = array<i32>} : memref<16x128xf32, #tpu.memory_space<vmem>>, vector<1x16xf32>,
    %get3A_279 = vector.shape_cast %get3A_278 : vector<1x16xf32> to vector<16xf32>
    %get3A_280 = arith.index_cast %select_n3A_274 : i32 to index
    %get3A_281 = arith.constant 0 : index
    %get3A_282 = tpu.vector_load %arg9[%get3A_280, %get3A_281] {strides = array<i32>} : memref<2x128xf32, #tpu.memory_space<vmem>>, vector<1x16xf32>,
    %get3A_283 = vector.shape_cast %get3A_282 : vector<1x16xf32> to vector<16xf32>
    %add3A_284 = arith.addf %get3A_279, %get3A_283 : vector<16xf32>
    %swap3A_285 = arith.constant 2 : i32
    %swap3A_286 = arith.index_cast %swap3A_285 : i32 to index
    %swap3A_287 = arith.constant 0 : index
    %swap3A_288 = tpu.vector_load %arg8[%swap3A_286, %swap3A_287] {strides = array<i32>} : memref<16x128xf32, #tpu.memory_space<vmem>>, vector<1x16xf32>,
    %swap3A_289 = vector.shape_cast %swap3A_288 : vector<1x16xf32> to vector<16xf32>
    %swap3A_290 = vector.shape_cast %add3A_284 : vector<16xf32> to vector<1x16xf32>
    tpu.vector_store %arg8[%swap3A_286, %swap3A_287], %swap3A_290 {strides = array<i32>} : memref<16x128xf32, #tpu.memory_space<vmem>>, vector<1x16xf32>,
    %get3A_291 = arith.constant 2 : i32
    %get3A_292 = arith.index_cast %get3A_291 : i32 to index
    %get3A_293 = arith.constant 16 : index
    %get3A_294 = tpu.vector_load %arg8[%get3A_292, %get3A_293] {strides = array<i32>} : memref<16x128xf32, #tpu.memory_space<vmem>>, vector<1x16xf32>,
    %get3A_295 = vector.shape_cast %get3A_294 : vector<1x16xf32> to vector<16xf32>
    %get3A_296 = arith.index_cast %select_n3A_274 : i32 to index
    %get3A_297 = arith.constant 16 : index
    %get3A_298 = tpu.vector_load %arg9[%get3A_296, %get3A_297] {strides = array<i32>} : memref<2x128xf32, #tpu.memory_space<vmem>>, vector<1x16xf32>,
    %get3A_299 = vector.shape_cast %get3A_298 : vector<1x16xf32> to vector<16xf32>
    %add3A_300 = arith.addf %get3A_295, %get3A_299 : vector<16xf32>
    %swap3A_301 = arith.constant 2 : i32
    %swap3A_302 = arith.index_cast %swap3A_301 : i32 to index
    %swap3A_303 = arith.constant 16 : index
    %swap3A_304 = tpu.vector_load %arg8[%swap3A_302, %swap3A_303] {strides = array<i32>} : memref<16x128xf32, #tpu.memory_space<vmem>>, vector<1x16xf32>,
    %swap3A_305 = vector.shape_cast %swap3A_304 : vector<1x16xf32> to vector<16xf32>
    %swap3A_306 = vector.shape_cast %add3A_300 : vector<16xf32> to vector<1x16xf32>
    tpu.vector_store %arg8[%swap3A_302, %swap3A_303], %swap3A_306 {strides = array<i32>} : memref<16x128xf32, #tpu.memory_space<vmem>>, vector<1x16xf32>,
    %get3A_307 = arith.constant 2 : i32
    %get3A_308 = arith.index_cast %get3A_307 : i32 to index
    %get3A_309 = arith.constant 32 : index
    %get3A_310 = tpu.vector_load %arg8[%get3A_308, %get3A_309] {strides = array<i32>} : memref<16x128xf32, #tpu.memory_space<vmem>>, vector<1x16xf32>,
    %get3A_311 = vector.shape_cast %get3A_310 : vector<1x16xf32> to vector<16xf32>
    %get3A_312 = arith.index_cast %select_n3A_274 : i32 to index
    %get3A_313 = arith.constant 32 : index
    %get3A_314 = tpu.vector_load %arg9[%get3A_312, %get3A_313] {strides = array<i32>} : memref<2x128xf32, #tpu.memory_space<vmem>>, vector<1x16xf32>,
    %get3A_315 = vector.shape_cast %get3A_314 : vector<1x16xf32> to vector<16xf32>
    %add3A_316 = arith.addf %get3A_311, %get3A_315 : vector<16xf32>
    %swap3A_317 = arith.constant 2 : i32
    %swap3A_318 = arith.index_cast %swap3A_317 : i32 to index
    %swap3A_319 = arith.constant 32 : index
    %swap3A_320 = tpu.vector_load %arg8[%swap3A_318, %swap3A_319] {strides = array<i32>} : memref<16x128xf32, #tpu.memory_space<vmem>>, vector<1x16xf32>,
    %swap3A_321 = vector.shape_cast %swap3A_320 : vector<1x16xf32> to vector<16xf32>
    %swap3A_322 = vector.shape_cast %add3A_316 : vector<16xf32> to vector<1x16xf32>
    tpu.vector_store %arg8[%swap3A_318, %swap3A_319], %swap3A_322 {strides = array<i32>} : memref<16x128xf32, #tpu.memory_space<vmem>>, vector<1x16xf32>,
    %get3A_323 = arith.constant 2 : i32
    %get3A_324 = arith.index_cast %get3A_323 : i32 to index
    %get3A_325 = arith.constant 48 : index
    %get3A_326 = tpu.vector_load %arg8[%get3A_324, %get3A_325] {strides = array<i32>} : memref<16x128xf32, #tpu.memory_space<vmem>>, vector<1x16xf32>,
    %get3A_327 = vector.shape_cast %get3A_326 : vector<1x16xf32> to vector<16xf32>
    %get3A_328 = arith.index_cast %select_n3A_274 : i32 to index
    %get3A_329 = arith.constant 48 : index
    %get3A_330 = tpu.vector_load %arg9[%get3A_328, %get3A_329] {strides = array<i32>} : memref<2x128xf32, #tpu.memory_space<vmem>>, vector<1x16xf32>,
    %get3A_331 = vector.shape_cast %get3A_330 : vector<1x16xf32> to vector<16xf32>
    %add3A_332 = arith.addf %get3A_327, %get3A_331 : vector<16xf32>
    %swap3A_333 = arith.constant 2 : i32
    %swap3A_334 = arith.index_cast %swap3A_333 : i32 to index
    %swap3A_335 = arith.constant 48 : index
    %swap3A_336 = tpu.vector_load %arg8[%swap3A_334, %swap3A_335] {strides = array<i32>} : memref<16x128xf32, #tpu.memory_space<vmem>>, vector<1x16xf32>,
    %swap3A_337 = vector.shape_cast %swap3A_336 : vector<1x16xf32> to vector<16xf32>
    %swap3A_338 = vector.shape_cast %add3A_332 : vector<16xf32> to vector<1x16xf32>
    tpu.vector_store %arg8[%swap3A_334, %swap3A_335], %swap3A_338 {strides = array<i32>} : memref<16x128xf32, #tpu.memory_space<vmem>>, vector<1x16xf32>,
    %get3A_339 = arith.constant 2 : i32
    %get3A_340 = arith.index_cast %get3A_339 : i32 to index
    %get3A_341 = arith.constant 64 : index
    %get3A_342 = tpu.vector_load %arg8[%get3A_340, %get3A_341] {strides = array<i32>} : memref<16x128xf32, #tpu.memory_space<vmem>>, vector<1x16xf32>,
    %get3A_343 = vector.shape_cast %get3A_342 : vector<1x16xf32> to vector<16xf32>
    %get3A_344 = arith.index_cast %select_n3A_274 : i32 to index
    %get3A_345 = arith.constant 64 : index
    %get3A_346 = tpu.vector_load %arg9[%get3A_344, %get3A_345] {strides = array<i32>} : memref<2x128xf32, #tpu.memory_space<vmem>>, vector<1x16xf32>,
    %get3A_347 = vector.shape_cast %get3A_346 : vector<1x16xf32> to vector<16xf32>
    %add3A_348 = arith.addf %get3A_343, %get3A_347 : vector<16xf32>
    %swap3A_349 = arith.constant 2 : i32
    %swap3A_350 = arith.index_cast %swap3A_349 : i32 to index
    %swap3A_351 = arith.constant 64 : index
    %swap3A_352 = tpu.vector_load %arg8[%swap3A_350, %swap3A_351] {strides = array<i32>} : memref<16x128xf32, #tpu.memory_space<vmem>>, vector<1x16xf32>,
    %swap3A_353 = vector.shape_cast %swap3A_352 : vector<1x16xf32> to vector<16xf32>
    %swap3A_354 = vector.shape_cast %add3A_348 : vector<16xf32> to vector<1x16xf32>
    tpu.vector_store %arg8[%swap3A_350, %swap3A_351], %swap3A_354 {strides = array<i32>} : memref<16x128xf32, #tpu.memory_space<vmem>>, vector<1x16xf32>,
    %get3A_355 = arith.constant 2 : i32
    %get3A_356 = arith.index_cast %get3A_355 : i32 to index
    %get3A_357 = arith.constant 80 : index
    %get3A_358 = tpu.vector_load %arg8[%get3A_356, %get3A_357] {strides = array<i32>} : memref<16x128xf32, #tpu.memory_space<vmem>>, vector<1x16xf32>,
    %get3A_359 = vector.shape_cast %get3A_358 : vector<1x16xf32> to vector<16xf32>
    %get3A_360 = arith.index_cast %select_n3A_274 : i32 to index
    %get3A_361 = arith.constant 80 : index
    %get3A_362 = tpu.vector_load %arg9[%get3A_360, %get3A_361] {strides = array<i32>} : memref<2x128xf32, #tpu.memory_space<vmem>>, vector<1x16xf32>,
    %get3A_363 = vector.shape_cast %get3A_362 : vector<1x16xf32> to vector<16xf32>
    %add3A_364 = arith.addf %get3A_359, %get3A_363 : vector<16xf32>
    %swap3A_365 = arith.constant 2 : i32
    %swap3A_366 = arith.index_cast %swap3A_365 : i32 to index
    %swap3A_367 = arith.constant 80 : index
    %swap3A_368 = tpu.vector_load %arg8[%swap3A_366, %swap3A_367] {strides = array<i32>} : memref<16x128xf32, #tpu.memory_space<vmem>>, vector<1x16xf32>,
    %swap3A_369 = vector.shape_cast %swap3A_368 : vector<1x16xf32> to vector<16xf32>
    %swap3A_370 = vector.shape_cast %add3A_364 : vector<16xf32> to vector<1x16xf32>
    tpu.vector_store %arg8[%swap3A_366, %swap3A_367], %swap3A_370 {strides = array<i32>} : memref<16x128xf32, #tpu.memory_space<vmem>>, vector<1x16xf32>,
    %get3A_371 = arith.constant 2 : i32
    %get3A_372 = arith.index_cast %get3A_371 : i32 to index
    %get3A_373 = arith.constant 96 : index
    %get3A_374 = tpu.vector_load %arg8[%get3A_372, %get3A_373] {strides = array<i32>} : memref<16x128xf32, #tpu.memory_space<vmem>>, vector<1x16xf32>,
    %get3A_375 = vector.shape_cast %get3A_374 : vector<1x16xf32> to vector<16xf32>
    %get3A_376 = arith.index_cast %select_n3A_274 : i32 to index
    %get3A_377 = arith.constant 96 : index
    %get3A_378 = tpu.vector_load %arg9[%get3A_376, %get3A_377] {strides = array<i32>} : memref<2x128xf32, #tpu.memory_space<vmem>>, vector<1x16xf32>,
    %get3A_379 = vector.shape_cast %get3A_378 : vector<1x16xf32> to vector<16xf32>
    %add3A_380 = arith.addf %get3A_375, %get3A_379 : vector<16xf32>
    %swap3A_381 = arith.constant 2 : i32
    %swap3A_382 = arith.index_cast %swap3A_381 : i32 to index
    %swap3A_383 = arith.constant 96 : index
    %swap3A_384 = tpu.vector_load %arg8[%swap3A_382, %swap3A_383] {strides = array<i32>} : memref<16x128xf32, #tpu.memory_space<vmem>>, vector<1x16xf32>,
    %swap3A_385 = vector.shape_cast %swap3A_384 : vector<1x16xf32> to vector<16xf32>
    %swap3A_386 = vector.shape_cast %add3A_380 : vector<16xf32> to vector<1x16xf32>
    tpu.vector_store %arg8[%swap3A_382, %swap3A_383], %swap3A_386 {strides = array<i32>} : memref<16x128xf32, #tpu.memory_space<vmem>>, vector<1x16xf32>,
    %get3A_387 = arith.constant 2 : i32
    %get3A_388 = arith.index_cast %get3A_387 : i32 to index
    %get3A_389 = arith.constant 112 : index
    %get3A_390 = tpu.vector_load %arg8[%get3A_388, %get3A_389] {strides = array<i32>} : memref<16x128xf32, #tpu.memory_space<vmem>>, vector<1x16xf32>,
    %get3A_391 = vector.shape_cast %get3A_390 : vector<1x16xf32> to vector<16xf32>
    %get3A_392 = arith.index_cast %select_n3A_274 : i32 to index
    %get3A_393 = arith.constant 112 : index
    %get3A_394 = tpu.vector_load %arg9[%get3A_392, %get3A_393] {strides = array<i32>} : memref<2x128xf32, #tpu.memory_space<vmem>>, vector<1x16xf32>,
    %get3A_395 = vector.shape_cast %get3A_394 : vector<1x16xf32> to vector<16xf32>
    %add3A_396 = arith.addf %get3A_391, %get3A_395 : vector<16xf32>
    %swap3A_397 = arith.constant 2 : i32
    %swap3A_398 = arith.index_cast %swap3A_397 : i32 to index
    %swap3A_399 = arith.constant 112 : index
    %swap3A_400 = tpu.vector_load %arg8[%swap3A_398, %swap3A_399] {strides = array<i32>} : memref<16x128xf32, #tpu.memory_space<vmem>>, vector<1x16xf32>,
    %swap3A_401 = vector.shape_cast %swap3A_400 : vector<1x16xf32> to vector<16xf32>
    %swap3A_402 = vector.shape_cast %add3A_396 : vector<16xf32> to vector<1x16xf32>
    tpu.vector_store %arg8[%swap3A_398, %swap3A_399], %swap3A_402 {strides = array<i32>} : memref<16x128xf32, #tpu.memory_space<vmem>>, vector<1x16xf32>,
    %add3A_403 = arith.constant 3 : i32
    %add3A_404 = arith.addi %mul3A_2, %add3A_403 : i32
    %ge3A_405 = arith.constant 256 : i32
    %ge3A_406 = arith.cmpi sge, %add3A_404, %ge3A_405 : i32
    %jit3A_407 = arith.constant 1 : i32
    %jit3A_408 = arith.constant 0 : i32
    %select_n3A_409 = arith.select %ge3A_406, %jit3A_407, %jit3A_408 : i32
    %get3A_410 = arith.constant 3 : i32
    %get3A_411 = arith.index_cast %get3A_410 : i32 to index
    %get3A_412 = arith.constant 0 : index
    %get3A_413 = tpu.vector_load %arg8[%get3A_411, %get3A_412] {strides = array<i32>} : memref<16x128xf32, #tpu.memory_space<vmem>>, vector<1x16xf32>,
    %get3A_414 = vector.shape_cast %get3A_413 : vector<1x16xf32> to vector<16xf32>
    %get3A_415 = arith.index_cast %select_n3A_409 : i32 to index
    %get3A_416 = arith.constant 0 : index
    %get3A_417 = tpu.vector_load %arg9[%get3A_415, %get3A_416] {strides = array<i32>} : memref<2x128xf32, #tpu.memory_space<vmem>>, vector<1x16xf32>,
    %get3A_418 = vector.shape_cast %get3A_417 : vector<1x16xf32> to vector<16xf32>
    %add3A_419 = arith.addf %get3A_414, %get3A_418 : vector<16xf32>
    %swap3A_420 = arith.constant 3 : i32
    %swap3A_421 = arith.index_cast %swap3A_420 : i32 to index
    %swap3A_422 = arith.constant 0 : index
    %swap3A_423 = tpu.vector_load %arg8[%swap3A_421, %swap3A_422] {strides = array<i32>} : memref<16x128xf32, #tpu.memory_space<vmem>>, vector<1x16xf32>,
    %swap3A_424 = vector.shape_cast %swap3A_423 : vector<1x16xf32> to vector<16xf32>
    %swap3A_425 = vector.shape_cast %add3A_419 : vector<16xf32> to vector<1x16xf32>
    tpu.vector_store %arg8[%swap3A_421, %swap3A_422], %swap3A_425 {strides = array<i32>} : memref<16x128xf32, #tpu.memory_space<vmem>>, vector<1x16xf32>,
    %get3A_426 = arith.constant 3 : i32
    %get3A_427 = arith.index_cast %get3A_426 : i32 to index
    %get3A_428 = arith.constant 16 : index
    %get3A_429 = tpu.vector_load %arg8[%get3A_427, %get3A_428] {strides = array<i32>} : memref<16x128xf32, #tpu.memory_space<vmem>>, vector<1x16xf32>,
    %get3A_430 = vector.shape_cast %get3A_429 : vector<1x16xf32> to vector<16xf32>
    %get3A_431 = arith.index_cast %select_n3A_409 : i32 to index
    %get3A_432 = arith.constant 16 : index
    %get3A_433 = tpu.vector_load %arg9[%get3A_431, %get3A_432] {strides = array<i32>} : memref<2x128xf32, #tpu.memory_space<vmem>>, vector<1x16xf32>,
    %get3A_434 = vector.shape_cast %get3A_433 : vector<1x16xf32> to vector<16xf32>
    %add3A_435 = arith.addf %get3A_430, %get3A_434 : vector<16xf32>
    %swap3A_436 = arith.constant 3 : i32
    %swap3A_437 = arith.index_cast %swap3A_436 : i32 to index
    %swap3A_438 = arith.constant 16 : index
    %swap3A_439 = tpu.vector_load %arg8[%swap3A_437, %swap3A_438] {strides = array<i32>} : memref<16x128xf32, #tpu.memory_space<vmem>>, vector<1x16xf32>,
    %swap3A_440 = vector.shape_cast %swap3A_439 : vector<1x16xf32> to vector<16xf32>
    %swap3A_441 = vector.shape_cast %add3A_435 : vector<16xf32> to vector<1x16xf32>
    tpu.vector_store %arg8[%swap3A_437, %swap3A_438], %swap3A_441 {strides = array<i32>} : memref<16x128xf32, #tpu.memory_space<vmem>>, vector<1x16xf32>,
    %get3A_442 = arith.constant 3 : i32
    %get3A_443 = arith.index_cast %get3A_442 : i32 to index
    %get3A_444 = arith.constant 32 : index
    %get3A_445 = tpu.vector_load %arg8[%get3A_443, %get3A_444] {strides = array<i32>} : memref<16x128xf32, #tpu.memory_space<vmem>>, vector<1x16xf32>,
    %get3A_446 = vector.shape_cast %get3A_445 : vector<1x16xf32> to vector<16xf32>
    %get3A_447 = arith.index_cast %select_n3A_409 : i32 to index
    %get3A_448 = arith.constant 32 : index
    %get3A_449 = tpu.vector_load %arg9[%get3A_447, %get3A_448] {strides = array<i32>} : memref<2x128xf32, #tpu.memory_space<vmem>>, vector<1x16xf32>,
    %get3A_450 = vector.shape_cast %get3A_449 : vector<1x16xf32> to vector<16xf32>
    %add3A_451 = arith.addf %get3A_446, %get3A_450 : vector<16xf32>
    %swap3A_452 = arith.constant 3 : i32
    %swap3A_453 = arith.index_cast %swap3A_452 : i32 to index
    %swap3A_454 = arith.constant 32 : index
    %swap3A_455 = tpu.vector_load %arg8[%swap3A_453, %swap3A_454] {strides = array<i32>} : memref<16x128xf32, #tpu.memory_space<vmem>>, vector<1x16xf32>,
    %swap3A_456 = vector.shape_cast %swap3A_455 : vector<1x16xf32> to vector<16xf32>
    %swap3A_457 = vector.shape_cast %add3A_451 : vector<16xf32> to vector<1x16xf32>
    tpu.vector_store %arg8[%swap3A_453, %swap3A_454], %swap3A_457 {strides = array<i32>} : memref<16x128xf32, #tpu.memory_space<vmem>>, vector<1x16xf32>,
    %get3A_458 = arith.constant 3 : i32
    %get3A_459 = arith.index_cast %get3A_458 : i32 to index
    %get3A_460 = arith.constant 48 : index
    %get3A_461 = tpu.vector_load %arg8[%get3A_459, %get3A_460] {strides = array<i32>} : memref<16x128xf32, #tpu.memory_space<vmem>>, vector<1x16xf32>,
    %get3A_462 = vector.shape_cast %get3A_461 : vector<1x16xf32> to vector<16xf32>
    %get3A_463 = arith.index_cast %select_n3A_409 : i32 to index
    %get3A_464 = arith.constant 48 : index
    %get3A_465 = tpu.vector_load %arg9[%get3A_463, %get3A_464] {strides = array<i32>} : memref<2x128xf32, #tpu.memory_space<vmem>>, vector<1x16xf32>,
    %get3A_466 = vector.shape_cast %get3A_465 : vector<1x16xf32> to vector<16xf32>
    %add3A_467 = arith.addf %get3A_462, %get3A_466 : vector<16xf32>
    %swap3A_468 = arith.constant 3 : i32
    %swap3A_469 = arith.index_cast %swap3A_468 : i32 to index
    %swap3A_470 = arith.constant 48 : index
    %swap3A_471 = tpu.vector_load %arg8[%swap3A_469, %swap3A_470] {strides = array<i32>} : memref<16x128xf32, #tpu.memory_space<vmem>>, vector<1x16xf32>,
    %swap3A_472 = vector.shape_cast %swap3A_471 : vector<1x16xf32> to vector<16xf32>
    %swap3A_473 = vector.shape_cast %add3A_467 : vector<16xf32> to vector<1x16xf32>
    tpu.vector_store %arg8[%swap3A_469, %swap3A_470], %swap3A_473 {strides = array<i32>} : memref<16x128xf32, #tpu.memory_space<vmem>>, vector<1x16xf32>,
    %get3A_474 = arith.constant 3 : i32
    %get3A_475 = arith.index_cast %get3A_474 : i32 to index
    %get3A_476 = arith.constant 64 : index
    %get3A_477 = tpu.vector_load %arg8[%get3A_475, %get3A_476] {strides = array<i32>} : memref<16x128xf32, #tpu.memory_space<vmem>>, vector<1x16xf32>,
    %get3A_478 = vector.shape_cast %get3A_477 : vector<1x16xf32> to vector<16xf32>
    %get3A_479 = arith.index_cast %select_n3A_409 : i32 to index
    %get3A_480 = arith.constant 64 : index
    %get3A_481 = tpu.vector_load %arg9[%get3A_479, %get3A_480] {strides = array<i32>} : memref<2x128xf32, #tpu.memory_space<vmem>>, vector<1x16xf32>,
    %get3A_482 = vector.shape_cast %get3A_481 : vector<1x16xf32> to vector<16xf32>
    %add3A_483 = arith.addf %get3A_478, %get3A_482 : vector<16xf32>
    %swap3A_484 = arith.constant 3 : i32
    %swap3A_485 = arith.index_cast %swap3A_484 : i32 to index
    %swap3A_486 = arith.constant 64 : index
    %swap3A_487 = tpu.vector_load %arg8[%swap3A_485, %swap3A_486] {strides = array<i32>} : memref<16x128xf32, #tpu.memory_space<vmem>>, vector<1x16xf32>,
    %swap3A_488 = vector.shape_cast %swap3A_487 : vector<1x16xf32> to vector<16xf32>
    %swap3A_489 = vector.shape_cast %add3A_483 : vector<16xf32> to vector<1x16xf32>
    tpu.vector_store %arg8[%swap3A_485, %swap3A_486], %swap3A_489 {strides = array<i32>} : memref<16x128xf32, #tpu.memory_space<vmem>>, vector<1x16xf32>,
    %get3A_490 = arith.constant 3 : i32
    %get3A_491 = arith.index_cast %get3A_490 : i32 to index
    %get3A_492 = arith.constant 80 : index
    %get3A_493 = tpu.vector_load %arg8[%get3A_491, %get3A_492] {strides = array<i32>} : memref<16x128xf32, #tpu.memory_space<vmem>>, vector<1x16xf32>,
    %get3A_494 = vector.shape_cast %get3A_493 : vector<1x16xf32> to vector<16xf32>
    %get3A_495 = arith.index_cast %select_n3A_409 : i32 to index
    %get3A_496 = arith.constant 80 : index
    %get3A_497 = tpu.vector_load %arg9[%get3A_495, %get3A_496] {strides = array<i32>} : memref<2x128xf32, #tpu.memory_space<vmem>>, vector<1x16xf32>,
    %get3A_498 = vector.shape_cast %get3A_497 : vector<1x16xf32> to vector<16xf32>
    %add3A_499 = arith.addf %get3A_494, %get3A_498 : vector<16xf32>
    %swap3A_500 = arith.constant 3 : i32
    %swap3A_501 = arith.index_cast %swap3A_500 : i32 to index
    %swap3A_502 = arith.constant 80 : index
    %swap3A_503 = tpu.vector_load %arg8[%swap3A_501, %swap3A_502] {strides = array<i32>} : memref<16x128xf32, #tpu.memory_space<vmem>>, vector<1x16xf32>,
    %swap3A_504 = vector.shape_cast %swap3A_503 : vector<1x16xf32> to vector<16xf32>
    %swap3A_505 = vector.shape_cast %add3A_499 : vector<16xf32> to vector<1x16xf32>
    tpu.vector_store %arg8[%swap3A_501, %swap3A_502], %swap3A_505 {strides = array<i32>} : memref<16x128xf32, #tpu.memory_space<vmem>>, vector<1x16xf32>,
    %get3A_506 = arith.constant 3 : i32
    %get3A_507 = arith.index_cast %get3A_506 : i32 to index
    %get3A_508 = arith.constant 96 : index
    %get3A_509 = tpu.vector_load %arg8[%get3A_507, %get3A_508] {strides = array<i32>} : memref<16x128xf32, #tpu.memory_space<vmem>>, vector<1x16xf32>,
    %get3A_510 = vector.shape_cast %get3A_509 : vector<1x16xf32> to vector<16xf32>
    %get3A_511 = arith.index_cast %select_n3A_409 : i32 to index
    %get3A_512 = arith.constant 96 : index
    %get3A_513 = tpu.vector_load %arg9[%get3A_511, %get3A_512] {strides = array<i32>} : memref<2x128xf32, #tpu.memory_space<vmem>>, vector<1x16xf32>,
    %get3A_514 = vector.shape_cast %get3A_513 : vector<1x16xf32> to vector<16xf32>
    %add3A_515 = arith.addf %get3A_510, %get3A_514 : vector<16xf32>
    %swap3A_516 = arith.constant 3 : i32
    %swap3A_517 = arith.index_cast %swap3A_516 : i32 to index
    %swap3A_518 = arith.constant 96 : index
    %swap3A_519 = tpu.vector_load %arg8[%swap3A_517, %swap3A_518] {strides = array<i32>} : memref<16x128xf32, #tpu.memory_space<vmem>>, vector<1x16xf32>,
    %swap3A_520 = vector.shape_cast %swap3A_519 : vector<1x16xf32> to vector<16xf32>
    %swap3A_521 = vector.shape_cast %add3A_515 : vector<16xf32> to vector<1x16xf32>
    tpu.vector_store %arg8[%swap3A_517, %swap3A_518], %swap3A_521 {strides = array<i32>} : memref<16x128xf32, #tpu.memory_space<vmem>>, vector<1x16xf32>,
    %get3A_522 = arith.constant 3 : i32
    %get3A_523 = arith.index_cast %get3A_522 : i32 to index
    %get3A_524 = arith.constant 112 : index
    %get3A_525 = tpu.vector_load %arg8[%get3A_523, %get3A_524] {strides = array<i32>} : memref<16x128xf32, #tpu.memory_space<vmem>>, vector<1x16xf32>,
    %get3A_526 = vector.shape_cast %get3A_525 : vector<1x16xf32> to vector<16xf32>
    %get3A_527 = arith.index_cast %select_n3A_409 : i32 to index
    %get3A_528 = arith.constant 112 : index
    %get3A_529 = tpu.vector_load %arg9[%get3A_527, %get3A_528] {strides = array<i32>} : memref<2x128xf32, #tpu.memory_space<vmem>>, vector<1x16xf32>,
    %get3A_530 = vector.shape_cast %get3A_529 : vector<1x16xf32> to vector<16xf32>
    %add3A_531 = arith.addf %get3A_526, %get3A_530 : vector<16xf32>
    %swap3A_532 = arith.constant 3 : i32
    %swap3A_533 = arith.index_cast %swap3A_532 : i32 to index
    %swap3A_534 = arith.constant 112 : index
    %swap3A_535 = tpu.vector_load %arg8[%swap3A_533, %swap3A_534] {strides = array<i32>} : memref<16x128xf32, #tpu.memory_space<vmem>>, vector<1x16xf32>,
    %swap3A_536 = vector.shape_cast %swap3A_535 : vector<1x16xf32> to vector<16xf32>
    %swap3A_537 = vector.shape_cast %add3A_531 : vector<16xf32> to vector<1x16xf32>
    tpu.vector_store %arg8[%swap3A_533, %swap3A_534], %swap3A_537 {strides = array<i32>} : memref<16x128xf32, #tpu.memory_space<vmem>>, vector<1x16xf32>,
    %add3A_538 = arith.constant 4 : i32
    %add3A_539 = arith.addi %mul3A_2, %add3A_538 : i32
    %ge3A_540 = arith.constant 256 : i32
    %ge3A_541 = arith.cmpi sge, %add3A_539, %ge3A_540 : i32
    %jit3A_542 = arith.constant 1 : i32
    %jit3A_543 = arith.constant 0 : i32
    %select_n3A_544 = arith.select %ge3A_541, %jit3A_542, %jit3A_543 : i32
    %get3A_545 = arith.constant 4 : i32
    %get3A_546 = arith.index_cast %get3A_545 : i32 to index
    %get3A_547 = arith.constant 0 : index
    %get3A_548 = tpu.vector_load %arg8[%get3A_546, %get3A_547] {strides = array<i32>} : memref<16x128xf32, #tpu.memory_space<vmem>>, vector<1x16xf32>,
    %get3A_549 = vector.shape_cast %get3A_548 : vector<1x16xf32> to vector<16xf32>
    %get3A_550 = arith.index_cast %select_n3A_544 : i32 to index
    %get3A_551 = arith.constant 0 : index
    %get3A_552 = tpu.vector_load %arg9[%get3A_550, %get3A_551] {strides = array<i32>} : memref<2x128xf32, #tpu.memory_space<vmem>>, vector<1x16xf32>,
    %get3A_553 = vector.shape_cast %get3A_552 : vector<1x16xf32> to vector<16xf32>
    %add3A_554 = arith.addf %get3A_549, %get3A_553 : vector<16xf32>
    %swap3A_555 = arith.constant 4 : i32
    %swap3A_556 = arith.index_cast %swap3A_555 : i32 to index
    %swap3A_557 = arith.constant 0 : index
    %swap3A_558 = tpu.vector_load %arg8[%swap3A_556, %swap3A_557] {strides = array<i32>} : memref<16x128xf32, #tpu.memory_space<vmem>>, vector<1x16xf32>,
    %swap3A_559 = vector.shape_cast %swap3A_558 : vector<1x16xf32> to vector<16xf32>
    %swap3A_560 = vector.shape_cast %add3A_554 : vector<16xf32> to vector<1x16xf32>
    tpu.vector_store %arg8[%swap3A_556, %swap3A_557], %swap3A_560 {strides = array<i32>} : memref<16x128xf32, #tpu.memory_space<vmem>>, vector<1x16xf32>,
    %get3A_561 = arith.constant 4 : i32
    %get3A_562 = arith.index_cast %get3A_561 : i32 to index
    %get3A_563 = arith.constant 16 : index
    %get3A_564 = tpu.vector_load %arg8[%get3A_562, %get3A_563] {strides = array<i32>} : memref<16x128xf32, #tpu.memory_space<vmem>>, vector<1x16xf32>,
    %get3A_565 = vector.shape_cast %get3A_564 : vector<1x16xf32> to vector<16xf32>
    %get3A_566 = arith.index_cast %select_n3A_544 : i32 to index
    %get3A_567 = arith.constant 16 : index
    %get3A_568 = tpu.vector_load %arg9[%get3A_566, %get3A_567] {strides = array<i32>} : memref<2x128xf32, #tpu.memory_space<vmem>>, vector<1x16xf32>,
    %get3A_569 = vector.shape_cast %get3A_568 : vector<1x16xf32> to vector<16xf32>
    %add3A_570 = arith.addf %get3A_565, %get3A_569 : vector<16xf32>
    %swap3A_571 = arith.constant 4 : i32
    %swap3A_572 = arith.index_cast %swap3A_571 : i32 to index
    %swap3A_573 = arith.constant 16 : index
    %swap3A_574 = tpu.vector_load %arg8[%swap3A_572, %swap3A_573] {strides = array<i32>} : memref<16x128xf32, #tpu.memory_space<vmem>>, vector<1x16xf32>,
    %swap3A_575 = vector.shape_cast %swap3A_574 : vector<1x16xf32> to vector<16xf32>
    %swap3A_576 = vector.shape_cast %add3A_570 : vector<16xf32> to vector<1x16xf32>
    tpu.vector_store %arg8[%swap3A_572, %swap3A_573], %swap3A_576 {strides = array<i32>} : memref<16x128xf32, #tpu.memory_space<vmem>>, vector<1x16xf32>,
    %get3A_577 = arith.constant 4 : i32
    %get3A_578 = arith.index_cast %get3A_577 : i32 to index
    %get3A_579 = arith.constant 32 : index
    %get3A_580 = tpu.vector_load %arg8[%get3A_578, %get3A_579] {strides = array<i32>} : memref<16x128xf32, #tpu.memory_space<vmem>>, vector<1x16xf32>,
    %get3A_581 = vector.shape_cast %get3A_580 : vector<1x16xf32> to vector<16xf32>
    %get3A_582 = arith.index_cast %select_n3A_544 : i32 to index
    %get3A_583 = arith.constant 32 : index
    %get3A_584 = tpu.vector_load %arg9[%get3A_582, %get3A_583] {strides = array<i32>} : memref<2x128xf32, #tpu.memory_space<vmem>>, vector<1x16xf32>,
    %get3A_585 = vector.shape_cast %get3A_584 : vector<1x16xf32> to vector<16xf32>
    %add3A_586 = arith.addf %get3A_581, %get3A_585 : vector<16xf32>
    %swap3A_587 = arith.constant 4 : i32
    %swap3A_588 = arith.index_cast %swap3A_587 : i32 to index
    %swap3A_589 = arith.constant 32 : index
    %swap3A_590 = tpu.vector_load %arg8[%swap3A_588, %swap3A_589] {strides = array<i32>} : memref<16x128xf32, #tpu.memory_space<vmem>>, vector<1x16xf32>,
    %swap3A_591 = vector.shape_cast %swap3A_590 : vector<1x16xf32> to vector<16xf32>
    %swap3A_592 = vector.shape_cast %add3A_586 : vector<16xf32> to vector<1x16xf32>
    tpu.vector_store %arg8[%swap3A_588, %swap3A_589], %swap3A_592 {strides = array<i32>} : memref<16x128xf32, #tpu.memory_space<vmem>>, vector<1x16xf32>,
    %get3A_593 = arith.constant 4 : i32
    %get3A_594 = arith.index_cast %get3A_593 : i32 to index
    %get3A_595 = arith.constant 48 : index
    %get3A_596 = tpu.vector_load %arg8[%get3A_594, %get3A_595] {strides = array<i32>} : memref<16x128xf32, #tpu.memory_space<vmem>>, vector<1x16xf32>,
    %get3A_597 = vector.shape_cast %get3A_596 : vector<1x16xf32> to vector<16xf32>
    %get3A_598 = arith.index_cast %select_n3A_544 : i32 to index
    %get3A_599 = arith.constant 48 : index
    %get3A_600 = tpu.vector_load %arg9[%get3A_598, %get3A_599] {strides = array<i32>} : memref<2x128xf32, #tpu.memory_space<vmem>>, vector<1x16xf32>,
    %get3A_601 = vector.shape_cast %get3A_600 : vector<1x16xf32> to vector<16xf32>
    %add3A_602 = arith.addf %get3A_597, %get3A_601 : vector<16xf32>
    %swap3A_603 = arith.constant 4 : i32
    %swap3A_604 = arith.index_cast %swap3A_603 : i32 to index
    %swap3A_605 = arith.constant 48 : index
    %swap3A_606 = tpu.vector_load %arg8[%swap3A_604, %swap3A_605] {strides = array<i32>} : memref<16x128xf32, #tpu.memory_space<vmem>>, vector<1x16xf32>,
    %swap3A_607 = vector.shape_cast %swap3A_606 : vector<1x16xf32> to vector<16xf32>
    %swap3A_608 = vector.shape_cast %add3A_602 : vector<16xf32> to vector<1x16xf32>
    tpu.vector_store %arg8[%swap3A_604, %swap3A_605], %swap3A_608 {strides = array<i32>} : memref<16x128xf32, #tpu.memory_space<vmem>>, vector<1x16xf32>,
    %get3A_609 = arith.constant 4 : i32
    %get3A_610 = arith.index_cast %get3A_609 : i32 to index
    %get3A_611 = arith.constant 64 : index
    %get3A_612 = tpu.vector_load %arg8[%get3A_610, %get3A_611] {strides = array<i32>} : memref<16x128xf32, #tpu.memory_space<vmem>>, vector<1x16xf32>,
    %get3A_613 = vector.shape_cast %get3A_612 : vector<1x16xf32> to vector<16xf32>
    %get3A_614 = arith.index_cast %select_n3A_544 : i32 to index
    %get3A_615 = arith.constant 64 : index
    %get3A_616 = tpu.vector_load %arg9[%get3A_614, %get3A_615] {strides = array<i32>} : memref<2x128xf32, #tpu.memory_space<vmem>>, vector<1x16xf32>,
    %get3A_617 = vector.shape_cast %get3A_616 : vector<1x16xf32> to vector<16xf32>
    %add3A_618 = arith.addf %get3A_613, %get3A_617 : vector<16xf32>
    %swap3A_619 = arith.constant 4 : i32
    %swap3A_620 = arith.index_cast %swap3A_619 : i32 to index
    %swap3A_621 = arith.constant 64 : index
    %swap3A_622 = tpu.vector_load %arg8[%swap3A_620, %swap3A_621] {strides = array<i32>} : memref<16x128xf32, #tpu.memory_space<vmem>>, vector<1x16xf32>,
    %swap3A_623 = vector.shape_cast %swap3A_622 : vector<1x16xf32> to vector<16xf32>
    %swap3A_624 = vector.shape_cast %add3A_618 : vector<16xf32> to vector<1x16xf32>
    tpu.vector_store %arg8[%swap3A_620, %swap3A_621], %swap3A_624 {strides = array<i32>} : memref<16x128xf32, #tpu.memory_space<vmem>>, vector<1x16xf32>,
    %get3A_625 = arith.constant 4 : i32
    %get3A_626 = arith.index_cast %get3A_625 : i32 to index
    %get3A_627 = arith.constant 80 : index
    %get3A_628 = tpu.vector_load %arg8[%get3A_626, %get3A_627] {strides = array<i32>} : memref<16x128xf32, #tpu.memory_space<vmem>>, vector<1x16xf32>,
    %get3A_629 = vector.shape_cast %get3A_628 : vector<1x16xf32> to vector<16xf32>
    %get3A_630 = arith.index_cast %select_n3A_544 : i32 to index
    %get3A_631 = arith.constant 80 : index
    %get3A_632 = tpu.vector_load %arg9[%get3A_630, %get3A_631] {strides = array<i32>} : memref<2x128xf32, #tpu.memory_space<vmem>>, vector<1x16xf32>,
    %get3A_633 = vector.shape_cast %get3A_632 : vector<1x16xf32> to vector<16xf32>
    %add3A_634 = arith.addf %get3A_629, %get3A_633 : vector<16xf32>
    %swap3A_635 = arith.constant 4 : i32
    %swap3A_636 = arith.index_cast %swap3A_635 : i32 to index
    %swap3A_637 = arith.constant 80 : index
    %swap3A_638 = tpu.vector_load %arg8[%swap3A_636, %swap3A_637] {strides = array<i32>} : memref<16x128xf32, #tpu.memory_space<vmem>>, vector<1x16xf32>,
    %swap3A_639 = vector.shape_cast %swap3A_638 : vector<1x16xf32> to vector<16xf32>
    %swap3A_640 = vector.shape_cast %add3A_634 : vector<16xf32> to vector<1x16xf32>
    tpu.vector_store %arg8[%swap3A_636, %swap3A_637], %swap3A_640 {strides = array<i32>} : memref<16x128xf32, #tpu.memory_space<vmem>>, vector<1x16xf32>,
    %get3A_641 = arith.constant 4 : i32
    %get3A_642 = arith.index_cast %get3A_641 : i32 to index
    %get3A_643 = arith.constant 96 : index
    %get3A_644 = tpu.vector_load %arg8[%get3A_642, %get3A_643] {strides = array<i32>} : memref<16x128xf32, #tpu.memory_space<vmem>>, vector<1x16xf32>,
    %get3A_645 = vector.shape_cast %get3A_644 : vector<1x16xf32> to vector<16xf32>
    %get3A_646 = arith.index_cast %select_n3A_544 : i32 to index
    %get3A_647 = arith.constant 96 : index
    %get3A_648 = tpu.vector_load %arg9[%get3A_646, %get3A_647] {strides = array<i32>} : memref<2x128xf32, #tpu.memory_space<vmem>>, vector<1x16xf32>,
    %get3A_649 = vector.shape_cast %get3A_648 : vector<1x16xf32> to vector<16xf32>
    %add3A_650 = arith.addf %get3A_645, %get3A_649 : vector<16xf32>
    %swap3A_651 = arith.constant 4 : i32
    %swap3A_652 = arith.index_cast %swap3A_651 : i32 to index
    %swap3A_653 = arith.constant 96 : index
    %swap3A_654 = tpu.vector_load %arg8[%swap3A_652, %swap3A_653] {strides = array<i32>} : memref<16x128xf32, #tpu.memory_space<vmem>>, vector<1x16xf32>,
    %swap3A_655 = vector.shape_cast %swap3A_654 : vector<1x16xf32> to vector<16xf32>
    %swap3A_656 = vector.shape_cast %add3A_650 : vector<16xf32> to vector<1x16xf32>
    tpu.vector_store %arg8[%swap3A_652, %swap3A_653], %swap3A_656 {strides = array<i32>} : memref<16x128xf32, #tpu.memory_space<vmem>>, vector<1x16xf32>,
    %get3A_657 = arith.constant 4 : i32
    %get3A_658 = arith.index_cast %get3A_657 : i32 to index
    %get3A_659 = arith.constant 112 : index
    %get3A_660 = tpu.vector_load %arg8[%get3A_658, %get3A_659] {strides = array<i32>} : memref<16x128xf32, #tpu.memory_space<vmem>>, vector<1x16xf32>,
    %get3A_661 = vector.shape_cast %get3A_660 : vector<1x16xf32> to vector<16xf32>
    %get3A_662 = arith.index_cast %select_n3A_544 : i32 to index
    %get3A_663 = arith.constant 112 : index
    %get3A_664 = tpu.vector_load %arg9[%get3A_662, %get3A_663] {strides = array<i32>} : memref<2x128xf32, #tpu.memory_space<vmem>>, vector<1x16xf32>,
    %get3A_665 = vector.shape_cast %get3A_664 : vector<1x16xf32> to vector<16xf32>
    %add3A_666 = arith.addf %get3A_661, %get3A_665 : vector<16xf32>
    %swap3A_667 = arith.constant 4 : i32
    %swap3A_668 = arith.index_cast %swap3A_667 : i32 to index
    %swap3A_669 = arith.constant 112 : index
    %swap3A_670 = tpu.vector_load %arg8[%swap3A_668, %swap3A_669] {strides = array<i32>} : memref<16x128xf32, #tpu.memory_space<vmem>>, vector<1x16xf32>,
    %swap3A_671 = vector.shape_cast %swap3A_670 : vector<1x16xf32> to vector<16xf32>
    %swap3A_672 = vector.shape_cast %add3A_666 : vector<16xf32> to vector<1x16xf32>
    tpu.vector_store %arg8[%swap3A_668, %swap3A_669], %swap3A_672 {strides = array<i32>} : memref<16x128xf32, #tpu.memory_space<vmem>>, vector<1x16xf32>,
    %add3A_673 = arith.constant 5 : i32
    %add3A_674 = arith.addi %mul3A_2, %add3A_673 : i32
    %ge3A_675 = arith.constant 256 : i32
    %ge3A_676 = arith.cmpi sge, %add3A_674, %ge3A_675 : i32
    %jit3A_677 = arith.constant 1 : i32
    %jit3A_678 = arith.constant 0 : i32
    %select_n3A_679 = arith.select %ge3A_676, %jit3A_677, %jit3A_678 : i32
    %get3A_680 = arith.constant 5 : i32
    %get3A_681 = arith.index_cast %get3A_680 : i32 to index
    %get3A_682 = arith.constant 0 : index
    %get3A_683 = tpu.vector_load %arg8[%get3A_681, %get3A_682] {strides = array<i32>} : memref<16x128xf32, #tpu.memory_space<vmem>>, vector<1x16xf32>,
    %get3A_684 = vector.shape_cast %get3A_683 : vector<1x16xf32> to vector<16xf32>
    %get3A_685 = arith.index_cast %select_n3A_679 : i32 to index
    %get3A_686 = arith.constant 0 : index
    %get3A_687 = tpu.vector_load %arg9[%get3A_685, %get3A_686] {strides = array<i32>} : memref<2x128xf32, #tpu.memory_space<vmem>>, vector<1x16xf32>,
    %get3A_688 = vector.shape_cast %get3A_687 : vector<1x16xf32> to vector<16xf32>
    %add3A_689 = arith.addf %get3A_684, %get3A_688 : vector<16xf32>
    %swap3A_690 = arith.constant 5 : i32
    %swap3A_691 = arith.index_cast %swap3A_690 : i32 to index
    %swap3A_692 = arith.constant 0 : index
    %swap3A_693 = tpu.vector_load %arg8[%swap3A_691, %swap3A_692] {strides = array<i32>} : memref<16x128xf32, #tpu.memory_space<vmem>>, vector<1x16xf32>,
    %swap3A_694 = vector.shape_cast %swap3A_693 : vector<1x16xf32> to vector<16xf32>
    %swap3A_695 = vector.shape_cast %add3A_689 : vector<16xf32> to vector<1x16xf32>
    tpu.vector_store %arg8[%swap3A_691, %swap3A_692], %swap3A_695 {strides = array<i32>} : memref<16x128xf32, #tpu.memory_space<vmem>>, vector<1x16xf32>,
    %get3A_696 = arith.constant 5 : i32
    %get3A_697 = arith.index_cast %get3A_696 : i32 to index
    %get3A_698 = arith.constant 16 : index
    %get3A_699 = tpu.vector_load %arg8[%get3A_697, %get3A_698] {strides = array<i32>} : memref<16x128xf32, #tpu.memory_space<vmem>>, vector<1x16xf32>,
    %get3A_700 = vector.shape_cast %get3A_699 : vector<1x16xf32> to vector<16xf32>
    %get3A_701 = arith.index_cast %select_n3A_679 : i32 to index
    %get3A_702 = arith.constant 16 : index
    %get3A_703 = tpu.vector_load %arg9[%get3A_701, %get3A_702] {strides = array<i32>} : memref<2x128xf32, #tpu.memory_space<vmem>>, vector<1x16xf32>,
    %get3A_704 = vector.shape_cast %get3A_703 : vector<1x16xf32> to vector<16xf32>
    %add3A_705 = arith.addf %get3A_700, %get3A_704 : vector<16xf32>
    %swap3A_706 = arith.constant 5 : i32
    %swap3A_707 = arith.index_cast %swap3A_706 : i32 to index
    %swap3A_708 = arith.constant 16 : index
    %swap3A_709 = tpu.vector_load %arg8[%swap3A_707, %swap3A_708] {strides = array<i32>} : memref<16x128xf32, #tpu.memory_space<vmem>>, vector<1x16xf32>,
    %swap3A_710 = vector.shape_cast %swap3A_709 : vector<1x16xf32> to vector<16xf32>
    %swap3A_711 = vector.shape_cast %add3A_705 : vector<16xf32> to vector<1x16xf32>
    tpu.vector_store %arg8[%swap3A_707, %swap3A_708], %swap3A_711 {strides = array<i32>} : memref<16x128xf32, #tpu.memory_space<vmem>>, vector<1x16xf32>,
    %get3A_712 = arith.constant 5 : i32
    %get3A_713 = arith.index_cast %get3A_712 : i32 to index
    %get3A_714 = arith.constant 32 : index
    %get3A_715 = tpu.vector_load %arg8[%get3A_713, %get3A_714] {strides = array<i32>} : memref<16x128xf32, #tpu.memory_space<vmem>>, vector<1x16xf32>,
    %get3A_716 = vector.shape_cast %get3A_715 : vector<1x16xf32> to vector<16xf32>
    %get3A_717 = arith.index_cast %select_n3A_679 : i32 to index
    %get3A_718 = arith.constant 32 : index
    %get3A_719 = tpu.vector_load %arg9[%get3A_717, %get3A_718] {strides = array<i32>} : memref<2x128xf32, #tpu.memory_space<vmem>>, vector<1x16xf32>,
    %get3A_720 = vector.shape_cast %get3A_719 : vector<1x16xf32> to vector<16xf32>
    %add3A_721 = arith.addf %get3A_716, %get3A_720 : vector<16xf32>
    %swap3A_722 = arith.constant 5 : i32
    %swap3A_723 = arith.index_cast %swap3A_722 : i32 to index
    %swap3A_724 = arith.constant 32 : index
    %swap3A_725 = tpu.vector_load %arg8[%swap3A_723, %swap3A_724] {strides = array<i32>} : memref<16x128xf32, #tpu.memory_space<vmem>>, vector<1x16xf32>,
    %swap3A_726 = vector.shape_cast %swap3A_725 : vector<1x16xf32> to vector<16xf32>
    %swap3A_727 = vector.shape_cast %add3A_721 : vector<16xf32> to vector<1x16xf32>
    tpu.vector_store %arg8[%swap3A_723, %swap3A_724], %swap3A_727 {strides = array<i32>} : memref<16x128xf32, #tpu.memory_space<vmem>>, vector<1x16xf32>,
    %get3A_728 = arith.constant 5 : i32
    %get3A_729 = arith.index_cast %get3A_728 : i32 to index
    %get3A_730 = arith.constant 48 : index
    %get3A_731 = tpu.vector_load %arg8[%get3A_729, %get3A_730] {strides = array<i32>} : memref<16x128xf32, #tpu.memory_space<vmem>>, vector<1x16xf32>,
    %get3A_732 = vector.shape_cast %get3A_731 : vector<1x16xf32> to vector<16xf32>
    %get3A_733 = arith.index_cast %select_n3A_679 : i32 to index
    %get3A_734 = arith.constant 48 : index
    %get3A_735 = tpu.vector_load %arg9[%get3A_733, %get3A_734] {strides = array<i32>} : memref<2x128xf32, #tpu.memory_space<vmem>>, vector<1x16xf32>,
    %get3A_736 = vector.shape_cast %get3A_735 : vector<1x16xf32> to vector<16xf32>
    %add3A_737 = arith.addf %get3A_732, %get3A_736 : vector<16xf32>
    %swap3A_738 = arith.constant 5 : i32
    %swap3A_739 = arith.index_cast %swap3A_738 : i32 to index
    %swap3A_740 = arith.constant 48 : index
    %swap3A_741 = tpu.vector_load %arg8[%swap3A_739, %swap3A_740] {strides = array<i32>} : memref<16x128xf32, #tpu.memory_space<vmem>>, vector<1x16xf32>,
    %swap3A_742 = vector.shape_cast %swap3A_741 : vector<1x16xf32> to vector<16xf32>
    %swap3A_743 = vector.shape_cast %add3A_737 : vector<16xf32> to vector<1x16xf32>
    tpu.vector_store %arg8[%swap3A_739, %swap3A_740], %swap3A_743 {strides = array<i32>} : memref<16x128xf32, #tpu.memory_space<vmem>>, vector<1x16xf32>,
    %get3A_744 = arith.constant 5 : i32
    %get3A_745 = arith.index_cast %get3A_744 : i32 to index
    %get3A_746 = arith.constant 64 : index
    %get3A_747 = tpu.vector_load %arg8[%get3A_745, %get3A_746] {strides = array<i32>} : memref<16x128xf32, #tpu.memory_space<vmem>>, vector<1x16xf32>,
    %get3A_748 = vector.shape_cast %get3A_747 : vector<1x16xf32> to vector<16xf32>
    %get3A_749 = arith.index_cast %select_n3A_679 : i32 to index
    %get3A_750 = arith.constant 64 : index
    %get3A_751 = tpu.vector_load %arg9[%get3A_749, %get3A_750] {strides = array<i32>} : memref<2x128xf32, #tpu.memory_space<vmem>>, vector<1x16xf32>,
    %get3A_752 = vector.shape_cast %get3A_751 : vector<1x16xf32> to vector<16xf32>
    %add3A_753 = arith.addf %get3A_748, %get3A_752 : vector<16xf32>
    %swap3A_754 = arith.constant 5 : i32
    %swap3A_755 = arith.index_cast %swap3A_754 : i32 to index
    %swap3A_756 = arith.constant 64 : index
    %swap3A_757 = tpu.vector_load %arg8[%swap3A_755, %swap3A_756] {strides = array<i32>} : memref<16x128xf32, #tpu.memory_space<vmem>>, vector<1x16xf32>,
    %swap3A_758 = vector.shape_cast %swap3A_757 : vector<1x16xf32> to vector<16xf32>
    %swap3A_759 = vector.shape_cast %add3A_753 : vector<16xf32> to vector<1x16xf32>
    tpu.vector_store %arg8[%swap3A_755, %swap3A_756], %swap3A_759 {strides = array<i32>} : memref<16x128xf32, #tpu.memory_space<vmem>>, vector<1x16xf32>,
    %get3A_760 = arith.constant 5 : i32
    %get3A_761 = arith.index_cast %get3A_760 : i32 to index
    %get3A_762 = arith.constant 80 : index
    %get3A_763 = tpu.vector_load %arg8[%get3A_761, %get3A_762] {strides = array<i32>} : memref<16x128xf32, #tpu.memory_space<vmem>>, vector<1x16xf32>,
    %get3A_764 = vector.shape_cast %get3A_763 : vector<1x16xf32> to vector<16xf32>
    %get3A_765 = arith.index_cast %select_n3A_679 : i32 to index
    %get3A_766 = arith.constant 80 : index
    %get3A_767 = tpu.vector_load %arg9[%get3A_765, %get3A_766] {strides = array<i32>} : memref<2x128xf32, #tpu.memory_space<vmem>>, vector<1x16xf32>,
    %get3A_768 = vector.shape_cast %get3A_767 : vector<1x16xf32> to vector<16xf32>
    %add3A_769 = arith.addf %get3A_764, %get3A_768 : vector<16xf32>
    %swap3A_770 = arith.constant 5 : i32
    %swap3A_771 = arith.index_cast %swap3A_770 : i32 to index
    %swap3A_772 = arith.constant 80 : index
    %swap3A_773 = tpu.vector_load %arg8[%swap3A_771, %swap3A_772] {strides = array<i32>} : memref<16x128xf32, #tpu.memory_space<vmem>>, vector<1x16xf32>,
    %swap3A_774 = vector.shape_cast %swap3A_773 : vector<1x16xf32> to vector<16xf32>
    %swap3A_775 = vector.shape_cast %add3A_769 : vector<16xf32> to vector<1x16xf32>
    tpu.vector_store %arg8[%swap3A_771, %swap3A_772], %swap3A_775 {strides = array<i32>} : memref<16x128xf32, #tpu.memory_space<vmem>>, vector<1x16xf32>,
    %get3A_776 = arith.constant 5 : i32
    %get3A_777 = arith.index_cast %get3A_776 : i32 to index
    %get3A_778 = arith.constant 96 : index
    %get3A_779 = tpu.vector_load %arg8[%get3A_777, %get3A_778] {strides = array<i32>} : memref<16x128xf32, #tpu.memory_space<vmem>>, vector<1x16xf32>,
    %get3A_780 = vector.shape_cast %get3A_779 : vector<1x16xf32> to vector<16xf32>
    %get3A_781 = arith.index_cast %select_n3A_679 : i32 to index
    %get3A_782 = arith.constant 96 : index
    %get3A_783 = tpu.vector_load %arg9[%get3A_781, %get3A_782] {strides = array<i32>} : memref<2x128xf32, #tpu.memory_space<vmem>>, vector<1x16xf32>,
    %get3A_784 = vector.shape_cast %get3A_783 : vector<1x16xf32> to vector<16xf32>
    %add3A_785 = arith.addf %get3A_780, %get3A_784 : vector<16xf32>
    %swap3A_786 = arith.constant 5 : i32
    %swap3A_787 = arith.index_cast %swap3A_786 : i32 to index
    %swap3A_788 = arith.constant 96 : index
    %swap3A_789 = tpu.vector_load %arg8[%swap3A_787, %swap3A_788] {strides = array<i32>} : memref<16x128xf32, #tpu.memory_space<vmem>>, vector<1x16xf32>,
    %swap3A_790 = vector.shape_cast %swap3A_789 : vector<1x16xf32> to vector<16xf32>
    %swap3A_791 = vector.shape_cast %add3A_785 : vector<16xf32> to vector<1x16xf32>
    tpu.vector_store %arg8[%swap3A_787, %swap3A_788], %swap3A_791 {strides = array<i32>} : memref<16x128xf32, #tpu.memory_space<vmem>>, vector<1x16xf32>,
    %get3A_792 = arith.constant 5 : i32
    %get3A_793 = arith.index_cast %get3A_792 : i32 to index
    %get3A_794 = arith.constant 112 : index
    %get3A_795 = tpu.vector_load %arg8[%get3A_793, %get3A_794] {strides = array<i32>} : memref<16x128xf32, #tpu.memory_space<vmem>>, vector<1x16xf32>,
    %get3A_796 = vector.shape_cast %get3A_795 : vector<1x16xf32> to vector<16xf32>
    %get3A_797 = arith.index_cast %select_n3A_679 : i32 to index
    %get3A_798 = arith.constant 112 : index
    %get3A_799 = tpu.vector_load %arg9[%get3A_797, %get3A_798] {strides = array<i32>} : memref<2x128xf32, #tpu.memory_space<vmem>>, vector<1x16xf32>,
    %get3A_800 = vector.shape_cast %get3A_799 : vector<1x16xf32> to vector<16xf32>
    %add3A_801 = arith.addf %get3A_796, %get3A_800 : vector<16xf32>
    %swap3A_802 = arith.constant 5 : i32
    %swap3A_803 = arith.index_cast %swap3A_802 : i32 to index
    %swap3A_804 = arith.constant 112 : index
    %swap3A_805 = tpu.vector_load %arg8[%swap3A_803, %swap3A_804] {strides = array<i32>} : memref<16x128xf32, #tpu.memory_space<vmem>>, vector<1x16xf32>,
    %swap3A_806 = vector.shape_cast %swap3A_805 : vector<1x16xf32> to vector<16xf32>
    %swap3A_807 = vector.shape_cast %add3A_801 : vector<16xf32> to vector<1x16xf32>
    tpu.vector_store %arg8[%swap3A_803, %swap3A_804], %swap3A_807 {strides = array<i32>} : memref<16x128xf32, #tpu.memory_space<vmem>>, vector<1x16xf32>,
    %add3A_808 = arith.constant 6 : i32
    %add3A_809 = arith.addi %mul3A_2, %add3A_808 : i32
    %ge3A_810 = arith.constant 256 : i32
    %ge3A_811 = arith.cmpi sge, %add3A_809, %ge3A_810 : i32
    %jit3A_812 = arith.constant 1 : i32
    %jit3A_813 = arith.constant 0 : i32
    %select_n3A_814 = arith.select %ge3A_811, %jit3A_812, %jit3A_813 : i32
    %get3A_815 = arith.constant 6 : i32
    %get3A_816 = arith.index_cast %get3A_815 : i32 to index
    %get3A_817 = arith.constant 0 : index
    %get3A_818 = tpu.vector_load %arg8[%get3A_816, %get3A_817] {strides = array<i32>} : memref<16x128xf32, #tpu.memory_space<vmem>>, vector<1x16xf32>,
    %get3A_819 = vector.shape_cast %get3A_818 : vector<1x16xf32> to vector<16xf32>
    %get3A_820 = arith.index_cast %select_n3A_814 : i32 to index
    %get3A_821 = arith.constant 0 : index
    %get3A_822 = tpu.vector_load %arg9[%get3A_820, %get3A_821] {strides = array<i32>} : memref<2x128xf32, #tpu.memory_space<vmem>>, vector<1x16xf32>,
    %get3A_823 = vector.shape_cast %get3A_822 : vector<1x16xf32> to vector<16xf32>
    %add3A_824 = arith.addf %get3A_819, %get3A_823 : vector<16xf32>
    %swap3A_825 = arith.constant 6 : i32
    %swap3A_826 = arith.index_cast %swap3A_825 : i32 to index
    %swap3A_827 = arith.constant 0 : index
    %swap3A_828 = tpu.vector_load %arg8[%swap3A_826, %swap3A_827] {strides = array<i32>} : memref<16x128xf32, #tpu.memory_space<vmem>>, vector<1x16xf32>,
    %swap3A_829 = vector.shape_cast %swap3A_828 : vector<1x16xf32> to vector<16xf32>
    %swap3A_830 = vector.shape_cast %add3A_824 : vector<16xf32> to vector<1x16xf32>
    tpu.vector_store %arg8[%swap3A_826, %swap3A_827], %swap3A_830 {strides = array<i32>} : memref<16x128xf32, #tpu.memory_space<vmem>>, vector<1x16xf32>,
    %get3A_831 = arith.constant 6 : i32
    %get3A_832 = arith.index_cast %get3A_831 : i32 to index
    %get3A_833 = arith.constant 16 : index
    %get3A_834 = tpu.vector_load %arg8[%get3A_832, %get3A_833] {strides = array<i32>} : memref<16x128xf32, #tpu.memory_space<vmem>>, vector<1x16xf32>,
    %get3A_835 = vector.shape_cast %get3A_834 : vector<1x16xf32> to vector<16xf32>
    %get3A_836 = arith.index_cast %select_n3A_814 : i32 to index
    %get3A_837 = arith.constant 16 : index
    %get3A_838 = tpu.vector_load %arg9[%get3A_836, %get3A_837] {strides = array<i32>} : memref<2x128xf32, #tpu.memory_space<vmem>>, vector<1x16xf32>,
    %get3A_839 = vector.shape_cast %get3A_838 : vector<1x16xf32> to vector<16xf32>
    %add3A_840 = arith.addf %get3A_835, %get3A_839 : vector<16xf32>
    %swap3A_841 = arith.constant 6 : i32
    %swap3A_842 = arith.index_cast %swap3A_841 : i32 to index
    %swap3A_843 = arith.constant 16 : index
    %swap3A_844 = tpu.vector_load %arg8[%swap3A_842, %swap3A_843] {strides = array<i32>} : memref<16x128xf32, #tpu.memory_space<vmem>>, vector<1x16xf32>,
    %swap3A_845 = vector.shape_cast %swap3A_844 : vector<1x16xf32> to vector<16xf32>
    %swap3A_846 = vector.shape_cast %add3A_840 : vector<16xf32> to vector<1x16xf32>
    tpu.vector_store %arg8[%swap3A_842, %swap3A_843], %swap3A_846 {strides = array<i32>} : memref<16x128xf32, #tpu.memory_space<vmem>>, vector<1x16xf32>,
    %get3A_847 = arith.constant 6 : i32
    %get3A_848 = arith.index_cast %get3A_847 : i32 to index
    %get3A_849 = arith.constant 32 : index
    %get3A_850 = tpu.vector_load %arg8[%get3A_848, %get3A_849] {strides = array<i32>} : memref<16x128xf32, #tpu.memory_space<vmem>>, vector<1x16xf32>,
    %get3A_851 = vector.shape_cast %get3A_850 : vector<1x16xf32> to vector<16xf32>
    %get3A_852 = arith.index_cast %select_n3A_814 : i32 to index
    %get3A_853 = arith.constant 32 : index
    %get3A_854 = tpu.vector_load %arg9[%get3A_852, %get3A_853] {strides = array<i32>} : memref<2x128xf32, #tpu.memory_space<vmem>>, vector<1x16xf32>,
    %get3A_855 = vector.shape_cast %get3A_854 : vector<1x16xf32> to vector<16xf32>
    %add3A_856 = arith.addf %get3A_851, %get3A_855 : vector<16xf32>
    %swap3A_857 = arith.constant 6 : i32
    %swap3A_858 = arith.index_cast %swap3A_857 : i32 to index
    %swap3A_859 = arith.constant 32 : index
    %swap3A_860 = tpu.vector_load %arg8[%swap3A_858, %swap3A_859] {strides = array<i32>} : memref<16x128xf32, #tpu.memory_space<vmem>>, vector<1x16xf32>,
    %swap3A_861 = vector.shape_cast %swap3A_860 : vector<1x16xf32> to vector<16xf32>
    %swap3A_862 = vector.shape_cast %add3A_856 : vector<16xf32> to vector<1x16xf32>
    tpu.vector_store %arg8[%swap3A_858, %swap3A_859], %swap3A_862 {strides = array<i32>} : memref<16x128xf32, #tpu.memory_space<vmem>>, vector<1x16xf32>,
    %get3A_863 = arith.constant 6 : i32
    %get3A_864 = arith.index_cast %get3A_863 : i32 to index
    %get3A_865 = arith.constant 48 : index
    %get3A_866 = tpu.vector_load %arg8[%get3A_864, %get3A_865] {strides = array<i32>} : memref<16x128xf32, #tpu.memory_space<vmem>>, vector<1x16xf32>,
    %get3A_867 = vector.shape_cast %get3A_866 : vector<1x16xf32> to vector<16xf32>
    %get3A_868 = arith.index_cast %select_n3A_814 : i32 to index
    %get3A_869 = arith.constant 48 : index
    %get3A_870 = tpu.vector_load %arg9[%get3A_868, %get3A_869] {strides = array<i32>} : memref<2x128xf32, #tpu.memory_space<vmem>>, vector<1x16xf32>,
    %get3A_871 = vector.shape_cast %get3A_870 : vector<1x16xf32> to vector<16xf32>
    %add3A_872 = arith.addf %get3A_867, %get3A_871 : vector<16xf32>
    %swap3A_873 = arith.constant 6 : i32
    %swap3A_874 = arith.index_cast %swap3A_873 : i32 to index
    %swap3A_875 = arith.constant 48 : index
    %swap3A_876 = tpu.vector_load %arg8[%swap3A_874, %swap3A_875] {strides = array<i32>} : memref<16x128xf32, #tpu.memory_space<vmem>>, vector<1x16xf32>,
    %swap3A_877 = vector.shape_cast %swap3A_876 : vector<1x16xf32> to vector<16xf32>
    %swap3A_878 = vector.shape_cast %add3A_872 : vector<16xf32> to vector<1x16xf32>
    tpu.vector_store %arg8[%swap3A_874, %swap3A_875], %swap3A_878 {strides = array<i32>} : memref<16x128xf32, #tpu.memory_space<vmem>>, vector<1x16xf32>,
    %get3A_879 = arith.constant 6 : i32
    %get3A_880 = arith.index_cast %get3A_879 : i32 to index
    %get3A_881 = arith.constant 64 : index
    %get3A_882 = tpu.vector_load %arg8[%get3A_880, %get3A_881] {strides = array<i32>} : memref<16x128xf32, #tpu.memory_space<vmem>>, vector<1x16xf32>,
    %get3A_883 = vector.shape_cast %get3A_882 : vector<1x16xf32> to vector<16xf32>
    %get3A_884 = arith.index_cast %select_n3A_814 : i32 to index
    %get3A_885 = arith.constant 64 : index
    %get3A_886 = tpu.vector_load %arg9[%get3A_884, %get3A_885] {strides = array<i32>} : memref<2x128xf32, #tpu.memory_space<vmem>>, vector<1x16xf32>,
    %get3A_887 = vector.shape_cast %get3A_886 : vector<1x16xf32> to vector<16xf32>
    %add3A_888 = arith.addf %get3A_883, %get3A_887 : vector<16xf32>
    %swap3A_889 = arith.constant 6 : i32
    %swap3A_890 = arith.index_cast %swap3A_889 : i32 to index
    %swap3A_891 = arith.constant 64 : index
    %swap3A_892 = tpu.vector_load %arg8[%swap3A_890, %swap3A_891] {strides = array<i32>} : memref<16x128xf32, #tpu.memory_space<vmem>>, vector<1x16xf32>,
    %swap3A_893 = vector.shape_cast %swap3A_892 : vector<1x16xf32> to vector<16xf32>
    %swap3A_894 = vector.shape_cast %add3A_888 : vector<16xf32> to vector<1x16xf32>
    tpu.vector_store %arg8[%swap3A_890, %swap3A_891], %swap3A_894 {strides = array<i32>} : memref<16x128xf32, #tpu.memory_space<vmem>>, vector<1x16xf32>,
    %get3A_895 = arith.constant 6 : i32
    %get3A_896 = arith.index_cast %get3A_895 : i32 to index
    %get3A_897 = arith.constant 80 : index
    %get3A_898 = tpu.vector_load %arg8[%get3A_896, %get3A_897] {strides = array<i32>} : memref<16x128xf32, #tpu.memory_space<vmem>>, vector<1x16xf32>,
    %get3A_899 = vector.shape_cast %get3A_898 : vector<1x16xf32> to vector<16xf32>
    %get3A_900 = arith.index_cast %select_n3A_814 : i32 to index
    %get3A_901 = arith.constant 80 : index
    %get3A_902 = tpu.vector_load %arg9[%get3A_900, %get3A_901] {strides = array<i32>} : memref<2x128xf32, #tpu.memory_space<vmem>>, vector<1x16xf32>,
    %get3A_903 = vector.shape_cast %get3A_902 : vector<1x16xf32> to vector<16xf32>
    %add3A_904 = arith.addf %get3A_899, %get3A_903 : vector<16xf32>
    %swap3A_905 = arith.constant 6 : i32
    %swap3A_906 = arith.index_cast %swap3A_905 : i32 to index
    %swap3A_907 = arith.constant 80 : index
    %swap3A_908 = tpu.vector_load %arg8[%swap3A_906, %swap3A_907] {strides = array<i32>} : memref<16x128xf32, #tpu.memory_space<vmem>>, vector<1x16xf32>,
    %swap3A_909 = vector.shape_cast %swap3A_908 : vector<1x16xf32> to vector<16xf32>
    %swap3A_910 = vector.shape_cast %add3A_904 : vector<16xf32> to vector<1x16xf32>
    tpu.vector_store %arg8[%swap3A_906, %swap3A_907], %swap3A_910 {strides = array<i32>} : memref<16x128xf32, #tpu.memory_space<vmem>>, vector<1x16xf32>,
    %get3A_911 = arith.constant 6 : i32
    %get3A_912 = arith.index_cast %get3A_911 : i32 to index
    %get3A_913 = arith.constant 96 : index
    %get3A_914 = tpu.vector_load %arg8[%get3A_912, %get3A_913] {strides = array<i32>} : memref<16x128xf32, #tpu.memory_space<vmem>>, vector<1x16xf32>,
    %get3A_915 = vector.shape_cast %get3A_914 : vector<1x16xf32> to vector<16xf32>
    %get3A_916 = arith.index_cast %select_n3A_814 : i32 to index
    %get3A_917 = arith.constant 96 : index
    %get3A_918 = tpu.vector_load %arg9[%get3A_916, %get3A_917] {strides = array<i32>} : memref<2x128xf32, #tpu.memory_space<vmem>>, vector<1x16xf32>,
    %get3A_919 = vector.shape_cast %get3A_918 : vector<1x16xf32> to vector<16xf32>
    %add3A_920 = arith.addf %get3A_915, %get3A_919 : vector<16xf32>
    %swap3A_921 = arith.constant 6 : i32
    %swap3A_922 = arith.index_cast %swap3A_921 : i32 to index
    %swap3A_923 = arith.constant 96 : index
    %swap3A_924 = tpu.vector_load %arg8[%swap3A_922, %swap3A_923] {strides = array<i32>} : memref<16x128xf32, #tpu.memory_space<vmem>>, vector<1x16xf32>,
    %swap3A_925 = vector.shape_cast %swap3A_924 : vector<1x16xf32> to vector<16xf32>
    %swap3A_926 = vector.shape_cast %add3A_920 : vector<16xf32> to vector<1x16xf32>
    tpu.vector_store %arg8[%swap3A_922, %swap3A_923], %swap3A_926 {strides = array<i32>} : memref<16x128xf32, #tpu.memory_space<vmem>>, vector<1x16xf32>,
    %get3A_927 = arith.constant 6 : i32
    %get3A_928 = arith.index_cast %get3A_927 : i32 to index
    %get3A_929 = arith.constant 112 : index
    %get3A_930 = tpu.vector_load %arg8[%get3A_928, %get3A_929] {strides = array<i32>} : memref<16x128xf32, #tpu.memory_space<vmem>>, vector<1x16xf32>,
    %get3A_931 = vector.shape_cast %get3A_930 : vector<1x16xf32> to vector<16xf32>
    %get3A_932 = arith.index_cast %select_n3A_814 : i32 to index
    %get3A_933 = arith.constant 112 : index
    %get3A_934 = tpu.vector_load %arg9[%get3A_932, %get3A_933] {strides = array<i32>} : memref<2x128xf32, #tpu.memory_space<vmem>>, vector<1x16xf32>,
    %get3A_935 = vector.shape_cast %get3A_934 : vector<1x16xf32> to vector<16xf32>
    %add3A_936 = arith.addf %get3A_931, %get3A_935 : vector<16xf32>
    %swap3A_937 = arith.constant 6 : i32
    %swap3A_938 = arith.index_cast %swap3A_937 : i32 to index
    %swap3A_939 = arith.constant 112 : index
    %swap3A_940 = tpu.vector_load %arg8[%swap3A_938, %swap3A_939] {strides = array<i32>} : memref<16x128xf32, #tpu.memory_space<vmem>>, vector<1x16xf32>,
    %swap3A_941 = vector.shape_cast %swap3A_940 : vector<1x16xf32> to vector<16xf32>
    %swap3A_942 = vector.shape_cast %add3A_936 : vector<16xf32> to vector<1x16xf32>
    tpu.vector_store %arg8[%swap3A_938, %swap3A_939], %swap3A_942 {strides = array<i32>} : memref<16x128xf32, #tpu.memory_space<vmem>>, vector<1x16xf32>,
    %add3A_943 = arith.constant 7 : i32
    %add3A_944 = arith.addi %mul3A_2, %add3A_943 : i32
    %ge3A_945 = arith.constant 256 : i32
    %ge3A_946 = arith.cmpi sge, %add3A_944, %ge3A_945 : i32
    %jit3A_947 = arith.constant 1 : i32
    %jit3A_948 = arith.constant 0 : i32
    %select_n3A_949 = arith.select %ge3A_946, %jit3A_947, %jit3A_948 : i32
    %get3A_950 = arith.constant 7 : i32
    %get3A_951 = arith.index_cast %get3A_950 : i32 to index
    %get3A_952 = arith.constant 0 : index
    %get3A_953 = tpu.vector_load %arg8[%get3A_951, %get3A_952] {strides = array<i32>} : memref<16x128xf32, #tpu.memory_space<vmem>>, vector<1x16xf32>,
    %get3A_954 = vector.shape_cast %get3A_953 : vector<1x16xf32> to vector<16xf32>
    %get3A_955 = arith.index_cast %select_n3A_949 : i32 to index
    %get3A_956 = arith.constant 0 : index
    %get3A_957 = tpu.vector_load %arg9[%get3A_955, %get3A_956] {strides = array<i32>} : memref<2x128xf32, #tpu.memory_space<vmem>>, vector<1x16xf32>,
    %get3A_958 = vector.shape_cast %get3A_957 : vector<1x16xf32> to vector<16xf32>
    %add3A_959 = arith.addf %get3A_954, %get3A_958 : vector<16xf32>
    %swap3A_960 = arith.constant 7 : i32
    %swap3A_961 = arith.index_cast %swap3A_960 : i32 to index
    %swap3A_962 = arith.constant 0 : index
    %swap3A_963 = tpu.vector_load %arg8[%swap3A_961, %swap3A_962] {strides = array<i32>} : memref<16x128xf32, #tpu.memory_space<vmem>>, vector<1x16xf32>,
    %swap3A_964 = vector.shape_cast %swap3A_963 : vector<1x16xf32> to vector<16xf32>
    %swap3A_965 = vector.shape_cast %add3A_959 : vector<16xf32> to vector<1x16xf32>
    tpu.vector_store %arg8[%swap3A_961, %swap3A_962], %swap3A_965 {strides = array<i32>} : memref<16x128xf32, #tpu.memory_space<vmem>>, vector<1x16xf32>,
    %get3A_966 = arith.constant 7 : i32
    %get3A_967 = arith.index_cast %get3A_966 : i32 to index
    %get3A_968 = arith.constant 16 : index
    %get3A_969 = tpu.vector_load %arg8[%get3A_967, %get3A_968] {strides = array<i32>} : memref<16x128xf32, #tpu.memory_space<vmem>>, vector<1x16xf32>,
    %get3A_970 = vector.shape_cast %get3A_969 : vector<1x16xf32> to vector<16xf32>
    %get3A_971 = arith.index_cast %select_n3A_949 : i32 to index
    %get3A_972 = arith.constant 16 : index
    %get3A_973 = tpu.vector_load %arg9[%get3A_971, %get3A_972] {strides = array<i32>} : memref<2x128xf32, #tpu.memory_space<vmem>>, vector<1x16xf32>,
    %get3A_974 = vector.shape_cast %get3A_973 : vector<1x16xf32> to vector<16xf32>
    %add3A_975 = arith.addf %get3A_970, %get3A_974 : vector<16xf32>
    %swap3A_976 = arith.constant 7 : i32
    %swap3A_977 = arith.index_cast %swap3A_976 : i32 to index
    %swap3A_978 = arith.constant 16 : index
    %swap3A_979 = tpu.vector_load %arg8[%swap3A_977, %swap3A_978] {strides = array<i32>} : memref<16x128xf32, #tpu.memory_space<vmem>>, vector<1x16xf32>,
    %swap3A_980 = vector.shape_cast %swap3A_979 : vector<1x16xf32> to vector<16xf32>
    %swap3A_981 = vector.shape_cast %add3A_975 : vector<16xf32> to vector<1x16xf32>
    tpu.vector_store %arg8[%swap3A_977, %swap3A_978], %swap3A_981 {strides = array<i32>} : memref<16x128xf32, #tpu.memory_space<vmem>>, vector<1x16xf32>,
    %get3A_982 = arith.constant 7 : i32
    %get3A_983 = arith.index_cast %get3A_982 : i32 to index
    %get3A_984 = arith.constant 32 : index
    %get3A_985 = tpu.vector_load %arg8[%get3A_983, %get3A_984] {strides = array<i32>} : memref<16x128xf32, #tpu.memory_space<vmem>>, vector<1x16xf32>,
    %get3A_986 = vector.shape_cast %get3A_985 : vector<1x16xf32> to vector<16xf32>
    %get3A_987 = arith.index_cast %select_n3A_949 : i32 to index
    %get3A_988 = arith.constant 32 : index
    %get3A_989 = tpu.vector_load %arg9[%get3A_987, %get3A_988] {strides = array<i32>} : memref<2x128xf32, #tpu.memory_space<vmem>>, vector<1x16xf32>,
    %get3A_990 = vector.shape_cast %get3A_989 : vector<1x16xf32> to vector<16xf32>
    %add3A_991 = arith.addf %get3A_986, %get3A_990 : vector<16xf32>
    %swap3A_992 = arith.constant 7 : i32
    %swap3A_993 = arith.index_cast %swap3A_992 : i32 to index
    %swap3A_994 = arith.constant 32 : index
    %swap3A_995 = tpu.vector_load %arg8[%swap3A_993, %swap3A_994] {strides = array<i32>} : memref<16x128xf32, #tpu.memory_space<vmem>>, vector<1x16xf32>,
    %swap3A_996 = vector.shape_cast %swap3A_995 : vector<1x16xf32> to vector<16xf32>
    %swap3A_997 = vector.shape_cast %add3A_991 : vector<16xf32> to vector<1x16xf32>
    tpu.vector_store %arg8[%swap3A_993, %swap3A_994], %swap3A_997 {strides = array<i32>} : memref<16x128xf32, #tpu.memory_space<vmem>>, vector<1x16xf32>,
    %get3A_998 = arith.constant 7 : i32
    %get3A_999 = arith.index_cast %get3A_998 : i32 to index
    %get3A_1000 = arith.constant 48 : index
    %get3A_1001 = tpu.vector_load %arg8[%get3A_999, %get3A_1000] {strides = array<i32>} : memref<16x128xf32, #tpu.memory_space<vmem>>, vector<1x16xf32>,
    %get3A_1002 = vector.shape_cast %get3A_1001 : vector<1x16xf32> to vector<16xf32>
    %get3A_1003 = arith.index_cast %select_n3A_949 : i32 to index
    %get3A_1004 = arith.constant 48 : index
    %get3A_1005 = tpu.vector_load %arg9[%get3A_1003, %get3A_1004] {strides = array<i32>} : memref<2x128xf32, #tpu.memory_space<vmem>>, vector<1x16xf32>,
    %get3A_1006 = vector.shape_cast %get3A_1005 : vector<1x16xf32> to vector<16xf32>
    %add3A_1007 = arith.addf %get3A_1002, %get3A_1006 : vector<16xf32>
    %swap3A_1008 = arith.constant 7 : i32
    %swap3A_1009 = arith.index_cast %swap3A_1008 : i32 to index
    %swap3A_1010 = arith.constant 48 : index
    %swap3A_1011 = tpu.vector_load %arg8[%swap3A_1009, %swap3A_1010] {strides = array<i32>} : memref<16x128xf32, #tpu.memory_space<vmem>>, vector<1x16xf32>,
    %swap3A_1012 = vector.shape_cast %swap3A_1011 : vector<1x16xf32> to vector<16xf32>
    %swap3A_1013 = vector.shape_cast %add3A_1007 : vector<16xf32> to vector<1x16xf32>
    tpu.vector_store %arg8[%swap3A_1009, %swap3A_1010], %swap3A_1013 {strides = array<i32>} : memref<16x128xf32, #tpu.memory_space<vmem>>, vector<1x16xf32>,
    %get3A_1014 = arith.constant 7 : i32
    %get3A_1015 = arith.index_cast %get3A_1014 : i32 to index
    %get3A_1016 = arith.constant 64 : index
    %get3A_1017 = tpu.vector_load %arg8[%get3A_1015, %get3A_1016] {strides = array<i32>} : memref<16x128xf32, #tpu.memory_space<vmem>>, vector<1x16xf32>,
    %get3A_1018 = vector.shape_cast %get3A_1017 : vector<1x16xf32> to vector<16xf32>
    %get3A_1019 = arith.index_cast %select_n3A_949 : i32 to index
    %get3A_1020 = arith.constant 64 : index
    %get3A_1021 = tpu.vector_load %arg9[%get3A_1019, %get3A_1020] {strides = array<i32>} : memref<2x128xf32, #tpu.memory_space<vmem>>, vector<1x16xf32>,
    %get3A_1022 = vector.shape_cast %get3A_1021 : vector<1x16xf32> to vector<16xf32>
    %add3A_1023 = arith.addf %get3A_1018, %get3A_1022 : vector<16xf32>
    %swap3A_1024 = arith.constant 7 : i32
    %swap3A_1025 = arith.index_cast %swap3A_1024 : i32 to index
    %swap3A_1026 = arith.constant 64 : index
    %swap3A_1027 = tpu.vector_load %arg8[%swap3A_1025, %swap3A_1026] {strides = array<i32>} : memref<16x128xf32, #tpu.memory_space<vmem>>, vector<1x16xf32>,
    %swap3A_1028 = vector.shape_cast %swap3A_1027 : vector<1x16xf32> to vector<16xf32>
    %swap3A_1029 = vector.shape_cast %add3A_1023 : vector<16xf32> to vector<1x16xf32>
    tpu.vector_store %arg8[%swap3A_1025, %swap3A_1026], %swap3A_1029 {strides = array<i32>} : memref<16x128xf32, #tpu.memory_space<vmem>>, vector<1x16xf32>,
    %get3A_1030 = arith.constant 7 : i32
    %get3A_1031 = arith.index_cast %get3A_1030 : i32 to index
    %get3A_1032 = arith.constant 80 : index
    %get3A_1033 = tpu.vector_load %arg8[%get3A_1031, %get3A_1032] {strides = array<i32>} : memref<16x128xf32, #tpu.memory_space<vmem>>, vector<1x16xf32>,
    %get3A_1034 = vector.shape_cast %get3A_1033 : vector<1x16xf32> to vector<16xf32>
    %get3A_1035 = arith.index_cast %select_n3A_949 : i32 to index
    %get3A_1036 = arith.constant 80 : index
    %get3A_1037 = tpu.vector_load %arg9[%get3A_1035, %get3A_1036] {strides = array<i32>} : memref<2x128xf32, #tpu.memory_space<vmem>>, vector<1x16xf32>,
    %get3A_1038 = vector.shape_cast %get3A_1037 : vector<1x16xf32> to vector<16xf32>
    %add3A_1039 = arith.addf %get3A_1034, %get3A_1038 : vector<16xf32>
    %swap3A_1040 = arith.constant 7 : i32
    %swap3A_1041 = arith.index_cast %swap3A_1040 : i32 to index
    %swap3A_1042 = arith.constant 80 : index
    %swap3A_1043 = tpu.vector_load %arg8[%swap3A_1041, %swap3A_1042] {strides = array<i32>} : memref<16x128xf32, #tpu.memory_space<vmem>>, vector<1x16xf32>,
    %swap3A_1044 = vector.shape_cast %swap3A_1043 : vector<1x16xf32> to vector<16xf32>
    %swap3A_1045 = vector.shape_cast %add3A_1039 : vector<16xf32> to vector<1x16xf32>
    tpu.vector_store %arg8[%swap3A_1041, %swap3A_1042], %swap3A_1045 {strides = array<i32>} : memref<16x128xf32, #tpu.memory_space<vmem>>, vector<1x16xf32>,
    %get3A_1046 = arith.constant 7 : i32
    %get3A_1047 = arith.index_cast %get3A_1046 : i32 to index
    %get3A_1048 = arith.constant 96 : index
    %get3A_1049 = tpu.vector_load %arg8[%get3A_1047, %get3A_1048] {strides = array<i32>} : memref<16x128xf32, #tpu.memory_space<vmem>>, vector<1x16xf32>,
    %get3A_1050 = vector.shape_cast %get3A_1049 : vector<1x16xf32> to vector<16xf32>
    %get3A_1051 = arith.index_cast %select_n3A_949 : i32 to index
    %get3A_1052 = arith.constant 96 : index
    %get3A_1053 = tpu.vector_load %arg9[%get3A_1051, %get3A_1052] {strides = array<i32>} : memref<2x128xf32, #tpu.memory_space<vmem>>, vector<1x16xf32>,
    %get3A_1054 = vector.shape_cast %get3A_1053 : vector<1x16xf32> to vector<16xf32>
    %add3A_1055 = arith.addf %get3A_1050, %get3A_1054 : vector<16xf32>
    %swap3A_1056 = arith.constant 7 : i32
    %swap3A_1057 = arith.index_cast %swap3A_1056 : i32 to index
    %swap3A_1058 = arith.constant 96 : index
    %swap3A_1059 = tpu.vector_load %arg8[%swap3A_1057, %swap3A_1058] {strides = array<i32>} : memref<16x128xf32, #tpu.memory_space<vmem>>, vector<1x16xf32>,
    %swap3A_1060 = vector.shape_cast %swap3A_1059 : vector<1x16xf32> to vector<16xf32>
    %swap3A_1061 = vector.shape_cast %add3A_1055 : vector<16xf32> to vector<1x16xf32>
    tpu.vector_store %arg8[%swap3A_1057, %swap3A_1058], %swap3A_1061 {strides = array<i32>} : memref<16x128xf32, #tpu.memory_space<vmem>>, vector<1x16xf32>,
    %get3A_1062 = arith.constant 7 : i32
    %get3A_1063 = arith.index_cast %get3A_1062 : i32 to index
    %get3A_1064 = arith.constant 112 : index
    %get3A_1065 = tpu.vector_load %arg8[%get3A_1063, %get3A_1064] {strides = array<i32>} : memref<16x128xf32, #tpu.memory_space<vmem>>, vector<1x16xf32>,
    %get3A_1066 = vector.shape_cast %get3A_1065 : vector<1x16xf32> to vector<16xf32>
    %get3A_1067 = arith.index_cast %select_n3A_949 : i32 to index
    %get3A_1068 = arith.constant 112 : index
    %get3A_1069 = tpu.vector_load %arg9[%get3A_1067, %get3A_1068] {strides = array<i32>} : memref<2x128xf32, #tpu.memory_space<vmem>>, vector<1x16xf32>,
    %get3A_1070 = vector.shape_cast %get3A_1069 : vector<1x16xf32> to vector<16xf32>
    %add3A_1071 = arith.addf %get3A_1066, %get3A_1070 : vector<16xf32>
    %swap3A_1072 = arith.constant 7 : i32
    %swap3A_1073 = arith.index_cast %swap3A_1072 : i32 to index
    %swap3A_1074 = arith.constant 112 : index
    %swap3A_1075 = tpu.vector_load %arg8[%swap3A_1073, %swap3A_1074] {strides = array<i32>} : memref<16x128xf32, #tpu.memory_space<vmem>>, vector<1x16xf32>,
    %swap3A_1076 = vector.shape_cast %swap3A_1075 : vector<1x16xf32> to vector<16xf32>
    %swap3A_1077 = vector.shape_cast %add3A_1071 : vector<16xf32> to vector<1x16xf32>
    tpu.vector_store %arg8[%swap3A_1073, %swap3A_1074], %swap3A_1077 {strides = array<i32>} : memref<16x128xf32, #tpu.memory_space<vmem>>, vector<1x16xf32>,
    %add3A_1078 = arith.constant 8 : i32
    %add3A_1079 = arith.addi %mul3A_2, %add3A_1078 : i32
    %ge3A_1080 = arith.constant 256 : i32
    %ge3A_1081 = arith.cmpi sge, %add3A_1079, %ge3A_1080 : i32
    %jit3A_1082 = arith.constant 1 : i32
    %jit3A_1083 = arith.constant 0 : i32
    %select_n3A_1084 = arith.select %ge3A_1081, %jit3A_1082, %jit3A_1083 : i32
    %get3A_1085 = arith.constant 8 : i32
    %get3A_1086 = arith.index_cast %get3A_1085 : i32 to index
    %get3A_1087 = arith.constant 0 : index
    %get3A_1088 = tpu.vector_load %arg8[%get3A_1086, %get3A_1087] {strides = array<i32>} : memref<16x128xf32, #tpu.memory_space<vmem>>, vector<1x16xf32>,
    %get3A_1089 = vector.shape_cast %get3A_1088 : vector<1x16xf32> to vector<16xf32>
    %get3A_1090 = arith.index_cast %select_n3A_1084 : i32 to index
    %get3A_1091 = arith.constant 0 : index
    %get3A_1092 = tpu.vector_load %arg9[%get3A_1090, %get3A_1091] {strides = array<i32>} : memref<2x128xf32, #tpu.memory_space<vmem>>, vector<1x16xf32>,
    %get3A_1093 = vector.shape_cast %get3A_1092 : vector<1x16xf32> to vector<16xf32>
    %add3A_1094 = arith.addf %get3A_1089, %get3A_1093 : vector<16xf32>
    %swap3A_1095 = arith.constant 8 : i32
    %swap3A_1096 = arith.index_cast %swap3A_1095 : i32 to index
    %swap3A_1097 = arith.constant 0 : index
    %swap3A_1098 = tpu.vector_load %arg8[%swap3A_1096, %swap3A_1097] {strides = array<i32>} : memref<16x128xf32, #tpu.memory_space<vmem>>, vector<1x16xf32>,
    %swap3A_1099 = vector.shape_cast %swap3A_1098 : vector<1x16xf32> to vector<16xf32>
    %swap3A_1100 = vector.shape_cast %add3A_1094 : vector<16xf32> to vector<1x16xf32>
    tpu.vector_store %arg8[%swap3A_1096, %swap3A_1097], %swap3A_1100 {strides = array<i32>} : memref<16x128xf32, #tpu.memory_space<vmem>>, vector<1x16xf32>,
    %get3A_1101 = arith.constant 8 : i32
    %get3A_1102 = arith.index_cast %get3A_1101 : i32 to index
    %get3A_1103 = arith.constant 16 : index
    %get3A_1104 = tpu.vector_load %arg8[%get3A_1102, %get3A_1103] {strides = array<i32>} : memref<16x128xf32, #tpu.memory_space<vmem>>, vector<1x16xf32>,
    %get3A_1105 = vector.shape_cast %get3A_1104 : vector<1x16xf32> to vector<16xf32>
    %get3A_1106 = arith.index_cast %select_n3A_1084 : i32 to index
    %get3A_1107 = arith.constant 16 : index
    %get3A_1108 = tpu.vector_load %arg9[%get3A_1106, %get3A_1107] {strides = array<i32>} : memref<2x128xf32, #tpu.memory_space<vmem>>, vector<1x16xf32>,
    %get3A_1109 = vector.shape_cast %get3A_1108 : vector<1x16xf32> to vector<16xf32>
    %add3A_1110 = arith.addf %get3A_1105, %get3A_1109 : vector<16xf32>
    %swap3A_1111 = arith.constant 8 : i32
    %swap3A_1112 = arith.index_cast %swap3A_1111 : i32 to index
    %swap3A_1113 = arith.constant 16 : index
    %swap3A_1114 = tpu.vector_load %arg8[%swap3A_1112, %swap3A_1113] {strides = array<i32>} : memref<16x128xf32, #tpu.memory_space<vmem>>, vector<1x16xf32>,
    %swap3A_1115 = vector.shape_cast %swap3A_1114 : vector<1x16xf32> to vector<16xf32>
    %swap3A_1116 = vector.shape_cast %add3A_1110 : vector<16xf32> to vector<1x16xf32>
    tpu.vector_store %arg8[%swap3A_1112, %swap3A_1113], %swap3A_1116 {strides = array<i32>} : memref<16x128xf32, #tpu.memory_space<vmem>>, vector<1x16xf32>,
    %get3A_1117 = arith.constant 8 : i32
    %get3A_1118 = arith.index_cast %get3A_1117 : i32 to index
    %get3A_1119 = arith.constant 32 : index
    %get3A_1120 = tpu.vector_load %arg8[%get3A_1118, %get3A_1119] {strides = array<i32>} : memref<16x128xf32, #tpu.memory_space<vmem>>, vector<1x16xf32>,
    %get3A_1121 = vector.shape_cast %get3A_1120 : vector<1x16xf32> to vector<16xf32>
    %get3A_1122 = arith.index_cast %select_n3A_1084 : i32 to index
    %get3A_1123 = arith.constant 32 : index
    %get3A_1124 = tpu.vector_load %arg9[%get3A_1122, %get3A_1123] {strides = array<i32>} : memref<2x128xf32, #tpu.memory_space<vmem>>, vector<1x16xf32>,
    %get3A_1125 = vector.shape_cast %get3A_1124 : vector<1x16xf32> to vector<16xf32>
    %add3A_1126 = arith.addf %get3A_1121, %get3A_1125 : vector<16xf32>
    %swap3A_1127 = arith.constant 8 : i32
    %swap3A_1128 = arith.index_cast %swap3A_1127 : i32 to index
    %swap3A_1129 = arith.constant 32 : index
    %swap3A_1130 = tpu.vector_load %arg8[%swap3A_1128, %swap3A_1129] {strides = array<i32>} : memref<16x128xf32, #tpu.memory_space<vmem>>, vector<1x16xf32>,
    %swap3A_1131 = vector.shape_cast %swap3A_1130 : vector<1x16xf32> to vector<16xf32>
    %swap3A_1132 = vector.shape_cast %add3A_1126 : vector<16xf32> to vector<1x16xf32>
    tpu.vector_store %arg8[%swap3A_1128, %swap3A_1129], %swap3A_1132 {strides = array<i32>} : memref<16x128xf32, #tpu.memory_space<vmem>>, vector<1x16xf32>,
    %get3A_1133 = arith.constant 8 : i32
    %get3A_1134 = arith.index_cast %get3A_1133 : i32 to index
    %get3A_1135 = arith.constant 48 : index
    %get3A_1136 = tpu.vector_load %arg8[%get3A_1134, %get3A_1135] {strides = array<i32>} : memref<16x128xf32, #tpu.memory_space<vmem>>, vector<1x16xf32>,
    %get3A_1137 = vector.shape_cast %get3A_1136 : vector<1x16xf32> to vector<16xf32>
    %get3A_1138 = arith.index_cast %select_n3A_1084 : i32 to index
    %get3A_1139 = arith.constant 48 : index
    %get3A_1140 = tpu.vector_load %arg9[%get3A_1138, %get3A_1139] {strides = array<i32>} : memref<2x128xf32, #tpu.memory_space<vmem>>, vector<1x16xf32>,
    %get3A_1141 = vector.shape_cast %get3A_1140 : vector<1x16xf32> to vector<16xf32>
    %add3A_1142 = arith.addf %get3A_1137, %get3A_1141 : vector<16xf32>
    %swap3A_1143 = arith.constant 8 : i32
    %swap3A_1144 = arith.index_cast %swap3A_1143 : i32 to index
    %swap3A_1145 = arith.constant 48 : index
    %swap3A_1146 = tpu.vector_load %arg8[%swap3A_1144, %swap3A_1145] {strides = array<i32>} : memref<16x128xf32, #tpu.memory_space<vmem>>, vector<1x16xf32>,
    %swap3A_1147 = vector.shape_cast %swap3A_1146 : vector<1x16xf32> to vector<16xf32>
    %swap3A_1148 = vector.shape_cast %add3A_1142 : vector<16xf32> to vector<1x16xf32>
    tpu.vector_store %arg8[%swap3A_1144, %swap3A_1145], %swap3A_1148 {strides = array<i32>} : memref<16x128xf32, #tpu.memory_space<vmem>>, vector<1x16xf32>,
    %get3A_1149 = arith.constant 8 : i32
    %get3A_1150 = arith.index_cast %get3A_1149 : i32 to index
    %get3A_1151 = arith.constant 64 : index
    %get3A_1152 = tpu.vector_load %arg8[%get3A_1150, %get3A_1151] {strides = array<i32>} : memref<16x128xf32, #tpu.memory_space<vmem>>, vector<1x16xf32>,
    %get3A_1153 = vector.shape_cast %get3A_1152 : vector<1x16xf32> to vector<16xf32>
    %get3A_1154 = arith.index_cast %select_n3A_1084 : i32 to index
    %get3A_1155 = arith.constant 64 : index
    %get3A_1156 = tpu.vector_load %arg9[%get3A_1154, %get3A_1155] {strides = array<i32>} : memref<2x128xf32, #tpu.memory_space<vmem>>, vector<1x16xf32>,
    %get3A_1157 = vector.shape_cast %get3A_1156 : vector<1x16xf32> to vector<16xf32>
    %add3A_1158 = arith.addf %get3A_1153, %get3A_1157 : vector<16xf32>
    %swap3A_1159 = arith.constant 8 : i32
    %swap3A_1160 = arith.index_cast %swap3A_1159 : i32 to index
    %swap3A_1161 = arith.constant 64 : index
    %swap3A_1162 = tpu.vector_load %arg8[%swap3A_1160, %swap3A_1161] {strides = array<i32>} : memref<16x128xf32, #tpu.memory_space<vmem>>, vector<1x16xf32>,
    %swap3A_1163 = vector.shape_cast %swap3A_1162 : vector<1x16xf32> to vector<16xf32>
    %swap3A_1164 = vector.shape_cast %add3A_1158 : vector<16xf32> to vector<1x16xf32>
    tpu.vector_store %arg8[%swap3A_1160, %swap3A_1161], %swap3A_1164 {strides = array<i32>} : memref<16x128xf32, #tpu.memory_space<vmem>>, vector<1x16xf32>,
    %get3A_1165 = arith.constant 8 : i32
    %get3A_1166 = arith.index_cast %get3A_1165 : i32 to index
    %get3A_1167 = arith.constant 80 : index
    %get3A_1168 = tpu.vector_load %arg8[%get3A_1166, %get3A_1167] {strides = array<i32>} : memref<16x128xf32, #tpu.memory_space<vmem>>, vector<1x16xf32>,
    %get3A_1169 = vector.shape_cast %get3A_1168 : vector<1x16xf32> to vector<16xf32>
    %get3A_1170 = arith.index_cast %select_n3A_1084 : i32 to index
    %get3A_1171 = arith.constant 80 : index
    %get3A_1172 = tpu.vector_load %arg9[%get3A_1170, %get3A_1171] {strides = array<i32>} : memref<2x128xf32, #tpu.memory_space<vmem>>, vector<1x16xf32>,
    %get3A_1173 = vector.shape_cast %get3A_1172 : vector<1x16xf32> to vector<16xf32>
    %add3A_1174 = arith.addf %get3A_1169, %get3A_1173 : vector<16xf32>
    %swap3A_1175 = arith.constant 8 : i32
    %swap3A_1176 = arith.index_cast %swap3A_1175 : i32 to index
    %swap3A_1177 = arith.constant 80 : index
    %swap3A_1178 = tpu.vector_load %arg8[%swap3A_1176, %swap3A_1177] {strides = array<i32>} : memref<16x128xf32, #tpu.memory_space<vmem>>, vector<1x16xf32>,
    %swap3A_1179 = vector.shape_cast %swap3A_1178 : vector<1x16xf32> to vector<16xf32>
    %swap3A_1180 = vector.shape_cast %add3A_1174 : vector<16xf32> to vector<1x16xf32>
    tpu.vector_store %arg8[%swap3A_1176, %swap3A_1177], %swap3A_1180 {strides = array<i32>} : memref<16x128xf32, #tpu.memory_space<vmem>>, vector<1x16xf32>,
    %get3A_1181 = arith.constant 8 : i32
    %get3A_1182 = arith.index_cast %get3A_1181 : i32 to index
    %get3A_1183 = arith.constant 96 : index
    %get3A_1184 = tpu.vector_load %arg8[%get3A_1182, %get3A_1183] {strides = array<i32>} : memref<16x128xf32, #tpu.memory_space<vmem>>, vector<1x16xf32>,
    %get3A_1185 = vector.shape_cast %get3A_1184 : vector<1x16xf32> to vector<16xf32>
    %get3A_1186 = arith.index_cast %select_n3A_1084 : i32 to index
    %get3A_1187 = arith.constant 96 : index
    %get3A_1188 = tpu.vector_load %arg9[%get3A_1186, %get3A_1187] {strides = array<i32>} : memref<2x128xf32, #tpu.memory_space<vmem>>, vector<1x16xf32>,
    %get3A_1189 = vector.shape_cast %get3A_1188 : vector<1x16xf32> to vector<16xf32>
    %add3A_1190 = arith.addf %get3A_1185, %get3A_1189 : vector<16xf32>
    %swap3A_1191 = arith.constant 8 : i32
    %swap3A_1192 = arith.index_cast %swap3A_1191 : i32 to index
    %swap3A_1193 = arith.constant 96 : index
    %swap3A_1194 = tpu.vector_load %arg8[%swap3A_1192, %swap3A_1193] {strides = array<i32>} : memref<16x128xf32, #tpu.memory_space<vmem>>, vector<1x16xf32>,
    %swap3A_1195 = vector.shape_cast %swap3A_1194 : vector<1x16xf32> to vector<16xf32>
    %swap3A_1196 = vector.shape_cast %add3A_1190 : vector<16xf32> to vector<1x16xf32>
    tpu.vector_store %arg8[%swap3A_1192, %swap3A_1193], %swap3A_1196 {strides = array<i32>} : memref<16x128xf32, #tpu.memory_space<vmem>>, vector<1x16xf32>,
    %get3A_1197 = arith.constant 8 : i32
    %get3A_1198 = arith.index_cast %get3A_1197 : i32 to index
    %get3A_1199 = arith.constant 112 : index
    %get3A_1200 = tpu.vector_load %arg8[%get3A_1198, %get3A_1199] {strides = array<i32>} : memref<16x128xf32, #tpu.memory_space<vmem>>, vector<1x16xf32>,
    %get3A_1201 = vector.shape_cast %get3A_1200 : vector<1x16xf32> to vector<16xf32>
    %get3A_1202 = arith.index_cast %select_n3A_1084 : i32 to index
    %get3A_1203 = arith.constant 112 : index
    %get3A_1204 = tpu.vector_load %arg9[%get3A_1202, %get3A_1203] {strides = array<i32>} : memref<2x128xf32, #tpu.memory_space<vmem>>, vector<1x16xf32>,
    %get3A_1205 = vector.shape_cast %get3A_1204 : vector<1x16xf32> to vector<16xf32>
    %add3A_1206 = arith.addf %get3A_1201, %get3A_1205 : vector<16xf32>
    %swap3A_1207 = arith.constant 8 : i32
    %swap3A_1208 = arith.index_cast %swap3A_1207 : i32 to index
    %swap3A_1209 = arith.constant 112 : index
    %swap3A_1210 = tpu.vector_load %arg8[%swap3A_1208, %swap3A_1209] {strides = array<i32>} : memref<16x128xf32, #tpu.memory_space<vmem>>, vector<1x16xf32>,
    %swap3A_1211 = vector.shape_cast %swap3A_1210 : vector<1x16xf32> to vector<16xf32>
    %swap3A_1212 = vector.shape_cast %add3A_1206 : vector<16xf32> to vector<1x16xf32>
    tpu.vector_store %arg8[%swap3A_1208, %swap3A_1209], %swap3A_1212 {strides = array<i32>} : memref<16x128xf32, #tpu.memory_space<vmem>>, vector<1x16xf32>,
    %add3A_1213 = arith.constant 9 : i32
    %add3A_1214 = arith.addi %mul3A_2, %add3A_1213 : i32
    %ge3A_1215 = arith.constant 256 : i32
    %ge3A_1216 = arith.cmpi sge, %add3A_1214, %ge3A_1215 : i32
    %jit3A_1217 = arith.constant 1 : i32
    %jit3A_1218 = arith.constant 0 : i32
    %select_n3A_1219 = arith.select %ge3A_1216, %jit3A_1217, %jit3A_1218 : i32
    %get3A_1220 = arith.constant 9 : i32
    %get3A_1221 = arith.index_cast %get3A_1220 : i32 to index
    %get3A_1222 = arith.constant 0 : index
    %get3A_1223 = tpu.vector_load %arg8[%get3A_1221, %get3A_1222] {strides = array<i32>} : memref<16x128xf32, #tpu.memory_space<vmem>>, vector<1x16xf32>,
    %get3A_1224 = vector.shape_cast %get3A_1223 : vector<1x16xf32> to vector<16xf32>
    %get3A_1225 = arith.index_cast %select_n3A_1219 : i32 to index
    %get3A_1226 = arith.constant 0 : index
    %get3A_1227 = tpu.vector_load %arg9[%get3A_1225, %get3A_1226] {strides = array<i32>} : memref<2x128xf32, #tpu.memory_space<vmem>>, vector<1x16xf32>,
    %get3A_1228 = vector.shape_cast %get3A_1227 : vector<1x16xf32> to vector<16xf32>
    %add3A_1229 = arith.addf %get3A_1224, %get3A_1228 : vector<16xf32>
    %swap3A_1230 = arith.constant 9 : i32
    %swap3A_1231 = arith.index_cast %swap3A_1230 : i32 to index
    %swap3A_1232 = arith.constant 0 : index
    %swap3A_1233 = tpu.vector_load %arg8[%swap3A_1231, %swap3A_1232] {strides = array<i32>} : memref<16x128xf32, #tpu.memory_space<vmem>>, vector<1x16xf32>,
    %swap3A_1234 = vector.shape_cast %swap3A_1233 : vector<1x16xf32> to vector<16xf32>
    %swap3A_1235 = vector.shape_cast %add3A_1229 : vector<16xf32> to vector<1x16xf32>
    tpu.vector_store %arg8[%swap3A_1231, %swap3A_1232], %swap3A_1235 {strides = array<i32>} : memref<16x128xf32, #tpu.memory_space<vmem>>, vector<1x16xf32>,
    %get3A_1236 = arith.constant 9 : i32
    %get3A_1237 = arith.index_cast %get3A_1236 : i32 to index
    %get3A_1238 = arith.constant 16 : index
    %get3A_1239 = tpu.vector_load %arg8[%get3A_1237, %get3A_1238] {strides = array<i32>} : memref<16x128xf32, #tpu.memory_space<vmem>>, vector<1x16xf32>,
    %get3A_1240 = vector.shape_cast %get3A_1239 : vector<1x16xf32> to vector<16xf32>
    %get3A_1241 = arith.index_cast %select_n3A_1219 : i32 to index
    %get3A_1242 = arith.constant 16 : index
    %get3A_1243 = tpu.vector_load %arg9[%get3A_1241, %get3A_1242] {strides = array<i32>} : memref<2x128xf32, #tpu.memory_space<vmem>>, vector<1x16xf32>,
    %get3A_1244 = vector.shape_cast %get3A_1243 : vector<1x16xf32> to vector<16xf32>
    %add3A_1245 = arith.addf %get3A_1240, %get3A_1244 : vector<16xf32>
    %swap3A_1246 = arith.constant 9 : i32
    %swap3A_1247 = arith.index_cast %swap3A_1246 : i32 to index
    %swap3A_1248 = arith.constant 16 : index
    %swap3A_1249 = tpu.vector_load %arg8[%swap3A_1247, %swap3A_1248] {strides = array<i32>} : memref<16x128xf32, #tpu.memory_space<vmem>>, vector<1x16xf32>,
    %swap3A_1250 = vector.shape_cast %swap3A_1249 : vector<1x16xf32> to vector<16xf32>
    %swap3A_1251 = vector.shape_cast %add3A_1245 : vector<16xf32> to vector<1x16xf32>
    tpu.vector_store %arg8[%swap3A_1247, %swap3A_1248], %swap3A_1251 {strides = array<i32>} : memref<16x128xf32, #tpu.memory_space<vmem>>, vector<1x16xf32>,
    %get3A_1252 = arith.constant 9 : i32
    %get3A_1253 = arith.index_cast %get3A_1252 : i32 to index
    %get3A_1254 = arith.constant 32 : index
    %get3A_1255 = tpu.vector_load %arg8[%get3A_1253, %get3A_1254] {strides = array<i32>} : memref<16x128xf32, #tpu.memory_space<vmem>>, vector<1x16xf32>,
    %get3A_1256 = vector.shape_cast %get3A_1255 : vector<1x16xf32> to vector<16xf32>
    %get3A_1257 = arith.index_cast %select_n3A_1219 : i32 to index
    %get3A_1258 = arith.constant 32 : index
    %get3A_1259 = tpu.vector_load %arg9[%get3A_1257, %get3A_1258] {strides = array<i32>} : memref<2x128xf32, #tpu.memory_space<vmem>>, vector<1x16xf32>,
    %get3A_1260 = vector.shape_cast %get3A_1259 : vector<1x16xf32> to vector<16xf32>
    %add3A_1261 = arith.addf %get3A_1256, %get3A_1260 : vector<16xf32>
    %swap3A_1262 = arith.constant 9 : i32
    %swap3A_1263 = arith.index_cast %swap3A_1262 : i32 to index
    %swap3A_1264 = arith.constant 32 : index
    %swap3A_1265 = tpu.vector_load %arg8[%swap3A_1263, %swap3A_1264] {strides = array<i32>} : memref<16x128xf32, #tpu.memory_space<vmem>>, vector<1x16xf32>,
    %swap3A_1266 = vector.shape_cast %swap3A_1265 : vector<1x16xf32> to vector<16xf32>
    %swap3A_1267 = vector.shape_cast %add3A_1261 : vector<16xf32> to vector<1x16xf32>
    tpu.vector_store %arg8[%swap3A_1263, %swap3A_1264], %swap3A_1267 {strides = array<i32>} : memref<16x128xf32, #tpu.memory_space<vmem>>, vector<1x16xf32>,
    %get3A_1268 = arith.constant 9 : i32
    %get3A_1269 = arith.index_cast %get3A_1268 : i32 to index
    %get3A_1270 = arith.constant 48 : index
    %get3A_1271 = tpu.vector_load %arg8[%get3A_1269, %get3A_1270] {strides = array<i32>} : memref<16x128xf32, #tpu.memory_space<vmem>>, vector<1x16xf32>,
    %get3A_1272 = vector.shape_cast %get3A_1271 : vector<1x16xf32> to vector<16xf32>
    %get3A_1273 = arith.index_cast %select_n3A_1219 : i32 to index
    %get3A_1274 = arith.constant 48 : index
    %get3A_1275 = tpu.vector_load %arg9[%get3A_1273, %get3A_1274] {strides = array<i32>} : memref<2x128xf32, #tpu.memory_space<vmem>>, vector<1x16xf32>,
    %get3A_1276 = vector.shape_cast %get3A_1275 : vector<1x16xf32> to vector<16xf32>
    %add3A_1277 = arith.addf %get3A_1272, %get3A_1276 : vector<16xf32>
    %swap3A_1278 = arith.constant 9 : i32
    %swap3A_1279 = arith.index_cast %swap3A_1278 : i32 to index
    %swap3A_1280 = arith.constant 48 : index
    %swap3A_1281 = tpu.vector_load %arg8[%swap3A_1279, %swap3A_1280] {strides = array<i32>} : memref<16x128xf32, #tpu.memory_space<vmem>>, vector<1x16xf32>,
    %swap3A_1282 = vector.shape_cast %swap3A_1281 : vector<1x16xf32> to vector<16xf32>
    %swap3A_1283 = vector.shape_cast %add3A_1277 : vector<16xf32> to vector<1x16xf32>
    tpu.vector_store %arg8[%swap3A_1279, %swap3A_1280], %swap3A_1283 {strides = array<i32>} : memref<16x128xf32, #tpu.memory_space<vmem>>, vector<1x16xf32>,
    %get3A_1284 = arith.constant 9 : i32
    %get3A_1285 = arith.index_cast %get3A_1284 : i32 to index
    %get3A_1286 = arith.constant 64 : index
    %get3A_1287 = tpu.vector_load %arg8[%get3A_1285, %get3A_1286] {strides = array<i32>} : memref<16x128xf32, #tpu.memory_space<vmem>>, vector<1x16xf32>,
    %get3A_1288 = vector.shape_cast %get3A_1287 : vector<1x16xf32> to vector<16xf32>
    %get3A_1289 = arith.index_cast %select_n3A_1219 : i32 to index
    %get3A_1290 = arith.constant 64 : index
    %get3A_1291 = tpu.vector_load %arg9[%get3A_1289, %get3A_1290] {strides = array<i32>} : memref<2x128xf32, #tpu.memory_space<vmem>>, vector<1x16xf32>,
    %get3A_1292 = vector.shape_cast %get3A_1291 : vector<1x16xf32> to vector<16xf32>
    %add3A_1293 = arith.addf %get3A_1288, %get3A_1292 : vector<16xf32>
    %swap3A_1294 = arith.constant 9 : i32
    %swap3A_1295 = arith.index_cast %swap3A_1294 : i32 to index
    %swap3A_1296 = arith.constant 64 : index
    %swap3A_1297 = tpu.vector_load %arg8[%swap3A_1295, %swap3A_1296] {strides = array<i32>} : memref<16x128xf32, #tpu.memory_space<vmem>>, vector<1x16xf32>,
    %swap3A_1298 = vector.shape_cast %swap3A_1297 : vector<1x16xf32> to vector<16xf32>
    %swap3A_1299 = vector.shape_cast %add3A_1293 : vector<16xf32> to vector<1x16xf32>
    tpu.vector_store %arg8[%swap3A_1295, %swap3A_1296], %swap3A_1299 {strides = array<i32>} : memref<16x128xf32, #tpu.memory_space<vmem>>, vector<1x16xf32>,
    %get3A_1300 = arith.constant 9 : i32
    %get3A_1301 = arith.index_cast %get3A_1300 : i32 to index
    %get3A_1302 = arith.constant 80 : index
    %get3A_1303 = tpu.vector_load %arg8[%get3A_1301, %get3A_1302] {strides = array<i32>} : memref<16x128xf32, #tpu.memory_space<vmem>>, vector<1x16xf32>,
    %get3A_1304 = vector.shape_cast %get3A_1303 : vector<1x16xf32> to vector<16xf32>
    %get3A_1305 = arith.index_cast %select_n3A_1219 : i32 to index
    %get3A_1306 = arith.constant 80 : index
    %get3A_1307 = tpu.vector_load %arg9[%get3A_1305, %get3A_1306] {strides = array<i32>} : memref<2x128xf32, #tpu.memory_space<vmem>>, vector<1x16xf32>,
    %get3A_1308 = vector.shape_cast %get3A_1307 : vector<1x16xf32> to vector<16xf32>
    %add3A_1309 = arith.addf %get3A_1304, %get3A_1308 : vector<16xf32>
    %swap3A_1310 = arith.constant 9 : i32
    %swap3A_1311 = arith.index_cast %swap3A_1310 : i32 to index
    %swap3A_1312 = arith.constant 80 : index
    %swap3A_1313 = tpu.vector_load %arg8[%swap3A_1311, %swap3A_1312] {strides = array<i32>} : memref<16x128xf32, #tpu.memory_space<vmem>>, vector<1x16xf32>,
    %swap3A_1314 = vector.shape_cast %swap3A_1313 : vector<1x16xf32> to vector<16xf32>
    %swap3A_1315 = vector.shape_cast %add3A_1309 : vector<16xf32> to vector<1x16xf32>
    tpu.vector_store %arg8[%swap3A_1311, %swap3A_1312], %swap3A_1315 {strides = array<i32>} : memref<16x128xf32, #tpu.memory_space<vmem>>, vector<1x16xf32>,
    %get3A_1316 = arith.constant 9 : i32
    %get3A_1317 = arith.index_cast %get3A_1316 : i32 to index
    %get3A_1318 = arith.constant 96 : index
    %get3A_1319 = tpu.vector_load %arg8[%get3A_1317, %get3A_1318] {strides = array<i32>} : memref<16x128xf32, #tpu.memory_space<vmem>>, vector<1x16xf32>,
    %get3A_1320 = vector.shape_cast %get3A_1319 : vector<1x16xf32> to vector<16xf32>
    %get3A_1321 = arith.index_cast %select_n3A_1219 : i32 to index
    %get3A_1322 = arith.constant 96 : index
    %get3A_1323 = tpu.vector_load %arg9[%get3A_1321, %get3A_1322] {strides = array<i32>} : memref<2x128xf32, #tpu.memory_space<vmem>>, vector<1x16xf32>,
    %get3A_1324 = vector.shape_cast %get3A_1323 : vector<1x16xf32> to vector<16xf32>
    %add3A_1325 = arith.addf %get3A_1320, %get3A_1324 : vector<16xf32>
    %swap3A_1326 = arith.constant 9 : i32
    %swap3A_1327 = arith.index_cast %swap3A_1326 : i32 to index
    %swap3A_1328 = arith.constant 96 : index
    %swap3A_1329 = tpu.vector_load %arg8[%swap3A_1327, %swap3A_1328] {strides = array<i32>} : memref<16x128xf32, #tpu.memory_space<vmem>>, vector<1x16xf32>,
    %swap3A_1330 = vector.shape_cast %swap3A_1329 : vector<1x16xf32> to vector<16xf32>
    %swap3A_1331 = vector.shape_cast %add3A_1325 : vector<16xf32> to vector<1x16xf32>
    tpu.vector_store %arg8[%swap3A_1327, %swap3A_1328], %swap3A_1331 {strides = array<i32>} : memref<16x128xf32, #tpu.memory_space<vmem>>, vector<1x16xf32>,
    %get3A_1332 = arith.constant 9 : i32
    %get3A_1333 = arith.index_cast %get3A_1332 : i32 to index
    %get3A_1334 = arith.constant 112 : index
    %get3A_1335 = tpu.vector_load %arg8[%get3A_1333, %get3A_1334] {strides = array<i32>} : memref<16x128xf32, #tpu.memory_space<vmem>>, vector<1x16xf32>,
    %get3A_1336 = vector.shape_cast %get3A_1335 : vector<1x16xf32> to vector<16xf32>
    %get3A_1337 = arith.index_cast %select_n3A_1219 : i32 to index
    %get3A_1338 = arith.constant 112 : index
    %get3A_1339 = tpu.vector_load %arg9[%get3A_1337, %get3A_1338] {strides = array<i32>} : memref<2x128xf32, #tpu.memory_space<vmem>>, vector<1x16xf32>,
    %get3A_1340 = vector.shape_cast %get3A_1339 : vector<1x16xf32> to vector<16xf32>
    %add3A_1341 = arith.addf %get3A_1336, %get3A_1340 : vector<16xf32>
    %swap3A_1342 = arith.constant 9 : i32
    %swap3A_1343 = arith.index_cast %swap3A_1342 : i32 to index
    %swap3A_1344 = arith.constant 112 : index
    %swap3A_1345 = tpu.vector_load %arg8[%swap3A_1343, %swap3A_1344] {strides = array<i32>} : memref<16x128xf32, #tpu.memory_space<vmem>>, vector<1x16xf32>,
    %swap3A_1346 = vector.shape_cast %swap3A_1345 : vector<1x16xf32> to vector<16xf32>
    %swap3A_1347 = vector.shape_cast %add3A_1341 : vector<16xf32> to vector<1x16xf32>
    tpu.vector_store %arg8[%swap3A_1343, %swap3A_1344], %swap3A_1347 {strides = array<i32>} : memref<16x128xf32, #tpu.memory_space<vmem>>, vector<1x16xf32>,
    %add3A_1348 = arith.constant 10 : i32
    %add3A_1349 = arith.addi %mul3A_2, %add3A_1348 : i32
    %ge3A_1350 = arith.constant 256 : i32
    %ge3A_1351 = arith.cmpi sge, %add3A_1349, %ge3A_1350 : i32
    %jit3A_1352 = arith.constant 1 : i32
    %jit3A_1353 = arith.constant 0 : i32
    %select_n3A_1354 = arith.select %ge3A_1351, %jit3A_1352, %jit3A_1353 : i32
    %get3A_1355 = arith.constant 10 : i32
    %get3A_1356 = arith.index_cast %get3A_1355 : i32 to index
    %get3A_1357 = arith.constant 0 : index
    %get3A_1358 = tpu.vector_load %arg8[%get3A_1356, %get3A_1357] {strides = array<i32>} : memref<16x128xf32, #tpu.memory_space<vmem>>, vector<1x16xf32>,
    %get3A_1359 = vector.shape_cast %get3A_1358 : vector<1x16xf32> to vector<16xf32>
    %get3A_1360 = arith.index_cast %select_n3A_1354 : i32 to index
    %get3A_1361 = arith.constant 0 : index
    %get3A_1362 = tpu.vector_load %arg9[%get3A_1360, %get3A_1361] {strides = array<i32>} : memref<2x128xf32, #tpu.memory_space<vmem>>, vector<1x16xf32>,
    %get3A_1363 = vector.shape_cast %get3A_1362 : vector<1x16xf32> to vector<16xf32>
    %add3A_1364 = arith.addf %get3A_1359, %get3A_1363 : vector<16xf32>
    %swap3A_1365 = arith.constant 10 : i32
    %swap3A_1366 = arith.index_cast %swap3A_1365 : i32 to index
    %swap3A_1367 = arith.constant 0 : index
    %swap3A_1368 = tpu.vector_load %arg8[%swap3A_1366, %swap3A_1367] {strides = array<i32>} : memref<16x128xf32, #tpu.memory_space<vmem>>, vector<1x16xf32>,
    %swap3A_1369 = vector.shape_cast %swap3A_1368 : vector<1x16xf32> to vector<16xf32>
    %swap3A_1370 = vector.shape_cast %add3A_1364 : vector<16xf32> to vector<1x16xf32>
    tpu.vector_store %arg8[%swap3A_1366, %swap3A_1367], %swap3A_1370 {strides = array<i32>} : memref<16x128xf32, #tpu.memory_space<vmem>>, vector<1x16xf32>,
    %get3A_1371 = arith.constant 10 : i32
    %get3A_1372 = arith.index_cast %get3A_1371 : i32 to index
    %get3A_1373 = arith.constant 16 : index
    %get3A_1374 = tpu.vector_load %arg8[%get3A_1372, %get3A_1373] {strides = array<i32>} : memref<16x128xf32, #tpu.memory_space<vmem>>, vector<1x16xf32>,
    %get3A_1375 = vector.shape_cast %get3A_1374 : vector<1x16xf32> to vector<16xf32>
    %get3A_1376 = arith.index_cast %select_n3A_1354 : i32 to index
    %get3A_1377 = arith.constant 16 : index
    %get3A_1378 = tpu.vector_load %arg9[%get3A_1376, %get3A_1377] {strides = array<i32>} : memref<2x128xf32, #tpu.memory_space<vmem>>, vector<1x16xf32>,
    %get3A_1379 = vector.shape_cast %get3A_1378 : vector<1x16xf32> to vector<16xf32>
    %add3A_1380 = arith.addf %get3A_1375, %get3A_1379 : vector<16xf32>
    %swap3A_1381 = arith.constant 10 : i32
    %swap3A_1382 = arith.index_cast %swap3A_1381 : i32 to index
    %swap3A_1383 = arith.constant 16 : index
    %swap3A_1384 = tpu.vector_load %arg8[%swap3A_1382, %swap3A_1383] {strides = array<i32>} : memref<16x128xf32, #tpu.memory_space<vmem>>, vector<1x16xf32>,
    %swap3A_1385 = vector.shape_cast %swap3A_1384 : vector<1x16xf32> to vector<16xf32>
    %swap3A_1386 = vector.shape_cast %add3A_1380 : vector<16xf32> to vector<1x16xf32>
    tpu.vector_store %arg8[%swap3A_1382, %swap3A_1383], %swap3A_1386 {strides = array<i32>} : memref<16x128xf32, #tpu.memory_space<vmem>>, vector<1x16xf32>,
    %get3A_1387 = arith.constant 10 : i32
    %get3A_1388 = arith.index_cast %get3A_1387 : i32 to index
    %get3A_1389 = arith.constant 32 : index
    %get3A_1390 = tpu.vector_load %arg8[%get3A_1388, %get3A_1389] {strides = array<i32>} : memref<16x128xf32, #tpu.memory_space<vmem>>, vector<1x16xf32>,
    %get3A_1391 = vector.shape_cast %get3A_1390 : vector<1x16xf32> to vector<16xf32>
    %get3A_1392 = arith.index_cast %select_n3A_1354 : i32 to index
    %get3A_1393 = arith.constant 32 : index
    %get3A_1394 = tpu.vector_load %arg9[%get3A_1392, %get3A_1393] {strides = array<i32>} : memref<2x128xf32, #tpu.memory_space<vmem>>, vector<1x16xf32>,
    %get3A_1395 = vector.shape_cast %get3A_1394 : vector<1x16xf32> to vector<16xf32>
    %add3A_1396 = arith.addf %get3A_1391, %get3A_1395 : vector<16xf32>
    %swap3A_1397 = arith.constant 10 : i32
    %swap3A_1398 = arith.index_cast %swap3A_1397 : i32 to index
    %swap3A_1399 = arith.constant 32 : index
    %swap3A_1400 = tpu.vector_load %arg8[%swap3A_1398, %swap3A_1399] {strides = array<i32>} : memref<16x128xf32, #tpu.memory_space<vmem>>, vector<1x16xf32>,
    %swap3A_1401 = vector.shape_cast %swap3A_1400 : vector<1x16xf32> to vector<16xf32>
    %swap3A_1402 = vector.shape_cast %add3A_1396 : vector<16xf32> to vector<1x16xf32>
    tpu.vector_store %arg8[%swap3A_1398, %swap3A_1399], %swap3A_1402 {strides = array<i32>} : memref<16x128xf32, #tpu.memory_space<vmem>>, vector<1x16xf32>,
    %get3A_1403 = arith.constant 10 : i32
    %get3A_1404 = arith.index_cast %get3A_1403 : i32 to index
    %get3A_1405 = arith.constant 48 : index
    %get3A_1406 = tpu.vector_load %arg8[%get3A_1404, %get3A_1405] {strides = array<i32>} : memref<16x128xf32, #tpu.memory_space<vmem>>, vector<1x16xf32>,
    %get3A_1407 = vector.shape_cast %get3A_1406 : vector<1x16xf32> to vector<16xf32>
    %get3A_1408 = arith.index_cast %select_n3A_1354 : i32 to index
    %get3A_1409 = arith.constant 48 : index
    %get3A_1410 = tpu.vector_load %arg9[%get3A_1408, %get3A_1409] {strides = array<i32>} : memref<2x128xf32, #tpu.memory_space<vmem>>, vector<1x16xf32>,
    %get3A_1411 = vector.shape_cast %get3A_1410 : vector<1x16xf32> to vector<16xf32>
    %add3A_1412 = arith.addf %get3A_1407, %get3A_1411 : vector<16xf32>
    %swap3A_1413 = arith.constant 10 : i32
    %swap3A_1414 = arith.index_cast %swap3A_1413 : i32 to index
    %swap3A_1415 = arith.constant 48 : index
    %swap3A_1416 = tpu.vector_load %arg8[%swap3A_1414, %swap3A_1415] {strides = array<i32>} : memref<16x128xf32, #tpu.memory_space<vmem>>, vector<1x16xf32>,
    %swap3A_1417 = vector.shape_cast %swap3A_1416 : vector<1x16xf32> to vector<16xf32>
    %swap3A_1418 = vector.shape_cast %add3A_1412 : vector<16xf32> to vector<1x16xf32>
    tpu.vector_store %arg8[%swap3A_1414, %swap3A_1415], %swap3A_1418 {strides = array<i32>} : memref<16x128xf32, #tpu.memory_space<vmem>>, vector<1x16xf32>,
    %get3A_1419 = arith.constant 10 : i32
    %get3A_1420 = arith.index_cast %get3A_1419 : i32 to index
    %get3A_1421 = arith.constant 64 : index
    %get3A_1422 = tpu.vector_load %arg8[%get3A_1420, %get3A_1421] {strides = array<i32>} : memref<16x128xf32, #tpu.memory_space<vmem>>, vector<1x16xf32>,
    %get3A_1423 = vector.shape_cast %get3A_1422 : vector<1x16xf32> to vector<16xf32>
    %get3A_1424 = arith.index_cast %select_n3A_1354 : i32 to index
    %get3A_1425 = arith.constant 64 : index
    %get3A_1426 = tpu.vector_load %arg9[%get3A_1424, %get3A_1425] {strides = array<i32>} : memref<2x128xf32, #tpu.memory_space<vmem>>, vector<1x16xf32>,
    %get3A_1427 = vector.shape_cast %get3A_1426 : vector<1x16xf32> to vector<16xf32>
    %add3A_1428 = arith.addf %get3A_1423, %get3A_1427 : vector<16xf32>
    %swap3A_1429 = arith.constant 10 : i32
    %swap3A_1430 = arith.index_cast %swap3A_1429 : i32 to index
    %swap3A_1431 = arith.constant 64 : index
    %swap3A_1432 = tpu.vector_load %arg8[%swap3A_1430, %swap3A_1431] {strides = array<i32>} : memref<16x128xf32, #tpu.memory_space<vmem>>, vector<1x16xf32>,
    %swap3A_1433 = vector.shape_cast %swap3A_1432 : vector<1x16xf32> to vector<16xf32>
    %swap3A_1434 = vector.shape_cast %add3A_1428 : vector<16xf32> to vector<1x16xf32>
    tpu.vector_store %arg8[%swap3A_1430, %swap3A_1431], %swap3A_1434 {strides = array<i32>} : memref<16x128xf32, #tpu.memory_space<vmem>>, vector<1x16xf32>,
    %get3A_1435 = arith.constant 10 : i32
    %get3A_1436 = arith.index_cast %get3A_1435 : i32 to index
    %get3A_1437 = arith.constant 80 : index
    %get3A_1438 = tpu.vector_load %arg8[%get3A_1436, %get3A_1437] {strides = array<i32>} : memref<16x128xf32, #tpu.memory_space<vmem>>, vector<1x16xf32>,
    %get3A_1439 = vector.shape_cast %get3A_1438 : vector<1x16xf32> to vector<16xf32>
    %get3A_1440 = arith.index_cast %select_n3A_1354 : i32 to index
    %get3A_1441 = arith.constant 80 : index
    %get3A_1442 = tpu.vector_load %arg9[%get3A_1440, %get3A_1441] {strides = array<i32>} : memref<2x128xf32, #tpu.memory_space<vmem>>, vector<1x16xf32>,
    %get3A_1443 = vector.shape_cast %get3A_1442 : vector<1x16xf32> to vector<16xf32>
    %add3A_1444 = arith.addf %get3A_1439, %get3A_1443 : vector<16xf32>
    %swap3A_1445 = arith.constant 10 : i32
    %swap3A_1446 = arith.index_cast %swap3A_1445 : i32 to index
    %swap3A_1447 = arith.constant 80 : index
    %swap3A_1448 = tpu.vector_load %arg8[%swap3A_1446, %swap3A_1447] {strides = array<i32>} : memref<16x128xf32, #tpu.memory_space<vmem>>, vector<1x16xf32>,
    %swap3A_1449 = vector.shape_cast %swap3A_1448 : vector<1x16xf32> to vector<16xf32>
    %swap3A_1450 = vector.shape_cast %add3A_1444 : vector<16xf32> to vector<1x16xf32>
    tpu.vector_store %arg8[%swap3A_1446, %swap3A_1447], %swap3A_1450 {strides = array<i32>} : memref<16x128xf32, #tpu.memory_space<vmem>>, vector<1x16xf32>,
    %get3A_1451 = arith.constant 10 : i32
    %get3A_1452 = arith.index_cast %get3A_1451 : i32 to index
    %get3A_1453 = arith.constant 96 : index
    %get3A_1454 = tpu.vector_load %arg8[%get3A_1452, %get3A_1453] {strides = array<i32>} : memref<16x128xf32, #tpu.memory_space<vmem>>, vector<1x16xf32>,
    %get3A_1455 = vector.shape_cast %get3A_1454 : vector<1x16xf32> to vector<16xf32>
    %get3A_1456 = arith.index_cast %select_n3A_1354 : i32 to index
    %get3A_1457 = arith.constant 96 : index
    %get3A_1458 = tpu.vector_load %arg9[%get3A_1456, %get3A_1457] {strides = array<i32>} : memref<2x128xf32, #tpu.memory_space<vmem>>, vector<1x16xf32>,
    %get3A_1459 = vector.shape_cast %get3A_1458 : vector<1x16xf32> to vector<16xf32>
    %add3A_1460 = arith.addf %get3A_1455, %get3A_1459 : vector<16xf32>
    %swap3A_1461 = arith.constant 10 : i32
    %swap3A_1462 = arith.index_cast %swap3A_1461 : i32 to index
    %swap3A_1463 = arith.constant 96 : index
    %swap3A_1464 = tpu.vector_load %arg8[%swap3A_1462, %swap3A_1463] {strides = array<i32>} : memref<16x128xf32, #tpu.memory_space<vmem>>, vector<1x16xf32>,
    %swap3A_1465 = vector.shape_cast %swap3A_1464 : vector<1x16xf32> to vector<16xf32>
    %swap3A_1466 = vector.shape_cast %add3A_1460 : vector<16xf32> to vector<1x16xf32>
    tpu.vector_store %arg8[%swap3A_1462, %swap3A_1463], %swap3A_1466 {strides = array<i32>} : memref<16x128xf32, #tpu.memory_space<vmem>>, vector<1x16xf32>,
    %get3A_1467 = arith.constant 10 : i32
    %get3A_1468 = arith.index_cast %get3A_1467 : i32 to index
    %get3A_1469 = arith.constant 112 : index
    %get3A_1470 = tpu.vector_load %arg8[%get3A_1468, %get3A_1469] {strides = array<i32>} : memref<16x128xf32, #tpu.memory_space<vmem>>, vector<1x16xf32>,
    %get3A_1471 = vector.shape_cast %get3A_1470 : vector<1x16xf32> to vector<16xf32>
    %get3A_1472 = arith.index_cast %select_n3A_1354 : i32 to index
    %get3A_1473 = arith.constant 112 : index
    %get3A_1474 = tpu.vector_load %arg9[%get3A_1472, %get3A_1473] {strides = array<i32>} : memref<2x128xf32, #tpu.memory_space<vmem>>, vector<1x16xf32>,
    %get3A_1475 = vector.shape_cast %get3A_1474 : vector<1x16xf32> to vector<16xf32>
    %add3A_1476 = arith.addf %get3A_1471, %get3A_1475 : vector<16xf32>
    %swap3A_1477 = arith.constant 10 : i32
    %swap3A_1478 = arith.index_cast %swap3A_1477 : i32 to index
    %swap3A_1479 = arith.constant 112 : index
    %swap3A_1480 = tpu.vector_load %arg8[%swap3A_1478, %swap3A_1479] {strides = array<i32>} : memref<16x128xf32, #tpu.memory_space<vmem>>, vector<1x16xf32>,
    %swap3A_1481 = vector.shape_cast %swap3A_1480 : vector<1x16xf32> to vector<16xf32>
    %swap3A_1482 = vector.shape_cast %add3A_1476 : vector<16xf32> to vector<1x16xf32>
    tpu.vector_store %arg8[%swap3A_1478, %swap3A_1479], %swap3A_1482 {strides = array<i32>} : memref<16x128xf32, #tpu.memory_space<vmem>>, vector<1x16xf32>,
    %add3A_1483 = arith.constant 11 : i32
    %add3A_1484 = arith.addi %mul3A_2, %add3A_1483 : i32
    %ge3A_1485 = arith.constant 256 : i32
    %ge3A_1486 = arith.cmpi sge, %add3A_1484, %ge3A_1485 : i32
    %jit3A_1487 = arith.constant 1 : i32
    %jit3A_1488 = arith.constant 0 : i32
    %select_n3A_1489 = arith.select %ge3A_1486, %jit3A_1487, %jit3A_1488 : i32
    %get3A_1490 = arith.constant 11 : i32
    %get3A_1491 = arith.index_cast %get3A_1490 : i32 to index
    %get3A_1492 = arith.constant 0 : index
    %get3A_1493 = tpu.vector_load %arg8[%get3A_1491, %get3A_1492] {strides = array<i32>} : memref<16x128xf32, #tpu.memory_space<vmem>>, vector<1x16xf32>,
    %get3A_1494 = vector.shape_cast %get3A_1493 : vector<1x16xf32> to vector<16xf32>
    %get3A_1495 = arith.index_cast %select_n3A_1489 : i32 to index
    %get3A_1496 = arith.constant 0 : index
    %get3A_1497 = tpu.vector_load %arg9[%get3A_1495, %get3A_1496] {strides = array<i32>} : memref<2x128xf32, #tpu.memory_space<vmem>>, vector<1x16xf32>,
    %get3A_1498 = vector.shape_cast %get3A_1497 : vector<1x16xf32> to vector<16xf32>
    %add3A_1499 = arith.addf %get3A_1494, %get3A_1498 : vector<16xf32>
    %swap3A_1500 = arith.constant 11 : i32
    %swap3A_1501 = arith.index_cast %swap3A_1500 : i32 to index
    %swap3A_1502 = arith.constant 0 : index
    %swap3A_1503 = tpu.vector_load %arg8[%swap3A_1501, %swap3A_1502] {strides = array<i32>} : memref<16x128xf32, #tpu.memory_space<vmem>>, vector<1x16xf32>,
    %swap3A_1504 = vector.shape_cast %swap3A_1503 : vector<1x16xf32> to vector<16xf32>
    %swap3A_1505 = vector.shape_cast %add3A_1499 : vector<16xf32> to vector<1x16xf32>
    tpu.vector_store %arg8[%swap3A_1501, %swap3A_1502], %swap3A_1505 {strides = array<i32>} : memref<16x128xf32, #tpu.memory_space<vmem>>, vector<1x16xf32>,
    %get3A_1506 = arith.constant 11 : i32
    %get3A_1507 = arith.index_cast %get3A_1506 : i32 to index
    %get3A_1508 = arith.constant 16 : index
    %get3A_1509 = tpu.vector_load %arg8[%get3A_1507, %get3A_1508] {strides = array<i32>} : memref<16x128xf32, #tpu.memory_space<vmem>>, vector<1x16xf32>,
    %get3A_1510 = vector.shape_cast %get3A_1509 : vector<1x16xf32> to vector<16xf32>
    %get3A_1511 = arith.index_cast %select_n3A_1489 : i32 to index
    %get3A_1512 = arith.constant 16 : index
    %get3A_1513 = tpu.vector_load %arg9[%get3A_1511, %get3A_1512] {strides = array<i32>} : memref<2x128xf32, #tpu.memory_space<vmem>>, vector<1x16xf32>,
    %get3A_1514 = vector.shape_cast %get3A_1513 : vector<1x16xf32> to vector<16xf32>
    %add3A_1515 = arith.addf %get3A_1510, %get3A_1514 : vector<16xf32>
    %swap3A_1516 = arith.constant 11 : i32
    %swap3A_1517 = arith.index_cast %swap3A_1516 : i32 to index
    %swap3A_1518 = arith.constant 16 : index
    %swap3A_1519 = tpu.vector_load %arg8[%swap3A_1517, %swap3A_1518] {strides = array<i32>} : memref<16x128xf32, #tpu.memory_space<vmem>>, vector<1x16xf32>,
    %swap3A_1520 = vector.shape_cast %swap3A_1519 : vector<1x16xf32> to vector<16xf32>
    %swap3A_1521 = vector.shape_cast %add3A_1515 : vector<16xf32> to vector<1x16xf32>
    tpu.vector_store %arg8[%swap3A_1517, %swap3A_1518], %swap3A_1521 {strides = array<i32>} : memref<16x128xf32, #tpu.memory_space<vmem>>, vector<1x16xf32>,
    %get3A_1522 = arith.constant 11 : i32
    %get3A_1523 = arith.index_cast %get3A_1522 : i32 to index
    %get3A_1524 = arith.constant 32 : index
    %get3A_1525 = tpu.vector_load %arg8[%get3A_1523, %get3A_1524] {strides = array<i32>} : memref<16x128xf32, #tpu.memory_space<vmem>>, vector<1x16xf32>,
    %get3A_1526 = vector.shape_cast %get3A_1525 : vector<1x16xf32> to vector<16xf32>
    %get3A_1527 = arith.index_cast %select_n3A_1489 : i32 to index
    %get3A_1528 = arith.constant 32 : index
    %get3A_1529 = tpu.vector_load %arg9[%get3A_1527, %get3A_1528] {strides = array<i32>} : memref<2x128xf32, #tpu.memory_space<vmem>>, vector<1x16xf32>,
    %get3A_1530 = vector.shape_cast %get3A_1529 : vector<1x16xf32> to vector<16xf32>
    %add3A_1531 = arith.addf %get3A_1526, %get3A_1530 : vector<16xf32>
    %swap3A_1532 = arith.constant 11 : i32
    %swap3A_1533 = arith.index_cast %swap3A_1532 : i32 to index
    %swap3A_1534 = arith.constant 32 : index
    %swap3A_1535 = tpu.vector_load %arg8[%swap3A_1533, %swap3A_1534] {strides = array<i32>} : memref<16x128xf32, #tpu.memory_space<vmem>>, vector<1x16xf32>,
    %swap3A_1536 = vector.shape_cast %swap3A_1535 : vector<1x16xf32> to vector<16xf32>
    %swap3A_1537 = vector.shape_cast %add3A_1531 : vector<16xf32> to vector<1x16xf32>
    tpu.vector_store %arg8[%swap3A_1533, %swap3A_1534], %swap3A_1537 {strides = array<i32>} : memref<16x128xf32, #tpu.memory_space<vmem>>, vector<1x16xf32>,
    %get3A_1538 = arith.constant 11 : i32
    %get3A_1539 = arith.index_cast %get3A_1538 : i32 to index
    %get3A_1540 = arith.constant 48 : index
    %get3A_1541 = tpu.vector_load %arg8[%get3A_1539, %get3A_1540] {strides = array<i32>} : memref<16x128xf32, #tpu.memory_space<vmem>>, vector<1x16xf32>,
    %get3A_1542 = vector.shape_cast %get3A_1541 : vector<1x16xf32> to vector<16xf32>
    %get3A_1543 = arith.index_cast %select_n3A_1489 : i32 to index
    %get3A_1544 = arith.constant 48 : index
    %get3A_1545 = tpu.vector_load %arg9[%get3A_1543, %get3A_1544] {strides = array<i32>} : memref<2x128xf32, #tpu.memory_space<vmem>>, vector<1x16xf32>,
    %get3A_1546 = vector.shape_cast %get3A_1545 : vector<1x16xf32> to vector<16xf32>
    %add3A_1547 = arith.addf %get3A_1542, %get3A_1546 : vector<16xf32>
    %swap3A_1548 = arith.constant 11 : i32
    %swap3A_1549 = arith.index_cast %swap3A_1548 : i32 to index
    %swap3A_1550 = arith.constant 48 : index
    %swap3A_1551 = tpu.vector_load %arg8[%swap3A_1549, %swap3A_1550] {strides = array<i32>} : memref<16x128xf32, #tpu.memory_space<vmem>>, vector<1x16xf32>,
    %swap3A_1552 = vector.shape_cast %swap3A_1551 : vector<1x16xf32> to vector<16xf32>
    %swap3A_1553 = vector.shape_cast %add3A_1547 : vector<16xf32> to vector<1x16xf32>
    tpu.vector_store %arg8[%swap3A_1549, %swap3A_1550], %swap3A_1553 {strides = array<i32>} : memref<16x128xf32, #tpu.memory_space<vmem>>, vector<1x16xf32>,
    %get3A_1554 = arith.constant 11 : i32
    %get3A_1555 = arith.index_cast %get3A_1554 : i32 to index
    %get3A_1556 = arith.constant 64 : index
    %get3A_1557 = tpu.vector_load %arg8[%get3A_1555, %get3A_1556] {strides = array<i32>} : memref<16x128xf32, #tpu.memory_space<vmem>>, vector<1x16xf32>,
    %get3A_1558 = vector.shape_cast %get3A_1557 : vector<1x16xf32> to vector<16xf32>
    %get3A_1559 = arith.index_cast %select_n3A_1489 : i32 to index
    %get3A_1560 = arith.constant 64 : index
    %get3A_1561 = tpu.vector_load %arg9[%get3A_1559, %get3A_1560] {strides = array<i32>} : memref<2x128xf32, #tpu.memory_space<vmem>>, vector<1x16xf32>,
    %get3A_1562 = vector.shape_cast %get3A_1561 : vector<1x16xf32> to vector<16xf32>
    %add3A_1563 = arith.addf %get3A_1558, %get3A_1562 : vector<16xf32>
    %swap3A_1564 = arith.constant 11 : i32
    %swap3A_1565 = arith.index_cast %swap3A_1564 : i32 to index
    %swap3A_1566 = arith.constant 64 : index
    %swap3A_1567 = tpu.vector_load %arg8[%swap3A_1565, %swap3A_1566] {strides = array<i32>} : memref<16x128xf32, #tpu.memory_space<vmem>>, vector<1x16xf32>,
    %swap3A_1568 = vector.shape_cast %swap3A_1567 : vector<1x16xf32> to vector<16xf32>
    %swap3A_1569 = vector.shape_cast %add3A_1563 : vector<16xf32> to vector<1x16xf32>
    tpu.vector_store %arg8[%swap3A_1565, %swap3A_1566], %swap3A_1569 {strides = array<i32>} : memref<16x128xf32, #tpu.memory_space<vmem>>, vector<1x16xf32>,
    %get3A_1570 = arith.constant 11 : i32
    %get3A_1571 = arith.index_cast %get3A_1570 : i32 to index
    %get3A_1572 = arith.constant 80 : index
    %get3A_1573 = tpu.vector_load %arg8[%get3A_1571, %get3A_1572] {strides = array<i32>} : memref<16x128xf32, #tpu.memory_space<vmem>>, vector<1x16xf32>,
    %get3A_1574 = vector.shape_cast %get3A_1573 : vector<1x16xf32> to vector<16xf32>
    %get3A_1575 = arith.index_cast %select_n3A_1489 : i32 to index
    %get3A_1576 = arith.constant 80 : index
    %get3A_1577 = tpu.vector_load %arg9[%get3A_1575, %get3A_1576] {strides = array<i32>} : memref<2x128xf32, #tpu.memory_space<vmem>>, vector<1x16xf32>,
    %get3A_1578 = vector.shape_cast %get3A_1577 : vector<1x16xf32> to vector<16xf32>
    %add3A_1579 = arith.addf %get3A_1574, %get3A_1578 : vector<16xf32>
    %swap3A_1580 = arith.constant 11 : i32
    %swap3A_1581 = arith.index_cast %swap3A_1580 : i32 to index
    %swap3A_1582 = arith.constant 80 : index
    %swap3A_1583 = tpu.vector_load %arg8[%swap3A_1581, %swap3A_1582] {strides = array<i32>} : memref<16x128xf32, #tpu.memory_space<vmem>>, vector<1x16xf32>,
    %swap3A_1584 = vector.shape_cast %swap3A_1583 : vector<1x16xf32> to vector<16xf32>
    %swap3A_1585 = vector.shape_cast %add3A_1579 : vector<16xf32> to vector<1x16xf32>
    tpu.vector_store %arg8[%swap3A_1581, %swap3A_1582], %swap3A_1585 {strides = array<i32>} : memref<16x128xf32, #tpu.memory_space<vmem>>, vector<1x16xf32>,
    %get3A_1586 = arith.constant 11 : i32
    %get3A_1587 = arith.index_cast %get3A_1586 : i32 to index
    %get3A_1588 = arith.constant 96 : index
    %get3A_1589 = tpu.vector_load %arg8[%get3A_1587, %get3A_1588] {strides = array<i32>} : memref<16x128xf32, #tpu.memory_space<vmem>>, vector<1x16xf32>,
    %get3A_1590 = vector.shape_cast %get3A_1589 : vector<1x16xf32> to vector<16xf32>
    %get3A_1591 = arith.index_cast %select_n3A_1489 : i32 to index
    %get3A_1592 = arith.constant 96 : index
    %get3A_1593 = tpu.vector_load %arg9[%get3A_1591, %get3A_1592] {strides = array<i32>} : memref<2x128xf32, #tpu.memory_space<vmem>>, vector<1x16xf32>,
    %get3A_1594 = vector.shape_cast %get3A_1593 : vector<1x16xf32> to vector<16xf32>
    %add3A_1595 = arith.addf %get3A_1590, %get3A_1594 : vector<16xf32>
    %swap3A_1596 = arith.constant 11 : i32
    %swap3A_1597 = arith.index_cast %swap3A_1596 : i32 to index
    %swap3A_1598 = arith.constant 96 : index
    %swap3A_1599 = tpu.vector_load %arg8[%swap3A_1597, %swap3A_1598] {strides = array<i32>} : memref<16x128xf32, #tpu.memory_space<vmem>>, vector<1x16xf32>,
    %swap3A_1600 = vector.shape_cast %swap3A_1599 : vector<1x16xf32> to vector<16xf32>
    %swap3A_1601 = vector.shape_cast %add3A_1595 : vector<16xf32> to vector<1x16xf32>
    tpu.vector_store %arg8[%swap3A_1597, %swap3A_1598], %swap3A_1601 {strides = array<i32>} : memref<16x128xf32, #tpu.memory_space<vmem>>, vector<1x16xf32>,
    %get3A_1602 = arith.constant 11 : i32
    %get3A_1603 = arith.index_cast %get3A_1602 : i32 to index
    %get3A_1604 = arith.constant 112 : index
    %get3A_1605 = tpu.vector_load %arg8[%get3A_1603, %get3A_1604] {strides = array<i32>} : memref<16x128xf32, #tpu.memory_space<vmem>>, vector<1x16xf32>,
    %get3A_1606 = vector.shape_cast %get3A_1605 : vector<1x16xf32> to vector<16xf32>
    %get3A_1607 = arith.index_cast %select_n3A_1489 : i32 to index
    %get3A_1608 = arith.constant 112 : index
    %get3A_1609 = tpu.vector_load %arg9[%get3A_1607, %get3A_1608] {strides = array<i32>} : memref<2x128xf32, #tpu.memory_space<vmem>>, vector<1x16xf32>,
    %get3A_1610 = vector.shape_cast %get3A_1609 : vector<1x16xf32> to vector<16xf32>
    %add3A_1611 = arith.addf %get3A_1606, %get3A_1610 : vector<16xf32>
    %swap3A_1612 = arith.constant 11 : i32
    %swap3A_1613 = arith.index_cast %swap3A_1612 : i32 to index
    %swap3A_1614 = arith.constant 112 : index
    %swap3A_1615 = tpu.vector_load %arg8[%swap3A_1613, %swap3A_1614] {strides = array<i32>} : memref<16x128xf32, #tpu.memory_space<vmem>>, vector<1x16xf32>,
    %swap3A_1616 = vector.shape_cast %swap3A_1615 : vector<1x16xf32> to vector<16xf32>
    %swap3A_1617 = vector.shape_cast %add3A_1611 : vector<16xf32> to vector<1x16xf32>
    tpu.vector_store %arg8[%swap3A_1613, %swap3A_1614], %swap3A_1617 {strides = array<i32>} : memref<16x128xf32, #tpu.memory_space<vmem>>, vector<1x16xf32>,
    %add3A_1618 = arith.constant 12 : i32
    %add3A_1619 = arith.addi %mul3A_2, %add3A_1618 : i32
    %ge3A_1620 = arith.constant 256 : i32
    %ge3A_1621 = arith.cmpi sge, %add3A_1619, %ge3A_1620 : i32
    %jit3A_1622 = arith.constant 1 : i32
    %jit3A_1623 = arith.constant 0 : i32
    %select_n3A_1624 = arith.select %ge3A_1621, %jit3A_1622, %jit3A_1623 : i32
    %get3A_1625 = arith.constant 12 : i32
    %get3A_1626 = arith.index_cast %get3A_1625 : i32 to index
    %get3A_1627 = arith.constant 0 : index
    %get3A_1628 = tpu.vector_load %arg8[%get3A_1626, %get3A_1627] {strides = array<i32>} : memref<16x128xf32, #tpu.memory_space<vmem>>, vector<1x16xf32>,
    %get3A_1629 = vector.shape_cast %get3A_1628 : vector<1x16xf32> to vector<16xf32>
    %get3A_1630 = arith.index_cast %select_n3A_1624 : i32 to index
    %get3A_1631 = arith.constant 0 : index
    %get3A_1632 = tpu.vector_load %arg9[%get3A_1630, %get3A_1631] {strides = array<i32>} : memref<2x128xf32, #tpu.memory_space<vmem>>, vector<1x16xf32>,
    %get3A_1633 = vector.shape_cast %get3A_1632 : vector<1x16xf32> to vector<16xf32>
    %add3A_1634 = arith.addf %get3A_1629, %get3A_1633 : vector<16xf32>
    %swap3A_1635 = arith.constant 12 : i32
    %swap3A_1636 = arith.index_cast %swap3A_1635 : i32 to index
    %swap3A_1637 = arith.constant 0 : index
    %swap3A_1638 = tpu.vector_load %arg8[%swap3A_1636, %swap3A_1637] {strides = array<i32>} : memref<16x128xf32, #tpu.memory_space<vmem>>, vector<1x16xf32>,
    %swap3A_1639 = vector.shape_cast %swap3A_1638 : vector<1x16xf32> to vector<16xf32>
    %swap3A_1640 = vector.shape_cast %add3A_1634 : vector<16xf32> to vector<1x16xf32>
    tpu.vector_store %arg8[%swap3A_1636, %swap3A_1637], %swap3A_1640 {strides = array<i32>} : memref<16x128xf32, #tpu.memory_space<vmem>>, vector<1x16xf32>,
    %get3A_1641 = arith.constant 12 : i32
    %get3A_1642 = arith.index_cast %get3A_1641 : i32 to index
    %get3A_1643 = arith.constant 16 : index
    %get3A_1644 = tpu.vector_load %arg8[%get3A_1642, %get3A_1643] {strides = array<i32>} : memref<16x128xf32, #tpu.memory_space<vmem>>, vector<1x16xf32>,
    %get3A_1645 = vector.shape_cast %get3A_1644 : vector<1x16xf32> to vector<16xf32>
    %get3A_1646 = arith.index_cast %select_n3A_1624 : i32 to index
    %get3A_1647 = arith.constant 16 : index
    %get3A_1648 = tpu.vector_load %arg9[%get3A_1646, %get3A_1647] {strides = array<i32>} : memref<2x128xf32, #tpu.memory_space<vmem>>, vector<1x16xf32>,
    %get3A_1649 = vector.shape_cast %get3A_1648 : vector<1x16xf32> to vector<16xf32>
    %add3A_1650 = arith.addf %get3A_1645, %get3A_1649 : vector<16xf32>
    %swap3A_1651 = arith.constant 12 : i32
    %swap3A_1652 = arith.index_cast %swap3A_1651 : i32 to index
    %swap3A_1653 = arith.constant 16 : index
    %swap3A_1654 = tpu.vector_load %arg8[%swap3A_1652, %swap3A_1653] {strides = array<i32>} : memref<16x128xf32, #tpu.memory_space<vmem>>, vector<1x16xf32>,
    %swap3A_1655 = vector.shape_cast %swap3A_1654 : vector<1x16xf32> to vector<16xf32>
    %swap3A_1656 = vector.shape_cast %add3A_1650 : vector<16xf32> to vector<1x16xf32>
    tpu.vector_store %arg8[%swap3A_1652, %swap3A_1653], %swap3A_1656 {strides = array<i32>} : memref<16x128xf32, #tpu.memory_space<vmem>>, vector<1x16xf32>,
    %get3A_1657 = arith.constant 12 : i32
    %get3A_1658 = arith.index_cast %get3A_1657 : i32 to index
    %get3A_1659 = arith.constant 32 : index
    %get3A_1660 = tpu.vector_load %arg8[%get3A_1658, %get3A_1659] {strides = array<i32>} : memref<16x128xf32, #tpu.memory_space<vmem>>, vector<1x16xf32>,
    %get3A_1661 = vector.shape_cast %get3A_1660 : vector<1x16xf32> to vector<16xf32>
    %get3A_1662 = arith.index_cast %select_n3A_1624 : i32 to index
    %get3A_1663 = arith.constant 32 : index
    %get3A_1664 = tpu.vector_load %arg9[%get3A_1662, %get3A_1663] {strides = array<i32>} : memref<2x128xf32, #tpu.memory_space<vmem>>, vector<1x16xf32>,
    %get3A_1665 = vector.shape_cast %get3A_1664 : vector<1x16xf32> to vector<16xf32>
    %add3A_1666 = arith.addf %get3A_1661, %get3A_1665 : vector<16xf32>
    %swap3A_1667 = arith.constant 12 : i32
    %swap3A_1668 = arith.index_cast %swap3A_1667 : i32 to index
    %swap3A_1669 = arith.constant 32 : index
    %swap3A_1670 = tpu.vector_load %arg8[%swap3A_1668, %swap3A_1669] {strides = array<i32>} : memref<16x128xf32, #tpu.memory_space<vmem>>, vector<1x16xf32>,
    %swap3A_1671 = vector.shape_cast %swap3A_1670 : vector<1x16xf32> to vector<16xf32>
    %swap3A_1672 = vector.shape_cast %add3A_1666 : vector<16xf32> to vector<1x16xf32>
    tpu.vector_store %arg8[%swap3A_1668, %swap3A_1669], %swap3A_1672 {strides = array<i32>} : memref<16x128xf32, #tpu.memory_space<vmem>>, vector<1x16xf32>,
    %get3A_1673 = arith.constant 12 : i32
    %get3A_1674 = arith.index_cast %get3A_1673 : i32 to index
    %get3A_1675 = arith.constant 48 : index
    %get3A_1676 = tpu.vector_load %arg8[%get3A_1674, %get3A_1675] {strides = array<i32>} : memref<16x128xf32, #tpu.memory_space<vmem>>, vector<1x16xf32>,
    %get3A_1677 = vector.shape_cast %get3A_1676 : vector<1x16xf32> to vector<16xf32>
    %get3A_1678 = arith.index_cast %select_n3A_1624 : i32 to index
    %get3A_1679 = arith.constant 48 : index
    %get3A_1680 = tpu.vector_load %arg9[%get3A_1678, %get3A_1679] {strides = array<i32>} : memref<2x128xf32, #tpu.memory_space<vmem>>, vector<1x16xf32>,
    %get3A_1681 = vector.shape_cast %get3A_1680 : vector<1x16xf32> to vector<16xf32>
    %add3A_1682 = arith.addf %get3A_1677, %get3A_1681 : vector<16xf32>
    %swap3A_1683 = arith.constant 12 : i32
    %swap3A_1684 = arith.index_cast %swap3A_1683 : i32 to index
    %swap3A_1685 = arith.constant 48 : index
    %swap3A_1686 = tpu.vector_load %arg8[%swap3A_1684, %swap3A_1685] {strides = array<i32>} : memref<16x128xf32, #tpu.memory_space<vmem>>, vector<1x16xf32>,
    %swap3A_1687 = vector.shape_cast %swap3A_1686 : vector<1x16xf32> to vector<16xf32>
    %swap3A_1688 = vector.shape_cast %add3A_1682 : vector<16xf32> to vector<1x16xf32>
    tpu.vector_store %arg8[%swap3A_1684, %swap3A_1685], %swap3A_1688 {strides = array<i32>} : memref<16x128xf32, #tpu.memory_space<vmem>>, vector<1x16xf32>,
    %get3A_1689 = arith.constant 12 : i32
    %get3A_1690 = arith.index_cast %get3A_1689 : i32 to index
    %get3A_1691 = arith.constant 64 : index
    %get3A_1692 = tpu.vector_load %arg8[%get3A_1690, %get3A_1691] {strides = array<i32>} : memref<16x128xf32, #tpu.memory_space<vmem>>, vector<1x16xf32>,
    %get3A_1693 = vector.shape_cast %get3A_1692 : vector<1x16xf32> to vector<16xf32>
    %get3A_1694 = arith.index_cast %select_n3A_1624 : i32 to index
    %get3A_1695 = arith.constant 64 : index
    %get3A_1696 = tpu.vector_load %arg9[%get3A_1694, %get3A_1695] {strides = array<i32>} : memref<2x128xf32, #tpu.memory_space<vmem>>, vector<1x16xf32>,
    %get3A_1697 = vector.shape_cast %get3A_1696 : vector<1x16xf32> to vector<16xf32>
    %add3A_1698 = arith.addf %get3A_1693, %get3A_1697 : vector<16xf32>
    %swap3A_1699 = arith.constant 12 : i32
    %swap3A_1700 = arith.index_cast %swap3A_1699 : i32 to index
    %swap3A_1701 = arith.constant 64 : index
    %swap3A_1702 = tpu.vector_load %arg8[%swap3A_1700, %swap3A_1701] {strides = array<i32>} : memref<16x128xf32, #tpu.memory_space<vmem>>, vector<1x16xf32>,
    %swap3A_1703 = vector.shape_cast %swap3A_1702 : vector<1x16xf32> to vector<16xf32>
    %swap3A_1704 = vector.shape_cast %add3A_1698 : vector<16xf32> to vector<1x16xf32>
    tpu.vector_store %arg8[%swap3A_1700, %swap3A_1701], %swap3A_1704 {strides = array<i32>} : memref<16x128xf32, #tpu.memory_space<vmem>>, vector<1x16xf32>,
    %get3A_1705 = arith.constant 12 : i32
    %get3A_1706 = arith.index_cast %get3A_1705 : i32 to index
    %get3A_1707 = arith.constant 80 : index
    %get3A_1708 = tpu.vector_load %arg8[%get3A_1706, %get3A_1707] {strides = array<i32>} : memref<16x128xf32, #tpu.memory_space<vmem>>, vector<1x16xf32>,
    %get3A_1709 = vector.shape_cast %get3A_1708 : vector<1x16xf32> to vector<16xf32>
    %get3A_1710 = arith.index_cast %select_n3A_1624 : i32 to index
    %get3A_1711 = arith.constant 80 : index
    %get3A_1712 = tpu.vector_load %arg9[%get3A_1710, %get3A_1711] {strides = array<i32>} : memref<2x128xf32, #tpu.memory_space<vmem>>, vector<1x16xf32>,
    %get3A_1713 = vector.shape_cast %get3A_1712 : vector<1x16xf32> to vector<16xf32>
    %add3A_1714 = arith.addf %get3A_1709, %get3A_1713 : vector<16xf32>
    %swap3A_1715 = arith.constant 12 : i32
    %swap3A_1716 = arith.index_cast %swap3A_1715 : i32 to index
    %swap3A_1717 = arith.constant 80 : index
    %swap3A_1718 = tpu.vector_load %arg8[%swap3A_1716, %swap3A_1717] {strides = array<i32>} : memref<16x128xf32, #tpu.memory_space<vmem>>, vector<1x16xf32>,
    %swap3A_1719 = vector.shape_cast %swap3A_1718 : vector<1x16xf32> to vector<16xf32>
    %swap3A_1720 = vector.shape_cast %add3A_1714 : vector<16xf32> to vector<1x16xf32>
    tpu.vector_store %arg8[%swap3A_1716, %swap3A_1717], %swap3A_1720 {strides = array<i32>} : memref<16x128xf32, #tpu.memory_space<vmem>>, vector<1x16xf32>,
    %get3A_1721 = arith.constant 12 : i32
    %get3A_1722 = arith.index_cast %get3A_1721 : i32 to index
    %get3A_1723 = arith.constant 96 : index
    %get3A_1724 = tpu.vector_load %arg8[%get3A_1722, %get3A_1723] {strides = array<i32>} : memref<16x128xf32, #tpu.memory_space<vmem>>, vector<1x16xf32>,
    %get3A_1725 = vector.shape_cast %get3A_1724 : vector<1x16xf32> to vector<16xf32>
    %get3A_1726 = arith.index_cast %select_n3A_1624 : i32 to index
    %get3A_1727 = arith.constant 96 : index
    %get3A_1728 = tpu.vector_load %arg9[%get3A_1726, %get3A_1727] {strides = array<i32>} : memref<2x128xf32, #tpu.memory_space<vmem>>, vector<1x16xf32>,
    %get3A_1729 = vector.shape_cast %get3A_1728 : vector<1x16xf32> to vector<16xf32>
    %add3A_1730 = arith.addf %get3A_1725, %get3A_1729 : vector<16xf32>
    %swap3A_1731 = arith.constant 12 : i32
    %swap3A_1732 = arith.index_cast %swap3A_1731 : i32 to index
    %swap3A_1733 = arith.constant 96 : index
    %swap3A_1734 = tpu.vector_load %arg8[%swap3A_1732, %swap3A_1733] {strides = array<i32>} : memref<16x128xf32, #tpu.memory_space<vmem>>, vector<1x16xf32>,
    %swap3A_1735 = vector.shape_cast %swap3A_1734 : vector<1x16xf32> to vector<16xf32>
    %swap3A_1736 = vector.shape_cast %add3A_1730 : vector<16xf32> to vector<1x16xf32>
    tpu.vector_store %arg8[%swap3A_1732, %swap3A_1733], %swap3A_1736 {strides = array<i32>} : memref<16x128xf32, #tpu.memory_space<vmem>>, vector<1x16xf32>,
    %get3A_1737 = arith.constant 12 : i32
    %get3A_1738 = arith.index_cast %get3A_1737 : i32 to index
    %get3A_1739 = arith.constant 112 : index
    %get3A_1740 = tpu.vector_load %arg8[%get3A_1738, %get3A_1739] {strides = array<i32>} : memref<16x128xf32, #tpu.memory_space<vmem>>, vector<1x16xf32>,
    %get3A_1741 = vector.shape_cast %get3A_1740 : vector<1x16xf32> to vector<16xf32>
    %get3A_1742 = arith.index_cast %select_n3A_1624 : i32 to index
    %get3A_1743 = arith.constant 112 : index
    %get3A_1744 = tpu.vector_load %arg9[%get3A_1742, %get3A_1743] {strides = array<i32>} : memref<2x128xf32, #tpu.memory_space<vmem>>, vector<1x16xf32>,
    %get3A_1745 = vector.shape_cast %get3A_1744 : vector<1x16xf32> to vector<16xf32>
    %add3A_1746 = arith.addf %get3A_1741, %get3A_1745 : vector<16xf32>
    %swap3A_1747 = arith.constant 12 : i32
    %swap3A_1748 = arith.index_cast %swap3A_1747 : i32 to index
    %swap3A_1749 = arith.constant 112 : index
    %swap3A_1750 = tpu.vector_load %arg8[%swap3A_1748, %swap3A_1749] {strides = array<i32>} : memref<16x128xf32, #tpu.memory_space<vmem>>, vector<1x16xf32>,
    %swap3A_1751 = vector.shape_cast %swap3A_1750 : vector<1x16xf32> to vector<16xf32>
    %swap3A_1752 = vector.shape_cast %add3A_1746 : vector<16xf32> to vector<1x16xf32>
    tpu.vector_store %arg8[%swap3A_1748, %swap3A_1749], %swap3A_1752 {strides = array<i32>} : memref<16x128xf32, #tpu.memory_space<vmem>>, vector<1x16xf32>,
    %add3A_1753 = arith.constant 13 : i32
    %add3A_1754 = arith.addi %mul3A_2, %add3A_1753 : i32
    %ge3A_1755 = arith.constant 256 : i32
    %ge3A_1756 = arith.cmpi sge, %add3A_1754, %ge3A_1755 : i32
    %jit3A_1757 = arith.constant 1 : i32
    %jit3A_1758 = arith.constant 0 : i32
    %select_n3A_1759 = arith.select %ge3A_1756, %jit3A_1757, %jit3A_1758 : i32
    %get3A_1760 = arith.constant 13 : i32
    %get3A_1761 = arith.index_cast %get3A_1760 : i32 to index
    %get3A_1762 = arith.constant 0 : index
    %get3A_1763 = tpu.vector_load %arg8[%get3A_1761, %get3A_1762] {strides = array<i32>} : memref<16x128xf32, #tpu.memory_space<vmem>>, vector<1x16xf32>,
    %get3A_1764 = vector.shape_cast %get3A_1763 : vector<1x16xf32> to vector<16xf32>
    %get3A_1765 = arith.index_cast %select_n3A_1759 : i32 to index
    %get3A_1766 = arith.constant 0 : index
    %get3A_1767 = tpu.vector_load %arg9[%get3A_1765, %get3A_1766] {strides = array<i32>} : memref<2x128xf32, #tpu.memory_space<vmem>>, vector<1x16xf32>,
    %get3A_1768 = vector.shape_cast %get3A_1767 : vector<1x16xf32> to vector<16xf32>
    %add3A_1769 = arith.addf %get3A_1764, %get3A_1768 : vector<16xf32>
    %swap3A_1770 = arith.constant 13 : i32
    %swap3A_1771 = arith.index_cast %swap3A_1770 : i32 to index
    %swap3A_1772 = arith.constant 0 : index
    %swap3A_1773 = tpu.vector_load %arg8[%swap3A_1771, %swap3A_1772] {strides = array<i32>} : memref<16x128xf32, #tpu.memory_space<vmem>>, vector<1x16xf32>,
    %swap3A_1774 = vector.shape_cast %swap3A_1773 : vector<1x16xf32> to vector<16xf32>
    %swap3A_1775 = vector.shape_cast %add3A_1769 : vector<16xf32> to vector<1x16xf32>
    tpu.vector_store %arg8[%swap3A_1771, %swap3A_1772], %swap3A_1775 {strides = array<i32>} : memref<16x128xf32, #tpu.memory_space<vmem>>, vector<1x16xf32>,
    %get3A_1776 = arith.constant 13 : i32
    %get3A_1777 = arith.index_cast %get3A_1776 : i32 to index
    %get3A_1778 = arith.constant 16 : index
    %get3A_1779 = tpu.vector_load %arg8[%get3A_1777, %get3A_1778] {strides = array<i32>} : memref<16x128xf32, #tpu.memory_space<vmem>>, vector<1x16xf32>,
    %get3A_1780 = vector.shape_cast %get3A_1779 : vector<1x16xf32> to vector<16xf32>
    %get3A_1781 = arith.index_cast %select_n3A_1759 : i32 to index
    %get3A_1782 = arith.constant 16 : index
    %get3A_1783 = tpu.vector_load %arg9[%get3A_1781, %get3A_1782] {strides = array<i32>} : memref<2x128xf32, #tpu.memory_space<vmem>>, vector<1x16xf32>,
    %get3A_1784 = vector.shape_cast %get3A_1783 : vector<1x16xf32> to vector<16xf32>
    %add3A_1785 = arith.addf %get3A_1780, %get3A_1784 : vector<16xf32>
    %swap3A_1786 = arith.constant 13 : i32
    %swap3A_1787 = arith.index_cast %swap3A_1786 : i32 to index
    %swap3A_1788 = arith.constant 16 : index
    %swap3A_1789 = tpu.vector_load %arg8[%swap3A_1787, %swap3A_1788] {strides = array<i32>} : memref<16x128xf32, #tpu.memory_space<vmem>>, vector<1x16xf32>,
    %swap3A_1790 = vector.shape_cast %swap3A_1789 : vector<1x16xf32> to vector<16xf32>
    %swap3A_1791 = vector.shape_cast %add3A_1785 : vector<16xf32> to vector<1x16xf32>
    tpu.vector_store %arg8[%swap3A_1787, %swap3A_1788], %swap3A_1791 {strides = array<i32>} : memref<16x128xf32, #tpu.memory_space<vmem>>, vector<1x16xf32>,
    %get3A_1792 = arith.constant 13 : i32
    %get3A_1793 = arith.index_cast %get3A_1792 : i32 to index
    %get3A_1794 = arith.constant 32 : index
    %get3A_1795 = tpu.vector_load %arg8[%get3A_1793, %get3A_1794] {strides = array<i32>} : memref<16x128xf32, #tpu.memory_space<vmem>>, vector<1x16xf32>,
    %get3A_1796 = vector.shape_cast %get3A_1795 : vector<1x16xf32> to vector<16xf32>
    %get3A_1797 = arith.index_cast %select_n3A_1759 : i32 to index
    %get3A_1798 = arith.constant 32 : index
    %get3A_1799 = tpu.vector_load %arg9[%get3A_1797, %get3A_1798] {strides = array<i32>} : memref<2x128xf32, #tpu.memory_space<vmem>>, vector<1x16xf32>,
    %get3A_1800 = vector.shape_cast %get3A_1799 : vector<1x16xf32> to vector<16xf32>
    %add3A_1801 = arith.addf %get3A_1796, %get3A_1800 : vector<16xf32>
    %swap3A_1802 = arith.constant 13 : i32
    %swap3A_1803 = arith.index_cast %swap3A_1802 : i32 to index
    %swap3A_1804 = arith.constant 32 : index
    %swap3A_1805 = tpu.vector_load %arg8[%swap3A_1803, %swap3A_1804] {strides = array<i32>} : memref<16x128xf32, #tpu.memory_space<vmem>>, vector<1x16xf32>,
    %swap3A_1806 = vector.shape_cast %swap3A_1805 : vector<1x16xf32> to vector<16xf32>
    %swap3A_1807 = vector.shape_cast %add3A_1801 : vector<16xf32> to vector<1x16xf32>
    tpu.vector_store %arg8[%swap3A_1803, %swap3A_1804], %swap3A_1807 {strides = array<i32>} : memref<16x128xf32, #tpu.memory_space<vmem>>, vector<1x16xf32>,
    %get3A_1808 = arith.constant 13 : i32
    %get3A_1809 = arith.index_cast %get3A_1808 : i32 to index
    %get3A_1810 = arith.constant 48 : index
    %get3A_1811 = tpu.vector_load %arg8[%get3A_1809, %get3A_1810] {strides = array<i32>} : memref<16x128xf32, #tpu.memory_space<vmem>>, vector<1x16xf32>,
    %get3A_1812 = vector.shape_cast %get3A_1811 : vector<1x16xf32> to vector<16xf32>
    %get3A_1813 = arith.index_cast %select_n3A_1759 : i32 to index
    %get3A_1814 = arith.constant 48 : index
    %get3A_1815 = tpu.vector_load %arg9[%get3A_1813, %get3A_1814] {strides = array<i32>} : memref<2x128xf32, #tpu.memory_space<vmem>>, vector<1x16xf32>,
    %get3A_1816 = vector.shape_cast %get3A_1815 : vector<1x16xf32> to vector<16xf32>
    %add3A_1817 = arith.addf %get3A_1812, %get3A_1816 : vector<16xf32>
    %swap3A_1818 = arith.constant 13 : i32
    %swap3A_1819 = arith.index_cast %swap3A_1818 : i32 to index
    %swap3A_1820 = arith.constant 48 : index
    %swap3A_1821 = tpu.vector_load %arg8[%swap3A_1819, %swap3A_1820] {strides = array<i32>} : memref<16x128xf32, #tpu.memory_space<vmem>>, vector<1x16xf32>,
    %swap3A_1822 = vector.shape_cast %swap3A_1821 : vector<1x16xf32> to vector<16xf32>
    %swap3A_1823 = vector.shape_cast %add3A_1817 : vector<16xf32> to vector<1x16xf32>
    tpu.vector_store %arg8[%swap3A_1819, %swap3A_1820], %swap3A_1823 {strides = array<i32>} : memref<16x128xf32, #tpu.memory_space<vmem>>, vector<1x16xf32>,
    %get3A_1824 = arith.constant 13 : i32
    %get3A_1825 = arith.index_cast %get3A_1824 : i32 to index
    %get3A_1826 = arith.constant 64 : index
    %get3A_1827 = tpu.vector_load %arg8[%get3A_1825, %get3A_1826] {strides = array<i32>} : memref<16x128xf32, #tpu.memory_space<vmem>>, vector<1x16xf32>,
    %get3A_1828 = vector.shape_cast %get3A_1827 : vector<1x16xf32> to vector<16xf32>
    %get3A_1829 = arith.index_cast %select_n3A_1759 : i32 to index
    %get3A_1830 = arith.constant 64 : index
    %get3A_1831 = tpu.vector_load %arg9[%get3A_1829, %get3A_1830] {strides = array<i32>} : memref<2x128xf32, #tpu.memory_space<vmem>>, vector<1x16xf32>,
    %get3A_1832 = vector.shape_cast %get3A_1831 : vector<1x16xf32> to vector<16xf32>
    %add3A_1833 = arith.addf %get3A_1828, %get3A_1832 : vector<16xf32>
    %swap3A_1834 = arith.constant 13 : i32
    %swap3A_1835 = arith.index_cast %swap3A_1834 : i32 to index
    %swap3A_1836 = arith.constant 64 : index
    %swap3A_1837 = tpu.vector_load %arg8[%swap3A_1835, %swap3A_1836] {strides = array<i32>} : memref<16x128xf32, #tpu.memory_space<vmem>>, vector<1x16xf32>,
    %swap3A_1838 = vector.shape_cast %swap3A_1837 : vector<1x16xf32> to vector<16xf32>
    %swap3A_1839 = vector.shape_cast %add3A_1833 : vector<16xf32> to vector<1x16xf32>
    tpu.vector_store %arg8[%swap3A_1835, %swap3A_1836], %swap3A_1839 {strides = array<i32>} : memref<16x128xf32, #tpu.memory_space<vmem>>, vector<1x16xf32>,
    %get3A_1840 = arith.constant 13 : i32
    %get3A_1841 = arith.index_cast %get3A_1840 : i32 to index
    %get3A_1842 = arith.constant 80 : index
    %get3A_1843 = tpu.vector_load %arg8[%get3A_1841, %get3A_1842] {strides = array<i32>} : memref<16x128xf32, #tpu.memory_space<vmem>>, vector<1x16xf32>,
    %get3A_1844 = vector.shape_cast %get3A_1843 : vector<1x16xf32> to vector<16xf32>
    %get3A_1845 = arith.index_cast %select_n3A_1759 : i32 to index
    %get3A_1846 = arith.constant 80 : index
    %get3A_1847 = tpu.vector_load %arg9[%get3A_1845, %get3A_1846] {strides = array<i32>} : memref<2x128xf32, #tpu.memory_space<vmem>>, vector<1x16xf32>,
    %get3A_1848 = vector.shape_cast %get3A_1847 : vector<1x16xf32> to vector<16xf32>
    %add3A_1849 = arith.addf %get3A_1844, %get3A_1848 : vector<16xf32>
    %swap3A_1850 = arith.constant 13 : i32
    %swap3A_1851 = arith.index_cast %swap3A_1850 : i32 to index
    %swap3A_1852 = arith.constant 80 : index
    %swap3A_1853 = tpu.vector_load %arg8[%swap3A_1851, %swap3A_1852] {strides = array<i32>} : memref<16x128xf32, #tpu.memory_space<vmem>>, vector<1x16xf32>,
    %swap3A_1854 = vector.shape_cast %swap3A_1853 : vector<1x16xf32> to vector<16xf32>
    %swap3A_1855 = vector.shape_cast %add3A_1849 : vector<16xf32> to vector<1x16xf32>
    tpu.vector_store %arg8[%swap3A_1851, %swap3A_1852], %swap3A_1855 {strides = array<i32>} : memref<16x128xf32, #tpu.memory_space<vmem>>, vector<1x16xf32>,
    %get3A_1856 = arith.constant 13 : i32
    %get3A_1857 = arith.index_cast %get3A_1856 : i32 to index
    %get3A_1858 = arith.constant 96 : index
    %get3A_1859 = tpu.vector_load %arg8[%get3A_1857, %get3A_1858] {strides = array<i32>} : memref<16x128xf32, #tpu.memory_space<vmem>>, vector<1x16xf32>,
    %get3A_1860 = vector.shape_cast %get3A_1859 : vector<1x16xf32> to vector<16xf32>
    %get3A_1861 = arith.index_cast %select_n3A_1759 : i32 to index
    %get3A_1862 = arith.constant 96 : index
    %get3A_1863 = tpu.vector_load %arg9[%get3A_1861, %get3A_1862] {strides = array<i32>} : memref<2x128xf32, #tpu.memory_space<vmem>>, vector<1x16xf32>,
    %get3A_1864 = vector.shape_cast %get3A_1863 : vector<1x16xf32> to vector<16xf32>
    %add3A_1865 = arith.addf %get3A_1860, %get3A_1864 : vector<16xf32>
    %swap3A_1866 = arith.constant 13 : i32
    %swap3A_1867 = arith.index_cast %swap3A_1866 : i32 to index
    %swap3A_1868 = arith.constant 96 : index
    %swap3A_1869 = tpu.vector_load %arg8[%swap3A_1867, %swap3A_1868] {strides = array<i32>} : memref<16x128xf32, #tpu.memory_space<vmem>>, vector<1x16xf32>,
    %swap3A_1870 = vector.shape_cast %swap3A_1869 : vector<1x16xf32> to vector<16xf32>
    %swap3A_1871 = vector.shape_cast %add3A_1865 : vector<16xf32> to vector<1x16xf32>
    tpu.vector_store %arg8[%swap3A_1867, %swap3A_1868], %swap3A_1871 {strides = array<i32>} : memref<16x128xf32, #tpu.memory_space<vmem>>, vector<1x16xf32>,
    %get3A_1872 = arith.constant 13 : i32
    %get3A_1873 = arith.index_cast %get3A_1872 : i32 to index
    %get3A_1874 = arith.constant 112 : index
    %get3A_1875 = tpu.vector_load %arg8[%get3A_1873, %get3A_1874] {strides = array<i32>} : memref<16x128xf32, #tpu.memory_space<vmem>>, vector<1x16xf32>,
    %get3A_1876 = vector.shape_cast %get3A_1875 : vector<1x16xf32> to vector<16xf32>
    %get3A_1877 = arith.index_cast %select_n3A_1759 : i32 to index
    %get3A_1878 = arith.constant 112 : index
    %get3A_1879 = tpu.vector_load %arg9[%get3A_1877, %get3A_1878] {strides = array<i32>} : memref<2x128xf32, #tpu.memory_space<vmem>>, vector<1x16xf32>,
    %get3A_1880 = vector.shape_cast %get3A_1879 : vector<1x16xf32> to vector<16xf32>
    %add3A_1881 = arith.addf %get3A_1876, %get3A_1880 : vector<16xf32>
    %swap3A_1882 = arith.constant 13 : i32
    %swap3A_1883 = arith.index_cast %swap3A_1882 : i32 to index
    %swap3A_1884 = arith.constant 112 : index
    %swap3A_1885 = tpu.vector_load %arg8[%swap3A_1883, %swap3A_1884] {strides = array<i32>} : memref<16x128xf32, #tpu.memory_space<vmem>>, vector<1x16xf32>,
    %swap3A_1886 = vector.shape_cast %swap3A_1885 : vector<1x16xf32> to vector<16xf32>
    %swap3A_1887 = vector.shape_cast %add3A_1881 : vector<16xf32> to vector<1x16xf32>
    tpu.vector_store %arg8[%swap3A_1883, %swap3A_1884], %swap3A_1887 {strides = array<i32>} : memref<16x128xf32, #tpu.memory_space<vmem>>, vector<1x16xf32>,
    %add3A_1888 = arith.constant 14 : i32
    %add3A_1889 = arith.addi %mul3A_2, %add3A_1888 : i32
    %ge3A_1890 = arith.constant 256 : i32
    %ge3A_1891 = arith.cmpi sge, %add3A_1889, %ge3A_1890 : i32
    %jit3A_1892 = arith.constant 1 : i32
    %jit3A_1893 = arith.constant 0 : i32
    %select_n3A_1894 = arith.select %ge3A_1891, %jit3A_1892, %jit3A_1893 : i32
    %get3A_1895 = arith.constant 14 : i32
    %get3A_1896 = arith.index_cast %get3A_1895 : i32 to index
    %get3A_1897 = arith.constant 0 : index
    %get3A_1898 = tpu.vector_load %arg8[%get3A_1896, %get3A_1897] {strides = array<i32>} : memref<16x128xf32, #tpu.memory_space<vmem>>, vector<1x16xf32>,
    %get3A_1899 = vector.shape_cast %get3A_1898 : vector<1x16xf32> to vector<16xf32>
    %get3A_1900 = arith.index_cast %select_n3A_1894 : i32 to index
    %get3A_1901 = arith.constant 0 : index
    %get3A_1902 = tpu.vector_load %arg9[%get3A_1900, %get3A_1901] {strides = array<i32>} : memref<2x128xf32, #tpu.memory_space<vmem>>, vector<1x16xf32>,
    %get3A_1903 = vector.shape_cast %get3A_1902 : vector<1x16xf32> to vector<16xf32>
    %add3A_1904 = arith.addf %get3A_1899, %get3A_1903 : vector<16xf32>
    %swap3A_1905 = arith.constant 14 : i32
    %swap3A_1906 = arith.index_cast %swap3A_1905 : i32 to index
    %swap3A_1907 = arith.constant 0 : index
    %swap3A_1908 = tpu.vector_load %arg8[%swap3A_1906, %swap3A_1907] {strides = array<i32>} : memref<16x128xf32, #tpu.memory_space<vmem>>, vector<1x16xf32>,
    %swap3A_1909 = vector.shape_cast %swap3A_1908 : vector<1x16xf32> to vector<16xf32>
    %swap3A_1910 = vector.shape_cast %add3A_1904 : vector<16xf32> to vector<1x16xf32>
    tpu.vector_store %arg8[%swap3A_1906, %swap3A_1907], %swap3A_1910 {strides = array<i32>} : memref<16x128xf32, #tpu.memory_space<vmem>>, vector<1x16xf32>,
    %get3A_1911 = arith.constant 14 : i32
    %get3A_1912 = arith.index_cast %get3A_1911 : i32 to index
    %get3A_1913 = arith.constant 16 : index
    %get3A_1914 = tpu.vector_load %arg8[%get3A_1912, %get3A_1913] {strides = array<i32>} : memref<16x128xf32, #tpu.memory_space<vmem>>, vector<1x16xf32>,
    %get3A_1915 = vector.shape_cast %get3A_1914 : vector<1x16xf32> to vector<16xf32>
    %get3A_1916 = arith.index_cast %select_n3A_1894 : i32 to index
    %get3A_1917 = arith.constant 16 : index
    %get3A_1918 = tpu.vector_load %arg9[%get3A_1916, %get3A_1917] {strides = array<i32>} : memref<2x128xf32, #tpu.memory_space<vmem>>, vector<1x16xf32>,
    %get3A_1919 = vector.shape_cast %get3A_1918 : vector<1x16xf32> to vector<16xf32>
    %add3A_1920 = arith.addf %get3A_1915, %get3A_1919 : vector<16xf32>
    %swap3A_1921 = arith.constant 14 : i32
    %swap3A_1922 = arith.index_cast %swap3A_1921 : i32 to index
    %swap3A_1923 = arith.constant 16 : index
    %swap3A_1924 = tpu.vector_load %arg8[%swap3A_1922, %swap3A_1923] {strides = array<i32>} : memref<16x128xf32, #tpu.memory_space<vmem>>, vector<1x16xf32>,
    %swap3A_1925 = vector.shape_cast %swap3A_1924 : vector<1x16xf32> to vector<16xf32>
    %swap3A_1926 = vector.shape_cast %add3A_1920 : vector<16xf32> to vector<1x16xf32>
    tpu.vector_store %arg8[%swap3A_1922, %swap3A_1923], %swap3A_1926 {strides = array<i32>} : memref<16x128xf32, #tpu.memory_space<vmem>>, vector<1x16xf32>,
    %get3A_1927 = arith.constant 14 : i32
    %get3A_1928 = arith.index_cast %get3A_1927 : i32 to index
    %get3A_1929 = arith.constant 32 : index
    %get3A_1930 = tpu.vector_load %arg8[%get3A_1928, %get3A_1929] {strides = array<i32>} : memref<16x128xf32, #tpu.memory_space<vmem>>, vector<1x16xf32>,
    %get3A_1931 = vector.shape_cast %get3A_1930 : vector<1x16xf32> to vector<16xf32>
    %get3A_1932 = arith.index_cast %select_n3A_1894 : i32 to index
    %get3A_1933 = arith.constant 32 : index
    %get3A_1934 = tpu.vector_load %arg9[%get3A_1932, %get3A_1933] {strides = array<i32>} : memref<2x128xf32, #tpu.memory_space<vmem>>, vector<1x16xf32>,
    %get3A_1935 = vector.shape_cast %get3A_1934 : vector<1x16xf32> to vector<16xf32>
    %add3A_1936 = arith.addf %get3A_1931, %get3A_1935 : vector<16xf32>
    %swap3A_1937 = arith.constant 14 : i32
    %swap3A_1938 = arith.index_cast %swap3A_1937 : i32 to index
    %swap3A_1939 = arith.constant 32 : index
    %swap3A_1940 = tpu.vector_load %arg8[%swap3A_1938, %swap3A_1939] {strides = array<i32>} : memref<16x128xf32, #tpu.memory_space<vmem>>, vector<1x16xf32>,
    %swap3A_1941 = vector.shape_cast %swap3A_1940 : vector<1x16xf32> to vector<16xf32>
    %swap3A_1942 = vector.shape_cast %add3A_1936 : vector<16xf32> to vector<1x16xf32>
    tpu.vector_store %arg8[%swap3A_1938, %swap3A_1939], %swap3A_1942 {strides = array<i32>} : memref<16x128xf32, #tpu.memory_space<vmem>>, vector<1x16xf32>,
    %get3A_1943 = arith.constant 14 : i32
    %get3A_1944 = arith.index_cast %get3A_1943 : i32 to index
    %get3A_1945 = arith.constant 48 : index
    %get3A_1946 = tpu.vector_load %arg8[%get3A_1944, %get3A_1945] {strides = array<i32>} : memref<16x128xf32, #tpu.memory_space<vmem>>, vector<1x16xf32>,
    %get3A_1947 = vector.shape_cast %get3A_1946 : vector<1x16xf32> to vector<16xf32>
    %get3A_1948 = arith.index_cast %select_n3A_1894 : i32 to index
    %get3A_1949 = arith.constant 48 : index
    %get3A_1950 = tpu.vector_load %arg9[%get3A_1948, %get3A_1949] {strides = array<i32>} : memref<2x128xf32, #tpu.memory_space<vmem>>, vector<1x16xf32>,
    %get3A_1951 = vector.shape_cast %get3A_1950 : vector<1x16xf32> to vector<16xf32>
    %add3A_1952 = arith.addf %get3A_1947, %get3A_1951 : vector<16xf32>
    %swap3A_1953 = arith.constant 14 : i32
    %swap3A_1954 = arith.index_cast %swap3A_1953 : i32 to index
    %swap3A_1955 = arith.constant 48 : index
    %swap3A_1956 = tpu.vector_load %arg8[%swap3A_1954, %swap3A_1955] {strides = array<i32>} : memref<16x128xf32, #tpu.memory_space<vmem>>, vector<1x16xf32>,
    %swap3A_1957 = vector.shape_cast %swap3A_1956 : vector<1x16xf32> to vector<16xf32>
    %swap3A_1958 = vector.shape_cast %add3A_1952 : vector<16xf32> to vector<1x16xf32>
    tpu.vector_store %arg8[%swap3A_1954, %swap3A_1955], %swap3A_1958 {strides = array<i32>} : memref<16x128xf32, #tpu.memory_space<vmem>>, vector<1x16xf32>,
    %get3A_1959 = arith.constant 14 : i32
    %get3A_1960 = arith.index_cast %get3A_1959 : i32 to index
    %get3A_1961 = arith.constant 64 : index
    %get3A_1962 = tpu.vector_load %arg8[%get3A_1960, %get3A_1961] {strides = array<i32>} : memref<16x128xf32, #tpu.memory_space<vmem>>, vector<1x16xf32>,
    %get3A_1963 = vector.shape_cast %get3A_1962 : vector<1x16xf32> to vector<16xf32>
    %get3A_1964 = arith.index_cast %select_n3A_1894 : i32 to index
    %get3A_1965 = arith.constant 64 : index
    %get3A_1966 = tpu.vector_load %arg9[%get3A_1964, %get3A_1965] {strides = array<i32>} : memref<2x128xf32, #tpu.memory_space<vmem>>, vector<1x16xf32>,
    %get3A_1967 = vector.shape_cast %get3A_1966 : vector<1x16xf32> to vector<16xf32>
    %add3A_1968 = arith.addf %get3A_1963, %get3A_1967 : vector<16xf32>
    %swap3A_1969 = arith.constant 14 : i32
    %swap3A_1970 = arith.index_cast %swap3A_1969 : i32 to index
    %swap3A_1971 = arith.constant 64 : index
    %swap3A_1972 = tpu.vector_load %arg8[%swap3A_1970, %swap3A_1971] {strides = array<i32>} : memref<16x128xf32, #tpu.memory_space<vmem>>, vector<1x16xf32>,
    %swap3A_1973 = vector.shape_cast %swap3A_1972 : vector<1x16xf32> to vector<16xf32>
    %swap3A_1974 = vector.shape_cast %add3A_1968 : vector<16xf32> to vector<1x16xf32>
    tpu.vector_store %arg8[%swap3A_1970, %swap3A_1971], %swap3A_1974 {strides = array<i32>} : memref<16x128xf32, #tpu.memory_space<vmem>>, vector<1x16xf32>,
    %get3A_1975 = arith.constant 14 : i32
    %get3A_1976 = arith.index_cast %get3A_1975 : i32 to index
    %get3A_1977 = arith.constant 80 : index
    %get3A_1978 = tpu.vector_load %arg8[%get3A_1976, %get3A_1977] {strides = array<i32>} : memref<16x128xf32, #tpu.memory_space<vmem>>, vector<1x16xf32>,
    %get3A_1979 = vector.shape_cast %get3A_1978 : vector<1x16xf32> to vector<16xf32>
    %get3A_1980 = arith.index_cast %select_n3A_1894 : i32 to index
    %get3A_1981 = arith.constant 80 : index
    %get3A_1982 = tpu.vector_load %arg9[%get3A_1980, %get3A_1981] {strides = array<i32>} : memref<2x128xf32, #tpu.memory_space<vmem>>, vector<1x16xf32>,
    %get3A_1983 = vector.shape_cast %get3A_1982 : vector<1x16xf32> to vector<16xf32>
    %add3A_1984 = arith.addf %get3A_1979, %get3A_1983 : vector<16xf32>
    %swap3A_1985 = arith.constant 14 : i32
    %swap3A_1986 = arith.index_cast %swap3A_1985 : i32 to index
    %swap3A_1987 = arith.constant 80 : index
    %swap3A_1988 = tpu.vector_load %arg8[%swap3A_1986, %swap3A_1987] {strides = array<i32>} : memref<16x128xf32, #tpu.memory_space<vmem>>, vector<1x16xf32>,
    %swap3A_1989 = vector.shape_cast %swap3A_1988 : vector<1x16xf32> to vector<16xf32>
    %swap3A_1990 = vector.shape_cast %add3A_1984 : vector<16xf32> to vector<1x16xf32>
    tpu.vector_store %arg8[%swap3A_1986, %swap3A_1987], %swap3A_1990 {strides = array<i32>} : memref<16x128xf32, #tpu.memory_space<vmem>>, vector<1x16xf32>,
    %get3A_1991 = arith.constant 14 : i32
    %get3A_1992 = arith.index_cast %get3A_1991 : i32 to index
    %get3A_1993 = arith.constant 96 : index
    %get3A_1994 = tpu.vector_load %arg8[%get3A_1992, %get3A_1993] {strides = array<i32>} : memref<16x128xf32, #tpu.memory_space<vmem>>, vector<1x16xf32>,
    %get3A_1995 = vector.shape_cast %get3A_1994 : vector<1x16xf32> to vector<16xf32>
    %get3A_1996 = arith.index_cast %select_n3A_1894 : i32 to index
    %get3A_1997 = arith.constant 96 : index
    %get3A_1998 = tpu.vector_load %arg9[%get3A_1996, %get3A_1997] {strides = array<i32>} : memref<2x128xf32, #tpu.memory_space<vmem>>, vector<1x16xf32>,
    %get3A_1999 = vector.shape_cast %get3A_1998 : vector<1x16xf32> to vector<16xf32>
    %add3A_2000 = arith.addf %get3A_1995, %get3A_1999 : vector<16xf32>
    %swap3A_2001 = arith.constant 14 : i32
    %swap3A_2002 = arith.index_cast %swap3A_2001 : i32 to index
    %swap3A_2003 = arith.constant 96 : index
    %swap3A_2004 = tpu.vector_load %arg8[%swap3A_2002, %swap3A_2003] {strides = array<i32>} : memref<16x128xf32, #tpu.memory_space<vmem>>, vector<1x16xf32>,
    %swap3A_2005 = vector.shape_cast %swap3A_2004 : vector<1x16xf32> to vector<16xf32>
    %swap3A_2006 = vector.shape_cast %add3A_2000 : vector<16xf32> to vector<1x16xf32>
    tpu.vector_store %arg8[%swap3A_2002, %swap3A_2003], %swap3A_2006 {strides = array<i32>} : memref<16x128xf32, #tpu.memory_space<vmem>>, vector<1x16xf32>,
    %get3A_2007 = arith.constant 14 : i32
    %get3A_2008 = arith.index_cast %get3A_2007 : i32 to index
    %get3A_2009 = arith.constant 112 : index
    %get3A_2010 = tpu.vector_load %arg8[%get3A_2008, %get3A_2009] {strides = array<i32>} : memref<16x128xf32, #tpu.memory_space<vmem>>, vector<1x16xf32>,
    %get3A_2011 = vector.shape_cast %get3A_2010 : vector<1x16xf32> to vector<16xf32>
    %get3A_2012 = arith.index_cast %select_n3A_1894 : i32 to index
    %get3A_2013 = arith.constant 112 : index
    %get3A_2014 = tpu.vector_load %arg9[%get3A_2012, %get3A_2013] {strides = array<i32>} : memref<2x128xf32, #tpu.memory_space<vmem>>, vector<1x16xf32>,
    %get3A_2015 = vector.shape_cast %get3A_2014 : vector<1x16xf32> to vector<16xf32>
    %add3A_2016 = arith.addf %get3A_2011, %get3A_2015 : vector<16xf32>
    %swap3A_2017 = arith.constant 14 : i32
    %swap3A_2018 = arith.index_cast %swap3A_2017 : i32 to index
    %swap3A_2019 = arith.constant 112 : index
    %swap3A_2020 = tpu.vector_load %arg8[%swap3A_2018, %swap3A_2019] {strides = array<i32>} : memref<16x128xf32, #tpu.memory_space<vmem>>, vector<1x16xf32>,
    %swap3A_2021 = vector.shape_cast %swap3A_2020 : vector<1x16xf32> to vector<16xf32>
    %swap3A_2022 = vector.shape_cast %add3A_2016 : vector<16xf32> to vector<1x16xf32>
    tpu.vector_store %arg8[%swap3A_2018, %swap3A_2019], %swap3A_2022 {strides = array<i32>} : memref<16x128xf32, #tpu.memory_space<vmem>>, vector<1x16xf32>,
    %add3A_2023 = arith.constant 15 : i32
    %add3A_2024 = arith.addi %mul3A_2, %add3A_2023 : i32
    %ge3A_2025 = arith.constant 256 : i32
    %ge3A_2026 = arith.cmpi sge, %add3A_2024, %ge3A_2025 : i32
    %jit3A_2027 = arith.constant 1 : i32
    %jit3A_2028 = arith.constant 0 : i32
    %select_n3A_2029 = arith.select %ge3A_2026, %jit3A_2027, %jit3A_2028 : i32
    %get3A_2030 = arith.constant 15 : i32
    %get3A_2031 = arith.index_cast %get3A_2030 : i32 to index
    %get3A_2032 = arith.constant 0 : index
    %get3A_2033 = tpu.vector_load %arg8[%get3A_2031, %get3A_2032] {strides = array<i32>} : memref<16x128xf32, #tpu.memory_space<vmem>>, vector<1x16xf32>,
    %get3A_2034 = vector.shape_cast %get3A_2033 : vector<1x16xf32> to vector<16xf32>
    %get3A_2035 = arith.index_cast %select_n3A_2029 : i32 to index
    %get3A_2036 = arith.constant 0 : index
    %get3A_2037 = tpu.vector_load %arg9[%get3A_2035, %get3A_2036] {strides = array<i32>} : memref<2x128xf32, #tpu.memory_space<vmem>>, vector<1x16xf32>,
    %get3A_2038 = vector.shape_cast %get3A_2037 : vector<1x16xf32> to vector<16xf32>
    %add3A_2039 = arith.addf %get3A_2034, %get3A_2038 : vector<16xf32>
    %swap3A_2040 = arith.constant 15 : i32
    %swap3A_2041 = arith.index_cast %swap3A_2040 : i32 to index
    %swap3A_2042 = arith.constant 0 : index
    %swap3A_2043 = tpu.vector_load %arg8[%swap3A_2041, %swap3A_2042] {strides = array<i32>} : memref<16x128xf32, #tpu.memory_space<vmem>>, vector<1x16xf32>,
    %swap3A_2044 = vector.shape_cast %swap3A_2043 : vector<1x16xf32> to vector<16xf32>
    %swap3A_2045 = vector.shape_cast %add3A_2039 : vector<16xf32> to vector<1x16xf32>
    tpu.vector_store %arg8[%swap3A_2041, %swap3A_2042], %swap3A_2045 {strides = array<i32>} : memref<16x128xf32, #tpu.memory_space<vmem>>, vector<1x16xf32>,
    %get3A_2046 = arith.constant 15 : i32
    %get3A_2047 = arith.index_cast %get3A_2046 : i32 to index
    %get3A_2048 = arith.constant 16 : index
    %get3A_2049 = tpu.vector_load %arg8[%get3A_2047, %get3A_2048] {strides = array<i32>} : memref<16x128xf32, #tpu.memory_space<vmem>>, vector<1x16xf32>,
    %get3A_2050 = vector.shape_cast %get3A_2049 : vector<1x16xf32> to vector<16xf32>
    %get3A_2051 = arith.index_cast %select_n3A_2029 : i32 to index
    %get3A_2052 = arith.constant 16 : index
    %get3A_2053 = tpu.vector_load %arg9[%get3A_2051, %get3A_2052] {strides = array<i32>} : memref<2x128xf32, #tpu.memory_space<vmem>>, vector<1x16xf32>,
    %get3A_2054 = vector.shape_cast %get3A_2053 : vector<1x16xf32> to vector<16xf32>
    %add3A_2055 = arith.addf %get3A_2050, %get3A_2054 : vector<16xf32>
    %swap3A_2056 = arith.constant 15 : i32
    %swap3A_2057 = arith.index_cast %swap3A_2056 : i32 to index
    %swap3A_2058 = arith.constant 16 : index
    %swap3A_2059 = tpu.vector_load %arg8[%swap3A_2057, %swap3A_2058] {strides = array<i32>} : memref<16x128xf32, #tpu.memory_space<vmem>>, vector<1x16xf32>,
    %swap3A_2060 = vector.shape_cast %swap3A_2059 : vector<1x16xf32> to vector<16xf32>
    %swap3A_2061 = vector.shape_cast %add3A_2055 : vector<16xf32> to vector<1x16xf32>
    tpu.vector_store %arg8[%swap3A_2057, %swap3A_2058], %swap3A_2061 {strides = array<i32>} : memref<16x128xf32, #tpu.memory_space<vmem>>, vector<1x16xf32>,
    %get3A_2062 = arith.constant 15 : i32
    %get3A_2063 = arith.index_cast %get3A_2062 : i32 to index
    %get3A_2064 = arith.constant 32 : index
    %get3A_2065 = tpu.vector_load %arg8[%get3A_2063, %get3A_2064] {strides = array<i32>} : memref<16x128xf32, #tpu.memory_space<vmem>>, vector<1x16xf32>,
    %get3A_2066 = vector.shape_cast %get3A_2065 : vector<1x16xf32> to vector<16xf32>
    %get3A_2067 = arith.index_cast %select_n3A_2029 : i32 to index
    %get3A_2068 = arith.constant 32 : index
    %get3A_2069 = tpu.vector_load %arg9[%get3A_2067, %get3A_2068] {strides = array<i32>} : memref<2x128xf32, #tpu.memory_space<vmem>>, vector<1x16xf32>,
    %get3A_2070 = vector.shape_cast %get3A_2069 : vector<1x16xf32> to vector<16xf32>
    %add3A_2071 = arith.addf %get3A_2066, %get3A_2070 : vector<16xf32>
    %swap3A_2072 = arith.constant 15 : i32
    %swap3A_2073 = arith.index_cast %swap3A_2072 : i32 to index
    %swap3A_2074 = arith.constant 32 : index
    %swap3A_2075 = tpu.vector_load %arg8[%swap3A_2073, %swap3A_2074] {strides = array<i32>} : memref<16x128xf32, #tpu.memory_space<vmem>>, vector<1x16xf32>,
    %swap3A_2076 = vector.shape_cast %swap3A_2075 : vector<1x16xf32> to vector<16xf32>
    %swap3A_2077 = vector.shape_cast %add3A_2071 : vector<16xf32> to vector<1x16xf32>
    tpu.vector_store %arg8[%swap3A_2073, %swap3A_2074], %swap3A_2077 {strides = array<i32>} : memref<16x128xf32, #tpu.memory_space<vmem>>, vector<1x16xf32>,
    %get3A_2078 = arith.constant 15 : i32
    %get3A_2079 = arith.index_cast %get3A_2078 : i32 to index
    %get3A_2080 = arith.constant 48 : index
    %get3A_2081 = tpu.vector_load %arg8[%get3A_2079, %get3A_2080] {strides = array<i32>} : memref<16x128xf32, #tpu.memory_space<vmem>>, vector<1x16xf32>,
    %get3A_2082 = vector.shape_cast %get3A_2081 : vector<1x16xf32> to vector<16xf32>
    %get3A_2083 = arith.index_cast %select_n3A_2029 : i32 to index
    %get3A_2084 = arith.constant 48 : index
    %get3A_2085 = tpu.vector_load %arg9[%get3A_2083, %get3A_2084] {strides = array<i32>} : memref<2x128xf32, #tpu.memory_space<vmem>>, vector<1x16xf32>,
    %get3A_2086 = vector.shape_cast %get3A_2085 : vector<1x16xf32> to vector<16xf32>
    %add3A_2087 = arith.addf %get3A_2082, %get3A_2086 : vector<16xf32>
    %swap3A_2088 = arith.constant 15 : i32
    %swap3A_2089 = arith.index_cast %swap3A_2088 : i32 to index
    %swap3A_2090 = arith.constant 48 : index
    %swap3A_2091 = tpu.vector_load %arg8[%swap3A_2089, %swap3A_2090] {strides = array<i32>} : memref<16x128xf32, #tpu.memory_space<vmem>>, vector<1x16xf32>,
    %swap3A_2092 = vector.shape_cast %swap3A_2091 : vector<1x16xf32> to vector<16xf32>
    %swap3A_2093 = vector.shape_cast %add3A_2087 : vector<16xf32> to vector<1x16xf32>
    tpu.vector_store %arg8[%swap3A_2089, %swap3A_2090], %swap3A_2093 {strides = array<i32>} : memref<16x128xf32, #tpu.memory_space<vmem>>, vector<1x16xf32>,
    %get3A_2094 = arith.constant 15 : i32
    %get3A_2095 = arith.index_cast %get3A_2094 : i32 to index
    %get3A_2096 = arith.constant 64 : index
    %get3A_2097 = tpu.vector_load %arg8[%get3A_2095, %get3A_2096] {strides = array<i32>} : memref<16x128xf32, #tpu.memory_space<vmem>>, vector<1x16xf32>,
    %get3A_2098 = vector.shape_cast %get3A_2097 : vector<1x16xf32> to vector<16xf32>
    %get3A_2099 = arith.index_cast %select_n3A_2029 : i32 to index
    %get3A_2100 = arith.constant 64 : index
    %get3A_2101 = tpu.vector_load %arg9[%get3A_2099, %get3A_2100] {strides = array<i32>} : memref<2x128xf32, #tpu.memory_space<vmem>>, vector<1x16xf32>,
    %get3A_2102 = vector.shape_cast %get3A_2101 : vector<1x16xf32> to vector<16xf32>
    %add3A_2103 = arith.addf %get3A_2098, %get3A_2102 : vector<16xf32>
    %swap3A_2104 = arith.constant 15 : i32
    %swap3A_2105 = arith.index_cast %swap3A_2104 : i32 to index
    %swap3A_2106 = arith.constant 64 : index
    %swap3A_2107 = tpu.vector_load %arg8[%swap3A_2105, %swap3A_2106] {strides = array<i32>} : memref<16x128xf32, #tpu.memory_space<vmem>>, vector<1x16xf32>,
    %swap3A_2108 = vector.shape_cast %swap3A_2107 : vector<1x16xf32> to vector<16xf32>
    %swap3A_2109 = vector.shape_cast %add3A_2103 : vector<16xf32> to vector<1x16xf32>
    tpu.vector_store %arg8[%swap3A_2105, %swap3A_2106], %swap3A_2109 {strides = array<i32>} : memref<16x128xf32, #tpu.memory_space<vmem>>, vector<1x16xf32>,
    %get3A_2110 = arith.constant 15 : i32
    %get3A_2111 = arith.index_cast %get3A_2110 : i32 to index
    %get3A_2112 = arith.constant 80 : index
    %get3A_2113 = tpu.vector_load %arg8[%get3A_2111, %get3A_2112] {strides = array<i32>} : memref<16x128xf32, #tpu.memory_space<vmem>>, vector<1x16xf32>,
    %get3A_2114 = vector.shape_cast %get3A_2113 : vector<1x16xf32> to vector<16xf32>
    %get3A_2115 = arith.index_cast %select_n3A_2029 : i32 to index
    %get3A_2116 = arith.constant 80 : index
    %get3A_2117 = tpu.vector_load %arg9[%get3A_2115, %get3A_2116] {strides = array<i32>} : memref<2x128xf32, #tpu.memory_space<vmem>>, vector<1x16xf32>,
    %get3A_2118 = vector.shape_cast %get3A_2117 : vector<1x16xf32> to vector<16xf32>
    %add3A_2119 = arith.addf %get3A_2114, %get3A_2118 : vector<16xf32>
    %swap3A_2120 = arith.constant 15 : i32
    %swap3A_2121 = arith.index_cast %swap3A_2120 : i32 to index
    %swap3A_2122 = arith.constant 80 : index
    %swap3A_2123 = tpu.vector_load %arg8[%swap3A_2121, %swap3A_2122] {strides = array<i32>} : memref<16x128xf32, #tpu.memory_space<vmem>>, vector<1x16xf32>,
    %swap3A_2124 = vector.shape_cast %swap3A_2123 : vector<1x16xf32> to vector<16xf32>
    %swap3A_2125 = vector.shape_cast %add3A_2119 : vector<16xf32> to vector<1x16xf32>
    tpu.vector_store %arg8[%swap3A_2121, %swap3A_2122], %swap3A_2125 {strides = array<i32>} : memref<16x128xf32, #tpu.memory_space<vmem>>, vector<1x16xf32>,
    %get3A_2126 = arith.constant 15 : i32
    %get3A_2127 = arith.index_cast %get3A_2126 : i32 to index
    %get3A_2128 = arith.constant 96 : index
    %get3A_2129 = tpu.vector_load %arg8[%get3A_2127, %get3A_2128] {strides = array<i32>} : memref<16x128xf32, #tpu.memory_space<vmem>>, vector<1x16xf32>,
    %get3A_2130 = vector.shape_cast %get3A_2129 : vector<1x16xf32> to vector<16xf32>
    %get3A_2131 = arith.index_cast %select_n3A_2029 : i32 to index
    %get3A_2132 = arith.constant 96 : index
    %get3A_2133 = tpu.vector_load %arg9[%get3A_2131, %get3A_2132] {strides = array<i32>} : memref<2x128xf32, #tpu.memory_space<vmem>>, vector<1x16xf32>,
    %get3A_2134 = vector.shape_cast %get3A_2133 : vector<1x16xf32> to vector<16xf32>
    %add3A_2135 = arith.addf %get3A_2130, %get3A_2134 : vector<16xf32>
    %swap3A_2136 = arith.constant 15 : i32
    %swap3A_2137 = arith.index_cast %swap3A_2136 : i32 to index
    %swap3A_2138 = arith.constant 96 : index
    %swap3A_2139 = tpu.vector_load %arg8[%swap3A_2137, %swap3A_2138] {strides = array<i32>} : memref<16x128xf32, #tpu.memory_space<vmem>>, vector<1x16xf32>,
    %swap3A_2140 = vector.shape_cast %swap3A_2139 : vector<1x16xf32> to vector<16xf32>
    %swap3A_2141 = vector.shape_cast %add3A_2135 : vector<16xf32> to vector<1x16xf32>
    tpu.vector_store %arg8[%swap3A_2137, %swap3A_2138], %swap3A_2141 {strides = array<i32>} : memref<16x128xf32, #tpu.memory_space<vmem>>, vector<1x16xf32>,
    %get3A_2142 = arith.constant 15 : i32
    %get3A_2143 = arith.index_cast %get3A_2142 : i32 to index
    %get3A_2144 = arith.constant 112 : index
    %get3A_2145 = tpu.vector_load %arg8[%get3A_2143, %get3A_2144] {strides = array<i32>} : memref<16x128xf32, #tpu.memory_space<vmem>>, vector<1x16xf32>,
    %get3A_2146 = vector.shape_cast %get3A_2145 : vector<1x16xf32> to vector<16xf32>
    %get3A_2147 = arith.index_cast %select_n3A_2029 : i32 to index
    %get3A_2148 = arith.constant 112 : index
    %get3A_2149 = tpu.vector_load %arg9[%get3A_2147, %get3A_2148] {strides = array<i32>} : memref<2x128xf32, #tpu.memory_space<vmem>>, vector<1x16xf32>,
    %get3A_2150 = vector.shape_cast %get3A_2149 : vector<1x16xf32> to vector<16xf32>
    %add3A_2151 = arith.addf %get3A_2146, %get3A_2150 : vector<16xf32>
    %swap3A_2152 = arith.constant 15 : i32
    %swap3A_2153 = arith.index_cast %swap3A_2152 : i32 to index
    %swap3A_2154 = arith.constant 112 : index
    %swap3A_2155 = tpu.vector_load %arg8[%swap3A_2153, %swap3A_2154] {strides = array<i32>} : memref<16x128xf32, #tpu.memory_space<vmem>>, vector<1x16xf32>,
    %swap3A_2156 = vector.shape_cast %swap3A_2155 : vector<1x16xf32> to vector<16xf32>
    %swap3A_2157 = vector.shape_cast %add3A_2151 : vector<16xf32> to vector<1x16xf32>
    tpu.vector_store %arg8[%swap3A_2153, %swap3A_2154], %swap3A_2157 {strides = array<i32>} : memref<16x128xf32, #tpu.memory_space<vmem>>, vector<1x16xf32>,
    %dma_start3A = arith.constant 0 : i32
    %dma_start3A_2158 = arith.constant 0 : i32
    %dma_start3A_2159 = arith.constant 0 : i32
    %dma_start3A_2160 = tpu.memref_slice %arg7[%dma_start3A, %dma_start3A_2158, %dma_start3A_2159] : memref<16x8x128xi32, #tpu.memory_space<vmem>> -> memref<1x1x128xi32, #tpu.memory_space<vmem>>
    %dma_start3A_2161 = tpu.memref_squeeze %dma_start3A_2160 : memref<1x1x128xi32, #tpu.memory_space<vmem>> -> memref<128xi32, #tpu.memory_space<vmem>>
    %dma_start3A_2162 = arith.constant 0 : i32
    %dma_start3A_2163 = arith.constant 0 : i32
    %dma_start3A_2164 = tpu.memref_slice %arg3[%dma_start3A_2162, %dma_start3A_2163] : memref<100000x128xf32, #tpu.memory_space<hbm>> -> memref<100000x128xf32, #tpu.memory_space<hbm>>
    tpu.enqueue_indirect_dma source(%dma_start3A_2164 : memref<100000x128xf32, #tpu.memory_space<hbm>>) target(%arg10 : memref<128x128xf32, #tpu.memory_space<vmem>>) offsets(%dma_start3A_2161 : memref<128xi32, #tpu.memory_space<vmem>>) semaphore(%arg14 : memref<!tpu.dma_semaphore, #tpu.memory_space<semaphore_mem>>)
    %dma_start3A_2165 = arith.constant 0 : i32
    %dma_start3A_2166 = arith.constant 1 : i32
    %dma_start3A_2167 = arith.constant 0 : i32
    %dma_start3A_2168 = tpu.memref_slice %arg7[%dma_start3A_2165, %dma_start3A_2166, %dma_start3A_2167] : memref<16x8x128xi32, #tpu.memory_space<vmem>> -> memref<1x1x128xi32, #tpu.memory_space<vmem>>
    %dma_start3A_2169 = tpu.memref_squeeze %dma_start3A_2168 : memref<1x1x128xi32, #tpu.memory_space<vmem>> -> memref<128xi32, #tpu.memory_space<vmem>>
    %dma_start3A_2170 = arith.constant 0 : i32
    %dma_start3A_2171 = arith.constant 0 : i32
    %dma_start3A_2172 = tpu.memref_slice %arg3[%dma_start3A_2170, %dma_start3A_2171] : memref<100000x128xf32, #tpu.memory_space<hbm>> -> memref<100000x128xf32, #tpu.memory_space<hbm>>
    tpu.enqueue_indirect_dma source(%dma_start3A_2172 : memref<100000x128xf32, #tpu.memory_space<hbm>>) target(%arg11 : memref<128x128xf32, #tpu.memory_space<vmem>>) offsets(%dma_start3A_2169 : memref<128xi32, #tpu.memory_space<vmem>>) semaphore(%arg15 : memref<!tpu.dma_semaphore, #tpu.memory_space<semaphore_mem>>)
    %scan3A = arith.constant 0 : i32
    %scan3A_2173 = arith.constant 0 : i32
    %scan3A_2174 = arith.constant 32 : i32
    %scan3A_2175 = arith.addi %scan3A_2173, %scan3A_2174 : i32
    %scan3A_2176 = arith.constant 1 : i32
    scf.for %scan3A_2189 = %scan3A_2173 to %scan3A_2175 step %scan3A_2176  : i32 {
      %mul3A_2190 = arith.constant 4 : i32
      %mul3A_2191 = arith.muli %mul3A_2190, %scan3A_2189 : i32
      %add3A_2192 = arith.constant 0 : i32
      %add3A_2193 = arith.addi %mul3A_2191, %add3A_2192 : i32
      %ge3A_2194 = arith.constant 2 : i32
      %ge3A_2195 = arith.cmpi sge, %add3A_2193, %ge3A_2194 : i32
      %convert_element_type3A_2196 = arith.extui %ge3A_2195 : i1 to i32
      %cond3A_2197 = arith.constant 0 : i32
      %cond3A_2198 = arith.cmpi ne, %convert_element_type3A_2196, %cond3A_2197 : i32
      scf.if %cond3A_2198 {
        %sub3A = arith.constant 2 : i32
        %sub3A_2483 = arith.subi %add3A_2193, %sub3A : i32
        %shift_right_arithmetic3A_2484 = arith.constant 3 : i32
        %shift_right_arithmetic3A_2485 = arith.shrsi %sub3A_2483, %shift_right_arithmetic3A_2484 : i32
        %add3A_2486 = arith.addi %mul3A_2, %shift_right_arithmetic3A_2485 : i32
        %lt3A_2487 = arith.constant 511 : i32
        %lt3A_2488 = arith.cmpi slt, %add3A_2486, %lt3A_2487 : i32
        %convert_element_type3A_2489 = arith.extui %lt3A_2488 : i1 to i32
        %cond3A_2490 = arith.constant 0 : i32
        %cond3A_2491 = arith.cmpi ne, %convert_element_type3A_2489, %cond3A_2490 : i32
        scf.if %cond3A_2491 {
          %dma_wait3A_2492 = arith.constant 0 : i32
          %dma_wait3A_2493 = arith.constant 0 : i32
          %dma_wait3A_2494 = tpu.memref_slice %arg3[%dma_wait3A_2492, %dma_wait3A_2493] : memref<100000x128xf32, #tpu.memory_space<hbm>> -> memref<128x128xf32, #tpu.memory_space<hbm>>
          %dma_wait3A_2495 = arith.constant 0 : i32
          %dma_wait3A_2496 = arith.constant 0 : i32
          %dma_wait3A_2497 = tpu.memref_slice %arg3[%dma_wait3A_2495, %dma_wait3A_2496] : memref<100000x128xf32, #tpu.memory_space<hbm>> -> memref<128x128xf32, #tpu.memory_space<hbm>>
          tpu.wait_dma2 semaphore(%arg20 : memref<!tpu.dma_semaphore, #tpu.memory_space<semaphore_mem>>) src(%dma_wait3A_2497 : memref<128x128xf32, #tpu.memory_space<hbm>>) dst(%arg12 : memref<128x128xf32, #tpu.memory_space<vmem>>)
        } else {
        }
      } else {
      }
      %add3A_2199 = arith.constant 2 : i32
      %add3A_2200 = arith.addi %add3A_2193, %add3A_2199 : i32
      %lt3A_2201 = arith.constant 128 : i32
      %lt3A_2202 = arith.cmpi slt, %add3A_2200, %lt3A_2201 : i32
      %convert_element_type3A_2203 = arith.extui %lt3A_2202 : i1 to i32
      %cond3A_2204 = arith.constant 0 : i32
      %cond3A_2205 = arith.cmpi ne, %convert_element_type3A_2203, %cond3A_2204 : i32
      scf.if %cond3A_2205 {
        %add3A_2483 = arith.constant 2 : i32
        %add3A_2484 = arith.addi %add3A_2193, %add3A_2483 : i32
        %shift_right_arithmetic3A_2485 = arith.constant 3 : i32
        %shift_right_arithmetic3A_2486 = arith.shrsi %add3A_2484, %shift_right_arithmetic3A_2485 : i32
        %and3A_2487 = arith.constant 7 : i32
        %and3A_2488 = arith.andi %add3A_2484, %and3A_2487 : i32
        %dma_start3A_2489 = arith.constant 0 : i32
        %dma_start3A_2490 = tpu.memref_slice %arg7[%shift_right_arithmetic3A_2486, %and3A_2488, %dma_start3A_2489] : memref<16x8x128xi32, #tpu.memory_space<vmem>> -> memref<1x1x128xi32, #tpu.memory_space<vmem>>
        %dma_start3A_2491 = tpu.memref_squeeze %dma_start3A_2490 : memref<1x1x128xi32, #tpu.memory_space<vmem>> -> memref<128xi32, #tpu.memory_space<vmem>>
        %dma_start3A_2492 = arith.constant 0 : i32
        %dma_start3A_2493 = arith.constant 0 : i32
        %dma_start3A_2494 = tpu.memref_slice %arg3[%dma_start3A_2492, %dma_start3A_2493] : memref<100000x128xf32, #tpu.memory_space<hbm>> -> memref<100000x128xf32, #tpu.memory_space<hbm>>
        tpu.enqueue_indirect_dma source(%dma_start3A_2494 : memref<100000x128xf32, #tpu.memory_space<hbm>>) target(%arg12 : memref<128x128xf32, #tpu.memory_space<vmem>>) offsets(%dma_start3A_2491 : memref<128xi32, #tpu.memory_space<vmem>>) semaphore(%arg16 : memref<!tpu.dma_semaphore, #tpu.memory_space<semaphore_mem>>)
      } else {
      }
      %dma_wait3A = arith.constant 0 : i32
      %dma_wait3A_2206 = arith.constant 0 : i32
      %dma_wait3A_2207 = tpu.memref_slice %arg3[%dma_wait3A, %dma_wait3A_2206] : memref<100000x128xf32, #tpu.memory_space<hbm>> -> memref<128x128xf32, #tpu.memory_space<hbm>>
      %dma_wait3A_2208 = arith.constant 0 : i32
      %dma_wait3A_2209 = arith.constant 0 : i32
      %dma_wait3A_2210 = tpu.memref_slice %arg3[%dma_wait3A_2208, %dma_wait3A_2209] : memref<100000x128xf32, #tpu.memory_space<hbm>> -> memref<128x128xf32, #tpu.memory_space<hbm>>
      tpu.wait_dma2 semaphore(%arg14 : memref<!tpu.dma_semaphore, #tpu.memory_space<semaphore_mem>>) src(%dma_wait3A_2210 : memref<128x128xf32, #tpu.memory_space<hbm>>) dst(%arg10 : memref<128x128xf32, #tpu.memory_space<vmem>>)
      %shift_right_arithmetic3A = arith.constant 3 : i32
      %shift_right_arithmetic3A_2211 = arith.shrsi %add3A_2193, %shift_right_arithmetic3A : i32
      %get3A_2212 = arith.index_cast %shift_right_arithmetic3A_2211 : i32 to index
      %get3A_2213 = arith.constant 0 : index
      %get3A_2214 = tpu.vector_load %arg8[%get3A_2212, %get3A_2213] {strides = array<i32>} : memref<16x128xf32, #tpu.memory_space<vmem>>, vector<1x16xf32>,
      %get3A_2215 = vector.shape_cast %get3A_2214 : vector<1x16xf32> to vector<16xf32>
      %get3A_2216 = arith.index_cast %shift_right_arithmetic3A_2211 : i32 to index
      %get3A_2217 = arith.constant 16 : index
      %get3A_2218 = tpu.vector_load %arg8[%get3A_2216, %get3A_2217] {strides = array<i32>} : memref<16x128xf32, #tpu.memory_space<vmem>>, vector<1x16xf32>,
      %get3A_2219 = vector.shape_cast %get3A_2218 : vector<1x16xf32> to vector<16xf32>
      %get3A_2220 = arith.index_cast %shift_right_arithmetic3A_2211 : i32 to index
      %get3A_2221 = arith.constant 32 : index
      %get3A_2222 = tpu.vector_load %arg8[%get3A_2220, %get3A_2221] {strides = array<i32>} : memref<16x128xf32, #tpu.memory_space<vmem>>, vector<1x16xf32>,
      %get3A_2223 = vector.shape_cast %get3A_2222 : vector<1x16xf32> to vector<16xf32>
      %get3A_2224 = arith.index_cast %shift_right_arithmetic3A_2211 : i32 to index
      %get3A_2225 = arith.constant 48 : index
      %get3A_2226 = tpu.vector_load %arg8[%get3A_2224, %get3A_2225] {strides = array<i32>} : memref<16x128xf32, #tpu.memory_space<vmem>>, vector<1x16xf32>,
      %get3A_2227 = vector.shape_cast %get3A_2226 : vector<1x16xf32> to vector<16xf32>
      %get3A_2228 = arith.index_cast %shift_right_arithmetic3A_2211 : i32 to index
      %get3A_2229 = arith.constant 64 : index
      %get3A_2230 = tpu.vector_load %arg8[%get3A_2228, %get3A_2229] {strides = array<i32>} : memref<16x128xf32, #tpu.memory_space<vmem>>, vector<1x16xf32>,
      %get3A_2231 = vector.shape_cast %get3A_2230 : vector<1x16xf32> to vector<16xf32>
      %get3A_2232 = arith.index_cast %shift_right_arithmetic3A_2211 : i32 to index
      %get3A_2233 = arith.constant 80 : index
      %get3A_2234 = tpu.vector_load %arg8[%get3A_2232, %get3A_2233] {strides = array<i32>} : memref<16x128xf32, #tpu.memory_space<vmem>>, vector<1x16xf32>,
      %get3A_2235 = vector.shape_cast %get3A_2234 : vector<1x16xf32> to vector<16xf32>
      %get3A_2236 = arith.index_cast %shift_right_arithmetic3A_2211 : i32 to index
      %get3A_2237 = arith.constant 96 : index
      %get3A_2238 = tpu.vector_load %arg8[%get3A_2236, %get3A_2237] {strides = array<i32>} : memref<16x128xf32, #tpu.memory_space<vmem>>, vector<1x16xf32>,
      %get3A_2239 = vector.shape_cast %get3A_2238 : vector<1x16xf32> to vector<16xf32>
      %get3A_2240 = arith.index_cast %shift_right_arithmetic3A_2211 : i32 to index
      %get3A_2241 = arith.constant 112 : index
      %get3A_2242 = tpu.vector_load %arg8[%get3A_2240, %get3A_2241] {strides = array<i32>} : memref<16x128xf32, #tpu.memory_space<vmem>>, vector<1x16xf32>,
      %get3A_2243 = vector.shape_cast %get3A_2242 : vector<1x16xf32> to vector<16xf32>
      %scan3A_2244 = arith.constant 0 : i32
      %scan3A_2245 = arith.constant 0 : i32
      %scan3A_2246 = arith.constant 32 : i32
      %scan3A_2247 = arith.addi %scan3A_2245, %scan3A_2246 : i32
      %scan3A_2248 = arith.constant 1 : i32
      scf.for %scan3A_2483 = %scan3A_2245 to %scan3A_2247 step %scan3A_2248  : i32 {
        %mul3A_2484 = arith.constant 4 : i32
        %mul3A_2485 = arith.muli %mul3A_2484, %scan3A_2483 : i32
        %add3A_2486 = arith.constant 0 : i32
        %add3A_2487 = arith.addi %mul3A_2485, %add3A_2486 : i32
        %swap3A_2488 = arith.index_cast %add3A_2487 : i32 to index
        %swap3A_2489 = arith.constant 0 : index
        %swap3A_2490 = tpu.vector_load %arg10[%swap3A_2488, %swap3A_2489] {strides = array<i32>} : memref<128x128xf32, #tpu.memory_space<vmem>>, vector<1x16xf32>,
        %swap3A_2491 = vector.shape_cast %swap3A_2490 : vector<1x16xf32> to vector<16xf32>
        %swap3A_2492 = vector.shape_cast %get3A_2215 : vector<16xf32> to vector<1x16xf32>
        tpu.vector_store %arg10[%swap3A_2488, %swap3A_2489], %swap3A_2492 {add = true, strides = array<i32>} : memref<128x128xf32, #tpu.memory_space<vmem>>, vector<1x16xf32>,
        %swap3A_2493 = arith.index_cast %add3A_2487 : i32 to index
        %swap3A_2494 = arith.constant 16 : index
        %swap3A_2495 = tpu.vector_load %arg10[%swap3A_2493, %swap3A_2494] {strides = array<i32>} : memref<128x128xf32, #tpu.memory_space<vmem>>, vector<1x16xf32>,
        %swap3A_2496 = vector.shape_cast %swap3A_2495 : vector<1x16xf32> to vector<16xf32>
        %swap3A_2497 = vector.shape_cast %get3A_2219 : vector<16xf32> to vector<1x16xf32>
        tpu.vector_store %arg10[%swap3A_2493, %swap3A_2494], %swap3A_2497 {add = true, strides = array<i32>} : memref<128x128xf32, #tpu.memory_space<vmem>>, vector<1x16xf32>,
        %swap3A_2498 = arith.index_cast %add3A_2487 : i32 to index
        %swap3A_2499 = arith.constant 32 : index
        %swap3A_2500 = tpu.vector_load %arg10[%swap3A_2498, %swap3A_2499] {strides = array<i32>} : memref<128x128xf32, #tpu.memory_space<vmem>>, vector<1x16xf32>,
        %swap3A_2501 = vector.shape_cast %swap3A_2500 : vector<1x16xf32> to vector<16xf32>
        %swap3A_2502 = vector.shape_cast %get3A_2223 : vector<16xf32> to vector<1x16xf32>
        tpu.vector_store %arg10[%swap3A_2498, %swap3A_2499], %swap3A_2502 {add = true, strides = array<i32>} : memref<128x128xf32, #tpu.memory_space<vmem>>, vector<1x16xf32>,
        %swap3A_2503 = arith.index_cast %add3A_2487 : i32 to index
        %swap3A_2504 = arith.constant 48 : index
        %swap3A_2505 = tpu.vector_load %arg10[%swap3A_2503, %swap3A_2504] {strides = array<i32>} : memref<128x128xf32, #tpu.memory_space<vmem>>, vector<1x16xf32>,
        %swap3A_2506 = vector.shape_cast %swap3A_2505 : vector<1x16xf32> to vector<16xf32>
        %swap3A_2507 = vector.shape_cast %get3A_2227 : vector<16xf32> to vector<1x16xf32>
        tpu.vector_store %arg10[%swap3A_2503, %swap3A_2504], %swap3A_2507 {add = true, strides = array<i32>} : memref<128x128xf32, #tpu.memory_space<vmem>>, vector<1x16xf32>,
        %swap3A_2508 = arith.index_cast %add3A_2487 : i32 to index
        %swap3A_2509 = arith.constant 64 : index
        %swap3A_2510 = tpu.vector_load %arg10[%swap3A_2508, %swap3A_2509] {strides = array<i32>} : memref<128x128xf32, #tpu.memory_space<vmem>>, vector<1x16xf32>,
        %swap3A_2511 = vector.shape_cast %swap3A_2510 : vector<1x16xf32> to vector<16xf32>
        %swap3A_2512 = vector.shape_cast %get3A_2231 : vector<16xf32> to vector<1x16xf32>
        tpu.vector_store %arg10[%swap3A_2508, %swap3A_2509], %swap3A_2512 {add = true, strides = array<i32>} : memref<128x128xf32, #tpu.memory_space<vmem>>, vector<1x16xf32>,
        %swap3A_2513 = arith.index_cast %add3A_2487 : i32 to index
        %swap3A_2514 = arith.constant 80 : index
        %swap3A_2515 = tpu.vector_load %arg10[%swap3A_2513, %swap3A_2514] {strides = array<i32>} : memref<128x128xf32, #tpu.memory_space<vmem>>, vector<1x16xf32>,
        %swap3A_2516 = vector.shape_cast %swap3A_2515 : vector<1x16xf32> to vector<16xf32>
        %swap3A_2517 = vector.shape_cast %get3A_2235 : vector<16xf32> to vector<1x16xf32>
        tpu.vector_store %arg10[%swap3A_2513, %swap3A_2514], %swap3A_2517 {add = true, strides = array<i32>} : memref<128x128xf32, #tpu.memory_space<vmem>>, vector<1x16xf32>,
        %swap3A_2518 = arith.index_cast %add3A_2487 : i32 to index
        %swap3A_2519 = arith.constant 96 : index
        %swap3A_2520 = tpu.vector_load %arg10[%swap3A_2518, %swap3A_2519] {strides = array<i32>} : memref<128x128xf32, #tpu.memory_space<vmem>>, vector<1x16xf32>,
        %swap3A_2521 = vector.shape_cast %swap3A_2520 : vector<1x16xf32> to vector<16xf32>
        %swap3A_2522 = vector.shape_cast %get3A_2239 : vector<16xf32> to vector<1x16xf32>
        tpu.vector_store %arg10[%swap3A_2518, %swap3A_2519], %swap3A_2522 {add = true, strides = array<i32>} : memref<128x128xf32, #tpu.memory_space<vmem>>, vector<1x16xf32>,
        %swap3A_2523 = arith.index_cast %add3A_2487 : i32 to index
        %swap3A_2524 = arith.constant 112 : index
        %swap3A_2525 = tpu.vector_load %arg10[%swap3A_2523, %swap3A_2524] {strides = array<i32>} : memref<128x128xf32, #tpu.memory_space<vmem>>, vector<1x16xf32>,
        %swap3A_2526 = vector.shape_cast %swap3A_2525 : vector<1x16xf32> to vector<16xf32>
        %swap3A_2527 = vector.shape_cast %get3A_2243 : vector<16xf32> to vector<1x16xf32>
        tpu.vector_store %arg10[%swap3A_2523, %swap3A_2524], %swap3A_2527 {add = true, strides = array<i32>} : memref<128x128xf32, #tpu.memory_space<vmem>>, vector<1x16xf32>,
        %mul3A_2528 = arith.constant 4 : i32
        %mul3A_2529 = arith.muli %mul3A_2528, %scan3A_2483 : i32
        %add3A_2530 = arith.constant 1 : i32
        %add3A_2531 = arith.addi %mul3A_2529, %add3A_2530 : i32
        %swap3A_2532 = arith.index_cast %add3A_2531 : i32 to index
        %swap3A_2533 = arith.constant 0 : index
        %swap3A_2534 = tpu.vector_load %arg10[%swap3A_2532, %swap3A_2533] {strides = array<i32>} : memref<128x128xf32, #tpu.memory_space<vmem>>, vector<1x16xf32>,
        %swap3A_2535 = vector.shape_cast %swap3A_2534 : vector<1x16xf32> to vector<16xf32>
        %swap3A_2536 = vector.shape_cast %get3A_2215 : vector<16xf32> to vector<1x16xf32>
        tpu.vector_store %arg10[%swap3A_2532, %swap3A_2533], %swap3A_2536 {add = true, strides = array<i32>} : memref<128x128xf32, #tpu.memory_space<vmem>>, vector<1x16xf32>,
        %swap3A_2537 = arith.index_cast %add3A_2531 : i32 to index
        %swap3A_2538 = arith.constant 16 : index
        %swap3A_2539 = tpu.vector_load %arg10[%swap3A_2537, %swap3A_2538] {strides = array<i32>} : memref<128x128xf32, #tpu.memory_space<vmem>>, vector<1x16xf32>,
        %swap3A_2540 = vector.shape_cast %swap3A_2539 : vector<1x16xf32> to vector<16xf32>
        %swap3A_2541 = vector.shape_cast %get3A_2219 : vector<16xf32> to vector<1x16xf32>
        tpu.vector_store %arg10[%swap3A_2537, %swap3A_2538], %swap3A_2541 {add = true, strides = array<i32>} : memref<128x128xf32, #tpu.memory_space<vmem>>, vector<1x16xf32>,
        %swap3A_2542 = arith.index_cast %add3A_2531 : i32 to index
        %swap3A_2543 = arith.constant 32 : index
        %swap3A_2544 = tpu.vector_load %arg10[%swap3A_2542, %swap3A_2543] {strides = array<i32>} : memref<128x128xf32, #tpu.memory_space<vmem>>, vector<1x16xf32>,
        %swap3A_2545 = vector.shape_cast %swap3A_2544 : vector<1x16xf32> to vector<16xf32>
        %swap3A_2546 = vector.shape_cast %get3A_2223 : vector<16xf32> to vector<1x16xf32>
        tpu.vector_store %arg10[%swap3A_2542, %swap3A_2543], %swap3A_2546 {add = true, strides = array<i32>} : memref<128x128xf32, #tpu.memory_space<vmem>>, vector<1x16xf32>,
        %swap3A_2547 = arith.index_cast %add3A_2531 : i32 to index
        %swap3A_2548 = arith.constant 48 : index
        %swap3A_2549 = tpu.vector_load %arg10[%swap3A_2547, %swap3A_2548] {strides = array<i32>} : memref<128x128xf32, #tpu.memory_space<vmem>>, vector<1x16xf32>,
        %swap3A_2550 = vector.shape_cast %swap3A_2549 : vector<1x16xf32> to vector<16xf32>
        %swap3A_2551 = vector.shape_cast %get3A_2227 : vector<16xf32> to vector<1x16xf32>
        tpu.vector_store %arg10[%swap3A_2547, %swap3A_2548], %swap3A_2551 {add = true, strides = array<i32>} : memref<128x128xf32, #tpu.memory_space<vmem>>, vector<1x16xf32>,
        %swap3A_2552 = arith.index_cast %add3A_2531 : i32 to index
        %swap3A_2553 = arith.constant 64 : index
        %swap3A_2554 = tpu.vector_load %arg10[%swap3A_2552, %swap3A_2553] {strides = array<i32>} : memref<128x128xf32, #tpu.memory_space<vmem>>, vector<1x16xf32>,
        %swap3A_2555 = vector.shape_cast %swap3A_2554 : vector<1x16xf32> to vector<16xf32>
        %swap3A_2556 = vector.shape_cast %get3A_2231 : vector<16xf32> to vector<1x16xf32>
        tpu.vector_store %arg10[%swap3A_2552, %swap3A_2553], %swap3A_2556 {add = true, strides = array<i32>} : memref<128x128xf32, #tpu.memory_space<vmem>>, vector<1x16xf32>,
        %swap3A_2557 = arith.index_cast %add3A_2531 : i32 to index
        %swap3A_2558 = arith.constant 80 : index
        %swap3A_2559 = tpu.vector_load %arg10[%swap3A_2557, %swap3A_2558] {strides = array<i32>} : memref<128x128xf32, #tpu.memory_space<vmem>>, vector<1x16xf32>,
        %swap3A_2560 = vector.shape_cast %swap3A_2559 : vector<1x16xf32> to vector<16xf32>
        %swap3A_2561 = vector.shape_cast %get3A_2235 : vector<16xf32> to vector<1x16xf32>
        tpu.vector_store %arg10[%swap3A_2557, %swap3A_2558], %swap3A_2561 {add = true, strides = array<i32>} : memref<128x128xf32, #tpu.memory_space<vmem>>, vector<1x16xf32>,
        %swap3A_2562 = arith.index_cast %add3A_2531 : i32 to index
        %swap3A_2563 = arith.constant 96 : index
        %swap3A_2564 = tpu.vector_load %arg10[%swap3A_2562, %swap3A_2563] {strides = array<i32>} : memref<128x128xf32, #tpu.memory_space<vmem>>, vector<1x16xf32>,
        %swap3A_2565 = vector.shape_cast %swap3A_2564 : vector<1x16xf32> to vector<16xf32>
        %swap3A_2566 = vector.shape_cast %get3A_2239 : vector<16xf32> to vector<1x16xf32>
        tpu.vector_store %arg10[%swap3A_2562, %swap3A_2563], %swap3A_2566 {add = true, strides = array<i32>} : memref<128x128xf32, #tpu.memory_space<vmem>>, vector<1x16xf32>,
        %swap3A_2567 = arith.index_cast %add3A_2531 : i32 to index
        %swap3A_2568 = arith.constant 112 : index
        %swap3A_2569 = tpu.vector_load %arg10[%swap3A_2567, %swap3A_2568] {strides = array<i32>} : memref<128x128xf32, #tpu.memory_space<vmem>>, vector<1x16xf32>,
        %swap3A_2570 = vector.shape_cast %swap3A_2569 : vector<1x16xf32> to vector<16xf32>
        %swap3A_2571 = vector.shape_cast %get3A_2243 : vector<16xf32> to vector<1x16xf32>
        tpu.vector_store %arg10[%swap3A_2567, %swap3A_2568], %swap3A_2571 {add = true, strides = array<i32>} : memref<128x128xf32, #tpu.memory_space<vmem>>, vector<1x16xf32>,
        %mul3A_2572 = arith.constant 4 : i32
        %mul3A_2573 = arith.muli %mul3A_2572, %scan3A_2483 : i32
        %add3A_2574 = arith.constant 2 : i32
        %add3A_2575 = arith.addi %mul3A_2573, %add3A_2574 : i32
        %swap3A_2576 = arith.index_cast %add3A_2575 : i32 to index
        %swap3A_2577 = arith.constant 0 : index
        %swap3A_2578 = tpu.vector_load %arg10[%swap3A_2576, %swap3A_2577] {strides = array<i32>} : memref<128x128xf32, #tpu.memory_space<vmem>>, vector<1x16xf32>,
        %swap3A_2579 = vector.shape_cast %swap3A_2578 : vector<1x16xf32> to vector<16xf32>
        %swap3A_2580 = vector.shape_cast %get3A_2215 : vector<16xf32> to vector<1x16xf32>
        tpu.vector_store %arg10[%swap3A_2576, %swap3A_2577], %swap3A_2580 {add = true, strides = array<i32>} : memref<128x128xf32, #tpu.memory_space<vmem>>, vector<1x16xf32>,
        %swap3A_2581 = arith.index_cast %add3A_2575 : i32 to index
        %swap3A_2582 = arith.constant 16 : index
        %swap3A_2583 = tpu.vector_load %arg10[%swap3A_2581, %swap3A_2582] {strides = array<i32>} : memref<128x128xf32, #tpu.memory_space<vmem>>, vector<1x16xf32>,
        %swap3A_2584 = vector.shape_cast %swap3A_2583 : vector<1x16xf32> to vector<16xf32>
        %swap3A_2585 = vector.shape_cast %get3A_2219 : vector<16xf32> to vector<1x16xf32>
        tpu.vector_store %arg10[%swap3A_2581, %swap3A_2582], %swap3A_2585 {add = true, strides = array<i32>} : memref<128x128xf32, #tpu.memory_space<vmem>>, vector<1x16xf32>,
        %swap3A_2586 = arith.index_cast %add3A_2575 : i32 to index
        %swap3A_2587 = arith.constant 32 : index
        %swap3A_2588 = tpu.vector_load %arg10[%swap3A_2586, %swap3A_2587] {strides = array<i32>} : memref<128x128xf32, #tpu.memory_space<vmem>>, vector<1x16xf32>,
        %swap3A_2589 = vector.shape_cast %swap3A_2588 : vector<1x16xf32> to vector<16xf32>
        %swap3A_2590 = vector.shape_cast %get3A_2223 : vector<16xf32> to vector<1x16xf32>
        tpu.vector_store %arg10[%swap3A_2586, %swap3A_2587], %swap3A_2590 {add = true, strides = array<i32>} : memref<128x128xf32, #tpu.memory_space<vmem>>, vector<1x16xf32>,
        %swap3A_2591 = arith.index_cast %add3A_2575 : i32 to index
        %swap3A_2592 = arith.constant 48 : index
        %swap3A_2593 = tpu.vector_load %arg10[%swap3A_2591, %swap3A_2592] {strides = array<i32>} : memref<128x128xf32, #tpu.memory_space<vmem>>, vector<1x16xf32>,
        %swap3A_2594 = vector.shape_cast %swap3A_2593 : vector<1x16xf32> to vector<16xf32>
        %swap3A_2595 = vector.shape_cast %get3A_2227 : vector<16xf32> to vector<1x16xf32>
        tpu.vector_store %arg10[%swap3A_2591, %swap3A_2592], %swap3A_2595 {add = true, strides = array<i32>} : memref<128x128xf32, #tpu.memory_space<vmem>>, vector<1x16xf32>,
        %swap3A_2596 = arith.index_cast %add3A_2575 : i32 to index
        %swap3A_2597 = arith.constant 64 : index
        %swap3A_2598 = tpu.vector_load %arg10[%swap3A_2596, %swap3A_2597] {strides = array<i32>} : memref<128x128xf32, #tpu.memory_space<vmem>>, vector<1x16xf32>,
        %swap3A_2599 = vector.shape_cast %swap3A_2598 : vector<1x16xf32> to vector<16xf32>
        %swap3A_2600 = vector.shape_cast %get3A_2231 : vector<16xf32> to vector<1x16xf32>
        tpu.vector_store %arg10[%swap3A_2596, %swap3A_2597], %swap3A_2600 {add = true, strides = array<i32>} : memref<128x128xf32, #tpu.memory_space<vmem>>, vector<1x16xf32>,
        %swap3A_2601 = arith.index_cast %add3A_2575 : i32 to index
        %swap3A_2602 = arith.constant 80 : index
        %swap3A_2603 = tpu.vector_load %arg10[%swap3A_2601, %swap3A_2602] {strides = array<i32>} : memref<128x128xf32, #tpu.memory_space<vmem>>, vector<1x16xf32>,
        %swap3A_2604 = vector.shape_cast %swap3A_2603 : vector<1x16xf32> to vector<16xf32>
        %swap3A_2605 = vector.shape_cast %get3A_2235 : vector<16xf32> to vector<1x16xf32>
        tpu.vector_store %arg10[%swap3A_2601, %swap3A_2602], %swap3A_2605 {add = true, strides = array<i32>} : memref<128x128xf32, #tpu.memory_space<vmem>>, vector<1x16xf32>,
        %swap3A_2606 = arith.index_cast %add3A_2575 : i32 to index
        %swap3A_2607 = arith.constant 96 : index
        %swap3A_2608 = tpu.vector_load %arg10[%swap3A_2606, %swap3A_2607] {strides = array<i32>} : memref<128x128xf32, #tpu.memory_space<vmem>>, vector<1x16xf32>,
        %swap3A_2609 = vector.shape_cast %swap3A_2608 : vector<1x16xf32> to vector<16xf32>
        %swap3A_2610 = vector.shape_cast %get3A_2239 : vector<16xf32> to vector<1x16xf32>
        tpu.vector_store %arg10[%swap3A_2606, %swap3A_2607], %swap3A_2610 {add = true, strides = array<i32>} : memref<128x128xf32, #tpu.memory_space<vmem>>, vector<1x16xf32>,
        %swap3A_2611 = arith.index_cast %add3A_2575 : i32 to index
        %swap3A_2612 = arith.constant 112 : index
        %swap3A_2613 = tpu.vector_load %arg10[%swap3A_2611, %swap3A_2612] {strides = array<i32>} : memref<128x128xf32, #tpu.memory_space<vmem>>, vector<1x16xf32>,
        %swap3A_2614 = vector.shape_cast %swap3A_2613 : vector<1x16xf32> to vector<16xf32>
        %swap3A_2615 = vector.shape_cast %get3A_2243 : vector<16xf32> to vector<1x16xf32>
        tpu.vector_store %arg10[%swap3A_2611, %swap3A_2612], %swap3A_2615 {add = true, strides = array<i32>} : memref<128x128xf32, #tpu.memory_space<vmem>>, vector<1x16xf32>,
        %mul3A_2616 = arith.constant 4 : i32
        %mul3A_2617 = arith.muli %mul3A_2616, %scan3A_2483 : i32
        %add3A_2618 = arith.constant 3 : i32
        %add3A_2619 = arith.addi %mul3A_2617, %add3A_2618 : i32
        %swap3A_2620 = arith.index_cast %add3A_2619 : i32 to index
        %swap3A_2621 = arith.constant 0 : index
        %swap3A_2622 = tpu.vector_load %arg10[%swap3A_2620, %swap3A_2621] {strides = array<i32>} : memref<128x128xf32, #tpu.memory_space<vmem>>, vector<1x16xf32>,
        %swap3A_2623 = vector.shape_cast %swap3A_2622 : vector<1x16xf32> to vector<16xf32>
        %swap3A_2624 = vector.shape_cast %get3A_2215 : vector<16xf32> to vector<1x16xf32>
        tpu.vector_store %arg10[%swap3A_2620, %swap3A_2621], %swap3A_2624 {add = true, strides = array<i32>} : memref<128x128xf32, #tpu.memory_space<vmem>>, vector<1x16xf32>,
        %swap3A_2625 = arith.index_cast %add3A_2619 : i32 to index
        %swap3A_2626 = arith.constant 16 : index
        %swap3A_2627 = tpu.vector_load %arg10[%swap3A_2625, %swap3A_2626] {strides = array<i32>} : memref<128x128xf32, #tpu.memory_space<vmem>>, vector<1x16xf32>,
        %swap3A_2628 = vector.shape_cast %swap3A_2627 : vector<1x16xf32> to vector<16xf32>
        %swap3A_2629 = vector.shape_cast %get3A_2219 : vector<16xf32> to vector<1x16xf32>
        tpu.vector_store %arg10[%swap3A_2625, %swap3A_2626], %swap3A_2629 {add = true, strides = array<i32>} : memref<128x128xf32, #tpu.memory_space<vmem>>, vector<1x16xf32>,
        %swap3A_2630 = arith.index_cast %add3A_2619 : i32 to index
        %swap3A_2631 = arith.constant 32 : index
        %swap3A_2632 = tpu.vector_load %arg10[%swap3A_2630, %swap3A_2631] {strides = array<i32>} : memref<128x128xf32, #tpu.memory_space<vmem>>, vector<1x16xf32>,
        %swap3A_2633 = vector.shape_cast %swap3A_2632 : vector<1x16xf32> to vector<16xf32>
        %swap3A_2634 = vector.shape_cast %get3A_2223 : vector<16xf32> to vector<1x16xf32>
        tpu.vector_store %arg10[%swap3A_2630, %swap3A_2631], %swap3A_2634 {add = true, strides = array<i32>} : memref<128x128xf32, #tpu.memory_space<vmem>>, vector<1x16xf32>,
        %swap3A_2635 = arith.index_cast %add3A_2619 : i32 to index
        %swap3A_2636 = arith.constant 48 : index
        %swap3A_2637 = tpu.vector_load %arg10[%swap3A_2635, %swap3A_2636] {strides = array<i32>} : memref<128x128xf32, #tpu.memory_space<vmem>>, vector<1x16xf32>,
        %swap3A_2638 = vector.shape_cast %swap3A_2637 : vector<1x16xf32> to vector<16xf32>
        %swap3A_2639 = vector.shape_cast %get3A_2227 : vector<16xf32> to vector<1x16xf32>
        tpu.vector_store %arg10[%swap3A_2635, %swap3A_2636], %swap3A_2639 {add = true, strides = array<i32>} : memref<128x128xf32, #tpu.memory_space<vmem>>, vector<1x16xf32>,
        %swap3A_2640 = arith.index_cast %add3A_2619 : i32 to index
        %swap3A_2641 = arith.constant 64 : index
        %swap3A_2642 = tpu.vector_load %arg10[%swap3A_2640, %swap3A_2641] {strides = array<i32>} : memref<128x128xf32, #tpu.memory_space<vmem>>, vector<1x16xf32>,
        %swap3A_2643 = vector.shape_cast %swap3A_2642 : vector<1x16xf32> to vector<16xf32>
        %swap3A_2644 = vector.shape_cast %get3A_2231 : vector<16xf32> to vector<1x16xf32>
        tpu.vector_store %arg10[%swap3A_2640, %swap3A_2641], %swap3A_2644 {add = true, strides = array<i32>} : memref<128x128xf32, #tpu.memory_space<vmem>>, vector<1x16xf32>,
        %swap3A_2645 = arith.index_cast %add3A_2619 : i32 to index
        %swap3A_2646 = arith.constant 80 : index
        %swap3A_2647 = tpu.vector_load %arg10[%swap3A_2645, %swap3A_2646] {strides = array<i32>} : memref<128x128xf32, #tpu.memory_space<vmem>>, vector<1x16xf32>,
        %swap3A_2648 = vector.shape_cast %swap3A_2647 : vector<1x16xf32> to vector<16xf32>
        %swap3A_2649 = vector.shape_cast %get3A_2235 : vector<16xf32> to vector<1x16xf32>
        tpu.vector_store %arg10[%swap3A_2645, %swap3A_2646], %swap3A_2649 {add = true, strides = array<i32>} : memref<128x128xf32, #tpu.memory_space<vmem>>, vector<1x16xf32>,
        %swap3A_2650 = arith.index_cast %add3A_2619 : i32 to index
        %swap3A_2651 = arith.constant 96 : index
        %swap3A_2652 = tpu.vector_load %arg10[%swap3A_2650, %swap3A_2651] {strides = array<i32>} : memref<128x128xf32, #tpu.memory_space<vmem>>, vector<1x16xf32>,
        %swap3A_2653 = vector.shape_cast %swap3A_2652 : vector<1x16xf32> to vector<16xf32>
        %swap3A_2654 = vector.shape_cast %get3A_2239 : vector<16xf32> to vector<1x16xf32>
        tpu.vector_store %arg10[%swap3A_2650, %swap3A_2651], %swap3A_2654 {add = true, strides = array<i32>} : memref<128x128xf32, #tpu.memory_space<vmem>>, vector<1x16xf32>,
        %swap3A_2655 = arith.index_cast %add3A_2619 : i32 to index
        %swap3A_2656 = arith.constant 112 : index
        %swap3A_2657 = tpu.vector_load %arg10[%swap3A_2655, %swap3A_2656] {strides = array<i32>} : memref<128x128xf32, #tpu.memory_space<vmem>>, vector<1x16xf32>,
        %swap3A_2658 = vector.shape_cast %swap3A_2657 : vector<1x16xf32> to vector<16xf32>
        %swap3A_2659 = vector.shape_cast %get3A_2243 : vector<16xf32> to vector<1x16xf32>
        tpu.vector_store %arg10[%swap3A_2655, %swap3A_2656], %swap3A_2659 {add = true, strides = array<i32>} : memref<128x128xf32, #tpu.memory_space<vmem>>, vector<1x16xf32>,
      }
      %scan3A_2249 = arith.constant 32 : i32
      %shift_right_arithmetic3A_2250 = arith.constant 3 : i32
      %shift_right_arithmetic3A_2251 = arith.shrsi %add3A_2193, %shift_right_arithmetic3A_2250 : i32
      %and3A = arith.constant 7 : i32
      %and3A_2252 = arith.andi %add3A_2193, %and3A : i32
      %mul3A_2253 = arith.constant 128 : i32
      %mul3A_2254 = arith.muli %and3A_2252, %mul3A_2253 : i32
      %add3A_2255 = arith.addi %mul3A_2, %shift_right_arithmetic3A_2251 : i32
      %lt3A_2256 = arith.constant 511 : i32
      %lt3A_2257 = arith.cmpi slt, %add3A_2255, %lt3A_2256 : i32
      %convert_element_type3A_2258 = arith.extui %lt3A_2257 : i1 to i32
      %cond3A_2259 = arith.constant 0 : i32
      %cond3A_2260 = arith.cmpi ne, %convert_element_type3A_2258, %cond3A_2259 : i32
      scf.if %cond3A_2260 {
        %dma_start3A_2483 = arith.constant 0 : i32
        %dma_start3A_2484 = tpu.memref_slice %arg6[%add3A_2255, %mul3A_2254, %dma_start3A_2483] : memref<511x1024x128xf32, #tpu.memory_space<hbm>> -> memref<1x128x128xf32, #tpu.memory_space<hbm>>
        %dma_start3A_2485 = tpu.memref_squeeze %dma_start3A_2484 : memref<1x128x128xf32, #tpu.memory_space<hbm>> -> memref<128x128xf32, #tpu.memory_space<hbm>>
        %dma_start3A_2486 = arith.constant 0 : i32
        %dma_start3A_2487 = tpu.memref_slice %arg6[%add3A_2255, %mul3A_2254, %dma_start3A_2486] : memref<511x1024x128xf32, #tpu.memory_space<hbm>> -> memref<1x128x128xf32, #tpu.memory_space<hbm>>
        %dma_start3A_2488 = tpu.memref_squeeze %dma_start3A_2487 : memref<1x128x128xf32, #tpu.memory_space<hbm>> -> memref<128x128xf32, #tpu.memory_space<hbm>>
        tpu.enqueue_dma source(%arg10 : memref<128x128xf32, #tpu.memory_space<vmem>>) target(%dma_start3A_2488 : memref<128x128xf32, #tpu.memory_space<hbm>>) target_semaphore(%arg18 : memref<!tpu.dma_semaphore, #tpu.memory_space<semaphore_mem>>)
      } else {
      }
      %mul3A_2261 = arith.constant 4 : i32
      %mul3A_2262 = arith.muli %mul3A_2261, %scan3A_2189 : i32
      %add3A_2263 = arith.constant 1 : i32
      %add3A_2264 = arith.addi %mul3A_2262, %add3A_2263 : i32
      %ge3A_2265 = arith.constant 2 : i32
      %ge3A_2266 = arith.cmpi sge, %add3A_2264, %ge3A_2265 : i32
      %convert_element_type3A_2267 = arith.extui %ge3A_2266 : i1 to i32
      %cond3A_2268 = arith.constant 0 : i32
      %cond3A_2269 = arith.cmpi ne, %convert_element_type3A_2267, %cond3A_2268 : i32
      scf.if %cond3A_2269 {
        %sub3A = arith.constant 2 : i32
        %sub3A_2483 = arith.subi %add3A_2264, %sub3A : i32
        %shift_right_arithmetic3A_2484 = arith.constant 3 : i32
        %shift_right_arithmetic3A_2485 = arith.shrsi %sub3A_2483, %shift_right_arithmetic3A_2484 : i32
        %add3A_2486 = arith.addi %mul3A_2, %shift_right_arithmetic3A_2485 : i32
        %lt3A_2487 = arith.constant 511 : i32
        %lt3A_2488 = arith.cmpi slt, %add3A_2486, %lt3A_2487 : i32
        %convert_element_type3A_2489 = arith.extui %lt3A_2488 : i1 to i32
        %cond3A_2490 = arith.constant 0 : i32
        %cond3A_2491 = arith.cmpi ne, %convert_element_type3A_2489, %cond3A_2490 : i32
        scf.if %cond3A_2491 {
          %dma_wait3A_2492 = arith.constant 0 : i32
          %dma_wait3A_2493 = arith.constant 0 : i32
          %dma_wait3A_2494 = tpu.memref_slice %arg3[%dma_wait3A_2492, %dma_wait3A_2493] : memref<100000x128xf32, #tpu.memory_space<hbm>> -> memref<128x128xf32, #tpu.memory_space<hbm>>
          %dma_wait3A_2495 = arith.constant 0 : i32
          %dma_wait3A_2496 = arith.constant 0 : i32
          %dma_wait3A_2497 = tpu.memref_slice %arg3[%dma_wait3A_2495, %dma_wait3A_2496] : memref<100000x128xf32, #tpu.memory_space<hbm>> -> memref<128x128xf32, #tpu.memory_space<hbm>>
          tpu.wait_dma2 semaphore(%arg21 : memref<!tpu.dma_semaphore, #tpu.memory_space<semaphore_mem>>) src(%dma_wait3A_2497 : memref<128x128xf32, #tpu.memory_space<hbm>>) dst(%arg13 : memref<128x128xf32, #tpu.memory_space<vmem>>)
        } else {
        }
      } else {
      }
      %add3A_2270 = arith.constant 2 : i32
      %add3A_2271 = arith.addi %add3A_2264, %add3A_2270 : i32
      %lt3A_2272 = arith.constant 128 : i32
      %lt3A_2273 = arith.cmpi slt, %add3A_2271, %lt3A_2272 : i32
      %convert_element_type3A_2274 = arith.extui %lt3A_2273 : i1 to i32
      %cond3A_2275 = arith.constant 0 : i32
      %cond3A_2276 = arith.cmpi ne, %convert_element_type3A_2274, %cond3A_2275 : i32
      scf.if %cond3A_2276 {
        %add3A_2483 = arith.constant 2 : i32
        %add3A_2484 = arith.addi %add3A_2264, %add3A_2483 : i32
        %shift_right_arithmetic3A_2485 = arith.constant 3 : i32
        %shift_right_arithmetic3A_2486 = arith.shrsi %add3A_2484, %shift_right_arithmetic3A_2485 : i32
        %and3A_2487 = arith.constant 7 : i32
        %and3A_2488 = arith.andi %add3A_2484, %and3A_2487 : i32
        %dma_start3A_2489 = arith.constant 0 : i32
        %dma_start3A_2490 = tpu.memref_slice %arg7[%shift_right_arithmetic3A_2486, %and3A_2488, %dma_start3A_2489] : memref<16x8x128xi32, #tpu.memory_space<vmem>> -> memref<1x1x128xi32, #tpu.memory_space<vmem>>
        %dma_start3A_2491 = tpu.memref_squeeze %dma_start3A_2490 : memref<1x1x128xi32, #tpu.memory_space<vmem>> -> memref<128xi32, #tpu.memory_space<vmem>>
        %dma_start3A_2492 = arith.constant 0 : i32
        %dma_start3A_2493 = arith.constant 0 : i32
        %dma_start3A_2494 = tpu.memref_slice %arg3[%dma_start3A_2492, %dma_start3A_2493] : memref<100000x128xf32, #tpu.memory_space<hbm>> -> memref<100000x128xf32, #tpu.memory_space<hbm>>
        tpu.enqueue_indirect_dma source(%dma_start3A_2494 : memref<100000x128xf32, #tpu.memory_space<hbm>>) target(%arg13 : memref<128x128xf32, #tpu.memory_space<vmem>>) offsets(%dma_start3A_2491 : memref<128xi32, #tpu.memory_space<vmem>>) semaphore(%arg17 : memref<!tpu.dma_semaphore, #tpu.memory_space<semaphore_mem>>)
      } else {
      }
      %dma_wait3A_2277 = arith.constant 0 : i32
      %dma_wait3A_2278 = arith.constant 0 : i32
      %dma_wait3A_2279 = tpu.memref_slice %arg3[%dma_wait3A_2277, %dma_wait3A_2278] : memref<100000x128xf32, #tpu.memory_space<hbm>> -> memref<128x128xf32, #tpu.memory_space<hbm>>
      %dma_wait3A_2280 = arith.constant 0 : i32
      %dma_wait3A_2281 = arith.constant 0 : i32
      %dma_wait3A_2282 = tpu.memref_slice %arg3[%dma_wait3A_2280, %dma_wait3A_2281] : memref<100000x128xf32, #tpu.memory_space<hbm>> -> memref<128x128xf32, #tpu.memory_space<hbm>>
      tpu.wait_dma2 semaphore(%arg15 : memref<!tpu.dma_semaphore, #tpu.memory_space<semaphore_mem>>) src(%dma_wait3A_2282 : memref<128x128xf32, #tpu.memory_space<hbm>>) dst(%arg11 : memref<128x128xf32, #tpu.memory_space<vmem>>)
      %shift_right_arithmetic3A_2283 = arith.constant 3 : i32
      %shift_right_arithmetic3A_2284 = arith.shrsi %add3A_2264, %shift_right_arithmetic3A_2283 : i32
      %get3A_2285 = arith.index_cast %shift_right_arithmetic3A_2284 : i32 to index
      %get3A_2286 = arith.constant 0 : index
      %get3A_2287 = tpu.vector_load %arg8[%get3A_2285, %get3A_2286] {strides = array<i32>} : memref<16x128xf32, #tpu.memory_space<vmem>>, vector<1x16xf32>,
      %get3A_2288 = vector.shape_cast %get3A_2287 : vector<1x16xf32> to vector<16xf32>
      %get3A_2289 = arith.index_cast %shift_right_arithmetic3A_2284 : i32 to index
      %get3A_2290 = arith.constant 16 : index
      %get3A_2291 = tpu.vector_load %arg8[%get3A_2289, %get3A_2290] {strides = array<i32>} : memref<16x128xf32, #tpu.memory_space<vmem>>, vector<1x16xf32>,
      %get3A_2292 = vector.shape_cast %get3A_2291 : vector<1x16xf32> to vector<16xf32>
      %get3A_2293 = arith.index_cast %shift_right_arithmetic3A_2284 : i32 to index
      %get3A_2294 = arith.constant 32 : index
      %get3A_2295 = tpu.vector_load %arg8[%get3A_2293, %get3A_2294] {strides = array<i32>} : memref<16x128xf32, #tpu.memory_space<vmem>>, vector<1x16xf32>,
      %get3A_2296 = vector.shape_cast %get3A_2295 : vector<1x16xf32> to vector<16xf32>
      %get3A_2297 = arith.index_cast %shift_right_arithmetic3A_2284 : i32 to index
      %get3A_2298 = arith.constant 48 : index
      %get3A_2299 = tpu.vector_load %arg8[%get3A_2297, %get3A_2298] {strides = array<i32>} : memref<16x128xf32, #tpu.memory_space<vmem>>, vector<1x16xf32>,
      %get3A_2300 = vector.shape_cast %get3A_2299 : vector<1x16xf32> to vector<16xf32>
      %get3A_2301 = arith.index_cast %shift_right_arithmetic3A_2284 : i32 to index
      %get3A_2302 = arith.constant 64 : index
      %get3A_2303 = tpu.vector_load %arg8[%get3A_2301, %get3A_2302] {strides = array<i32>} : memref<16x128xf32, #tpu.memory_space<vmem>>, vector<1x16xf32>,
      %get3A_2304 = vector.shape_cast %get3A_2303 : vector<1x16xf32> to vector<16xf32>
      %get3A_2305 = arith.index_cast %shift_right_arithmetic3A_2284 : i32 to index
      %get3A_2306 = arith.constant 80 : index
      %get3A_2307 = tpu.vector_load %arg8[%get3A_2305, %get3A_2306] {strides = array<i32>} : memref<16x128xf32, #tpu.memory_space<vmem>>, vector<1x16xf32>,
      %get3A_2308 = vector.shape_cast %get3A_2307 : vector<1x16xf32> to vector<16xf32>
      %get3A_2309 = arith.index_cast %shift_right_arithmetic3A_2284 : i32 to index
      %get3A_2310 = arith.constant 96 : index
      %get3A_2311 = tpu.vector_load %arg8[%get3A_2309, %get3A_2310] {strides = array<i32>} : memref<16x128xf32, #tpu.memory_space<vmem>>, vector<1x16xf32>,
      %get3A_2312 = vector.shape_cast %get3A_2311 : vector<1x16xf32> to vector<16xf32>
      %get3A_2313 = arith.index_cast %shift_right_arithmetic3A_2284 : i32 to index
      %get3A_2314 = arith.constant 112 : index
      %get3A_2315 = tpu.vector_load %arg8[%get3A_2313, %get3A_2314] {strides = array<i32>} : memref<16x128xf32, #tpu.memory_space<vmem>>, vector<1x16xf32>,
      %get3A_2316 = vector.shape_cast %get3A_2315 : vector<1x16xf32> to vector<16xf32>
      %scan3A_2317 = arith.constant 0 : i32
      %scan3A_2318 = arith.constant 0 : i32
      %scan3A_2319 = arith.constant 32 : i32
      %scan3A_2320 = arith.addi %scan3A_2318, %scan3A_2319 : i32
      %scan3A_2321 = arith.constant 1 : i32
      scf.for %scan3A_2483 = %scan3A_2318 to %scan3A_2320 step %scan3A_2321  : i32 {
        %mul3A_2484 = arith.constant 4 : i32
        %mul3A_2485 = arith.muli %mul3A_2484, %scan3A_2483 : i32
        %add3A_2486 = arith.constant 0 : i32
        %add3A_2487 = arith.addi %mul3A_2485, %add3A_2486 : i32
        %swap3A_2488 = arith.index_cast %add3A_2487 : i32 to index
        %swap3A_2489 = arith.constant 0 : index
        %swap3A_2490 = tpu.vector_load %arg11[%swap3A_2488, %swap3A_2489] {strides = array<i32>} : memref<128x128xf32, #tpu.memory_space<vmem>>, vector<1x16xf32>,
        %swap3A_2491 = vector.shape_cast %swap3A_2490 : vector<1x16xf32> to vector<16xf32>
        %swap3A_2492 = vector.shape_cast %get3A_2288 : vector<16xf32> to vector<1x16xf32>
        tpu.vector_store %arg11[%swap3A_2488, %swap3A_2489], %swap3A_2492 {add = true, strides = array<i32>} : memref<128x128xf32, #tpu.memory_space<vmem>>, vector<1x16xf32>,
        %swap3A_2493 = arith.index_cast %add3A_2487 : i32 to index
        %swap3A_2494 = arith.constant 16 : index
        %swap3A_2495 = tpu.vector_load %arg11[%swap3A_2493, %swap3A_2494] {strides = array<i32>} : memref<128x128xf32, #tpu.memory_space<vmem>>, vector<1x16xf32>,
        %swap3A_2496 = vector.shape_cast %swap3A_2495 : vector<1x16xf32> to vector<16xf32>
        %swap3A_2497 = vector.shape_cast %get3A_2292 : vector<16xf32> to vector<1x16xf32>
        tpu.vector_store %arg11[%swap3A_2493, %swap3A_2494], %swap3A_2497 {add = true, strides = array<i32>} : memref<128x128xf32, #tpu.memory_space<vmem>>, vector<1x16xf32>,
        %swap3A_2498 = arith.index_cast %add3A_2487 : i32 to index
        %swap3A_2499 = arith.constant 32 : index
        %swap3A_2500 = tpu.vector_load %arg11[%swap3A_2498, %swap3A_2499] {strides = array<i32>} : memref<128x128xf32, #tpu.memory_space<vmem>>, vector<1x16xf32>,
        %swap3A_2501 = vector.shape_cast %swap3A_2500 : vector<1x16xf32> to vector<16xf32>
        %swap3A_2502 = vector.shape_cast %get3A_2296 : vector<16xf32> to vector<1x16xf32>
        tpu.vector_store %arg11[%swap3A_2498, %swap3A_2499], %swap3A_2502 {add = true, strides = array<i32>} : memref<128x128xf32, #tpu.memory_space<vmem>>, vector<1x16xf32>,
        %swap3A_2503 = arith.index_cast %add3A_2487 : i32 to index
        %swap3A_2504 = arith.constant 48 : index
        %swap3A_2505 = tpu.vector_load %arg11[%swap3A_2503, %swap3A_2504] {strides = array<i32>} : memref<128x128xf32, #tpu.memory_space<vmem>>, vector<1x16xf32>,
        %swap3A_2506 = vector.shape_cast %swap3A_2505 : vector<1x16xf32> to vector<16xf32>
        %swap3A_2507 = vector.shape_cast %get3A_2300 : vector<16xf32> to vector<1x16xf32>
        tpu.vector_store %arg11[%swap3A_2503, %swap3A_2504], %swap3A_2507 {add = true, strides = array<i32>} : memref<128x128xf32, #tpu.memory_space<vmem>>, vector<1x16xf32>,
        %swap3A_2508 = arith.index_cast %add3A_2487 : i32 to index
        %swap3A_2509 = arith.constant 64 : index
        %swap3A_2510 = tpu.vector_load %arg11[%swap3A_2508, %swap3A_2509] {strides = array<i32>} : memref<128x128xf32, #tpu.memory_space<vmem>>, vector<1x16xf32>,
        %swap3A_2511 = vector.shape_cast %swap3A_2510 : vector<1x16xf32> to vector<16xf32>
        %swap3A_2512 = vector.shape_cast %get3A_2304 : vector<16xf32> to vector<1x16xf32>
        tpu.vector_store %arg11[%swap3A_2508, %swap3A_2509], %swap3A_2512 {add = true, strides = array<i32>} : memref<128x128xf32, #tpu.memory_space<vmem>>, vector<1x16xf32>,
        %swap3A_2513 = arith.index_cast %add3A_2487 : i32 to index
        %swap3A_2514 = arith.constant 80 : index
        %swap3A_2515 = tpu.vector_load %arg11[%swap3A_2513, %swap3A_2514] {strides = array<i32>} : memref<128x128xf32, #tpu.memory_space<vmem>>, vector<1x16xf32>,
        %swap3A_2516 = vector.shape_cast %swap3A_2515 : vector<1x16xf32> to vector<16xf32>
        %swap3A_2517 = vector.shape_cast %get3A_2308 : vector<16xf32> to vector<1x16xf32>
        tpu.vector_store %arg11[%swap3A_2513, %swap3A_2514], %swap3A_2517 {add = true, strides = array<i32>} : memref<128x128xf32, #tpu.memory_space<vmem>>, vector<1x16xf32>,
        %swap3A_2518 = arith.index_cast %add3A_2487 : i32 to index
        %swap3A_2519 = arith.constant 96 : index
        %swap3A_2520 = tpu.vector_load %arg11[%swap3A_2518, %swap3A_2519] {strides = array<i32>} : memref<128x128xf32, #tpu.memory_space<vmem>>, vector<1x16xf32>,
        %swap3A_2521 = vector.shape_cast %swap3A_2520 : vector<1x16xf32> to vector<16xf32>
        %swap3A_2522 = vector.shape_cast %get3A_2312 : vector<16xf32> to vector<1x16xf32>
        tpu.vector_store %arg11[%swap3A_2518, %swap3A_2519], %swap3A_2522 {add = true, strides = array<i32>} : memref<128x128xf32, #tpu.memory_space<vmem>>, vector<1x16xf32>,
        %swap3A_2523 = arith.index_cast %add3A_2487 : i32 to index
        %swap3A_2524 = arith.constant 112 : index
        %swap3A_2525 = tpu.vector_load %arg11[%swap3A_2523, %swap3A_2524] {strides = array<i32>} : memref<128x128xf32, #tpu.memory_space<vmem>>, vector<1x16xf32>,
        %swap3A_2526 = vector.shape_cast %swap3A_2525 : vector<1x16xf32> to vector<16xf32>
        %swap3A_2527 = vector.shape_cast %get3A_2316 : vector<16xf32> to vector<1x16xf32>
        tpu.vector_store %arg11[%swap3A_2523, %swap3A_2524], %swap3A_2527 {add = true, strides = array<i32>} : memref<128x128xf32, #tpu.memory_space<vmem>>, vector<1x16xf32>,
        %mul3A_2528 = arith.constant 4 : i32
        %mul3A_2529 = arith.muli %mul3A_2528, %scan3A_2483 : i32
        %add3A_2530 = arith.constant 1 : i32
        %add3A_2531 = arith.addi %mul3A_2529, %add3A_2530 : i32
        %swap3A_2532 = arith.index_cast %add3A_2531 : i32 to index
        %swap3A_2533 = arith.constant 0 : index
        %swap3A_2534 = tpu.vector_load %arg11[%swap3A_2532, %swap3A_2533] {strides = array<i32>} : memref<128x128xf32, #tpu.memory_space<vmem>>, vector<1x16xf32>,
        %swap3A_2535 = vector.shape_cast %swap3A_2534 : vector<1x16xf32> to vector<16xf32>
        %swap3A_2536 = vector.shape_cast %get3A_2288 : vector<16xf32> to vector<1x16xf32>
        tpu.vector_store %arg11[%swap3A_2532, %swap3A_2533], %swap3A_2536 {add = true, strides = array<i32>} : memref<128x128xf32, #tpu.memory_space<vmem>>, vector<1x16xf32>,
        %swap3A_2537 = arith.index_cast %add3A_2531 : i32 to index
        %swap3A_2538 = arith.constant 16 : index
        %swap3A_2539 = tpu.vector_load %arg11[%swap3A_2537, %swap3A_2538] {strides = array<i32>} : memref<128x128xf32, #tpu.memory_space<vmem>>, vector<1x16xf32>,
        %swap3A_2540 = vector.shape_cast %swap3A_2539 : vector<1x16xf32> to vector<16xf32>
        %swap3A_2541 = vector.shape_cast %get3A_2292 : vector<16xf32> to vector<1x16xf32>
        tpu.vector_store %arg11[%swap3A_2537, %swap3A_2538], %swap3A_2541 {add = true, strides = array<i32>} : memref<128x128xf32, #tpu.memory_space<vmem>>, vector<1x16xf32>,
        %swap3A_2542 = arith.index_cast %add3A_2531 : i32 to index
        %swap3A_2543 = arith.constant 32 : index
        %swap3A_2544 = tpu.vector_load %arg11[%swap3A_2542, %swap3A_2543] {strides = array<i32>} : memref<128x128xf32, #tpu.memory_space<vmem>>, vector<1x16xf32>,
        %swap3A_2545 = vector.shape_cast %swap3A_2544 : vector<1x16xf32> to vector<16xf32>
        %swap3A_2546 = vector.shape_cast %get3A_2296 : vector<16xf32> to vector<1x16xf32>
        tpu.vector_store %arg11[%swap3A_2542, %swap3A_2543], %swap3A_2546 {add = true, strides = array<i32>} : memref<128x128xf32, #tpu.memory_space<vmem>>, vector<1x16xf32>,
        %swap3A_2547 = arith.index_cast %add3A_2531 : i32 to index
        %swap3A_2548 = arith.constant 48 : index
        %swap3A_2549 = tpu.vector_load %arg11[%swap3A_2547, %swap3A_2548] {strides = array<i32>} : memref<128x128xf32, #tpu.memory_space<vmem>>, vector<1x16xf32>,
        %swap3A_2550 = vector.shape_cast %swap3A_2549 : vector<1x16xf32> to vector<16xf32>
        %swap3A_2551 = vector.shape_cast %get3A_2300 : vector<16xf32> to vector<1x16xf32>
        tpu.vector_store %arg11[%swap3A_2547, %swap3A_2548], %swap3A_2551 {add = true, strides = array<i32>} : memref<128x128xf32, #tpu.memory_space<vmem>>, vector<1x16xf32>,
        %swap3A_2552 = arith.index_cast %add3A_2531 : i32 to index
        %swap3A_2553 = arith.constant 64 : index
        %swap3A_2554 = tpu.vector_load %arg11[%swap3A_2552, %swap3A_2553] {strides = array<i32>} : memref<128x128xf32, #tpu.memory_space<vmem>>, vector<1x16xf32>,
        %swap3A_2555 = vector.shape_cast %swap3A_2554 : vector<1x16xf32> to vector<16xf32>
        %swap3A_2556 = vector.shape_cast %get3A_2304 : vector<16xf32> to vector<1x16xf32>
        tpu.vector_store %arg11[%swap3A_2552, %swap3A_2553], %swap3A_2556 {add = true, strides = array<i32>} : memref<128x128xf32, #tpu.memory_space<vmem>>, vector<1x16xf32>,
        %swap3A_2557 = arith.index_cast %add3A_2531 : i32 to index
        %swap3A_2558 = arith.constant 80 : index
        %swap3A_2559 = tpu.vector_load %arg11[%swap3A_2557, %swap3A_2558] {strides = array<i32>} : memref<128x128xf32, #tpu.memory_space<vmem>>, vector<1x16xf32>,
        %swap3A_2560 = vector.shape_cast %swap3A_2559 : vector<1x16xf32> to vector<16xf32>
        %swap3A_2561 = vector.shape_cast %get3A_2308 : vector<16xf32> to vector<1x16xf32>
        tpu.vector_store %arg11[%swap3A_2557, %swap3A_2558], %swap3A_2561 {add = true, strides = array<i32>} : memref<128x128xf32, #tpu.memory_space<vmem>>, vector<1x16xf32>,
        %swap3A_2562 = arith.index_cast %add3A_2531 : i32 to index
        %swap3A_2563 = arith.constant 96 : index
        %swap3A_2564 = tpu.vector_load %arg11[%swap3A_2562, %swap3A_2563] {strides = array<i32>} : memref<128x128xf32, #tpu.memory_space<vmem>>, vector<1x16xf32>,
        %swap3A_2565 = vector.shape_cast %swap3A_2564 : vector<1x16xf32> to vector<16xf32>
        %swap3A_2566 = vector.shape_cast %get3A_2312 : vector<16xf32> to vector<1x16xf32>
        tpu.vector_store %arg11[%swap3A_2562, %swap3A_2563], %swap3A_2566 {add = true, strides = array<i32>} : memref<128x128xf32, #tpu.memory_space<vmem>>, vector<1x16xf32>,
        %swap3A_2567 = arith.index_cast %add3A_2531 : i32 to index
        %swap3A_2568 = arith.constant 112 : index
        %swap3A_2569 = tpu.vector_load %arg11[%swap3A_2567, %swap3A_2568] {strides = array<i32>} : memref<128x128xf32, #tpu.memory_space<vmem>>, vector<1x16xf32>,
        %swap3A_2570 = vector.shape_cast %swap3A_2569 : vector<1x16xf32> to vector<16xf32>
        %swap3A_2571 = vector.shape_cast %get3A_2316 : vector<16xf32> to vector<1x16xf32>
        tpu.vector_store %arg11[%swap3A_2567, %swap3A_2568], %swap3A_2571 {add = true, strides = array<i32>} : memref<128x128xf32, #tpu.memory_space<vmem>>, vector<1x16xf32>,
        %mul3A_2572 = arith.constant 4 : i32
        %mul3A_2573 = arith.muli %mul3A_2572, %scan3A_2483 : i32
        %add3A_2574 = arith.constant 2 : i32
        %add3A_2575 = arith.addi %mul3A_2573, %add3A_2574 : i32
        %swap3A_2576 = arith.index_cast %add3A_2575 : i32 to index
        %swap3A_2577 = arith.constant 0 : index
        %swap3A_2578 = tpu.vector_load %arg11[%swap3A_2576, %swap3A_2577] {strides = array<i32>} : memref<128x128xf32, #tpu.memory_space<vmem>>, vector<1x16xf32>,
        %swap3A_2579 = vector.shape_cast %swap3A_2578 : vector<1x16xf32> to vector<16xf32>
        %swap3A_2580 = vector.shape_cast %get3A_2288 : vector<16xf32> to vector<1x16xf32>
        tpu.vector_store %arg11[%swap3A_2576, %swap3A_2577], %swap3A_2580 {add = true, strides = array<i32>} : memref<128x128xf32, #tpu.memory_space<vmem>>, vector<1x16xf32>,
        %swap3A_2581 = arith.index_cast %add3A_2575 : i32 to index
        %swap3A_2582 = arith.constant 16 : index
        %swap3A_2583 = tpu.vector_load %arg11[%swap3A_2581, %swap3A_2582] {strides = array<i32>} : memref<128x128xf32, #tpu.memory_space<vmem>>, vector<1x16xf32>,
        %swap3A_2584 = vector.shape_cast %swap3A_2583 : vector<1x16xf32> to vector<16xf32>
        %swap3A_2585 = vector.shape_cast %get3A_2292 : vector<16xf32> to vector<1x16xf32>
        tpu.vector_store %arg11[%swap3A_2581, %swap3A_2582], %swap3A_2585 {add = true, strides = array<i32>} : memref<128x128xf32, #tpu.memory_space<vmem>>, vector<1x16xf32>,
        %swap3A_2586 = arith.index_cast %add3A_2575 : i32 to index
        %swap3A_2587 = arith.constant 32 : index
        %swap3A_2588 = tpu.vector_load %arg11[%swap3A_2586, %swap3A_2587] {strides = array<i32>} : memref<128x128xf32, #tpu.memory_space<vmem>>, vector<1x16xf32>,
        %swap3A_2589 = vector.shape_cast %swap3A_2588 : vector<1x16xf32> to vector<16xf32>
        %swap3A_2590 = vector.shape_cast %get3A_2296 : vector<16xf32> to vector<1x16xf32>
        tpu.vector_store %arg11[%swap3A_2586, %swap3A_2587], %swap3A_2590 {add = true, strides = array<i32>} : memref<128x128xf32, #tpu.memory_space<vmem>>, vector<1x16xf32>,
        %swap3A_2591 = arith.index_cast %add3A_2575 : i32 to index
        %swap3A_2592 = arith.constant 48 : index
        %swap3A_2593 = tpu.vector_load %arg11[%swap3A_2591, %swap3A_2592] {strides = array<i32>} : memref<128x128xf32, #tpu.memory_space<vmem>>, vector<1x16xf32>,
        %swap3A_2594 = vector.shape_cast %swap3A_2593 : vector<1x16xf32> to vector<16xf32>
        %swap3A_2595 = vector.shape_cast %get3A_2300 : vector<16xf32> to vector<1x16xf32>
        tpu.vector_store %arg11[%swap3A_2591, %swap3A_2592], %swap3A_2595 {add = true, strides = array<i32>} : memref<128x128xf32, #tpu.memory_space<vmem>>, vector<1x16xf32>,
        %swap3A_2596 = arith.index_cast %add3A_2575 : i32 to index
        %swap3A_2597 = arith.constant 64 : index
        %swap3A_2598 = tpu.vector_load %arg11[%swap3A_2596, %swap3A_2597] {strides = array<i32>} : memref<128x128xf32, #tpu.memory_space<vmem>>, vector<1x16xf32>,
        %swap3A_2599 = vector.shape_cast %swap3A_2598 : vector<1x16xf32> to vector<16xf32>
        %swap3A_2600 = vector.shape_cast %get3A_2304 : vector<16xf32> to vector<1x16xf32>
        tpu.vector_store %arg11[%swap3A_2596, %swap3A_2597], %swap3A_2600 {add = true, strides = array<i32>} : memref<128x128xf32, #tpu.memory_space<vmem>>, vector<1x16xf32>,
        %swap3A_2601 = arith.index_cast %add3A_2575 : i32 to index
        %swap3A_2602 = arith.constant 80 : index
        %swap3A_2603 = tpu.vector_load %arg11[%swap3A_2601, %swap3A_2602] {strides = array<i32>} : memref<128x128xf32, #tpu.memory_space<vmem>>, vector<1x16xf32>,
        %swap3A_2604 = vector.shape_cast %swap3A_2603 : vector<1x16xf32> to vector<16xf32>
        %swap3A_2605 = vector.shape_cast %get3A_2308 : vector<16xf32> to vector<1x16xf32>
        tpu.vector_store %arg11[%swap3A_2601, %swap3A_2602], %swap3A_2605 {add = true, strides = array<i32>} : memref<128x128xf32, #tpu.memory_space<vmem>>, vector<1x16xf32>,
        %swap3A_2606 = arith.index_cast %add3A_2575 : i32 to index
        %swap3A_2607 = arith.constant 96 : index
        %swap3A_2608 = tpu.vector_load %arg11[%swap3A_2606, %swap3A_2607] {strides = array<i32>} : memref<128x128xf32, #tpu.memory_space<vmem>>, vector<1x16xf32>,
        %swap3A_2609 = vector.shape_cast %swap3A_2608 : vector<1x16xf32> to vector<16xf32>
        %swap3A_2610 = vector.shape_cast %get3A_2312 : vector<16xf32> to vector<1x16xf32>
        tpu.vector_store %arg11[%swap3A_2606, %swap3A_2607], %swap3A_2610 {add = true, strides = array<i32>} : memref<128x128xf32, #tpu.memory_space<vmem>>, vector<1x16xf32>,
        %swap3A_2611 = arith.index_cast %add3A_2575 : i32 to index
        %swap3A_2612 = arith.constant 112 : index
        %swap3A_2613 = tpu.vector_load %arg11[%swap3A_2611, %swap3A_2612] {strides = array<i32>} : memref<128x128xf32, #tpu.memory_space<vmem>>, vector<1x16xf32>,
        %swap3A_2614 = vector.shape_cast %swap3A_2613 : vector<1x16xf32> to vector<16xf32>
        %swap3A_2615 = vector.shape_cast %get3A_2316 : vector<16xf32> to vector<1x16xf32>
        tpu.vector_store %arg11[%swap3A_2611, %swap3A_2612], %swap3A_2615 {add = true, strides = array<i32>} : memref<128x128xf32, #tpu.memory_space<vmem>>, vector<1x16xf32>,
        %mul3A_2616 = arith.constant 4 : i32
        %mul3A_2617 = arith.muli %mul3A_2616, %scan3A_2483 : i32
        %add3A_2618 = arith.constant 3 : i32
        %add3A_2619 = arith.addi %mul3A_2617, %add3A_2618 : i32
        %swap3A_2620 = arith.index_cast %add3A_2619 : i32 to index
        %swap3A_2621 = arith.constant 0 : index
        %swap3A_2622 = tpu.vector_load %arg11[%swap3A_2620, %swap3A_2621] {strides = array<i32>} : memref<128x128xf32, #tpu.memory_space<vmem>>, vector<1x16xf32>,
        %swap3A_2623 = vector.shape_cast %swap3A_2622 : vector<1x16xf32> to vector<16xf32>
        %swap3A_2624 = vector.shape_cast %get3A_2288 : vector<16xf32> to vector<1x16xf32>
        tpu.vector_store %arg11[%swap3A_2620, %swap3A_2621], %swap3A_2624 {add = true, strides = array<i32>} : memref<128x128xf32, #tpu.memory_space<vmem>>, vector<1x16xf32>,
        %swap3A_2625 = arith.index_cast %add3A_2619 : i32 to index
        %swap3A_2626 = arith.constant 16 : index
        %swap3A_2627 = tpu.vector_load %arg11[%swap3A_2625, %swap3A_2626] {strides = array<i32>} : memref<128x128xf32, #tpu.memory_space<vmem>>, vector<1x16xf32>,
        %swap3A_2628 = vector.shape_cast %swap3A_2627 : vector<1x16xf32> to vector<16xf32>
        %swap3A_2629 = vector.shape_cast %get3A_2292 : vector<16xf32> to vector<1x16xf32>
        tpu.vector_store %arg11[%swap3A_2625, %swap3A_2626], %swap3A_2629 {add = true, strides = array<i32>} : memref<128x128xf32, #tpu.memory_space<vmem>>, vector<1x16xf32>,
        %swap3A_2630 = arith.index_cast %add3A_2619 : i32 to index
        %swap3A_2631 = arith.constant 32 : index
        %swap3A_2632 = tpu.vector_load %arg11[%swap3A_2630, %swap3A_2631] {strides = array<i32>} : memref<128x128xf32, #tpu.memory_space<vmem>>, vector<1x16xf32>,
        %swap3A_2633 = vector.shape_cast %swap3A_2632 : vector<1x16xf32> to vector<16xf32>
        %swap3A_2634 = vector.shape_cast %get3A_2296 : vector<16xf32> to vector<1x16xf32>
        tpu.vector_store %arg11[%swap3A_2630, %swap3A_2631], %swap3A_2634 {add = true, strides = array<i32>} : memref<128x128xf32, #tpu.memory_space<vmem>>, vector<1x16xf32>,
        %swap3A_2635 = arith.index_cast %add3A_2619 : i32 to index
        %swap3A_2636 = arith.constant 48 : index
        %swap3A_2637 = tpu.vector_load %arg11[%swap3A_2635, %swap3A_2636] {strides = array<i32>} : memref<128x128xf32, #tpu.memory_space<vmem>>, vector<1x16xf32>,
        %swap3A_2638 = vector.shape_cast %swap3A_2637 : vector<1x16xf32> to vector<16xf32>
        %swap3A_2639 = vector.shape_cast %get3A_2300 : vector<16xf32> to vector<1x16xf32>
        tpu.vector_store %arg11[%swap3A_2635, %swap3A_2636], %swap3A_2639 {add = true, strides = array<i32>} : memref<128x128xf32, #tpu.memory_space<vmem>>, vector<1x16xf32>,
        %swap3A_2640 = arith.index_cast %add3A_2619 : i32 to index
        %swap3A_2641 = arith.constant 64 : index
        %swap3A_2642 = tpu.vector_load %arg11[%swap3A_2640, %swap3A_2641] {strides = array<i32>} : memref<128x128xf32, #tpu.memory_space<vmem>>, vector<1x16xf32>,
        %swap3A_2643 = vector.shape_cast %swap3A_2642 : vector<1x16xf32> to vector<16xf32>
        %swap3A_2644 = vector.shape_cast %get3A_2304 : vector<16xf32> to vector<1x16xf32>
        tpu.vector_store %arg11[%swap3A_2640, %swap3A_2641], %swap3A_2644 {add = true, strides = array<i32>} : memref<128x128xf32, #tpu.memory_space<vmem>>, vector<1x16xf32>,
        %swap3A_2645 = arith.index_cast %add3A_2619 : i32 to index
        %swap3A_2646 = arith.constant 80 : index
        %swap3A_2647 = tpu.vector_load %arg11[%swap3A_2645, %swap3A_2646] {strides = array<i32>} : memref<128x128xf32, #tpu.memory_space<vmem>>, vector<1x16xf32>,
        %swap3A_2648 = vector.shape_cast %swap3A_2647 : vector<1x16xf32> to vector<16xf32>
        %swap3A_2649 = vector.shape_cast %get3A_2308 : vector<16xf32> to vector<1x16xf32>
        tpu.vector_store %arg11[%swap3A_2645, %swap3A_2646], %swap3A_2649 {add = true, strides = array<i32>} : memref<128x128xf32, #tpu.memory_space<vmem>>, vector<1x16xf32>,
        %swap3A_2650 = arith.index_cast %add3A_2619 : i32 to index
        %swap3A_2651 = arith.constant 96 : index
        %swap3A_2652 = tpu.vector_load %arg11[%swap3A_2650, %swap3A_2651] {strides = array<i32>} : memref<128x128xf32, #tpu.memory_space<vmem>>, vector<1x16xf32>,
        %swap3A_2653 = vector.shape_cast %swap3A_2652 : vector<1x16xf32> to vector<16xf32>
        %swap3A_2654 = vector.shape_cast %get3A_2312 : vector<16xf32> to vector<1x16xf32>
        tpu.vector_store %arg11[%swap3A_2650, %swap3A_2651], %swap3A_2654 {add = true, strides = array<i32>} : memref<128x128xf32, #tpu.memory_space<vmem>>, vector<1x16xf32>,
        %swap3A_2655 = arith.index_cast %add3A_2619 : i32 to index
        %swap3A_2656 = arith.constant 112 : index
        %swap3A_2657 = tpu.vector_load %arg11[%swap3A_2655, %swap3A_2656] {strides = array<i32>} : memref<128x128xf32, #tpu.memory_space<vmem>>, vector<1x16xf32>,
        %swap3A_2658 = vector.shape_cast %swap3A_2657 : vector<1x16xf32> to vector<16xf32>
        %swap3A_2659 = vector.shape_cast %get3A_2316 : vector<16xf32> to vector<1x16xf32>
        tpu.vector_store %arg11[%swap3A_2655, %swap3A_2656], %swap3A_2659 {add = true, strides = array<i32>} : memref<128x128xf32, #tpu.memory_space<vmem>>, vector<1x16xf32>,
      }
      %scan3A_2322 = arith.constant 32 : i32
      %shift_right_arithmetic3A_2323 = arith.constant 3 : i32
      %shift_right_arithmetic3A_2324 = arith.shrsi %add3A_2264, %shift_right_arithmetic3A_2323 : i32
      %and3A_2325 = arith.constant 7 : i32
      %and3A_2326 = arith.andi %add3A_2264, %and3A_2325 : i32
      %mul3A_2327 = arith.constant 128 : i32
      %mul3A_2328 = arith.muli %and3A_2326, %mul3A_2327 : i32
      %add3A_2329 = arith.addi %mul3A_2, %shift_right_arithmetic3A_2324 : i32
      %lt3A_2330 = arith.constant 511 : i32
      %lt3A_2331 = arith.cmpi slt, %add3A_2329, %lt3A_2330 : i32
      %convert_element_type3A_2332 = arith.extui %lt3A_2331 : i1 to i32
      %cond3A_2333 = arith.constant 0 : i32
      %cond3A_2334 = arith.cmpi ne, %convert_element_type3A_2332, %cond3A_2333 : i32
      scf.if %cond3A_2334 {
        %dma_start3A_2483 = arith.constant 0 : i32
        %dma_start3A_2484 = tpu.memref_slice %arg6[%add3A_2329, %mul3A_2328, %dma_start3A_2483] : memref<511x1024x128xf32, #tpu.memory_space<hbm>> -> memref<1x128x128xf32, #tpu.memory_space<hbm>>
        %dma_start3A_2485 = tpu.memref_squeeze %dma_start3A_2484 : memref<1x128x128xf32, #tpu.memory_space<hbm>> -> memref<128x128xf32, #tpu.memory_space<hbm>>
        %dma_start3A_2486 = arith.constant 0 : i32
        %dma_start3A_2487 = tpu.memref_slice %arg6[%add3A_2329, %mul3A_2328, %dma_start3A_2486] : memref<511x1024x128xf32, #tpu.memory_space<hbm>> -> memref<1x128x128xf32, #tpu.memory_space<hbm>>
        %dma_start3A_2488 = tpu.memref_squeeze %dma_start3A_2487 : memref<1x128x128xf32, #tpu.memory_space<hbm>> -> memref<128x128xf32, #tpu.memory_space<hbm>>
        tpu.enqueue_dma source(%arg11 : memref<128x128xf32, #tpu.memory_space<vmem>>) target(%dma_start3A_2488 : memref<128x128xf32, #tpu.memory_space<hbm>>) target_semaphore(%arg19 : memref<!tpu.dma_semaphore, #tpu.memory_space<semaphore_mem>>)
      } else {
      }
      %mul3A_2335 = arith.constant 4 : i32
      %mul3A_2336 = arith.muli %mul3A_2335, %scan3A_2189 : i32
      %add3A_2337 = arith.constant 2 : i32
      %add3A_2338 = arith.addi %mul3A_2336, %add3A_2337 : i32
      %ge3A_2339 = arith.constant 2 : i32
      %ge3A_2340 = arith.cmpi sge, %add3A_2338, %ge3A_2339 : i32
      %convert_element_type3A_2341 = arith.extui %ge3A_2340 : i1 to i32
      %cond3A_2342 = arith.constant 0 : i32
      %cond3A_2343 = arith.cmpi ne, %convert_element_type3A_2341, %cond3A_2342 : i32
      scf.if %cond3A_2343 {
        %sub3A = arith.constant 2 : i32
        %sub3A_2483 = arith.subi %add3A_2338, %sub3A : i32
        %shift_right_arithmetic3A_2484 = arith.constant 3 : i32
        %shift_right_arithmetic3A_2485 = arith.shrsi %sub3A_2483, %shift_right_arithmetic3A_2484 : i32
        %add3A_2486 = arith.addi %mul3A_2, %shift_right_arithmetic3A_2485 : i32
        %lt3A_2487 = arith.constant 511 : i32
        %lt3A_2488 = arith.cmpi slt, %add3A_2486, %lt3A_2487 : i32
        %convert_element_type3A_2489 = arith.extui %lt3A_2488 : i1 to i32
        %cond3A_2490 = arith.constant 0 : i32
        %cond3A_2491 = arith.cmpi ne, %convert_element_type3A_2489, %cond3A_2490 : i32
        scf.if %cond3A_2491 {
          %dma_wait3A_2492 = arith.constant 0 : i32
          %dma_wait3A_2493 = arith.constant 0 : i32
          %dma_wait3A_2494 = tpu.memref_slice %arg3[%dma_wait3A_2492, %dma_wait3A_2493] : memref<100000x128xf32, #tpu.memory_space<hbm>> -> memref<128x128xf32, #tpu.memory_space<hbm>>
          %dma_wait3A_2495 = arith.constant 0 : i32
          %dma_wait3A_2496 = arith.constant 0 : i32
          %dma_wait3A_2497 = tpu.memref_slice %arg3[%dma_wait3A_2495, %dma_wait3A_2496] : memref<100000x128xf32, #tpu.memory_space<hbm>> -> memref<128x128xf32, #tpu.memory_space<hbm>>
          tpu.wait_dma2 semaphore(%arg18 : memref<!tpu.dma_semaphore, #tpu.memory_space<semaphore_mem>>) src(%dma_wait3A_2497 : memref<128x128xf32, #tpu.memory_space<hbm>>) dst(%arg10 : memref<128x128xf32, #tpu.memory_space<vmem>>)
        } else {
        }
      } else {
      }
      %add3A_2344 = arith.constant 2 : i32
      %add3A_2345 = arith.addi %add3A_2338, %add3A_2344 : i32
      %lt3A_2346 = arith.constant 128 : i32
      %lt3A_2347 = arith.cmpi slt, %add3A_2345, %lt3A_2346 : i32
      %convert_element_type3A_2348 = arith.extui %lt3A_2347 : i1 to i32
      %cond3A_2349 = arith.constant 0 : i32
      %cond3A_2350 = arith.cmpi ne, %convert_element_type3A_2348, %cond3A_2349 : i32
      scf.if %cond3A_2350 {
        %add3A_2483 = arith.constant 2 : i32
        %add3A_2484 = arith.addi %add3A_2338, %add3A_2483 : i32
        %shift_right_arithmetic3A_2485 = arith.constant 3 : i32
        %shift_right_arithmetic3A_2486 = arith.shrsi %add3A_2484, %shift_right_arithmetic3A_2485 : i32
        %and3A_2487 = arith.constant 7 : i32
        %and3A_2488 = arith.andi %add3A_2484, %and3A_2487 : i32
        %dma_start3A_2489 = arith.constant 0 : i32
        %dma_start3A_2490 = tpu.memref_slice %arg7[%shift_right_arithmetic3A_2486, %and3A_2488, %dma_start3A_2489] : memref<16x8x128xi32, #tpu.memory_space<vmem>> -> memref<1x1x128xi32, #tpu.memory_space<vmem>>
        %dma_start3A_2491 = tpu.memref_squeeze %dma_start3A_2490 : memref<1x1x128xi32, #tpu.memory_space<vmem>> -> memref<128xi32, #tpu.memory_space<vmem>>
        %dma_start3A_2492 = arith.constant 0 : i32
        %dma_start3A_2493 = arith.constant 0 : i32
        %dma_start3A_2494 = tpu.memref_slice %arg3[%dma_start3A_2492, %dma_start3A_2493] : memref<100000x128xf32, #tpu.memory_space<hbm>> -> memref<100000x128xf32, #tpu.memory_space<hbm>>
        tpu.enqueue_indirect_dma source(%dma_start3A_2494 : memref<100000x128xf32, #tpu.memory_space<hbm>>) target(%arg10 : memref<128x128xf32, #tpu.memory_space<vmem>>) offsets(%dma_start3A_2491 : memref<128xi32, #tpu.memory_space<vmem>>) semaphore(%arg14 : memref<!tpu.dma_semaphore, #tpu.memory_space<semaphore_mem>>)
      } else {
      }
      %dma_wait3A_2351 = arith.constant 0 : i32
      %dma_wait3A_2352 = arith.constant 0 : i32
      %dma_wait3A_2353 = tpu.memref_slice %arg3[%dma_wait3A_2351, %dma_wait3A_2352] : memref<100000x128xf32, #tpu.memory_space<hbm>> -> memref<128x128xf32, #tpu.memory_space<hbm>>
      %dma_wait3A_2354 = arith.constant 0 : i32
      %dma_wait3A_2355 = arith.constant 0 : i32
      %dma_wait3A_2356 = tpu.memref_slice %arg3[%dma_wait3A_2354, %dma_wait3A_2355] : memref<100000x128xf32, #tpu.memory_space<hbm>> -> memref<128x128xf32, #tpu.memory_space<hbm>>
      tpu.wait_dma2 semaphore(%arg16 : memref<!tpu.dma_semaphore, #tpu.memory_space<semaphore_mem>>) src(%dma_wait3A_2356 : memref<128x128xf32, #tpu.memory_space<hbm>>) dst(%arg12 : memref<128x128xf32, #tpu.memory_space<vmem>>)
      %shift_right_arithmetic3A_2357 = arith.constant 3 : i32
      %shift_right_arithmetic3A_2358 = arith.shrsi %add3A_2338, %shift_right_arithmetic3A_2357 : i32
      %get3A_2359 = arith.index_cast %shift_right_arithmetic3A_2358 : i32 to index
      %get3A_2360 = arith.constant 0 : index
      %get3A_2361 = tpu.vector_load %arg8[%get3A_2359, %get3A_2360] {strides = array<i32>} : memref<16x128xf32, #tpu.memory_space<vmem>>, vector<1x16xf32>,
      %get3A_2362 = vector.shape_cast %get3A_2361 : vector<1x16xf32> to vector<16xf32>
      %get3A_2363 = arith.index_cast %shift_right_arithmetic3A_2358 : i32 to index
      %get3A_2364 = arith.constant 16 : index
      %get3A_2365 = tpu.vector_load %arg8[%get3A_2363, %get3A_2364] {strides = array<i32>} : memref<16x128xf32, #tpu.memory_space<vmem>>, vector<1x16xf32>,
      %get3A_2366 = vector.shape_cast %get3A_2365 : vector<1x16xf32> to vector<16xf32>
      %get3A_2367 = arith.index_cast %shift_right_arithmetic3A_2358 : i32 to index
      %get3A_2368 = arith.constant 32 : index
      %get3A_2369 = tpu.vector_load %arg8[%get3A_2367, %get3A_2368] {strides = array<i32>} : memref<16x128xf32, #tpu.memory_space<vmem>>, vector<1x16xf32>,
      %get3A_2370 = vector.shape_cast %get3A_2369 : vector<1x16xf32> to vector<16xf32>
      %get3A_2371 = arith.index_cast %shift_right_arithmetic3A_2358 : i32 to index
      %get3A_2372 = arith.constant 48 : index
      %get3A_2373 = tpu.vector_load %arg8[%get3A_2371, %get3A_2372] {strides = array<i32>} : memref<16x128xf32, #tpu.memory_space<vmem>>, vector<1x16xf32>,
      %get3A_2374 = vector.shape_cast %get3A_2373 : vector<1x16xf32> to vector<16xf32>
      %get3A_2375 = arith.index_cast %shift_right_arithmetic3A_2358 : i32 to index
      %get3A_2376 = arith.constant 64 : index
      %get3A_2377 = tpu.vector_load %arg8[%get3A_2375, %get3A_2376] {strides = array<i32>} : memref<16x128xf32, #tpu.memory_space<vmem>>, vector<1x16xf32>,
      %get3A_2378 = vector.shape_cast %get3A_2377 : vector<1x16xf32> to vector<16xf32>
      %get3A_2379 = arith.index_cast %shift_right_arithmetic3A_2358 : i32 to index
      %get3A_2380 = arith.constant 80 : index
      %get3A_2381 = tpu.vector_load %arg8[%get3A_2379, %get3A_2380] {strides = array<i32>} : memref<16x128xf32, #tpu.memory_space<vmem>>, vector<1x16xf32>,
      %get3A_2382 = vector.shape_cast %get3A_2381 : vector<1x16xf32> to vector<16xf32>
      %get3A_2383 = arith.index_cast %shift_right_arithmetic3A_2358 : i32 to index
      %get3A_2384 = arith.constant 96 : index
      %get3A_2385 = tpu.vector_load %arg8[%get3A_2383, %get3A_2384] {strides = array<i32>} : memref<16x128xf32, #tpu.memory_space<vmem>>, vector<1x16xf32>,
      %get3A_2386 = vector.shape_cast %get3A_2385 : vector<1x16xf32> to vector<16xf32>
      %get3A_2387 = arith.index_cast %shift_right_arithmetic3A_2358 : i32 to index
      %get3A_2388 = arith.constant 112 : index
      %get3A_2389 = tpu.vector_load %arg8[%get3A_2387, %get3A_2388] {strides = array<i32>} : memref<16x128xf32, #tpu.memory_space<vmem>>, vector<1x16xf32>,
      %get3A_2390 = vector.shape_cast %get3A_2389 : vector<1x16xf32> to vector<16xf32>
      %scan3A_2391 = arith.constant 0 : i32
      %scan3A_2392 = arith.constant 0 : i32
      %scan3A_2393 = arith.constant 32 : i32
      %scan3A_2394 = arith.addi %scan3A_2392, %scan3A_2393 : i32
      %scan3A_2395 = arith.constant 1 : i32
      scf.for %scan3A_2483 = %scan3A_2392 to %scan3A_2394 step %scan3A_2395  : i32 {
        %mul3A_2484 = arith.constant 4 : i32
        %mul3A_2485 = arith.muli %mul3A_2484, %scan3A_2483 : i32
        %add3A_2486 = arith.constant 0 : i32
        %add3A_2487 = arith.addi %mul3A_2485, %add3A_2486 : i32
        %swap3A_2488 = arith.index_cast %add3A_2487 : i32 to index
        %swap3A_2489 = arith.constant 0 : index
        %swap3A_2490 = tpu.vector_load %arg12[%swap3A_2488, %swap3A_2489] {strides = array<i32>} : memref<128x128xf32, #tpu.memory_space<vmem>>, vector<1x16xf32>,
        %swap3A_2491 = vector.shape_cast %swap3A_2490 : vector<1x16xf32> to vector<16xf32>
        %swap3A_2492 = vector.shape_cast %get3A_2362 : vector<16xf32> to vector<1x16xf32>
        tpu.vector_store %arg12[%swap3A_2488, %swap3A_2489], %swap3A_2492 {add = true, strides = array<i32>} : memref<128x128xf32, #tpu.memory_space<vmem>>, vector<1x16xf32>,
        %swap3A_2493 = arith.index_cast %add3A_2487 : i32 to index
        %swap3A_2494 = arith.constant 16 : index
        %swap3A_2495 = tpu.vector_load %arg12[%swap3A_2493, %swap3A_2494] {strides = array<i32>} : memref<128x128xf32, #tpu.memory_space<vmem>>, vector<1x16xf32>,
        %swap3A_2496 = vector.shape_cast %swap3A_2495 : vector<1x16xf32> to vector<16xf32>
        %swap3A_2497 = vector.shape_cast %get3A_2366 : vector<16xf32> to vector<1x16xf32>
        tpu.vector_store %arg12[%swap3A_2493, %swap3A_2494], %swap3A_2497 {add = true, strides = array<i32>} : memref<128x128xf32, #tpu.memory_space<vmem>>, vector<1x16xf32>,
        %swap3A_2498 = arith.index_cast %add3A_2487 : i32 to index
        %swap3A_2499 = arith.constant 32 : index
        %swap3A_2500 = tpu.vector_load %arg12[%swap3A_2498, %swap3A_2499] {strides = array<i32>} : memref<128x128xf32, #tpu.memory_space<vmem>>, vector<1x16xf32>,
        %swap3A_2501 = vector.shape_cast %swap3A_2500 : vector<1x16xf32> to vector<16xf32>
        %swap3A_2502 = vector.shape_cast %get3A_2370 : vector<16xf32> to vector<1x16xf32>
        tpu.vector_store %arg12[%swap3A_2498, %swap3A_2499], %swap3A_2502 {add = true, strides = array<i32>} : memref<128x128xf32, #tpu.memory_space<vmem>>, vector<1x16xf32>,
        %swap3A_2503 = arith.index_cast %add3A_2487 : i32 to index
        %swap3A_2504 = arith.constant 48 : index
        %swap3A_2505 = tpu.vector_load %arg12[%swap3A_2503, %swap3A_2504] {strides = array<i32>} : memref<128x128xf32, #tpu.memory_space<vmem>>, vector<1x16xf32>,
        %swap3A_2506 = vector.shape_cast %swap3A_2505 : vector<1x16xf32> to vector<16xf32>
        %swap3A_2507 = vector.shape_cast %get3A_2374 : vector<16xf32> to vector<1x16xf32>
        tpu.vector_store %arg12[%swap3A_2503, %swap3A_2504], %swap3A_2507 {add = true, strides = array<i32>} : memref<128x128xf32, #tpu.memory_space<vmem>>, vector<1x16xf32>,
        %swap3A_2508 = arith.index_cast %add3A_2487 : i32 to index
        %swap3A_2509 = arith.constant 64 : index
        %swap3A_2510 = tpu.vector_load %arg12[%swap3A_2508, %swap3A_2509] {strides = array<i32>} : memref<128x128xf32, #tpu.memory_space<vmem>>, vector<1x16xf32>,
        %swap3A_2511 = vector.shape_cast %swap3A_2510 : vector<1x16xf32> to vector<16xf32>
        %swap3A_2512 = vector.shape_cast %get3A_2378 : vector<16xf32> to vector<1x16xf32>
        tpu.vector_store %arg12[%swap3A_2508, %swap3A_2509], %swap3A_2512 {add = true, strides = array<i32>} : memref<128x128xf32, #tpu.memory_space<vmem>>, vector<1x16xf32>,
        %swap3A_2513 = arith.index_cast %add3A_2487 : i32 to index
        %swap3A_2514 = arith.constant 80 : index
        %swap3A_2515 = tpu.vector_load %arg12[%swap3A_2513, %swap3A_2514] {strides = array<i32>} : memref<128x128xf32, #tpu.memory_space<vmem>>, vector<1x16xf32>,
        %swap3A_2516 = vector.shape_cast %swap3A_2515 : vector<1x16xf32> to vector<16xf32>
        %swap3A_2517 = vector.shape_cast %get3A_2382 : vector<16xf32> to vector<1x16xf32>
        tpu.vector_store %arg12[%swap3A_2513, %swap3A_2514], %swap3A_2517 {add = true, strides = array<i32>} : memref<128x128xf32, #tpu.memory_space<vmem>>, vector<1x16xf32>,
        %swap3A_2518 = arith.index_cast %add3A_2487 : i32 to index
        %swap3A_2519 = arith.constant 96 : index
        %swap3A_2520 = tpu.vector_load %arg12[%swap3A_2518, %swap3A_2519] {strides = array<i32>} : memref<128x128xf32, #tpu.memory_space<vmem>>, vector<1x16xf32>,
        %swap3A_2521 = vector.shape_cast %swap3A_2520 : vector<1x16xf32> to vector<16xf32>
        %swap3A_2522 = vector.shape_cast %get3A_2386 : vector<16xf32> to vector<1x16xf32>
        tpu.vector_store %arg12[%swap3A_2518, %swap3A_2519], %swap3A_2522 {add = true, strides = array<i32>} : memref<128x128xf32, #tpu.memory_space<vmem>>, vector<1x16xf32>,
        %swap3A_2523 = arith.index_cast %add3A_2487 : i32 to index
        %swap3A_2524 = arith.constant 112 : index
        %swap3A_2525 = tpu.vector_load %arg12[%swap3A_2523, %swap3A_2524] {strides = array<i32>} : memref<128x128xf32, #tpu.memory_space<vmem>>, vector<1x16xf32>,
        %swap3A_2526 = vector.shape_cast %swap3A_2525 : vector<1x16xf32> to vector<16xf32>
        %swap3A_2527 = vector.shape_cast %get3A_2390 : vector<16xf32> to vector<1x16xf32>
        tpu.vector_store %arg12[%swap3A_2523, %swap3A_2524], %swap3A_2527 {add = true, strides = array<i32>} : memref<128x128xf32, #tpu.memory_space<vmem>>, vector<1x16xf32>,
        %mul3A_2528 = arith.constant 4 : i32
        %mul3A_2529 = arith.muli %mul3A_2528, %scan3A_2483 : i32
        %add3A_2530 = arith.constant 1 : i32
        %add3A_2531 = arith.addi %mul3A_2529, %add3A_2530 : i32
        %swap3A_2532 = arith.index_cast %add3A_2531 : i32 to index
        %swap3A_2533 = arith.constant 0 : index
        %swap3A_2534 = tpu.vector_load %arg12[%swap3A_2532, %swap3A_2533] {strides = array<i32>} : memref<128x128xf32, #tpu.memory_space<vmem>>, vector<1x16xf32>,
        %swap3A_2535 = vector.shape_cast %swap3A_2534 : vector<1x16xf32> to vector<16xf32>
        %swap3A_2536 = vector.shape_cast %get3A_2362 : vector<16xf32> to vector<1x16xf32>
        tpu.vector_store %arg12[%swap3A_2532, %swap3A_2533], %swap3A_2536 {add = true, strides = array<i32>} : memref<128x128xf32, #tpu.memory_space<vmem>>, vector<1x16xf32>,
        %swap3A_2537 = arith.index_cast %add3A_2531 : i32 to index
        %swap3A_2538 = arith.constant 16 : index
        %swap3A_2539 = tpu.vector_load %arg12[%swap3A_2537, %swap3A_2538] {strides = array<i32>} : memref<128x128xf32, #tpu.memory_space<vmem>>, vector<1x16xf32>,
        %swap3A_2540 = vector.shape_cast %swap3A_2539 : vector<1x16xf32> to vector<16xf32>
        %swap3A_2541 = vector.shape_cast %get3A_2366 : vector<16xf32> to vector<1x16xf32>
        tpu.vector_store %arg12[%swap3A_2537, %swap3A_2538], %swap3A_2541 {add = true, strides = array<i32>} : memref<128x128xf32, #tpu.memory_space<vmem>>, vector<1x16xf32>,
        %swap3A_2542 = arith.index_cast %add3A_2531 : i32 to index
        %swap3A_2543 = arith.constant 32 : index
        %swap3A_2544 = tpu.vector_load %arg12[%swap3A_2542, %swap3A_2543] {strides = array<i32>} : memref<128x128xf32, #tpu.memory_space<vmem>>, vector<1x16xf32>,
        %swap3A_2545 = vector.shape_cast %swap3A_2544 : vector<1x16xf32> to vector<16xf32>
        %swap3A_2546 = vector.shape_cast %get3A_2370 : vector<16xf32> to vector<1x16xf32>
        tpu.vector_store %arg12[%swap3A_2542, %swap3A_2543], %swap3A_2546 {add = true, strides = array<i32>} : memref<128x128xf32, #tpu.memory_space<vmem>>, vector<1x16xf32>,
        %swap3A_2547 = arith.index_cast %add3A_2531 : i32 to index
        %swap3A_2548 = arith.constant 48 : index
        %swap3A_2549 = tpu.vector_load %arg12[%swap3A_2547, %swap3A_2548] {strides = array<i32>} : memref<128x128xf32, #tpu.memory_space<vmem>>, vector<1x16xf32>,
        %swap3A_2550 = vector.shape_cast %swap3A_2549 : vector<1x16xf32> to vector<16xf32>
        %swap3A_2551 = vector.shape_cast %get3A_2374 : vector<16xf32> to vector<1x16xf32>
        tpu.vector_store %arg12[%swap3A_2547, %swap3A_2548], %swap3A_2551 {add = true, strides = array<i32>} : memref<128x128xf32, #tpu.memory_space<vmem>>, vector<1x16xf32>,
        %swap3A_2552 = arith.index_cast %add3A_2531 : i32 to index
        %swap3A_2553 = arith.constant 64 : index
        %swap3A_2554 = tpu.vector_load %arg12[%swap3A_2552, %swap3A_2553] {strides = array<i32>} : memref<128x128xf32, #tpu.memory_space<vmem>>, vector<1x16xf32>,
        %swap3A_2555 = vector.shape_cast %swap3A_2554 : vector<1x16xf32> to vector<16xf32>
        %swap3A_2556 = vector.shape_cast %get3A_2378 : vector<16xf32> to vector<1x16xf32>
        tpu.vector_store %arg12[%swap3A_2552, %swap3A_2553], %swap3A_2556 {add = true, strides = array<i32>} : memref<128x128xf32, #tpu.memory_space<vmem>>, vector<1x16xf32>,
        %swap3A_2557 = arith.index_cast %add3A_2531 : i32 to index
        %swap3A_2558 = arith.constant 80 : index
        %swap3A_2559 = tpu.vector_load %arg12[%swap3A_2557, %swap3A_2558] {strides = array<i32>} : memref<128x128xf32, #tpu.memory_space<vmem>>, vector<1x16xf32>,
        %swap3A_2560 = vector.shape_cast %swap3A_2559 : vector<1x16xf32> to vector<16xf32>
        %swap3A_2561 = vector.shape_cast %get3A_2382 : vector<16xf32> to vector<1x16xf32>
        tpu.vector_store %arg12[%swap3A_2557, %swap3A_2558], %swap3A_2561 {add = true, strides = array<i32>} : memref<128x128xf32, #tpu.memory_space<vmem>>, vector<1x16xf32>,
        %swap3A_2562 = arith.index_cast %add3A_2531 : i32 to index
        %swap3A_2563 = arith.constant 96 : index
        %swap3A_2564 = tpu.vector_load %arg12[%swap3A_2562, %swap3A_2563] {strides = array<i32>} : memref<128x128xf32, #tpu.memory_space<vmem>>, vector<1x16xf32>,
        %swap3A_2565 = vector.shape_cast %swap3A_2564 : vector<1x16xf32> to vector<16xf32>
        %swap3A_2566 = vector.shape_cast %get3A_2386 : vector<16xf32> to vector<1x16xf32>
        tpu.vector_store %arg12[%swap3A_2562, %swap3A_2563], %swap3A_2566 {add = true, strides = array<i32>} : memref<128x128xf32, #tpu.memory_space<vmem>>, vector<1x16xf32>,
        %swap3A_2567 = arith.index_cast %add3A_2531 : i32 to index
        %swap3A_2568 = arith.constant 112 : index
        %swap3A_2569 = tpu.vector_load %arg12[%swap3A_2567, %swap3A_2568] {strides = array<i32>} : memref<128x128xf32, #tpu.memory_space<vmem>>, vector<1x16xf32>,
        %swap3A_2570 = vector.shape_cast %swap3A_2569 : vector<1x16xf32> to vector<16xf32>
        %swap3A_2571 = vector.shape_cast %get3A_2390 : vector<16xf32> to vector<1x16xf32>
        tpu.vector_store %arg12[%swap3A_2567, %swap3A_2568], %swap3A_2571 {add = true, strides = array<i32>} : memref<128x128xf32, #tpu.memory_space<vmem>>, vector<1x16xf32>,
        %mul3A_2572 = arith.constant 4 : i32
        %mul3A_2573 = arith.muli %mul3A_2572, %scan3A_2483 : i32
        %add3A_2574 = arith.constant 2 : i32
        %add3A_2575 = arith.addi %mul3A_2573, %add3A_2574 : i32
        %swap3A_2576 = arith.index_cast %add3A_2575 : i32 to index
        %swap3A_2577 = arith.constant 0 : index
        %swap3A_2578 = tpu.vector_load %arg12[%swap3A_2576, %swap3A_2577] {strides = array<i32>} : memref<128x128xf32, #tpu.memory_space<vmem>>, vector<1x16xf32>,
        %swap3A_2579 = vector.shape_cast %swap3A_2578 : vector<1x16xf32> to vector<16xf32>
        %swap3A_2580 = vector.shape_cast %get3A_2362 : vector<16xf32> to vector<1x16xf32>
        tpu.vector_store %arg12[%swap3A_2576, %swap3A_2577], %swap3A_2580 {add = true, strides = array<i32>} : memref<128x128xf32, #tpu.memory_space<vmem>>, vector<1x16xf32>,
        %swap3A_2581 = arith.index_cast %add3A_2575 : i32 to index
        %swap3A_2582 = arith.constant 16 : index
        %swap3A_2583 = tpu.vector_load %arg12[%swap3A_2581, %swap3A_2582] {strides = array<i32>} : memref<128x128xf32, #tpu.memory_space<vmem>>, vector<1x16xf32>,
        %swap3A_2584 = vector.shape_cast %swap3A_2583 : vector<1x16xf32> to vector<16xf32>
        %swap3A_2585 = vector.shape_cast %get3A_2366 : vector<16xf32> to vector<1x16xf32>
        tpu.vector_store %arg12[%swap3A_2581, %swap3A_2582], %swap3A_2585 {add = true, strides = array<i32>} : memref<128x128xf32, #tpu.memory_space<vmem>>, vector<1x16xf32>,
        %swap3A_2586 = arith.index_cast %add3A_2575 : i32 to index
        %swap3A_2587 = arith.constant 32 : index
        %swap3A_2588 = tpu.vector_load %arg12[%swap3A_2586, %swap3A_2587] {strides = array<i32>} : memref<128x128xf32, #tpu.memory_space<vmem>>, vector<1x16xf32>,
        %swap3A_2589 = vector.shape_cast %swap3A_2588 : vector<1x16xf32> to vector<16xf32>
        %swap3A_2590 = vector.shape_cast %get3A_2370 : vector<16xf32> to vector<1x16xf32>
        tpu.vector_store %arg12[%swap3A_2586, %swap3A_2587], %swap3A_2590 {add = true, strides = array<i32>} : memref<128x128xf32, #tpu.memory_space<vmem>>, vector<1x16xf32>,
        %swap3A_2591 = arith.index_cast %add3A_2575 : i32 to index
        %swap3A_2592 = arith.constant 48 : index
        %swap3A_2593 = tpu.vector_load %arg12[%swap3A_2591, %swap3A_2592] {strides = array<i32>} : memref<128x128xf32, #tpu.memory_space<vmem>>, vector<1x16xf32>,
        %swap3A_2594 = vector.shape_cast %swap3A_2593 : vector<1x16xf32> to vector<16xf32>
        %swap3A_2595 = vector.shape_cast %get3A_2374 : vector<16xf32> to vector<1x16xf32>
        tpu.vector_store %arg12[%swap3A_2591, %swap3A_2592], %swap3A_2595 {add = true, strides = array<i32>} : memref<128x128xf32, #tpu.memory_space<vmem>>, vector<1x16xf32>,
        %swap3A_2596 = arith.index_cast %add3A_2575 : i32 to index
        %swap3A_2597 = arith.constant 64 : index
        %swap3A_2598 = tpu.vector_load %arg12[%swap3A_2596, %swap3A_2597] {strides = array<i32>} : memref<128x128xf32, #tpu.memory_space<vmem>>, vector<1x16xf32>,
        %swap3A_2599 = vector.shape_cast %swap3A_2598 : vector<1x16xf32> to vector<16xf32>
        %swap3A_2600 = vector.shape_cast %get3A_2378 : vector<16xf32> to vector<1x16xf32>
        tpu.vector_store %arg12[%swap3A_2596, %swap3A_2597], %swap3A_2600 {add = true, strides = array<i32>} : memref<128x128xf32, #tpu.memory_space<vmem>>, vector<1x16xf32>,
        %swap3A_2601 = arith.index_cast %add3A_2575 : i32 to index
        %swap3A_2602 = arith.constant 80 : index
        %swap3A_2603 = tpu.vector_load %arg12[%swap3A_2601, %swap3A_2602] {strides = array<i32>} : memref<128x128xf32, #tpu.memory_space<vmem>>, vector<1x16xf32>,
        %swap3A_2604 = vector.shape_cast %swap3A_2603 : vector<1x16xf32> to vector<16xf32>
        %swap3A_2605 = vector.shape_cast %get3A_2382 : vector<16xf32> to vector<1x16xf32>
        tpu.vector_store %arg12[%swap3A_2601, %swap3A_2602], %swap3A_2605 {add = true, strides = array<i32>} : memref<128x128xf32, #tpu.memory_space<vmem>>, vector<1x16xf32>,
        %swap3A_2606 = arith.index_cast %add3A_2575 : i32 to index
        %swap3A_2607 = arith.constant 96 : index
        %swap3A_2608 = tpu.vector_load %arg12[%swap3A_2606, %swap3A_2607] {strides = array<i32>} : memref<128x128xf32, #tpu.memory_space<vmem>>, vector<1x16xf32>,
        %swap3A_2609 = vector.shape_cast %swap3A_2608 : vector<1x16xf32> to vector<16xf32>
        %swap3A_2610 = vector.shape_cast %get3A_2386 : vector<16xf32> to vector<1x16xf32>
        tpu.vector_store %arg12[%swap3A_2606, %swap3A_2607], %swap3A_2610 {add = true, strides = array<i32>} : memref<128x128xf32, #tpu.memory_space<vmem>>, vector<1x16xf32>,
        %swap3A_2611 = arith.index_cast %add3A_2575 : i32 to index
        %swap3A_2612 = arith.constant 112 : index
        %swap3A_2613 = tpu.vector_load %arg12[%swap3A_2611, %swap3A_2612] {strides = array<i32>} : memref<128x128xf32, #tpu.memory_space<vmem>>, vector<1x16xf32>,
        %swap3A_2614 = vector.shape_cast %swap3A_2613 : vector<1x16xf32> to vector<16xf32>
        %swap3A_2615 = vector.shape_cast %get3A_2390 : vector<16xf32> to vector<1x16xf32>
        tpu.vector_store %arg12[%swap3A_2611, %swap3A_2612], %swap3A_2615 {add = true, strides = array<i32>} : memref<128x128xf32, #tpu.memory_space<vmem>>, vector<1x16xf32>,
        %mul3A_2616 = arith.constant 4 : i32
        %mul3A_2617 = arith.muli %mul3A_2616, %scan3A_2483 : i32
        %add3A_2618 = arith.constant 3 : i32
        %add3A_2619 = arith.addi %mul3A_2617, %add3A_2618 : i32
        %swap3A_2620 = arith.index_cast %add3A_2619 : i32 to index
        %swap3A_2621 = arith.constant 0 : index
        %swap3A_2622 = tpu.vector_load %arg12[%swap3A_2620, %swap3A_2621] {strides = array<i32>} : memref<128x128xf32, #tpu.memory_space<vmem>>, vector<1x16xf32>,
        %swap3A_2623 = vector.shape_cast %swap3A_2622 : vector<1x16xf32> to vector<16xf32>
        %swap3A_2624 = vector.shape_cast %get3A_2362 : vector<16xf32> to vector<1x16xf32>
        tpu.vector_store %arg12[%swap3A_2620, %swap3A_2621], %swap3A_2624 {add = true, strides = array<i32>} : memref<128x128xf32, #tpu.memory_space<vmem>>, vector<1x16xf32>,
        %swap3A_2625 = arith.index_cast %add3A_2619 : i32 to index
        %swap3A_2626 = arith.constant 16 : index
        %swap3A_2627 = tpu.vector_load %arg12[%swap3A_2625, %swap3A_2626] {strides = array<i32>} : memref<128x128xf32, #tpu.memory_space<vmem>>, vector<1x16xf32>,
        %swap3A_2628 = vector.shape_cast %swap3A_2627 : vector<1x16xf32> to vector<16xf32>
        %swap3A_2629 = vector.shape_cast %get3A_2366 : vector<16xf32> to vector<1x16xf32>
        tpu.vector_store %arg12[%swap3A_2625, %swap3A_2626], %swap3A_2629 {add = true, strides = array<i32>} : memref<128x128xf32, #tpu.memory_space<vmem>>, vector<1x16xf32>,
        %swap3A_2630 = arith.index_cast %add3A_2619 : i32 to index
        %swap3A_2631 = arith.constant 32 : index
        %swap3A_2632 = tpu.vector_load %arg12[%swap3A_2630, %swap3A_2631] {strides = array<i32>} : memref<128x128xf32, #tpu.memory_space<vmem>>, vector<1x16xf32>,
        %swap3A_2633 = vector.shape_cast %swap3A_2632 : vector<1x16xf32> to vector<16xf32>
        %swap3A_2634 = vector.shape_cast %get3A_2370 : vector<16xf32> to vector<1x16xf32>
        tpu.vector_store %arg12[%swap3A_2630, %swap3A_2631], %swap3A_2634 {add = true, strides = array<i32>} : memref<128x128xf32, #tpu.memory_space<vmem>>, vector<1x16xf32>,
        %swap3A_2635 = arith.index_cast %add3A_2619 : i32 to index
        %swap3A_2636 = arith.constant 48 : index
        %swap3A_2637 = tpu.vector_load %arg12[%swap3A_2635, %swap3A_2636] {strides = array<i32>} : memref<128x128xf32, #tpu.memory_space<vmem>>, vector<1x16xf32>,
        %swap3A_2638 = vector.shape_cast %swap3A_2637 : vector<1x16xf32> to vector<16xf32>
        %swap3A_2639 = vector.shape_cast %get3A_2374 : vector<16xf32> to vector<1x16xf32>
        tpu.vector_store %arg12[%swap3A_2635, %swap3A_2636], %swap3A_2639 {add = true, strides = array<i32>} : memref<128x128xf32, #tpu.memory_space<vmem>>, vector<1x16xf32>,
        %swap3A_2640 = arith.index_cast %add3A_2619 : i32 to index
        %swap3A_2641 = arith.constant 64 : index
        %swap3A_2642 = tpu.vector_load %arg12[%swap3A_2640, %swap3A_2641] {strides = array<i32>} : memref<128x128xf32, #tpu.memory_space<vmem>>, vector<1x16xf32>,
        %swap3A_2643 = vector.shape_cast %swap3A_2642 : vector<1x16xf32> to vector<16xf32>
        %swap3A_2644 = vector.shape_cast %get3A_2378 : vector<16xf32> to vector<1x16xf32>
        tpu.vector_store %arg12[%swap3A_2640, %swap3A_2641], %swap3A_2644 {add = true, strides = array<i32>} : memref<128x128xf32, #tpu.memory_space<vmem>>, vector<1x16xf32>,
        %swap3A_2645 = arith.index_cast %add3A_2619 : i32 to index
        %swap3A_2646 = arith.constant 80 : index
        %swap3A_2647 = tpu.vector_load %arg12[%swap3A_2645, %swap3A_2646] {strides = array<i32>} : memref<128x128xf32, #tpu.memory_space<vmem>>, vector<1x16xf32>,
        %swap3A_2648 = vector.shape_cast %swap3A_2647 : vector<1x16xf32> to vector<16xf32>
        %swap3A_2649 = vector.shape_cast %get3A_2382 : vector<16xf32> to vector<1x16xf32>
        tpu.vector_store %arg12[%swap3A_2645, %swap3A_2646], %swap3A_2649 {add = true, strides = array<i32>} : memref<128x128xf32, #tpu.memory_space<vmem>>, vector<1x16xf32>,
        %swap3A_2650 = arith.index_cast %add3A_2619 : i32 to index
        %swap3A_2651 = arith.constant 96 : index
        %swap3A_2652 = tpu.vector_load %arg12[%swap3A_2650, %swap3A_2651] {strides = array<i32>} : memref<128x128xf32, #tpu.memory_space<vmem>>, vector<1x16xf32>,
        %swap3A_2653 = vector.shape_cast %swap3A_2652 : vector<1x16xf32> to vector<16xf32>
        %swap3A_2654 = vector.shape_cast %get3A_2386 : vector<16xf32> to vector<1x16xf32>
        tpu.vector_store %arg12[%swap3A_2650, %swap3A_2651], %swap3A_2654 {add = true, strides = array<i32>} : memref<128x128xf32, #tpu.memory_space<vmem>>, vector<1x16xf32>,
        %swap3A_2655 = arith.index_cast %add3A_2619 : i32 to index
        %swap3A_2656 = arith.constant 112 : index
        %swap3A_2657 = tpu.vector_load %arg12[%swap3A_2655, %swap3A_2656] {strides = array<i32>} : memref<128x128xf32, #tpu.memory_space<vmem>>, vector<1x16xf32>,
        %swap3A_2658 = vector.shape_cast %swap3A_2657 : vector<1x16xf32> to vector<16xf32>
        %swap3A_2659 = vector.shape_cast %get3A_2390 : vector<16xf32> to vector<1x16xf32>
        tpu.vector_store %arg12[%swap3A_2655, %swap3A_2656], %swap3A_2659 {add = true, strides = array<i32>} : memref<128x128xf32, #tpu.memory_space<vmem>>, vector<1x16xf32>,
      }
      %scan3A_2396 = arith.constant 32 : i32
      %shift_right_arithmetic3A_2397 = arith.constant 3 : i32
      %shift_right_arithmetic3A_2398 = arith.shrsi %add3A_2338, %shift_right_arithmetic3A_2397 : i32
      %and3A_2399 = arith.constant 7 : i32
      %and3A_2400 = arith.andi %add3A_2338, %and3A_2399 : i32
      %mul3A_2401 = arith.constant 128 : i32
      %mul3A_2402 = arith.muli %and3A_2400, %mul3A_2401 : i32
      %add3A_2403 = arith.addi %mul3A_2, %shift_right_arithmetic3A_2398 : i32
      %lt3A_2404 = arith.constant 511 : i32
      %lt3A_2405 = arith.cmpi slt, %add3A_2403, %lt3A_2404 : i32
      %convert_element_type3A_2406 = arith.extui %lt3A_2405 : i1 to i32
      %cond3A_2407 = arith.constant 0 : i32
      %cond3A_2408 = arith.cmpi ne, %convert_element_type3A_2406, %cond3A_2407 : i32
      scf.if %cond3A_2408 {
        %dma_start3A_2483 = arith.constant 0 : i32
        %dma_start3A_2484 = tpu.memref_slice %arg6[%add3A_2403, %mul3A_2402, %dma_start3A_2483] : memref<511x1024x128xf32, #tpu.memory_space<hbm>> -> memref<1x128x128xf32, #tpu.memory_space<hbm>>
        %dma_start3A_2485 = tpu.memref_squeeze %dma_start3A_2484 : memref<1x128x128xf32, #tpu.memory_space<hbm>> -> memref<128x128xf32, #tpu.memory_space<hbm>>
        %dma_start3A_2486 = arith.constant 0 : i32
        %dma_start3A_2487 = tpu.memref_slice %arg6[%add3A_2403, %mul3A_2402, %dma_start3A_2486] : memref<511x1024x128xf32, #tpu.memory_space<hbm>> -> memref<1x128x128xf32, #tpu.memory_space<hbm>>
        %dma_start3A_2488 = tpu.memref_squeeze %dma_start3A_2487 : memref<1x128x128xf32, #tpu.memory_space<hbm>> -> memref<128x128xf32, #tpu.memory_space<hbm>>
        tpu.enqueue_dma source(%arg12 : memref<128x128xf32, #tpu.memory_space<vmem>>) target(%dma_start3A_2488 : memref<128x128xf32, #tpu.memory_space<hbm>>) target_semaphore(%arg20 : memref<!tpu.dma_semaphore, #tpu.memory_space<semaphore_mem>>)
      } else {
      }
      %mul3A_2409 = arith.constant 4 : i32
      %mul3A_2410 = arith.muli %mul3A_2409, %scan3A_2189 : i32
      %add3A_2411 = arith.constant 3 : i32
      %add3A_2412 = arith.addi %mul3A_2410, %add3A_2411 : i32
      %ge3A_2413 = arith.constant 2 : i32
      %ge3A_2414 = arith.cmpi sge, %add3A_2412, %ge3A_2413 : i32
      %convert_element_type3A_2415 = arith.extui %ge3A_2414 : i1 to i32
      %cond3A_2416 = arith.constant 0 : i32
      %cond3A_2417 = arith.cmpi ne, %convert_element_type3A_2415, %cond3A_2416 : i32
      scf.if %cond3A_2417 {
        %sub3A = arith.constant 2 : i32
        %sub3A_2483 = arith.subi %add3A_2412, %sub3A : i32
        %shift_right_arithmetic3A_2484 = arith.constant 3 : i32
        %shift_right_arithmetic3A_2485 = arith.shrsi %sub3A_2483, %shift_right_arithmetic3A_2484 : i32
        %add3A_2486 = arith.addi %mul3A_2, %shift_right_arithmetic3A_2485 : i32
        %lt3A_2487 = arith.constant 511 : i32
        %lt3A_2488 = arith.cmpi slt, %add3A_2486, %lt3A_2487 : i32
        %convert_element_type3A_2489 = arith.extui %lt3A_2488 : i1 to i32
        %cond3A_2490 = arith.constant 0 : i32
        %cond3A_2491 = arith.cmpi ne, %convert_element_type3A_2489, %cond3A_2490 : i32
        scf.if %cond3A_2491 {
          %dma_wait3A_2492 = arith.constant 0 : i32
          %dma_wait3A_2493 = arith.constant 0 : i32
          %dma_wait3A_2494 = tpu.memref_slice %arg3[%dma_wait3A_2492, %dma_wait3A_2493] : memref<100000x128xf32, #tpu.memory_space<hbm>> -> memref<128x128xf32, #tpu.memory_space<hbm>>
          %dma_wait3A_2495 = arith.constant 0 : i32
          %dma_wait3A_2496 = arith.constant 0 : i32
          %dma_wait3A_2497 = tpu.memref_slice %arg3[%dma_wait3A_2495, %dma_wait3A_2496] : memref<100000x128xf32, #tpu.memory_space<hbm>> -> memref<128x128xf32, #tpu.memory_space<hbm>>
          tpu.wait_dma2 semaphore(%arg19 : memref<!tpu.dma_semaphore, #tpu.memory_space<semaphore_mem>>) src(%dma_wait3A_2497 : memref<128x128xf32, #tpu.memory_space<hbm>>) dst(%arg11 : memref<128x128xf32, #tpu.memory_space<vmem>>)
        } else {
        }
      } else {
      }
      %add3A_2418 = arith.constant 2 : i32
      %add3A_2419 = arith.addi %add3A_2412, %add3A_2418 : i32
      %lt3A_2420 = arith.constant 128 : i32
      %lt3A_2421 = arith.cmpi slt, %add3A_2419, %lt3A_2420 : i32
      %convert_element_type3A_2422 = arith.extui %lt3A_2421 : i1 to i32
      %cond3A_2423 = arith.constant 0 : i32
      %cond3A_2424 = arith.cmpi ne, %convert_element_type3A_2422, %cond3A_2423 : i32
      scf.if %cond3A_2424 {
        %add3A_2483 = arith.constant 2 : i32
        %add3A_2484 = arith.addi %add3A_2412, %add3A_2483 : i32
        %shift_right_arithmetic3A_2485 = arith.constant 3 : i32
        %shift_right_arithmetic3A_2486 = arith.shrsi %add3A_2484, %shift_right_arithmetic3A_2485 : i32
        %and3A_2487 = arith.constant 7 : i32
        %and3A_2488 = arith.andi %add3A_2484, %and3A_2487 : i32
        %dma_start3A_2489 = arith.constant 0 : i32
        %dma_start3A_2490 = tpu.memref_slice %arg7[%shift_right_arithmetic3A_2486, %and3A_2488, %dma_start3A_2489] : memref<16x8x128xi32, #tpu.memory_space<vmem>> -> memref<1x1x128xi32, #tpu.memory_space<vmem>>
        %dma_start3A_2491 = tpu.memref_squeeze %dma_start3A_2490 : memref<1x1x128xi32, #tpu.memory_space<vmem>> -> memref<128xi32, #tpu.memory_space<vmem>>
        %dma_start3A_2492 = arith.constant 0 : i32
        %dma_start3A_2493 = arith.constant 0 : i32
        %dma_start3A_2494 = tpu.memref_slice %arg3[%dma_start3A_2492, %dma_start3A_2493] : memref<100000x128xf32, #tpu.memory_space<hbm>> -> memref<100000x128xf32, #tpu.memory_space<hbm>>
        tpu.enqueue_indirect_dma source(%dma_start3A_2494 : memref<100000x128xf32, #tpu.memory_space<hbm>>) target(%arg11 : memref<128x128xf32, #tpu.memory_space<vmem>>) offsets(%dma_start3A_2491 : memref<128xi32, #tpu.memory_space<vmem>>) semaphore(%arg15 : memref<!tpu.dma_semaphore, #tpu.memory_space<semaphore_mem>>)
      } else {
      }
      %dma_wait3A_2425 = arith.constant 0 : i32
      %dma_wait3A_2426 = arith.constant 0 : i32
      %dma_wait3A_2427 = tpu.memref_slice %arg3[%dma_wait3A_2425, %dma_wait3A_2426] : memref<100000x128xf32, #tpu.memory_space<hbm>> -> memref<128x128xf32, #tpu.memory_space<hbm>>
      %dma_wait3A_2428 = arith.constant 0 : i32
      %dma_wait3A_2429 = arith.constant 0 : i32
      %dma_wait3A_2430 = tpu.memref_slice %arg3[%dma_wait3A_2428, %dma_wait3A_2429] : memref<100000x128xf32, #tpu.memory_space<hbm>> -> memref<128x128xf32, #tpu.memory_space<hbm>>
      tpu.wait_dma2 semaphore(%arg17 : memref<!tpu.dma_semaphore, #tpu.memory_space<semaphore_mem>>) src(%dma_wait3A_2430 : memref<128x128xf32, #tpu.memory_space<hbm>>) dst(%arg13 : memref<128x128xf32, #tpu.memory_space<vmem>>)
      %shift_right_arithmetic3A_2431 = arith.constant 3 : i32
      %shift_right_arithmetic3A_2432 = arith.shrsi %add3A_2412, %shift_right_arithmetic3A_2431 : i32
      %get3A_2433 = arith.index_cast %shift_right_arithmetic3A_2432 : i32 to index
      %get3A_2434 = arith.constant 0 : index
      %get3A_2435 = tpu.vector_load %arg8[%get3A_2433, %get3A_2434] {strides = array<i32>} : memref<16x128xf32, #tpu.memory_space<vmem>>, vector<1x16xf32>,
      %get3A_2436 = vector.shape_cast %get3A_2435 : vector<1x16xf32> to vector<16xf32>
      %get3A_2437 = arith.index_cast %shift_right_arithmetic3A_2432 : i32 to index
      %get3A_2438 = arith.constant 16 : index
      %get3A_2439 = tpu.vector_load %arg8[%get3A_2437, %get3A_2438] {strides = array<i32>} : memref<16x128xf32, #tpu.memory_space<vmem>>, vector<1x16xf32>,
      %get3A_2440 = vector.shape_cast %get3A_2439 : vector<1x16xf32> to vector<16xf32>
      %get3A_2441 = arith.index_cast %shift_right_arithmetic3A_2432 : i32 to index
      %get3A_2442 = arith.constant 32 : index
      %get3A_2443 = tpu.vector_load %arg8[%get3A_2441, %get3A_2442] {strides = array<i32>} : memref<16x128xf32, #tpu.memory_space<vmem>>, vector<1x16xf32>,
      %get3A_2444 = vector.shape_cast %get3A_2443 : vector<1x16xf32> to vector<16xf32>
      %get3A_2445 = arith.index_cast %shift_right_arithmetic3A_2432 : i32 to index
      %get3A_2446 = arith.constant 48 : index
      %get3A_2447 = tpu.vector_load %arg8[%get3A_2445, %get3A_2446] {strides = array<i32>} : memref<16x128xf32, #tpu.memory_space<vmem>>, vector<1x16xf32>,
      %get3A_2448 = vector.shape_cast %get3A_2447 : vector<1x16xf32> to vector<16xf32>
      %get3A_2449 = arith.index_cast %shift_right_arithmetic3A_2432 : i32 to index
      %get3A_2450 = arith.constant 64 : index
      %get3A_2451 = tpu.vector_load %arg8[%get3A_2449, %get3A_2450] {strides = array<i32>} : memref<16x128xf32, #tpu.memory_space<vmem>>, vector<1x16xf32>,
      %get3A_2452 = vector.shape_cast %get3A_2451 : vector<1x16xf32> to vector<16xf32>
      %get3A_2453 = arith.index_cast %shift_right_arithmetic3A_2432 : i32 to index
      %get3A_2454 = arith.constant 80 : index
      %get3A_2455 = tpu.vector_load %arg8[%get3A_2453, %get3A_2454] {strides = array<i32>} : memref<16x128xf32, #tpu.memory_space<vmem>>, vector<1x16xf32>,
      %get3A_2456 = vector.shape_cast %get3A_2455 : vector<1x16xf32> to vector<16xf32>
      %get3A_2457 = arith.index_cast %shift_right_arithmetic3A_2432 : i32 to index
      %get3A_2458 = arith.constant 96 : index
      %get3A_2459 = tpu.vector_load %arg8[%get3A_2457, %get3A_2458] {strides = array<i32>} : memref<16x128xf32, #tpu.memory_space<vmem>>, vector<1x16xf32>,
      %get3A_2460 = vector.shape_cast %get3A_2459 : vector<1x16xf32> to vector<16xf32>
      %get3A_2461 = arith.index_cast %shift_right_arithmetic3A_2432 : i32 to index
      %get3A_2462 = arith.constant 112 : index
      %get3A_2463 = tpu.vector_load %arg8[%get3A_2461, %get3A_2462] {strides = array<i32>} : memref<16x128xf32, #tpu.memory_space<vmem>>, vector<1x16xf32>,
      %get3A_2464 = vector.shape_cast %get3A_2463 : vector<1x16xf32> to vector<16xf32>
      %scan3A_2465 = arith.constant 0 : i32
      %scan3A_2466 = arith.constant 0 : i32
      %scan3A_2467 = arith.constant 32 : i32
      %scan3A_2468 = arith.addi %scan3A_2466, %scan3A_2467 : i32
      %scan3A_2469 = arith.constant 1 : i32
      scf.for %scan3A_2483 = %scan3A_2466 to %scan3A_2468 step %scan3A_2469  : i32 {
        %mul3A_2484 = arith.constant 4 : i32
        %mul3A_2485 = arith.muli %mul3A_2484, %scan3A_2483 : i32
        %add3A_2486 = arith.constant 0 : i32
        %add3A_2487 = arith.addi %mul3A_2485, %add3A_2486 : i32
        %swap3A_2488 = arith.index_cast %add3A_2487 : i32 to index
        %swap3A_2489 = arith.constant 0 : index
        %swap3A_2490 = tpu.vector_load %arg13[%swap3A_2488, %swap3A_2489] {strides = array<i32>} : memref<128x128xf32, #tpu.memory_space<vmem>>, vector<1x16xf32>,
        %swap3A_2491 = vector.shape_cast %swap3A_2490 : vector<1x16xf32> to vector<16xf32>
        %swap3A_2492 = vector.shape_cast %get3A_2436 : vector<16xf32> to vector<1x16xf32>
        tpu.vector_store %arg13[%swap3A_2488, %swap3A_2489], %swap3A_2492 {add = true, strides = array<i32>} : memref<128x128xf32, #tpu.memory_space<vmem>>, vector<1x16xf32>,
        %swap3A_2493 = arith.index_cast %add3A_2487 : i32 to index
        %swap3A_2494 = arith.constant 16 : index
        %swap3A_2495 = tpu.vector_load %arg13[%swap3A_2493, %swap3A_2494] {strides = array<i32>} : memref<128x128xf32, #tpu.memory_space<vmem>>, vector<1x16xf32>,
        %swap3A_2496 = vector.shape_cast %swap3A_2495 : vector<1x16xf32> to vector<16xf32>
        %swap3A_2497 = vector.shape_cast %get3A_2440 : vector<16xf32> to vector<1x16xf32>
        tpu.vector_store %arg13[%swap3A_2493, %swap3A_2494], %swap3A_2497 {add = true, strides = array<i32>} : memref<128x128xf32, #tpu.memory_space<vmem>>, vector<1x16xf32>,
        %swap3A_2498 = arith.index_cast %add3A_2487 : i32 to index
        %swap3A_2499 = arith.constant 32 : index
        %swap3A_2500 = tpu.vector_load %arg13[%swap3A_2498, %swap3A_2499] {strides = array<i32>} : memref<128x128xf32, #tpu.memory_space<vmem>>, vector<1x16xf32>,
        %swap3A_2501 = vector.shape_cast %swap3A_2500 : vector<1x16xf32> to vector<16xf32>
        %swap3A_2502 = vector.shape_cast %get3A_2444 : vector<16xf32> to vector<1x16xf32>
        tpu.vector_store %arg13[%swap3A_2498, %swap3A_2499], %swap3A_2502 {add = true, strides = array<i32>} : memref<128x128xf32, #tpu.memory_space<vmem>>, vector<1x16xf32>,
        %swap3A_2503 = arith.index_cast %add3A_2487 : i32 to index
        %swap3A_2504 = arith.constant 48 : index
        %swap3A_2505 = tpu.vector_load %arg13[%swap3A_2503, %swap3A_2504] {strides = array<i32>} : memref<128x128xf32, #tpu.memory_space<vmem>>, vector<1x16xf32>,
        %swap3A_2506 = vector.shape_cast %swap3A_2505 : vector<1x16xf32> to vector<16xf32>
        %swap3A_2507 = vector.shape_cast %get3A_2448 : vector<16xf32> to vector<1x16xf32>
        tpu.vector_store %arg13[%swap3A_2503, %swap3A_2504], %swap3A_2507 {add = true, strides = array<i32>} : memref<128x128xf32, #tpu.memory_space<vmem>>, vector<1x16xf32>,
        %swap3A_2508 = arith.index_cast %add3A_2487 : i32 to index
        %swap3A_2509 = arith.constant 64 : index
        %swap3A_2510 = tpu.vector_load %arg13[%swap3A_2508, %swap3A_2509] {strides = array<i32>} : memref<128x128xf32, #tpu.memory_space<vmem>>, vector<1x16xf32>,
        %swap3A_2511 = vector.shape_cast %swap3A_2510 : vector<1x16xf32> to vector<16xf32>
        %swap3A_2512 = vector.shape_cast %get3A_2452 : vector<16xf32> to vector<1x16xf32>
        tpu.vector_store %arg13[%swap3A_2508, %swap3A_2509], %swap3A_2512 {add = true, strides = array<i32>} : memref<128x128xf32, #tpu.memory_space<vmem>>, vector<1x16xf32>,
        %swap3A_2513 = arith.index_cast %add3A_2487 : i32 to index
        %swap3A_2514 = arith.constant 80 : index
        %swap3A_2515 = tpu.vector_load %arg13[%swap3A_2513, %swap3A_2514] {strides = array<i32>} : memref<128x128xf32, #tpu.memory_space<vmem>>, vector<1x16xf32>,
        %swap3A_2516 = vector.shape_cast %swap3A_2515 : vector<1x16xf32> to vector<16xf32>
        %swap3A_2517 = vector.shape_cast %get3A_2456 : vector<16xf32> to vector<1x16xf32>
        tpu.vector_store %arg13[%swap3A_2513, %swap3A_2514], %swap3A_2517 {add = true, strides = array<i32>} : memref<128x128xf32, #tpu.memory_space<vmem>>, vector<1x16xf32>,
        %swap3A_2518 = arith.index_cast %add3A_2487 : i32 to index
        %swap3A_2519 = arith.constant 96 : index
        %swap3A_2520 = tpu.vector_load %arg13[%swap3A_2518, %swap3A_2519] {strides = array<i32>} : memref<128x128xf32, #tpu.memory_space<vmem>>, vector<1x16xf32>,
        %swap3A_2521 = vector.shape_cast %swap3A_2520 : vector<1x16xf32> to vector<16xf32>
        %swap3A_2522 = vector.shape_cast %get3A_2460 : vector<16xf32> to vector<1x16xf32>
        tpu.vector_store %arg13[%swap3A_2518, %swap3A_2519], %swap3A_2522 {add = true, strides = array<i32>} : memref<128x128xf32, #tpu.memory_space<vmem>>, vector<1x16xf32>,
        %swap3A_2523 = arith.index_cast %add3A_2487 : i32 to index
        %swap3A_2524 = arith.constant 112 : index
        %swap3A_2525 = tpu.vector_load %arg13[%swap3A_2523, %swap3A_2524] {strides = array<i32>} : memref<128x128xf32, #tpu.memory_space<vmem>>, vector<1x16xf32>,
        %swap3A_2526 = vector.shape_cast %swap3A_2525 : vector<1x16xf32> to vector<16xf32>
        %swap3A_2527 = vector.shape_cast %get3A_2464 : vector<16xf32> to vector<1x16xf32>
        tpu.vector_store %arg13[%swap3A_2523, %swap3A_2524], %swap3A_2527 {add = true, strides = array<i32>} : memref<128x128xf32, #tpu.memory_space<vmem>>, vector<1x16xf32>,
        %mul3A_2528 = arith.constant 4 : i32
        %mul3A_2529 = arith.muli %mul3A_2528, %scan3A_2483 : i32
        %add3A_2530 = arith.constant 1 : i32
        %add3A_2531 = arith.addi %mul3A_2529, %add3A_2530 : i32
        %swap3A_2532 = arith.index_cast %add3A_2531 : i32 to index
        %swap3A_2533 = arith.constant 0 : index
        %swap3A_2534 = tpu.vector_load %arg13[%swap3A_2532, %swap3A_2533] {strides = array<i32>} : memref<128x128xf32, #tpu.memory_space<vmem>>, vector<1x16xf32>,
        %swap3A_2535 = vector.shape_cast %swap3A_2534 : vector<1x16xf32> to vector<16xf32>
        %swap3A_2536 = vector.shape_cast %get3A_2436 : vector<16xf32> to vector<1x16xf32>
        tpu.vector_store %arg13[%swap3A_2532, %swap3A_2533], %swap3A_2536 {add = true, strides = array<i32>} : memref<128x128xf32, #tpu.memory_space<vmem>>, vector<1x16xf32>,
        %swap3A_2537 = arith.index_cast %add3A_2531 : i32 to index
        %swap3A_2538 = arith.constant 16 : index
        %swap3A_2539 = tpu.vector_load %arg13[%swap3A_2537, %swap3A_2538] {strides = array<i32>} : memref<128x128xf32, #tpu.memory_space<vmem>>, vector<1x16xf32>,
        %swap3A_2540 = vector.shape_cast %swap3A_2539 : vector<1x16xf32> to vector<16xf32>
        %swap3A_2541 = vector.shape_cast %get3A_2440 : vector<16xf32> to vector<1x16xf32>
        tpu.vector_store %arg13[%swap3A_2537, %swap3A_2538], %swap3A_2541 {add = true, strides = array<i32>} : memref<128x128xf32, #tpu.memory_space<vmem>>, vector<1x16xf32>,
        %swap3A_2542 = arith.index_cast %add3A_2531 : i32 to index
        %swap3A_2543 = arith.constant 32 : index
        %swap3A_2544 = tpu.vector_load %arg13[%swap3A_2542, %swap3A_2543] {strides = array<i32>} : memref<128x128xf32, #tpu.memory_space<vmem>>, vector<1x16xf32>,
        %swap3A_2545 = vector.shape_cast %swap3A_2544 : vector<1x16xf32> to vector<16xf32>
        %swap3A_2546 = vector.shape_cast %get3A_2444 : vector<16xf32> to vector<1x16xf32>
        tpu.vector_store %arg13[%swap3A_2542, %swap3A_2543], %swap3A_2546 {add = true, strides = array<i32>} : memref<128x128xf32, #tpu.memory_space<vmem>>, vector<1x16xf32>,
        %swap3A_2547 = arith.index_cast %add3A_2531 : i32 to index
        %swap3A_2548 = arith.constant 48 : index
        %swap3A_2549 = tpu.vector_load %arg13[%swap3A_2547, %swap3A_2548] {strides = array<i32>} : memref<128x128xf32, #tpu.memory_space<vmem>>, vector<1x16xf32>,
        %swap3A_2550 = vector.shape_cast %swap3A_2549 : vector<1x16xf32> to vector<16xf32>
        %swap3A_2551 = vector.shape_cast %get3A_2448 : vector<16xf32> to vector<1x16xf32>
        tpu.vector_store %arg13[%swap3A_2547, %swap3A_2548], %swap3A_2551 {add = true, strides = array<i32>} : memref<128x128xf32, #tpu.memory_space<vmem>>, vector<1x16xf32>,
        %swap3A_2552 = arith.index_cast %add3A_2531 : i32 to index
        %swap3A_2553 = arith.constant 64 : index
        %swap3A_2554 = tpu.vector_load %arg13[%swap3A_2552, %swap3A_2553] {strides = array<i32>} : memref<128x128xf32, #tpu.memory_space<vmem>>, vector<1x16xf32>,
        %swap3A_2555 = vector.shape_cast %swap3A_2554 : vector<1x16xf32> to vector<16xf32>
        %swap3A_2556 = vector.shape_cast %get3A_2452 : vector<16xf32> to vector<1x16xf32>
        tpu.vector_store %arg13[%swap3A_2552, %swap3A_2553], %swap3A_2556 {add = true, strides = array<i32>} : memref<128x128xf32, #tpu.memory_space<vmem>>, vector<1x16xf32>,
        %swap3A_2557 = arith.index_cast %add3A_2531 : i32 to index
        %swap3A_2558 = arith.constant 80 : index
        %swap3A_2559 = tpu.vector_load %arg13[%swap3A_2557, %swap3A_2558] {strides = array<i32>} : memref<128x128xf32, #tpu.memory_space<vmem>>, vector<1x16xf32>,
        %swap3A_2560 = vector.shape_cast %swap3A_2559 : vector<1x16xf32> to vector<16xf32>
        %swap3A_2561 = vector.shape_cast %get3A_2456 : vector<16xf32> to vector<1x16xf32>
        tpu.vector_store %arg13[%swap3A_2557, %swap3A_2558], %swap3A_2561 {add = true, strides = array<i32>} : memref<128x128xf32, #tpu.memory_space<vmem>>, vector<1x16xf32>,
        %swap3A_2562 = arith.index_cast %add3A_2531 : i32 to index
        %swap3A_2563 = arith.constant 96 : index
        %swap3A_2564 = tpu.vector_load %arg13[%swap3A_2562, %swap3A_2563] {strides = array<i32>} : memref<128x128xf32, #tpu.memory_space<vmem>>, vector<1x16xf32>,
        %swap3A_2565 = vector.shape_cast %swap3A_2564 : vector<1x16xf32> to vector<16xf32>
        %swap3A_2566 = vector.shape_cast %get3A_2460 : vector<16xf32> to vector<1x16xf32>
        tpu.vector_store %arg13[%swap3A_2562, %swap3A_2563], %swap3A_2566 {add = true, strides = array<i32>} : memref<128x128xf32, #tpu.memory_space<vmem>>, vector<1x16xf32>,
        %swap3A_2567 = arith.index_cast %add3A_2531 : i32 to index
        %swap3A_2568 = arith.constant 112 : index
        %swap3A_2569 = tpu.vector_load %arg13[%swap3A_2567, %swap3A_2568] {strides = array<i32>} : memref<128x128xf32, #tpu.memory_space<vmem>>, vector<1x16xf32>,
        %swap3A_2570 = vector.shape_cast %swap3A_2569 : vector<1x16xf32> to vector<16xf32>
        %swap3A_2571 = vector.shape_cast %get3A_2464 : vector<16xf32> to vector<1x16xf32>
        tpu.vector_store %arg13[%swap3A_2567, %swap3A_2568], %swap3A_2571 {add = true, strides = array<i32>} : memref<128x128xf32, #tpu.memory_space<vmem>>, vector<1x16xf32>,
        %mul3A_2572 = arith.constant 4 : i32
        %mul3A_2573 = arith.muli %mul3A_2572, %scan3A_2483 : i32
        %add3A_2574 = arith.constant 2 : i32
        %add3A_2575 = arith.addi %mul3A_2573, %add3A_2574 : i32
        %swap3A_2576 = arith.index_cast %add3A_2575 : i32 to index
        %swap3A_2577 = arith.constant 0 : index
        %swap3A_2578 = tpu.vector_load %arg13[%swap3A_2576, %swap3A_2577] {strides = array<i32>} : memref<128x128xf32, #tpu.memory_space<vmem>>, vector<1x16xf32>,
        %swap3A_2579 = vector.shape_cast %swap3A_2578 : vector<1x16xf32> to vector<16xf32>
        %swap3A_2580 = vector.shape_cast %get3A_2436 : vector<16xf32> to vector<1x16xf32>
        tpu.vector_store %arg13[%swap3A_2576, %swap3A_2577], %swap3A_2580 {add = true, strides = array<i32>} : memref<128x128xf32, #tpu.memory_space<vmem>>, vector<1x16xf32>,
        %swap3A_2581 = arith.index_cast %add3A_2575 : i32 to index
        %swap3A_2582 = arith.constant 16 : index
        %swap3A_2583 = tpu.vector_load %arg13[%swap3A_2581, %swap3A_2582] {strides = array<i32>} : memref<128x128xf32, #tpu.memory_space<vmem>>, vector<1x16xf32>,
        %swap3A_2584 = vector.shape_cast %swap3A_2583 : vector<1x16xf32> to vector<16xf32>
        %swap3A_2585 = vector.shape_cast %get3A_2440 : vector<16xf32> to vector<1x16xf32>
        tpu.vector_store %arg13[%swap3A_2581, %swap3A_2582], %swap3A_2585 {add = true, strides = array<i32>} : memref<128x128xf32, #tpu.memory_space<vmem>>, vector<1x16xf32>,
        %swap3A_2586 = arith.index_cast %add3A_2575 : i32 to index
        %swap3A_2587 = arith.constant 32 : index
        %swap3A_2588 = tpu.vector_load %arg13[%swap3A_2586, %swap3A_2587] {strides = array<i32>} : memref<128x128xf32, #tpu.memory_space<vmem>>, vector<1x16xf32>,
        %swap3A_2589 = vector.shape_cast %swap3A_2588 : vector<1x16xf32> to vector<16xf32>
        %swap3A_2590 = vector.shape_cast %get3A_2444 : vector<16xf32> to vector<1x16xf32>
        tpu.vector_store %arg13[%swap3A_2586, %swap3A_2587], %swap3A_2590 {add = true, strides = array<i32>} : memref<128x128xf32, #tpu.memory_space<vmem>>, vector<1x16xf32>,
        %swap3A_2591 = arith.index_cast %add3A_2575 : i32 to index
        %swap3A_2592 = arith.constant 48 : index
        %swap3A_2593 = tpu.vector_load %arg13[%swap3A_2591, %swap3A_2592] {strides = array<i32>} : memref<128x128xf32, #tpu.memory_space<vmem>>, vector<1x16xf32>,
        %swap3A_2594 = vector.shape_cast %swap3A_2593 : vector<1x16xf32> to vector<16xf32>
        %swap3A_2595 = vector.shape_cast %get3A_2448 : vector<16xf32> to vector<1x16xf32>
        tpu.vector_store %arg13[%swap3A_2591, %swap3A_2592], %swap3A_2595 {add = true, strides = array<i32>} : memref<128x128xf32, #tpu.memory_space<vmem>>, vector<1x16xf32>,
        %swap3A_2596 = arith.index_cast %add3A_2575 : i32 to index
        %swap3A_2597 = arith.constant 64 : index
        %swap3A_2598 = tpu.vector_load %arg13[%swap3A_2596, %swap3A_2597] {strides = array<i32>} : memref<128x128xf32, #tpu.memory_space<vmem>>, vector<1x16xf32>,
        %swap3A_2599 = vector.shape_cast %swap3A_2598 : vector<1x16xf32> to vector<16xf32>
        %swap3A_2600 = vector.shape_cast %get3A_2452 : vector<16xf32> to vector<1x16xf32>
        tpu.vector_store %arg13[%swap3A_2596, %swap3A_2597], %swap3A_2600 {add = true, strides = array<i32>} : memref<128x128xf32, #tpu.memory_space<vmem>>, vector<1x16xf32>,
        %swap3A_2601 = arith.index_cast %add3A_2575 : i32 to index
        %swap3A_2602 = arith.constant 80 : index
        %swap3A_2603 = tpu.vector_load %arg13[%swap3A_2601, %swap3A_2602] {strides = array<i32>} : memref<128x128xf32, #tpu.memory_space<vmem>>, vector<1x16xf32>,
        %swap3A_2604 = vector.shape_cast %swap3A_2603 : vector<1x16xf32> to vector<16xf32>
        %swap3A_2605 = vector.shape_cast %get3A_2456 : vector<16xf32> to vector<1x16xf32>
        tpu.vector_store %arg13[%swap3A_2601, %swap3A_2602], %swap3A_2605 {add = true, strides = array<i32>} : memref<128x128xf32, #tpu.memory_space<vmem>>, vector<1x16xf32>,
        %swap3A_2606 = arith.index_cast %add3A_2575 : i32 to index
        %swap3A_2607 = arith.constant 96 : index
        %swap3A_2608 = tpu.vector_load %arg13[%swap3A_2606, %swap3A_2607] {strides = array<i32>} : memref<128x128xf32, #tpu.memory_space<vmem>>, vector<1x16xf32>,
        %swap3A_2609 = vector.shape_cast %swap3A_2608 : vector<1x16xf32> to vector<16xf32>
        %swap3A_2610 = vector.shape_cast %get3A_2460 : vector<16xf32> to vector<1x16xf32>
        tpu.vector_store %arg13[%swap3A_2606, %swap3A_2607], %swap3A_2610 {add = true, strides = array<i32>} : memref<128x128xf32, #tpu.memory_space<vmem>>, vector<1x16xf32>,
        %swap3A_2611 = arith.index_cast %add3A_2575 : i32 to index
        %swap3A_2612 = arith.constant 112 : index
        %swap3A_2613 = tpu.vector_load %arg13[%swap3A_2611, %swap3A_2612] {strides = array<i32>} : memref<128x128xf32, #tpu.memory_space<vmem>>, vector<1x16xf32>,
        %swap3A_2614 = vector.shape_cast %swap3A_2613 : vector<1x16xf32> to vector<16xf32>
        %swap3A_2615 = vector.shape_cast %get3A_2464 : vector<16xf32> to vector<1x16xf32>
        tpu.vector_store %arg13[%swap3A_2611, %swap3A_2612], %swap3A_2615 {add = true, strides = array<i32>} : memref<128x128xf32, #tpu.memory_space<vmem>>, vector<1x16xf32>,
        %mul3A_2616 = arith.constant 4 : i32
        %mul3A_2617 = arith.muli %mul3A_2616, %scan3A_2483 : i32
        %add3A_2618 = arith.constant 3 : i32
        %add3A_2619 = arith.addi %mul3A_2617, %add3A_2618 : i32
        %swap3A_2620 = arith.index_cast %add3A_2619 : i32 to index
        %swap3A_2621 = arith.constant 0 : index
        %swap3A_2622 = tpu.vector_load %arg13[%swap3A_2620, %swap3A_2621] {strides = array<i32>} : memref<128x128xf32, #tpu.memory_space<vmem>>, vector<1x16xf32>,
        %swap3A_2623 = vector.shape_cast %swap3A_2622 : vector<1x16xf32> to vector<16xf32>
        %swap3A_2624 = vector.shape_cast %get3A_2436 : vector<16xf32> to vector<1x16xf32>
        tpu.vector_store %arg13[%swap3A_2620, %swap3A_2621], %swap3A_2624 {add = true, strides = array<i32>} : memref<128x128xf32, #tpu.memory_space<vmem>>, vector<1x16xf32>,
        %swap3A_2625 = arith.index_cast %add3A_2619 : i32 to index
        %swap3A_2626 = arith.constant 16 : index
        %swap3A_2627 = tpu.vector_load %arg13[%swap3A_2625, %swap3A_2626] {strides = array<i32>} : memref<128x128xf32, #tpu.memory_space<vmem>>, vector<1x16xf32>,
        %swap3A_2628 = vector.shape_cast %swap3A_2627 : vector<1x16xf32> to vector<16xf32>
        %swap3A_2629 = vector.shape_cast %get3A_2440 : vector<16xf32> to vector<1x16xf32>
        tpu.vector_store %arg13[%swap3A_2625, %swap3A_2626], %swap3A_2629 {add = true, strides = array<i32>} : memref<128x128xf32, #tpu.memory_space<vmem>>, vector<1x16xf32>,
        %swap3A_2630 = arith.index_cast %add3A_2619 : i32 to index
        %swap3A_2631 = arith.constant 32 : index
        %swap3A_2632 = tpu.vector_load %arg13[%swap3A_2630, %swap3A_2631] {strides = array<i32>} : memref<128x128xf32, #tpu.memory_space<vmem>>, vector<1x16xf32>,
        %swap3A_2633 = vector.shape_cast %swap3A_2632 : vector<1x16xf32> to vector<16xf32>
        %swap3A_2634 = vector.shape_cast %get3A_2444 : vector<16xf32> to vector<1x16xf32>
        tpu.vector_store %arg13[%swap3A_2630, %swap3A_2631], %swap3A_2634 {add = true, strides = array<i32>} : memref<128x128xf32, #tpu.memory_space<vmem>>, vector<1x16xf32>,
        %swap3A_2635 = arith.index_cast %add3A_2619 : i32 to index
        %swap3A_2636 = arith.constant 48 : index
        %swap3A_2637 = tpu.vector_load %arg13[%swap3A_2635, %swap3A_2636] {strides = array<i32>} : memref<128x128xf32, #tpu.memory_space<vmem>>, vector<1x16xf32>,
        %swap3A_2638 = vector.shape_cast %swap3A_2637 : vector<1x16xf32> to vector<16xf32>
        %swap3A_2639 = vector.shape_cast %get3A_2448 : vector<16xf32> to vector<1x16xf32>
        tpu.vector_store %arg13[%swap3A_2635, %swap3A_2636], %swap3A_2639 {add = true, strides = array<i32>} : memref<128x128xf32, #tpu.memory_space<vmem>>, vector<1x16xf32>,
        %swap3A_2640 = arith.index_cast %add3A_2619 : i32 to index
        %swap3A_2641 = arith.constant 64 : index
        %swap3A_2642 = tpu.vector_load %arg13[%swap3A_2640, %swap3A_2641] {strides = array<i32>} : memref<128x128xf32, #tpu.memory_space<vmem>>, vector<1x16xf32>,
        %swap3A_2643 = vector.shape_cast %swap3A_2642 : vector<1x16xf32> to vector<16xf32>
        %swap3A_2644 = vector.shape_cast %get3A_2452 : vector<16xf32> to vector<1x16xf32>
        tpu.vector_store %arg13[%swap3A_2640, %swap3A_2641], %swap3A_2644 {add = true, strides = array<i32>} : memref<128x128xf32, #tpu.memory_space<vmem>>, vector<1x16xf32>,
        %swap3A_2645 = arith.index_cast %add3A_2619 : i32 to index
        %swap3A_2646 = arith.constant 80 : index
        %swap3A_2647 = tpu.vector_load %arg13[%swap3A_2645, %swap3A_2646] {strides = array<i32>} : memref<128x128xf32, #tpu.memory_space<vmem>>, vector<1x16xf32>,
        %swap3A_2648 = vector.shape_cast %swap3A_2647 : vector<1x16xf32> to vector<16xf32>
        %swap3A_2649 = vector.shape_cast %get3A_2456 : vector<16xf32> to vector<1x16xf32>
        tpu.vector_store %arg13[%swap3A_2645, %swap3A_2646], %swap3A_2649 {add = true, strides = array<i32>} : memref<128x128xf32, #tpu.memory_space<vmem>>, vector<1x16xf32>,
        %swap3A_2650 = arith.index_cast %add3A_2619 : i32 to index
        %swap3A_2651 = arith.constant 96 : index
        %swap3A_2652 = tpu.vector_load %arg13[%swap3A_2650, %swap3A_2651] {strides = array<i32>} : memref<128x128xf32, #tpu.memory_space<vmem>>, vector<1x16xf32>,
        %swap3A_2653 = vector.shape_cast %swap3A_2652 : vector<1x16xf32> to vector<16xf32>
        %swap3A_2654 = vector.shape_cast %get3A_2460 : vector<16xf32> to vector<1x16xf32>
        tpu.vector_store %arg13[%swap3A_2650, %swap3A_2651], %swap3A_2654 {add = true, strides = array<i32>} : memref<128x128xf32, #tpu.memory_space<vmem>>, vector<1x16xf32>,
        %swap3A_2655 = arith.index_cast %add3A_2619 : i32 to index
        %swap3A_2656 = arith.constant 112 : index
        %swap3A_2657 = tpu.vector_load %arg13[%swap3A_2655, %swap3A_2656] {strides = array<i32>} : memref<128x128xf32, #tpu.memory_space<vmem>>, vector<1x16xf32>,
        %swap3A_2658 = vector.shape_cast %swap3A_2657 : vector<1x16xf32> to vector<16xf32>
        %swap3A_2659 = vector.shape_cast %get3A_2464 : vector<16xf32> to vector<1x16xf32>
        tpu.vector_store %arg13[%swap3A_2655, %swap3A_2656], %swap3A_2659 {add = true, strides = array<i32>} : memref<128x128xf32, #tpu.memory_space<vmem>>, vector<1x16xf32>,
      }
      %scan3A_2470 = arith.constant 32 : i32
      %shift_right_arithmetic3A_2471 = arith.constant 3 : i32
      %shift_right_arithmetic3A_2472 = arith.shrsi %add3A_2412, %shift_right_arithmetic3A_2471 : i32
      %and3A_2473 = arith.constant 7 : i32
      %and3A_2474 = arith.andi %add3A_2412, %and3A_2473 : i32
      %mul3A_2475 = arith.constant 128 : i32
      %mul3A_2476 = arith.muli %and3A_2474, %mul3A_2475 : i32
      %add3A_2477 = arith.addi %mul3A_2, %shift_right_arithmetic3A_2472 : i32
      %lt3A_2478 = arith.constant 511 : i32
      %lt3A_2479 = arith.cmpi slt, %add3A_2477, %lt3A_2478 : i32
      %convert_element_type3A_2480 = arith.extui %lt3A_2479 : i1 to i32
      %cond3A_2481 = arith.constant 0 : i32
      %cond3A_2482 = arith.cmpi ne, %convert_element_type3A_2480, %cond3A_2481 : i32
      scf.if %cond3A_2482 {
        %dma_start3A_2483 = arith.constant 0 : i32
        %dma_start3A_2484 = tpu.memref_slice %arg6[%add3A_2477, %mul3A_2476, %dma_start3A_2483] : memref<511x1024x128xf32, #tpu.memory_space<hbm>> -> memref<1x128x128xf32, #tpu.memory_space<hbm>>
        %dma_start3A_2485 = tpu.memref_squeeze %dma_start3A_2484 : memref<1x128x128xf32, #tpu.memory_space<hbm>> -> memref<128x128xf32, #tpu.memory_space<hbm>>
        %dma_start3A_2486 = arith.constant 0 : i32
        %dma_start3A_2487 = tpu.memref_slice %arg6[%add3A_2477, %mul3A_2476, %dma_start3A_2486] : memref<511x1024x128xf32, #tpu.memory_space<hbm>> -> memref<1x128x128xf32, #tpu.memory_space<hbm>>
        %dma_start3A_2488 = tpu.memref_squeeze %dma_start3A_2487 : memref<1x128x128xf32, #tpu.memory_space<hbm>> -> memref<128x128xf32, #tpu.memory_space<hbm>>
        tpu.enqueue_dma source(%arg13 : memref<128x128xf32, #tpu.memory_space<vmem>>) target(%dma_start3A_2488 : memref<128x128xf32, #tpu.memory_space<hbm>>) target_semaphore(%arg21 : memref<!tpu.dma_semaphore, #tpu.memory_space<semaphore_mem>>)
      } else {
      }
    }
    %scan3A_2177 = arith.constant 32 : i32
    %add3A_2178 = arith.constant 15 : i32
    %add3A_2179 = arith.addi %mul3A_2, %add3A_2178 : i32
    %lt3A = arith.constant 511 : i32
    %lt3A_2180 = arith.cmpi slt, %add3A_2179, %lt3A : i32
    %convert_element_type3A = arith.extui %lt3A_2180 : i1 to i32
    %cond3A = arith.constant 0 : i32
    %cond3A_2181 = arith.cmpi ne, %convert_element_type3A, %cond3A : i32
    scf.if %cond3A_2181 {
      %dma_wait3A = arith.constant 0 : i32
      %dma_wait3A_2189 = arith.constant 0 : i32
      %dma_wait3A_2190 = tpu.memref_slice %arg3[%dma_wait3A, %dma_wait3A_2189] : memref<100000x128xf32, #tpu.memory_space<hbm>> -> memref<128x128xf32, #tpu.memory_space<hbm>>
      %dma_wait3A_2191 = arith.constant 0 : i32
      %dma_wait3A_2192 = arith.constant 0 : i32
      %dma_wait3A_2193 = tpu.memref_slice %arg3[%dma_wait3A_2191, %dma_wait3A_2192] : memref<100000x128xf32, #tpu.memory_space<hbm>> -> memref<128x128xf32, #tpu.memory_space<hbm>>
      tpu.wait_dma2 semaphore(%arg20 : memref<!tpu.dma_semaphore, #tpu.memory_space<semaphore_mem>>) src(%dma_wait3A_2193 : memref<128x128xf32, #tpu.memory_space<hbm>>) dst(%arg12 : memref<128x128xf32, #tpu.memory_space<vmem>>)
    } else {
    }
    %add3A_2182 = arith.constant 15 : i32
    %add3A_2183 = arith.addi %mul3A_2, %add3A_2182 : i32
    %lt3A_2184 = arith.constant 511 : i32
    %lt3A_2185 = arith.cmpi slt, %add3A_2183, %lt3A_2184 : i32
    %convert_element_type3A_2186 = arith.extui %lt3A_2185 : i1 to i32
    %cond3A_2187 = arith.constant 0 : i32
    %cond3A_2188 = arith.cmpi ne, %convert_element_type3A_2186, %cond3A_2187 : i32
    scf.if %cond3A_2188 {
      %dma_wait3A = arith.constant 0 : i32
      %dma_wait3A_2189 = arith.constant 0 : i32
      %dma_wait3A_2190 = tpu.memref_slice %arg3[%dma_wait3A, %dma_wait3A_2189] : memref<100000x128xf32, #tpu.memory_space<hbm>> -> memref<128x128xf32, #tpu.memory_space<hbm>>
      %dma_wait3A_2191 = arith.constant 0 : i32
      %dma_wait3A_2192 = arith.constant 0 : i32
      %dma_wait3A_2193 = tpu.memref_slice %arg3[%dma_wait3A_2191, %dma_wait3A_2192] : memref<100000x128xf32, #tpu.memory_space<hbm>> -> memref<128x128xf32, #tpu.memory_space<hbm>>
      tpu.wait_dma2 semaphore(%arg21 : memref<!tpu.dma_semaphore, #tpu.memory_space<semaphore_mem>>) src(%dma_wait3A_2193 : memref<128x128xf32, #tpu.memory_space<hbm>>) dst(%arg13 : memref<128x128xf32, #tpu.memory_space<vmem>>)
    } else {
    }
    return
  }
}

</mosaic_0001>

<sc_bundles>
// kernel: _run.3.cloned.1.call-start
scs
__scs_entry_jumppad:
0x0: {  	(pc) =	sbr.rel $0x88, $3  }
0x1: {  	(tag) =	ssettag $0x0;
	lr =	simm.s32 $0x1  }
0x2: {  	[smem:$0x3F9D] =	sst lr;
	_ =	strace $0xD0000000  }
0x3: {  	_ = 	snop  }
0x4: {  	_ = 	snop  }
0x5: {  	_ = 	snop  }
0x6: {  	_ = 	snop  }
0x7: {  	_ = 	snop  }
__scs_overlays_trampoline_lowered:
0x8: {  	[smem:$0x3FAC] =	sst s0  }
0x9: {  	[smem:$0x3FAD] =	sst s1  }
0xa: {  	[smem:$0x3FAE] =	sst s2  }
0xb: {  	[smem:$0x3FAF] =	sst s3  }
0xc: {  	[smem:$0x3FB0] =	sst s4  }
0xd: {  	[smem:$0x3FB1] =	sst s5  }
0xe: {  	[smem:$0x3FB2] =	sst s6  }
0xf: {  	[smem:$0x3FB3] =	sst s7  }
0x10: {  	[smem:$0x3FB4] =	sst s8  }
0x11: {  	[smem:$0x3FB5] =	sst s9;
	s0 =	simm.s32 @!p0 $0x0  }
0x12: {  	s1 =	sld [smem:$0x3F9B];
	s0 =	simm.s32 @p0 $0x1  }
0x13: {  	[smem:$0x3FB6] =	sst s0;
	s0 =	simm.s32 @!p1 $0x0  }
0x14: {  	s2 =	sld [smem:$0x3F9A];
	s0 =	simm.s32 @p1 $0x1  }
0x15: {  	[smem:$0x3FB7] =	sst s0;
	s0 =	simm.s32 @!p2 $0x0  }
0x16: {  	s3 =	sld [smem:$0x3FDB];
	s0 =	simm.s32 @p2 $0x1  }
0x17: {  	s4 =	simm.s32 $0x1BF5;
	[smem:$0x3FB9] =	sst s0  }
0x18: {  	s0 =	sld [smem:$0x3F9C];
	_ =	swait.ge [sflag:s4], $0x0  }
0x19: {  	s7 =	sld [smem:$0x3F9D]  }
0x1a: {  	s8 =	sadd.s32 $0xFFFFE003, lr  }
0x1b: {  	s9 =	sadd.s32 $0xFFFFFEF7, lr;
	s5 =	simm.s32 $0xFFFFFFFF;
	p2 =	slt.u32 s8, $0xFFFFF086  }
0x1c: {  	p1 =	slt.u32 s9, $0xF7A;
	s5 =	simm.s32 @!p2 $0x0  }
0x1d: {  	s5 =	simm.s32 @p1 $0x1;
	p0 =	seq.s32 s7, s2  }
0x1e: {  	s7 =	smul.u32 @!p0 $0xF7A, s2;
	p2 =	seq.s32 @!p0 s5, $0x0  }
0x1f: {  	s9 =	smul.u32 $0xF7A, s1;
	s8 =	simm.s32 @!p0 $0x1BF5;
	p2 =	por !p2, p0  }
0x20: {  	[sflag:s8] =	ssyncset.s32 @!p0 $0xFFFFF086;
	s6 =	sadd.s32 @!p0 s3, s7;
	s7 =	simm.s32 @!p0 $0x108  }
0x21: {  	s3 =	sadd.s32 s3, s9;
	s6 =	sadd.s32 @!p0 $0x88, s6;
	s7 =	simm.s32 @p2 $0x1082  }
0x22: {  	[simem:s7], [sflag:s8] =	dma.local @!p0 [hbm:s6], $0xF7A  }
0x23: {  	s9 =	sor.u32 $0xD0000000, s2;
	s6 =	simm.s32 $0x108;
	_ =	swait.ge @!p0 [sflag:s8], $0x0  }
0x24: {  	s3 =	sadd.s32 $0x88, s3;
	s6 =	simm.s32 @!p1 $0x1082;
	[sflag:s4] =	ssyncset.s32 $0xFFFFF086  }
0x25: {  	[simem:s6], [sflag:s4] =	dma.local [hbm:s3], $0xF7A  }
0x26: {  	[smem:$0x3F9D] =	sst s1;
	(tag) =	ssettag s2;
	_ =	strace s9  }
0x27: {  	s1 =	sld [smem:$0x3FAD]  }
0x28: {  	s2 =	sld [smem:$0x3FAE]  }
0x29: {  	s4 =	sld [smem:$0x3FB0]  }
0x2a: {  	p0 =	seq.s32 s5, $0x0;
	s5 =	sld [smem:$0x3FB1]  }
0x2b: {  	s6 =	sld [smem:$0x3FB2]  }
0x2c: {  	s7 =	sld [smem:$0x3FB3]  }
0x2d: {  	s3 =	simm.s32 $0x108;
	s8 =	sld [smem:$0x3FB4]  }
0x2e: {  	s3 =	simm.s32 @!p0 $0x1082;
	s9 =	sld [smem:$0x3FB5]  }
0x2f: {  	lr =	sadd.s32 s0, s3;
	s0 =	sld [smem:$0x3FAC]  }
0x30: {  	s3 =	sld [smem:$0x3FAF]  }
0x31: {  	[smem:$0x3FB8] =	sst s10  }
0x32: {  	s10 =	sld [smem:$0x3FB6];
	_ =	sdelay $0x3  }
0x33: {  	p0 =	seq.s32 s10, $0x1;
	s10 =	sld [smem:$0x3FB8];
	_ =	sdelay $0x3  }
0x34: {  	[smem:$0x3FB8] =	sst s10  }
0x35: {  	s10 =	sld [smem:$0x3FB7];
	_ =	sdelay $0x3  }
0x36: {  	p1 =	seq.s32 s10, $0x1;
	s10 =	sld [smem:$0x3FB8];
	_ =	sdelay $0x3  }
0x37: {  	[smem:$0x3FB8] =	sst s10  }
0x38: {  	s10 =	sld [smem:$0x3FB9]  }
0x39: {  	_ = 	snop;
	(pc) =	sbr.ind lr, $3  }
0x3a: {  	_ = 	snop  }
0x3b: {  	_ = 	snop  }
0x3c: {  	p2 =	seq.s32 s10, $0x1;
	s10 =	sld [smem:$0x3FB8]  }
0x3d: {  	_ =	shalt  }
0x3e: {  	_ =	shalt  }
0x3f: {  	_ =	shalt  }
0x40: {  	_ =	shalt  }
0x41: {  	_ =	shalt  }
0x42: {  	_ =	shalt  }
0x43: {  	_ =	shalt  }
0x44: {  	_ =	shalt  }
0x45: {  	_ =	shalt  }
0x46: {  	_ =	shalt  }
0x47: {  	_ =	shalt  }
0x48: {  	_ =	shalt  }
0x49: {  	_ =	shalt  }
0x4a: {  	_ =	shalt  }
0x4b: {  	_ =	shalt  }
0x4c: {  	_ =	shalt  }
0x4d: {  	_ =	shalt  }
0x4e: {  	_ =	shalt  }
0x4f: {  	_ =	shalt  }
0x50: {  	_ =	shalt  }
0x51: {  	_ =	shalt  }
0x52: {  	_ =	shalt  }
0x53: {  	_ =	shalt  }
0x54: {  	_ =	shalt  }
0x55: {  	_ =	shalt  }
0x56: {  	_ =	shalt  }
0x57: {  	_ =	shalt  }
0x58: {  	_ =	shalt  }
0x59: {  	_ =	shalt  }
0x5a: {  	_ =	shalt  }
0x5b: {  	_ =	shalt  }
0x5c: {  	_ =	shalt  }
0x5d: {  	_ =	shalt  }
0x5e: {  	_ =	shalt  }
0x5f: {  	_ =	shalt  }
0x60: {  	_ =	shalt  }
0x61: {  	_ =	shalt  }
0x62: {  	_ =	shalt  }
0x63: {  	_ =	shalt  }
0x64: {  	_ =	shalt  }
0x65: {  	_ =	shalt  }
0x66: {  	_ =	shalt  }
0x67: {  	_ =	shalt  }
0x68: {  	_ =	shalt  }
0x69: {  	_ =	shalt  }
0x6a: {  	_ =	shalt  }
0x6b: {  	_ =	shalt  }
0x6c: {  	_ =	shalt  }
0x6d: {  	_ =	shalt  }
0x6e: {  	_ =	shalt  }
0x6f: {  	_ =	shalt  }
0x70: {  	_ =	shalt  }
0x71: {  	_ =	shalt  }
0x72: {  	_ =	shalt  }
0x73: {  	_ =	shalt  }
0x74: {  	_ =	shalt  }
0x75: {  	_ =	shalt  }
0x76: {  	_ =	shalt  }
0x77: {  	_ =	shalt  }
0x78: {  	_ =	shalt  }
0x79: {  	_ =	shalt  }
0x7a: {  	_ =	shalt  }
0x7b: {  	_ =	shalt  }
0x7c: {  	_ =	shalt  }
0x7d: {  	_ =	shalt  }
0x7e: {  	_ =	shalt  }
0x7f: {  	_ =	shalt  }
0x80: {  	_ =	shalt  }
0x81: {  	_ =	shalt  }
0x82: {  	_ =	shalt  }
0x83: {  	_ =	shalt  }
0x84: {  	_ =	shalt  }
0x85: {  	_ =	shalt  }
0x86: {  	_ =	shalt  }
0x87: {  	_ =	shalt  }
.Lfunc_end0:
.L_simem_size_0:
called_computation_lowered:
.L_overlay_start_0:
0x88: {  	s2 =	sld [smem:$0x3FD9]  }
0x89: {  	s3 =	sld [smem:$0x3FFE];
	_ =	sdelay $0x1  }
0x8a: {  	s1 =	srdreg.scid  }
0x8b: {  	s0 =	sand.u32 $0x1, s1  }
0x8c: {  	s18 =	sshll.u32 s0, $0xA;
	s2 =	sadd.s32 s3, s2  }
0x8d: {  	s2 =	sadd.s32 s2, s18  }
0x8e: {  	[smem:$0x3FC4] =	sst s2  }
0x8f: {  	_ = 	snop  }
0x90: {  	s2 =	sld [smem:$0x3FC9]  }
0x91: {  	s19 =	sld [smem:$0x3FC8]  }
0x92: {  	s4 =	sld [smem:$0x3FC7]  }
0x93: {  	s5 =	sld [smem:$0x3FC6]  }
0x94: {  	s6 =	sld [smem:$0x3FD0];
	(tm) =	ssettm $0x1  }
0x95: {  	s7 =	sld [smem:$0x3FFB];
	_ =	sdelay $0x3  }
0x96: {  	_ =	strace s7  }
0x97: {  	s7 =	sld [smem:$0x3FFC];
	_ =	sdelay $0x3  }
0x98: {  	_ =	strace s7  }
0x99: {  	s7 =	sld [smem:$0x3FFD];
	_ =	sdelay $0x3  }
0x9a: {  	_ =	strace s7  }
0x9b: {  	_ =	strace $0x8FFFFFFF  }
0x9c: {  	s20 =	sld [smem:$0x3FDB];
	_ =	sdelay $0x1  }
0x9d: {  	s8 =	simm.s32 $_scs_section_size  }
0x9e: {  	s9 =	simm.s32 $_size__tile_overlayer_lowered;
	s10 =	simm.s32 $_tile_overlayer_lowered  }
0x9f: {  	s23 =	simm.s32 $0x1BFF;
	s22 =	sshll.u32 s10, $0x1;
	s7 =	sadd.s32 s8, s20  }
0xa0: {  	s11 =	simm.s32 $0x0;
	s21 =	sshll.u32 s9, $0x1;
	s9 =	sadd.s32 s22, s7  }
0xa1: {  	[timem:s11], [sflag:s23] =	dma.local [hbm:s9], s21  }
0xa2: {  	_ =	swait.ge [sflag:s23], s21  }
0xa3: {  	s8 =	ssub.s32 $0x0, s21;
	[sflag:s23] =	ssyncset.done $0x0  }
0xa4: {  	[sflag:s23] =	ssyncadd.s32 s8;
	_ =	sdelay $0x1  }
0xa5: {  	s24 =	simm.s32 $0x1B8B  }
0xa6: {  	_ =	swait.ge [sflag:s24], $0x1  }
0xa7: {  	[sflag:s24] =	ssyncset.done $0x0  }
0xa8: {  	s25 =	simm.s32 $0x1B8E;
	[sflag:s24] =	ssyncadd.s32 $0xFFFFFFFF  }
0xa9: {  	s26 =	simm.s32 $execute0_lowered;
	[smem:$0x3FD2] =	sst s25  }
0xaa: {  	s8 =	sshll.u32 s26, $0x1;
	_ =	strace $0x80000046;
	[dreg:$0x1] =	wrdreg $0xFFFFFFFF  }
0xab: {  	s28 =	simm.s32 $_size_execute0_lowered;
	s7 =	sadd.s32 s7, s8;
	[dreg:$0x0] =	wrdreg $0x0  }
0xac: {  	s8 =	sshll.u32 s28, $0x1;
	[dreg:$0x2] =	wrdreg s7  }
0xad: {  	[dreg:$0x3] =	wrdreg s8  }
0xae: {  	[dreg:$0x4] =	wrdreg $0xC0  }
0xaf: {  	_ =	task [dreg:s11], $0x5FFFF  }
0xb0: {  	[dreg:$0x1] =	wrdreg $0xFFFFFFFF  }
0xb1: {  	[dreg:$0x0] =	wrdreg $0x60  }
0xb2: {  	[dreg:$0x2] =	wrdreg s2  }
0xb3: {  	[dreg:$0x3] =	wrdreg s19  }
0xb4: {  	[dreg:$0x4] =	wrdreg s4  }
0xb5: {  	[dreg:$0x5] =	wrdreg s5  }
0xb6: {  	[dreg:$0x6] =	wrdreg s6  }
0xb7: {  	[dreg:$0x7] =	wrdreg $0x9  }
0xb8: {  	_ =	task.clear_ibuf [dreg:s11], $0x8FFFF;
	_ =	strace $0x90000046  }
0xb9: {  	s29 =	simm.s32 $0x9;
	_ =	strace $0x80000048  }
0xba: {  	_ =	swait.ge [sflag:s29], $0x1  }
0xbb: {  	[sflag:s29] =	ssyncadd.s32 $0xFFFFFFFF  }
0xbc: {  	_ =	strace $0x90000048  }
0xbd: {  	_ =	sfence  }
0xbe: {  	s30 =	sld [smem:$0x0];
	_ =	sdelay $0x2  }
0xbf: {  	s31 =	sshll.u32 s1, $0xD;
	s1 =	sshrl.u32 s1, $0x2  }
0xc0: {  	s3 =	sand.u32 $0x4000, s31;
	s1 =	sadd.s32 s1, s30  }
0xc1: {  	s0 =	sor.u32 s3, s0;
	s1 =	sshll.u32 s1, $0x11  }
0xc2: {  	s0 =	sor.u32 s1, s0  }
0xc3: {  	s0 =	sadd.s32 $0x8F2B, s0  }
0xc4: {  	[sflag:s0] =	ssyncadd.remote.s32 $0x1  }
0xc5: {  	_ =	sfence.sel $0xFFFF  }
0xc6: {  	[dreg:$0x0] =	wrdreg $0xFFFFFFFF;
	(pc) =	sbr.abs _section_cstart, $3  }
0xc7: {  	[dreg:$0x1] =	wrdreg $0xFFFFFFFF  }
0xc8: {  	_ =	task.clear_ibuf [dreg:s11], $0x2FFFF;
	_ =	strace $0x9FFFFFFF  }
0xc9: {  	(tm) =	ssettm $0x7FFFFFFF  }
tec
execute0_lowered:
.L_overlay_start_1:
0x0: {  	(tag) =	ssettag $0x1  }
0x1: {  	s0 =	rddreg [dreg:$0x0]  }
0x2: {  	s1 =	rddreg [dreg:$0x1]  }
0x3: {  	s2 =	rddreg [dreg:$0x3]  }
0x4: {  	s4 =	rddreg [dreg:$0x4];
	s3 =	srdreg.scid;
	s5 =	simm.s32 $0x0  }
0x5: {  	s9 =	stileid.u32;
	s15 =	simm.s32 $0x80;
	s16 =	simm.s32 $0x80  }
0x6: {  	s17 =	simm.s32 $0x80;
	s18 =	simm.s32 $0x80;
	s19 =	simm.s32 $0x80  }
0x7: {  	s20 =	simm.s32 $0x80;
	s21 =	simm.s32 $0x80;
	s3 =	sand.u32 $0x1, s3  }
0x8: {  	s22 =	simm.s32 $0x80;
	s23 =	sshll.u32 s9, $0x5;
	s6 =	sshll.u32 s3, $0x4  }
0x9: {  	s29 =	simm.s32 $0x10900;
	s30 =	simm.s32 $0x2;
	s6 =	sor.u32 s6, s23  }
0xa: {  	s31 =	simm.s32 $0x3;
	[smem:$0x7FF] =	sst s5;
	s8 =	sshll.u32 s6, $0x4  }
0xb: {  	p0 =	sgt.u32 s6, $0xFE;
	s25 =	sadd.s32 s2, s8;
	s2 =	simm.s32 $0x80  }
0xc: {  	_ =	strace $0x80000047;
	s3 =	ssub.s32 $0x2, s3;
	s2 =	simm.s32 @!p0 $0x0  }
0xd: {  	p0 =	sgt.u32 s6, $0xFD;
	[dreg:$0x8] =	wrdreg s2;
	s2 =	simm.s32 $0x80  }
0xe: {  	s26 =	sshll.u32 s9, $0x4;
	s24 =	sshrl.u32 s3, $0x1;
	s2 =	simm.s32 @!p0 $0x0  }
0xf: {  	p0 =	sgt.u32 s6, $0xFC;
	[dreg:$0x9] =	wrdreg s2;
	s2 =	simm.s32 $0x80  }
0x10: {  	s23 =	sand.u32 $0x80, s26;
	s7 =	sshll.u32 s6, $0x7;
	s2 =	simm.s32 @!p0 $0x0  }
0x11: {  	p0 =	sgt.u32 s6, $0xFB;
	[dreg:$0xa] =	wrdreg s2;
	s2 =	simm.s32 $0x80  }
0x12: {  	s3 =	ssub.s32 s3, s24;
	s24 =	simm.s32 $0x80;
	s2 =	simm.s32 @!p0 $0x0  }
0x13: {  	p0 =	sgt.u32 s6, $0xFA;
	[dreg:$0xb] =	wrdreg s2;
	s2 =	simm.s32 $0x80  }
0x14: {  	s26 =	sxor.u32 $0x1FF, s6;
	s0 =	sadd.s32 s0, s7;
	s2 =	simm.s32 @!p0 $0x0  }
0x15: {  	p0 =	sgt.u32 s6, $0xF9;
	[dreg:$0xc] =	wrdreg s2;
	s2 =	simm.s32 $0x80  }
0x16: {  	s28 =	smax.u32 s3, $0x1;
	s2 =	simm.s32 @!p0 $0x0;
	p0 =	sgt.u32 s6, $0xF8  }
0x17: {  	s3 =	simm.s32 $0xC900;
	s15 =	simm.s32 @!p0 $0x0;
	p0 =	sgt.u32 s6, $0xF7  }
0x18: {  	s8 =	simm.s32 $0x0;
	s16 =	simm.s32 @!p0 $0x0;
	p0 =	sgt.u32 s6, $0xF6  }
0x19: {  	[dreg:$0x6] =	wrdreg s0;
	s17 =	simm.s32 @!p0 $0x0;
	p0 =	sgt.u32 s6, $0xF5  }
0x1a: {  	[dreg:$0x7] =	wrdreg s25;
	s18 =	simm.s32 @!p0 $0x0;
	p0 =	sgt.u32 s6, $0xF4  }
0x1b: {  	[dreg:$0xe] =	wrdreg s28;
	s19 =	simm.s32 @!p0 $0x0;
	p0 =	sgt.u32 s6, $0xF3  }
0x1c: {  	s0 =	simm.s32 $0x4;
	s20 =	simm.s32 @!p0 $0x0;
	p0 =	sgt.u32 s6, $0xF2  }
0x1d: {  	[dreg:$0xd] =	wrdreg s2;
	s21 =	simm.s32 @!p0 $0x0;
	p0 =	sgt.u32 s6, $0xF1  }
0x1e: {  	s2 =	simm.s32 $0x1;
	s22 =	simm.s32 @!p0 $0x0;
	p0 =	seq.s32 s6, $0x1F0  }
.LBB2_1:
0x1f: {  	[dreg:$0xf] =	wrdreg s8  }
0x20: {  	s7 =	simm.s32 $0x0;
	s5 =	rddreg [dreg:$0x6];
	s13 =	simm.s32 $0x9  }
0x21: {  	[tilespmem:s7], [sflag:$0x9] =	stream.linear.gather [hbm4b:s5+s7], $0x4000, $0x38;
	[tilespmem:$0x14900] =	vst v63  }
0x22: {  	_ =	swait.ge [sflag:s13], $0x4000  }
0x23: {  	[sflag:s13] =	ssyncset.done $0x0  }
0x24: {  	s9 =	simm.s32 $0x4000;
	s14 =	rddreg [dreg:$0x7];
	[sflag:s13] =	ssyncadd.s32 $0xFFFFC000  }
0x25: {  	[tilespmem:s9], [sflag:$0x9] =	stream.linear.gather [hbm4b:s14+s7], $0x800, $0x38;
	[tilespmem:$0x14900] =	vst v63  }
0x26: {  	_ =	swait.ge [sflag:s13], $0x800  }
0x27: {  	[sflag:s13] =	ssyncset.done $0x0  }
0x28: {  	[sflag:s13] =	ssyncadd.s32 $0xFFFFF800  }
0x29: {  	s28 =	simm.s32 $0x4800;
	s25 =	rddreg [dreg:$0x2]  }
0x2a: {  	[tilespmem:s28], [sflag:$0x9] =	stream.linear.gather [hbm4b:s25+s7], $0x100, $0x38;
	[tilespmem:$0x14900] =	vst v63  }
0x2b: {  	_ =	swait.ge [sflag:s13], $0x100  }
0x2c: {  	[sflag:s13] =	ssyncset.done $0x0  }
0x2d: {  	[sflag:s13] =	ssyncadd.s32 $0xFFFFFF00  }
0x2e: {  	v0 =	vld [tilespmem:$0x4000]  }
0x2f: {  	v1 =	vld [tilespmem:s23+$0x4800];
	_ =	sdelay $0x4  }
0x30: {  	v0 =	vadd.f32 v1, v0;
	_ =	sdelay $0x1  }
0x31: {  	v50 =	vld [tilespmem:$0x4010];
	[tilespmem:$0x4000] =	vst v0  }
0x32: {  	v51 =	vld [tilespmem:s23+$0x4810];
	_ =	sdelay $0x4  }
0x33: {  	v0 =	vadd.f32 v51, v50;
	_ =	sdelay $0x1  }
0x34: {  	v52 =	vld [tilespmem:$0x4020];
	[tilespmem:$0x4010] =	vst v0  }
0x35: {  	v53 =	vld [tilespmem:s23+$0x4820];
	_ =	sdelay $0x4  }
0x36: {  	v0 =	vadd.f32 v53, v52;
	_ =	sdelay $0x1  }
0x37: {  	v54 =	vld [tilespmem:$0x4030];
	[tilespmem:$0x4020] =	vst v0  }
0x38: {  	v55 =	vld [tilespmem:s23+$0x4830];
	_ =	sdelay $0x4  }
0x39: {  	v0 =	vadd.f32 v55, v54;
	_ =	sdelay $0x1  }
0x3a: {  	v56 =	vld [tilespmem:$0x4040];
	[tilespmem:$0x4030] =	vst v0  }
0x3b: {  	v57 =	vld [tilespmem:s23+$0x4840];
	_ =	sdelay $0x4  }
0x3c: {  	v0 =	vadd.f32 v57, v56;
	_ =	sdelay $0x1  }
0x3d: {  	v58 =	vld [tilespmem:$0x4050];
	[tilespmem:$0x4040] =	vst v0  }
0x3e: {  	v59 =	vld [tilespmem:s23+$0x4850];
	_ =	sdelay $0x4  }
0x3f: {  	v0 =	vadd.f32 v59, v58;
	_ =	sdelay $0x1  }
0x40: {  	v60 =	vld [tilespmem:$0x4060];
	[tilespmem:$0x4050] =	vst v0  }
0x41: {  	v61 =	vld [tilespmem:s23+$0x4860];
	_ =	sdelay $0x4  }
0x42: {  	v0 =	vadd.f32 v61, v60;
	_ =	sdelay $0x1  }
0x43: {  	v62 =	vld [tilespmem:$0x4070];
	[tilespmem:$0x4060] =	vst v0  }
0x44: {  	v63 =	vld [tilespmem:s23+$0x4870];
	_ =	sdelay $0x4  }
0x45: {  	v0 =	vadd.f32 v63, v62;
	_ =	sdelay $0x1  }
0x46: {  	s9 =	rddreg [dreg:$0x8];
	v4 =	vld [tilespmem:$0x4080];
	[tilespmem:$0x4070] =	vst v0  }
0x47: {  	v5 =	vld [tilespmem:s9+$0x4800];
	_ =	sdelay $0x4  }
0x48: {  	v0 =	vadd.f32 v5, v4;
	_ =	sdelay $0x1  }
0x49: {  	v6 =	vld [tilespmem:$0x4090];
	[tilespmem:$0x4080] =	vst v0  }
0x4a: {  	v7 =	vld [tilespmem:s9+$0x4810];
	_ =	sdelay $0x4  }
0x4b: {  	v0 =	vadd.f32 v7, v6;
	_ =	sdelay $0x1  }
0x4c: {  	v8 =	vld [tilespmem:$0x40A0];
	[tilespmem:$0x4090] =	vst v0  }
0x4d: {  	v9 =	vld [tilespmem:s9+$0x4820];
	_ =	sdelay $0x4  }
0x4e: {  	v0 =	vadd.f32 v9, v8;
	_ =	sdelay $0x1  }
0x4f: {  	v10 =	vld [tilespmem:$0x40B0];
	[tilespmem:$0x40A0] =	vst v0  }
0x50: {  	v11 =	vld [tilespmem:s9+$0x4830];
	_ =	sdelay $0x4  }
0x51: {  	v0 =	vadd.f32 v11, v10;
	_ =	sdelay $0x1  }
0x52: {  	v12 =	vld [tilespmem:$0x40C0];
	[tilespmem:$0x40B0] =	vst v0  }
0x53: {  	v13 =	vld [tilespmem:s9+$0x4840];
	_ =	sdelay $0x4  }
0x54: {  	v0 =	vadd.f32 v13, v12;
	_ =	sdelay $0x1  }
0x55: {  	v14 =	vld [tilespmem:$0x40D0];
	[tilespmem:$0x40C0] =	vst v0  }
0x56: {  	v15 =	vld [tilespmem:s9+$0x4850];
	_ =	sdelay $0x4  }
0x57: {  	v0 =	vadd.f32 v15, v14;
	_ =	sdelay $0x1  }
0x58: {  	v16 =	vld [tilespmem:$0x40E0];
	[tilespmem:$0x40D0] =	vst v0  }
0x59: {  	v17 =	vld [tilespmem:s9+$0x4860];
	_ =	sdelay $0x4  }
0x5a: {  	v0 =	vadd.f32 v17, v16;
	_ =	sdelay $0x1  }
0x5b: {  	v18 =	vld [tilespmem:$0x40F0];
	[tilespmem:$0x40E0] =	vst v0  }
0x5c: {  	v19 =	vld [tilespmem:s9+$0x4870];
	_ =	sdelay $0x4  }
0x5d: {  	v0 =	vadd.f32 v19, v18;
	_ =	sdelay $0x1  }
0x5e: {  	s10 =	rddreg [dreg:$0x9];
	v20 =	vld [tilespmem:$0x4100];
	[tilespmem:$0x40F0] =	vst v0  }
0x5f: {  	v21 =	vld [tilespmem:s10+$0x4800];
	_ =	sdelay $0x4  }
0x60: {  	v0 =	vadd.f32 v21, v20;
	_ =	sdelay $0x1  }
0x61: {  	v22 =	vld [tilespmem:$0x4110];
	[tilespmem:$0x4100] =	vst v0  }
0x62: {  	v23 =	vld [tilespmem:s10+$0x4810];
	_ =	sdelay $0x4  }
0x63: {  	v0 =	vadd.f32 v23, v22;
	_ =	sdelay $0x1  }
0x64: {  	v24 =	vld [tilespmem:$0x4120];
	[tilespmem:$0x4110] =	vst v0  }
0x65: {  	v25 =	vld [tilespmem:s10+$0x4820];
	_ =	sdelay $0x4  }
0x66: {  	v0 =	vadd.f32 v25, v24;
	_ =	sdelay $0x1  }
0x67: {  	v26 =	vld [tilespmem:$0x4130];
	[tilespmem:$0x4120] =	vst v0  }
0x68: {  	v27 =	vld [tilespmem:s10+$0x4830];
	_ =	sdelay $0x4  }
0x69: {  	v0 =	vadd.f32 v27, v26;
	_ =	sdelay $0x1  }
0x6a: {  	v28 =	vld [tilespmem:$0x4140];
	[tilespmem:$0x4130] =	vst v0  }
0x6b: {  	v29 =	vld [tilespmem:s10+$0x4840];
	_ =	sdelay $0x4  }
0x6c: {  	v0 =	vadd.f32 v29, v28;
	_ =	sdelay $0x1  }
0x6d: {  	v30 =	vld [tilespmem:$0x4150];
	[tilespmem:$0x4140] =	vst v0  }
0x6e: {  	v31 =	vld [tilespmem:s10+$0x4850];
	_ =	sdelay $0x4  }
0x6f: {  	v0 =	vadd.f32 v31, v30;
	_ =	sdelay $0x1  }
0x70: {  	v32 =	vld [tilespmem:$0x4160];
	[tilespmem:$0x4150] =	vst v0  }
0x71: {  	v33 =	vld [tilespmem:s10+$0x4860];
	_ =	sdelay $0x4  }
0x72: {  	v0 =	vadd.f32 v33, v32;
	_ =	sdelay $0x1  }
0x73: {  	v34 =	vld [tilespmem:$0x4170];
	[tilespmem:$0x4160] =	vst v0  }
0x74: {  	v35 =	vld [tilespmem:s10+$0x4870];
	_ =	sdelay $0x4  }
0x75: {  	v0 =	vadd.f32 v35, v34;
	_ =	sdelay $0x1  }
0x76: {  	s11 =	rddreg [dreg:$0xa];
	v36 =	vld [tilespmem:$0x4180];
	[tilespmem:$0x4170] =	vst v0  }
0x77: {  	v37 =	vld [tilespmem:s11+$0x4800];
	_ =	sdelay $0x4  }
0x78: {  	v0 =	vadd.f32 v37, v36;
	_ =	sdelay $0x1  }
0x79: {  	v38 =	vld [tilespmem:$0x4190];
	[tilespmem:$0x4180] =	vst v0  }
0x7a: {  	v39 =	vld [tilespmem:s11+$0x4810];
	_ =	sdelay $0x4  }
0x7b: {  	v0 =	vadd.f32 v39, v38;
	_ =	sdelay $0x1  }
0x7c: {  	v40 =	vld [tilespmem:$0x41A0];
	[tilespmem:$0x4190] =	vst v0  }
0x7d: {  	v41 =	vld [tilespmem:s11+$0x4820];
	_ =	sdelay $0x4  }
0x7e: {  	v0 =	vadd.f32 v41, v40;
	_ =	sdelay $0x1  }
0x7f: {  	v42 =	vld [tilespmem:$0x41B0];
	[tilespmem:$0x41A0] =	vst v0  }
0x80: {  	v43 =	vld [tilespmem:s11+$0x4830];
	_ =	sdelay $0x4  }
0x81: {  	v0 =	vadd.f32 v43, v42;
	_ =	sdelay $0x1  }
0x82: {  	v44 =	vld [tilespmem:$0x41C0];
	[tilespmem:$0x41B0] =	vst v0  }
0x83: {  	v45 =	vld [tilespmem:s11+$0x4840];
	_ =	sdelay $0x4  }
0x84: {  	v0 =	vadd.f32 v45, v44;
	_ =	sdelay $0x1  }
0x85: {  	v46 =	vld [tilespmem:$0x41D0];
	[tilespmem:$0x41C0] =	vst v0  }
0x86: {  	v47 =	vld [tilespmem:s11+$0x4850];
	_ =	sdelay $0x4  }
0x87: {  	v0 =	vadd.f32 v47, v46;
	_ =	sdelay $0x1  }
0x88: {  	v48 =	vld [tilespmem:$0x41E0];
	[tilespmem:$0x41D0] =	vst v0  }
0x89: {  	v49 =	vld [tilespmem:s11+$0x4860];
	_ =	sdelay $0x4  }
0x8a: {  	v0 =	vadd.f32 v49, v48;
	_ =	sdelay $0x1  }
0x8b: {  	v50 =	vld [tilespmem:$0x41F0];
	[tilespmem:$0x41E0] =	vst v0  }
0x8c: {  	v51 =	vld [tilespmem:s11+$0x4870];
	_ =	sdelay $0x4  }
0x8d: {  	v0 =	vadd.f32 v51, v50;
	_ =	sdelay $0x1  }
0x8e: {  	s12 =	rddreg [dreg:$0xb];
	v52 =	vld [tilespmem:$0x4200];
	[tilespmem:$0x41F0] =	vst v0  }
0x8f: {  	v53 =	vld [tilespmem:s12+$0x4800];
	_ =	sdelay $0x4  }
0x90: {  	v0 =	vadd.f32 v53, v52;
	_ =	sdelay $0x1  }
0x91: {  	v54 =	vld [tilespmem:$0x4210];
	[tilespmem:$0x4200] =	vst v0  }
0x92: {  	v55 =	vld [tilespmem:s12+$0x4810];
	_ =	sdelay $0x4  }
0x93: {  	v0 =	vadd.f32 v55, v54;
	_ =	sdelay $0x1  }
0x94: {  	v56 =	vld [tilespmem:$0x4220];
	[tilespmem:$0x4210] =	vst v0  }
0x95: {  	v57 =	vld [tilespmem:s12+$0x4820];
	_ =	sdelay $0x4  }
0x96: {  	v0 =	vadd.f32 v57, v56;
	_ =	sdelay $0x1  }
0x97: {  	v58 =	vld [tilespmem:$0x4230];
	[tilespmem:$0x4220] =	vst v0  }
0x98: {  	v59 =	vld [tilespmem:s12+$0x4830];
	_ =	sdelay $0x4  }
0x99: {  	v0 =	vadd.f32 v59, v58;
	_ =	sdelay $0x1  }
0x9a: {  	v60 =	vld [tilespmem:$0x4240];
	[tilespmem:$0x4230] =	vst v0  }
0x9b: {  	v61 =	vld [tilespmem:s12+$0x4840];
	_ =	sdelay $0x4  }
0x9c: {  	v0 =	vadd.f32 v61, v60;
	_ =	sdelay $0x1  }
0x9d: {  	v62 =	vld [tilespmem:$0x4250];
	[tilespmem:$0x4240] =	vst v0  }
0x9e: {  	v63 =	vld [tilespmem:s12+$0x4850];
	_ =	sdelay $0x4  }
0x9f: {  	v0 =	vadd.f32 v63, v62;
	_ =	sdelay $0x1  }
0xa0: {  	v4 =	vld [tilespmem:$0x4260];
	[tilespmem:$0x4250] =	vst v0  }
0xa1: {  	v5 =	vld [tilespmem:s12+$0x4860];
	_ =	sdelay $0x4  }
0xa2: {  	v0 =	vadd.f32 v5, v4;
	_ =	sdelay $0x1  }
0xa3: {  	v6 =	vld [tilespmem:$0x4270];
	[tilespmem:$0x4260] =	vst v0  }
0xa4: {  	v7 =	vld [tilespmem:s12+$0x4870];
	_ =	sdelay $0x4  }
0xa5: {  	v0 =	vadd.f32 v7, v6;
	_ =	sdelay $0x1  }
0xa6: {  	s13 =	rddreg [dreg:$0xc];
	v8 =	vld [tilespmem:$0x4280];
	[tilespmem:$0x4270] =	vst v0  }
0xa7: {  	v9 =	vld [tilespmem:s13+$0x4800];
	_ =	sdelay $0x4  }
0xa8: {  	v0 =	vadd.f32 v9, v8;
	_ =	sdelay $0x1  }
0xa9: {  	v10 =	vld [tilespmem:$0x4290];
	[tilespmem:$0x4280] =	vst v0  }
0xaa: {  	v11 =	vld [tilespmem:s13+$0x4810];
	_ =	sdelay $0x4  }
0xab: {  	v0 =	vadd.f32 v11, v10;
	_ =	sdelay $0x1  }
0xac: {  	v12 =	vld [tilespmem:$0x42A0];
	[tilespmem:$0x4290] =	vst v0  }
0xad: {  	v13 =	vld [tilespmem:s13+$0x4820];
	_ =	sdelay $0x4  }
0xae: {  	v0 =	vadd.f32 v13, v12;
	_ =	sdelay $0x1  }
0xaf: {  	v14 =	vld [tilespmem:$0x42B0];
	[tilespmem:$0x42A0] =	vst v0  }
0xb0: {  	v15 =	vld [tilespmem:s13+$0x4830];
	_ =	sdelay $0x4  }
0xb1: {  	v0 =	vadd.f32 v15, v14;
	_ =	sdelay $0x1  }
0xb2: {  	v16 =	vld [tilespmem:$0x42C0];
	[tilespmem:$0x42B0] =	vst v0  }
0xb3: {  	v17 =	vld [tilespmem:s13+$0x4840];
	_ =	sdelay $0x4  }
0xb4: {  	v0 =	vadd.f32 v17, v16;
	_ =	sdelay $0x1  }
0xb5: {  	v18 =	vld [tilespmem:$0x42D0];
	[tilespmem:$0x42C0] =	vst v0  }
0xb6: {  	v19 =	vld [tilespmem:s13+$0x4850];
	_ =	sdelay $0x4  }
0xb7: {  	v0 =	vadd.f32 v19, v18;
	_ =	sdelay $0x1  }
0xb8: {  	v20 =	vld [tilespmem:$0x42E0];
	[tilespmem:$0x42D0] =	vst v0  }
0xb9: {  	v21 =	vld [tilespmem:s13+$0x4860];
	_ =	sdelay $0x4  }
0xba: {  	v0 =	vadd.f32 v21, v20;
	_ =	sdelay $0x1  }
0xbb: {  	v22 =	vld [tilespmem:$0x42F0];
	[tilespmem:$0x42E0] =	vst v0  }
0xbc: {  	v23 =	vld [tilespmem:s13+$0x4870];
	_ =	sdelay $0x4  }
0xbd: {  	v0 =	vadd.f32 v23, v22;
	_ =	sdelay $0x1  }
0xbe: {  	s14 =	rddreg [dreg:$0xd];
	v24 =	vld [tilespmem:$0x4300];
	[tilespmem:$0x42F0] =	vst v0  }
0xbf: {  	v25 =	vld [tilespmem:s14+$0x4800];
	_ =	sdelay $0x4  }
0xc0: {  	v0 =	vadd.f32 v25, v24;
	_ =	sdelay $0x1  }
0xc1: {  	v26 =	vld [tilespmem:$0x4310];
	[tilespmem:$0x4300] =	vst v0  }
0xc2: {  	v27 =	vld [tilespmem:s14+$0x4810];
	_ =	sdelay $0x4  }
0xc3: {  	v0 =	vadd.f32 v27, v26;
	_ =	sdelay $0x1  }
0xc4: {  	v28 =	vld [tilespmem:$0x4320];
	[tilespmem:$0x4310] =	vst v0  }
0xc5: {  	v29 =	vld [tilespmem:s14+$0x4820];
	_ =	sdelay $0x4  }
0xc6: {  	v0 =	vadd.f32 v29, v28;
	_ =	sdelay $0x1  }
0xc7: {  	v30 =	vld [tilespmem:$0x4330];
	[tilespmem:$0x4320] =	vst v0  }
0xc8: {  	v31 =	vld [tilespmem:s14+$0x4830];
	_ =	sdelay $0x4  }
0xc9: {  	v0 =	vadd.f32 v31, v30;
	_ =	sdelay $0x1  }
0xca: {  	v32 =	vld [tilespmem:$0x4340];
	[tilespmem:$0x4330] =	vst v0  }
0xcb: {  	v33 =	vld [tilespmem:s14+$0x4840];
	_ =	sdelay $0x4  }
0xcc: {  	v0 =	vadd.f32 v33, v32;
	_ =	sdelay $0x1  }
0xcd: {  	v34 =	vld [tilespmem:$0x4350];
	[tilespmem:$0x4340] =	vst v0  }
0xce: {  	v35 =	vld [tilespmem:s14+$0x4850];
	_ =	sdelay $0x4  }
0xcf: {  	v0 =	vadd.f32 v35, v34;
	_ =	sdelay $0x1  }
0xd0: {  	v36 =	vld [tilespmem:$0x4360];
	[tilespmem:$0x4350] =	vst v0  }
0xd1: {  	v37 =	vld [tilespmem:s14+$0x4860];
	_ =	sdelay $0x4  }
0xd2: {  	v0 =	vadd.f32 v37, v36;
	_ =	sdelay $0x1  }
0xd3: {  	v38 =	vld [tilespmem:$0x4370];
	[tilespmem:$0x4360] =	vst v0  }
0xd4: {  	v39 =	vld [tilespmem:s14+$0x4870];
	_ =	sdelay $0x4  }
0xd5: {  	v0 =	vadd.f32 v39, v38;
	_ =	sdelay $0x1  }
0xd6: {  	v40 =	vld [tilespmem:$0x4380];
	[tilespmem:$0x4370] =	vst v0  }
0xd7: {  	v41 =	vld [tilespmem:s15+$0x4800];
	_ =	sdelay $0x4  }
0xd8: {  	v0 =	vadd.f32 v41, v40;
	_ =	sdelay $0x1  }
0xd9: {  	v42 =	vld [tilespmem:$0x4390];
	[tilespmem:$0x4380] =	vst v0  }
0xda: {  	v43 =	vld [tilespmem:s15+$0x4810];
	_ =	sdelay $0x4  }
0xdb: {  	v0 =	vadd.f32 v43, v42;
	_ =	sdelay $0x1  }
0xdc: {  	v44 =	vld [tilespmem:$0x43A0];
	[tilespmem:$0x4390] =	vst v0  }
0xdd: {  	v45 =	vld [tilespmem:s15+$0x4820];
	_ =	sdelay $0x4  }
0xde: {  	v0 =	vadd.f32 v45, v44;
	_ =	sdelay $0x1  }
0xdf: {  	v46 =	vld [tilespmem:$0x43B0];
	[tilespmem:$0x43A0] =	vst v0  }
0xe0: {  	v47 =	vld [tilespmem:s15+$0x4830];
	_ =	sdelay $0x4  }
0xe1: {  	v0 =	vadd.f32 v47, v46;
	_ =	sdelay $0x1  }
0xe2: {  	v48 =	vld [tilespmem:$0x43C0];
	[tilespmem:$0x43B0] =	vst v0  }
0xe3: {  	v49 =	vld [tilespmem:s15+$0x4840];
	_ =	sdelay $0x4  }
0xe4: {  	v0 =	vadd.f32 v49, v48;
	_ =	sdelay $0x1  }
0xe5: {  	v50 =	vld [tilespmem:$0x43D0];
	[tilespmem:$0x43C0] =	vst v0  }
0xe6: {  	v51 =	vld [tilespmem:s15+$0x4850];
	_ =	sdelay $0x4  }
0xe7: {  	v0 =	vadd.f32 v51, v50;
	_ =	sdelay $0x1  }
0xe8: {  	v52 =	vld [tilespmem:$0x43E0];
	[tilespmem:$0x43D0] =	vst v0  }
0xe9: {  	v53 =	vld [tilespmem:s15+$0x4860];
	_ =	sdelay $0x4  }
0xea: {  	v0 =	vadd.f32 v53, v52;
	_ =	sdelay $0x1  }
0xeb: {  	v54 =	vld [tilespmem:$0x43F0];
	[tilespmem:$0x43E0] =	vst v0  }
0xec: {  	v55 =	vld [tilespmem:s15+$0x4870];
	_ =	sdelay $0x4  }
0xed: {  	v0 =	vadd.f32 v55, v54;
	_ =	sdelay $0x1  }
0xee: {  	v56 =	vld [tilespmem:$0x4400];
	[tilespmem:$0x43F0] =	vst v0  }
0xef: {  	v57 =	vld [tilespmem:s16+$0x4800];
	_ =	sdelay $0x4  }
0xf0: {  	v0 =	vadd.f32 v57, v56;
	_ =	sdelay $0x1  }
0xf1: {  	v58 =	vld [tilespmem:$0x4410];
	[tilespmem:$0x4400] =	vst v0  }
0xf2: {  	v59 =	vld [tilespmem:s16+$0x4810];
	_ =	sdelay $0x4  }
0xf3: {  	v0 =	vadd.f32 v59, v58;
	_ =	sdelay $0x1  }
0xf4: {  	v60 =	vld [tilespmem:$0x4420];
	[tilespmem:$0x4410] =	vst v0  }
0xf5: {  	v61 =	vld [tilespmem:s16+$0x4820];
	_ =	sdelay $0x4  }
0xf6: {  	v0 =	vadd.f32 v61, v60;
	_ =	sdelay $0x1  }
0xf7: {  	v62 =	vld [tilespmem:$0x4430];
	[tilespmem:$0x4420] =	vst v0  }
0xf8: {  	v63 =	vld [tilespmem:s16+$0x4830];
	_ =	sdelay $0x4  }
0xf9: {  	v0 =	vadd.f32 v63, v62;
	_ =	sdelay $0x1  }
0xfa: {  	v4 =	vld [tilespmem:$0x4440];
	[tilespmem:$0x4430] =	vst v0  }
0xfb: {  	v5 =	vld [tilespmem:s16+$0x4840];
	_ =	sdelay $0x4  }
0xfc: {  	v0 =	vadd.f32 v5, v4;
	_ =	sdelay $0x1  }
0xfd: {  	v6 =	vld [tilespmem:$0x4450];
	[tilespmem:$0x4440] =	vst v0  }
0xfe: {  	v7 =	vld [tilespmem:s16+$0x4850];
	_ =	sdelay $0x4  }
0xff: {  	v0 =	vadd.f32 v7, v6;
	_ =	sdelay $0x1  }
0x100: {  	v8 =	vld [tilespmem:$0x4460];
	[tilespmem:$0x4450] =	vst v0  }
0x101: {  	v9 =	vld [tilespmem:s16+$0x4860];
	_ =	sdelay $0x4  }
0x102: {  	v0 =	vadd.f32 v9, v8;
	_ =	sdelay $0x1  }
0x103: {  	v10 =	vld [tilespmem:$0x4470];
	[tilespmem:$0x4460] =	vst v0  }
0x104: {  	v11 =	vld [tilespmem:s16+$0x4870];
	_ =	sdelay $0x4  }
0x105: {  	v0 =	vadd.f32 v11, v10;
	_ =	sdelay $0x1  }
0x106: {  	v12 =	vld [tilespmem:$0x4480];
	[tilespmem:$0x4470] =	vst v0  }
0x107: {  	v13 =	vld [tilespmem:s17+$0x4800];
	_ =	sdelay $0x4  }
0x108: {  	v0 =	vadd.f32 v13, v12;
	_ =	sdelay $0x1  }
0x109: {  	v14 =	vld [tilespmem:$0x4490];
	[tilespmem:$0x4480] =	vst v0  }
0x10a: {  	v15 =	vld [tilespmem:s17+$0x4810];
	_ =	sdelay $0x4  }
0x10b: {  	v0 =	vadd.f32 v15, v14;
	_ =	sdelay $0x1  }
0x10c: {  	v16 =	vld [tilespmem:$0x44A0];
	[tilespmem:$0x4490] =	vst v0  }
0x10d: {  	v17 =	vld [tilespmem:s17+$0x4820];
	_ =	sdelay $0x4  }
0x10e: {  	v0 =	vadd.f32 v17, v16;
	_ =	sdelay $0x1  }
0x10f: {  	v18 =	vld [tilespmem:$0x44B0];
	[tilespmem:$0x44A0] =	vst v0  }
0x110: {  	v19 =	vld [tilespmem:s17+$0x4830];
	_ =	sdelay $0x4  }
0x111: {  	v0 =	vadd.f32 v19, v18;
	_ =	sdelay $0x1  }
0x112: {  	v20 =	vld [tilespmem:$0x44C0];
	[tilespmem:$0x44B0] =	vst v0  }
0x113: {  	v21 =	vld [tilespmem:s17+$0x4840];
	_ =	sdelay $0x4  }
0x114: {  	v0 =	vadd.f32 v21, v20;
	_ =	sdelay $0x1  }
0x115: {  	v22 =	vld [tilespmem:$0x44D0];
	[tilespmem:$0x44C0] =	vst v0  }
0x116: {  	v23 =	vld [tilespmem:s17+$0x4850];
	_ =	sdelay $0x4  }
0x117: {  	v0 =	vadd.f32 v23, v22;
	_ =	sdelay $0x1  }
0x118: {  	v24 =	vld [tilespmem:$0x44E0];
	[tilespmem:$0x44D0] =	vst v0  }
0x119: {  	v25 =	vld [tilespmem:s17+$0x4860];
	_ =	sdelay $0x4  }
0x11a: {  	v0 =	vadd.f32 v25, v24;
	_ =	sdelay $0x1  }
0x11b: {  	v26 =	vld [tilespmem:$0x44F0];
	[tilespmem:$0x44E0] =	vst v0  }
0x11c: {  	v27 =	vld [tilespmem:s17+$0x4870];
	_ =	sdelay $0x4  }
0x11d: {  	v0 =	vadd.f32 v27, v26;
	_ =	sdelay $0x1  }
0x11e: {  	v28 =	vld [tilespmem:$0x4500];
	[tilespmem:$0x44F0] =	vst v0  }
0x11f: {  	v29 =	vld [tilespmem:s18+$0x4800];
	_ =	sdelay $0x4  }
0x120: {  	v0 =	vadd.f32 v29, v28;
	_ =	sdelay $0x1  }
0x121: {  	v30 =	vld [tilespmem:$0x4510];
	[tilespmem:$0x4500] =	vst v0  }
0x122: {  	v31 =	vld [tilespmem:s18+$0x4810];
	_ =	sdelay $0x4  }
0x123: {  	v0 =	vadd.f32 v31, v30;
	_ =	sdelay $0x1  }
0x124: {  	v32 =	vld [tilespmem:$0x4520];
	[tilespmem:$0x4510] =	vst v0  }
0x125: {  	v33 =	vld [tilespmem:s18+$0x4820];
	_ =	sdelay $0x4  }
0x126: {  	v0 =	vadd.f32 v33, v32;
	_ =	sdelay $0x1  }
0x127: {  	v34 =	vld [tilespmem:$0x4530];
	[tilespmem:$0x4520] =	vst v0  }
0x128: {  	v35 =	vld [tilespmem:s18+$0x4830];
	_ =	sdelay $0x4  }
0x129: {  	v0 =	vadd.f32 v35, v34;
	_ =	sdelay $0x1  }
0x12a: {  	v36 =	vld [tilespmem:$0x4540];
	[tilespmem:$0x4530] =	vst v0  }
0x12b: {  	v37 =	vld [tilespmem:s18+$0x4840];
	_ =	sdelay $0x4  }
0x12c: {  	v0 =	vadd.f32 v37, v36;
	_ =	sdelay $0x1  }
0x12d: {  	v38 =	vld [tilespmem:$0x4550];
	[tilespmem:$0x4540] =	vst v0  }
0x12e: {  	v39 =	vld [tilespmem:s18+$0x4850];
	_ =	sdelay $0x4  }
0x12f: {  	v0 =	vadd.f32 v39, v38;
	_ =	sdelay $0x1  }
0x130: {  	v40 =	vld [tilespmem:$0x4560];
	[tilespmem:$0x4550] =	vst v0  }
0x131: {  	v41 =	vld [tilespmem:s18+$0x4860];
	_ =	sdelay $0x4  }
0x132: {  	v0 =	vadd.f32 v41, v40;
	_ =	sdelay $0x1  }
0x133: {  	v42 =	vld [tilespmem:$0x4570];
	[tilespmem:$0x4560] =	vst v0  }
0x134: {  	v43 =	vld [tilespmem:s18+$0x4870];
	_ =	sdelay $0x4  }
0x135: {  	v0 =	vadd.f32 v43, v42;
	_ =	sdelay $0x1  }
0x136: {  	v44 =	vld [tilespmem:$0x4580];
	[tilespmem:$0x4570] =	vst v0  }
0x137: {  	v45 =	vld [tilespmem:s19+$0x4800];
	_ =	sdelay $0x4  }
0x138: {  	v0 =	vadd.f32 v45, v44;
	_ =	sdelay $0x1  }
0x139: {  	v46 =	vld [tilespmem:$0x4590];
	[tilespmem:$0x4580] =	vst v0  }
0x13a: {  	v47 =	vld [tilespmem:s19+$0x4810];
	_ =	sdelay $0x4  }
0x13b: {  	v0 =	vadd.f32 v47, v46;
	_ =	sdelay $0x1  }
0x13c: {  	v48 =	vld [tilespmem:$0x45A0];
	[tilespmem:$0x4590] =	vst v0  }
0x13d: {  	v49 =	vld [tilespmem:s19+$0x4820];
	_ =	sdelay $0x4  }
0x13e: {  	v0 =	vadd.f32 v49, v48;
	_ =	sdelay $0x1  }
0x13f: {  	v50 =	vld [tilespmem:$0x45B0];
	[tilespmem:$0x45A0] =	vst v0  }
0x140: {  	v51 =	vld [tilespmem:s19+$0x4830];
	_ =	sdelay $0x4  }
0x141: {  	v0 =	vadd.f32 v51, v50;
	_ =	sdelay $0x1  }
0x142: {  	v52 =	vld [tilespmem:$0x45C0];
	[tilespmem:$0x45B0] =	vst v0  }
0x143: {  	v53 =	vld [tilespmem:s19+$0x4840];
	_ =	sdelay $0x4  }
0x144: {  	v0 =	vadd.f32 v53, v52;
	_ =	sdelay $0x1  }
0x145: {  	v54 =	vld [tilespmem:$0x45D0];
	[tilespmem:$0x45C0] =	vst v0  }
0x146: {  	v55 =	vld [tilespmem:s19+$0x4850];
	_ =	sdelay $0x4  }
0x147: {  	v0 =	vadd.f32 v55, v54;
	_ =	sdelay $0x1  }
0x148: {  	v56 =	vld [tilespmem:$0x45E0];
	[tilespmem:$0x45D0] =	vst v0  }
0x149: {  	v57 =	vld [tilespmem:s19+$0x4860];
	_ =	sdelay $0x4  }
0x14a: {  	v0 =	vadd.f32 v57, v56;
	_ =	sdelay $0x1  }
0x14b: {  	v58 =	vld [tilespmem:$0x45F0];
	[tilespmem:$0x45E0] =	vst v0  }
0x14c: {  	v59 =	vld [tilespmem:s19+$0x4870];
	_ =	sdelay $0x4  }
0x14d: {  	v0 =	vadd.f32 v59, v58;
	_ =	sdelay $0x1  }
0x14e: {  	v60 =	vld [tilespmem:$0x4600];
	[tilespmem:$0x45F0] =	vst v0  }
0x14f: {  	v61 =	vld [tilespmem:s20+$0x4800];
	_ =	sdelay $0x4  }
0x150: {  	v0 =	vadd.f32 v61, v60;
	_ =	sdelay $0x1  }
0x151: {  	v62 =	vld [tilespmem:$0x4610];
	[tilespmem:$0x4600] =	vst v0  }
0x152: {  	v63 =	vld [tilespmem:s20+$0x4810];
	_ =	sdelay $0x4  }
0x153: {  	v0 =	vadd.f32 v63, v62;
	_ =	sdelay $0x1  }
0x154: {  	v4 =	vld [tilespmem:$0x4620];
	[tilespmem:$0x4610] =	vst v0  }
0x155: {  	v5 =	vld [tilespmem:s20+$0x4820];
	_ =	sdelay $0x4  }
0x156: {  	v0 =	vadd.f32 v5, v4;
	_ =	sdelay $0x1  }
0x157: {  	v6 =	vld [tilespmem:$0x4630];
	[tilespmem:$0x4620] =	vst v0  }
0x158: {  	v7 =	vld [tilespmem:s20+$0x4830];
	_ =	sdelay $0x4  }
0x159: {  	v0 =	vadd.f32 v7, v6;
	_ =	sdelay $0x1  }
0x15a: {  	v8 =	vld [tilespmem:$0x4640];
	[tilespmem:$0x4630] =	vst v0  }
0x15b: {  	v9 =	vld [tilespmem:s20+$0x4840];
	_ =	sdelay $0x4  }
0x15c: {  	v0 =	vadd.f32 v9, v8;
	_ =	sdelay $0x1  }
0x15d: {  	v10 =	vld [tilespmem:$0x4650];
	[tilespmem:$0x4640] =	vst v0  }
0x15e: {  	v11 =	vld [tilespmem:s20+$0x4850];
	_ =	sdelay $0x4  }
0x15f: {  	v0 =	vadd.f32 v11, v10;
	_ =	sdelay $0x1  }
0x160: {  	v12 =	vld [tilespmem:$0x4660];
	[tilespmem:$0x4650] =	vst v0  }
0x161: {  	v13 =	vld [tilespmem:s20+$0x4860];
	_ =	sdelay $0x4  }
0x162: {  	v0 =	vadd.f32 v13, v12;
	_ =	sdelay $0x1  }
0x163: {  	v14 =	vld [tilespmem:$0x4670];
	[tilespmem:$0x4660] =	vst v0  }
0x164: {  	v15 =	vld [tilespmem:s20+$0x4870];
	_ =	sdelay $0x4  }
0x165: {  	v0 =	vadd.f32 v15, v14;
	_ =	sdelay $0x1  }
0x166: {  	v16 =	vld [tilespmem:$0x4680];
	[tilespmem:$0x4670] =	vst v0  }
0x167: {  	v17 =	vld [tilespmem:s21+$0x4800];
	_ =	sdelay $0x4  }
0x168: {  	v0 =	vadd.f32 v17, v16;
	_ =	sdelay $0x1  }
0x169: {  	v18 =	vld [tilespmem:$0x4690];
	[tilespmem:$0x4680] =	vst v0  }
0x16a: {  	v19 =	vld [tilespmem:s21+$0x4810];
	_ =	sdelay $0x4  }
0x16b: {  	v0 =	vadd.f32 v19, v18;
	_ =	sdelay $0x1  }
0x16c: {  	v20 =	vld [tilespmem:$0x46A0];
	[tilespmem:$0x4690] =	vst v0  }
0x16d: {  	v21 =	vld [tilespmem:s21+$0x4820];
	_ =	sdelay $0x4  }
0x16e: {  	v0 =	vadd.f32 v21, v20;
	_ =	sdelay $0x1  }
0x16f: {  	v22 =	vld [tilespmem:$0x46B0];
	[tilespmem:$0x46A0] =	vst v0  }
0x170: {  	v23 =	vld [tilespmem:s21+$0x4830];
	_ =	sdelay $0x4  }
0x171: {  	v0 =	vadd.f32 v23, v22;
	_ =	sdelay $0x1  }
0x172: {  	v24 =	vld [tilespmem:$0x46C0];
	[tilespmem:$0x46B0] =	vst v0  }
0x173: {  	v25 =	vld [tilespmem:s21+$0x4840];
	_ =	sdelay $0x4  }
0x174: {  	v0 =	vadd.f32 v25, v24;
	_ =	sdelay $0x1  }
0x175: {  	v26 =	vld [tilespmem:$0x46D0];
	[tilespmem:$0x46C0] =	vst v0  }
0x176: {  	v27 =	vld [tilespmem:s21+$0x4850];
	_ =	sdelay $0x4  }
0x177: {  	v0 =	vadd.f32 v27, v26;
	_ =	sdelay $0x1  }
0x178: {  	v28 =	vld [tilespmem:$0x46E0];
	[tilespmem:$0x46D0] =	vst v0  }
0x179: {  	v29 =	vld [tilespmem:s21+$0x4860];
	_ =	sdelay $0x4  }
0x17a: {  	v0 =	vadd.f32 v29, v28;
	_ =	sdelay $0x1  }
0x17b: {  	v30 =	vld [tilespmem:$0x46F0];
	[tilespmem:$0x46E0] =	vst v0  }
0x17c: {  	v31 =	vld [tilespmem:s21+$0x4870];
	_ =	sdelay $0x4  }
0x17d: {  	v0 =	vadd.f32 v31, v30;
	_ =	sdelay $0x1  }
0x17e: {  	v32 =	vld [tilespmem:$0x4700];
	[tilespmem:$0x46F0] =	vst v0  }
0x17f: {  	v33 =	vld [tilespmem:s22+$0x4800];
	_ =	sdelay $0x4  }
0x180: {  	v0 =	vadd.f32 v33, v32;
	_ =	sdelay $0x1  }
0x181: {  	v34 =	vld [tilespmem:$0x4710];
	[tilespmem:$0x4700] =	vst v0  }
0x182: {  	v35 =	vld [tilespmem:s22+$0x4810];
	_ =	sdelay $0x4  }
0x183: {  	v0 =	vadd.f32 v35, v34;
	_ =	sdelay $0x1  }
0x184: {  	v36 =	vld [tilespmem:$0x4720];
	[tilespmem:$0x4710] =	vst v0  }
0x185: {  	v37 =	vld [tilespmem:s22+$0x4820];
	_ =	sdelay $0x4  }
0x186: {  	v0 =	vadd.f32 v37, v36;
	_ =	sdelay $0x1  }
0x187: {  	v38 =	vld [tilespmem:$0x4730];
	[tilespmem:$0x4720] =	vst v0  }
0x188: {  	v39 =	vld [tilespmem:s22+$0x4830];
	_ =	sdelay $0x4  }
0x189: {  	v0 =	vadd.f32 v39, v38;
	_ =	sdelay $0x1  }
0x18a: {  	v40 =	vld [tilespmem:$0x4740];
	[tilespmem:$0x4730] =	vst v0  }
0x18b: {  	v41 =	vld [tilespmem:s22+$0x4840];
	_ =	sdelay $0x4  }
0x18c: {  	v0 =	vadd.f32 v41, v40;
	_ =	sdelay $0x1  }
0x18d: {  	v42 =	vld [tilespmem:$0x4750];
	[tilespmem:$0x4740] =	vst v0  }
0x18e: {  	v43 =	vld [tilespmem:s22+$0x4850];
	_ =	sdelay $0x4  }
0x18f: {  	v0 =	vadd.f32 v43, v42;
	_ =	sdelay $0x1  }
0x190: {  	v44 =	vld [tilespmem:$0x4760];
	[tilespmem:$0x4750] =	vst v0  }
0x191: {  	v45 =	vld [tilespmem:s22+$0x4860];
	_ =	sdelay $0x4  }
0x192: {  	v0 =	vadd.f32 v45, v44;
	_ =	sdelay $0x1  }
0x193: {  	v46 =	vld [tilespmem:$0x4770];
	[tilespmem:$0x4760] =	vst v0  }
0x194: {  	v47 =	vld [tilespmem:s22+$0x4870];
	_ =	sdelay $0x4  }
0x195: {  	v0 =	vadd.f32 v47, v46;
	_ =	sdelay $0x1  }
0x196: {  	v48 =	vld [tilespmem:$0x4780];
	[tilespmem:$0x4770] =	vst v0  }
0x197: {  	v49 =	vld [tilespmem:s23+$0x4800];
	_ =	sdelay $0x4  }
0x198: {  	v0 =	vadd.f32 v49, v48;
	_ =	sdelay $0x1  }
0x199: {  	v50 =	vld [tilespmem:$0x4790];
	[tilespmem:$0x4780] =	vst v0  }
0x19a: {  	v51 =	vld [tilespmem:s23+$0x4810];
	_ =	sdelay $0x4  }
0x19b: {  	v0 =	vadd.f32 v51, v50;
	_ =	sdelay $0x1  }
0x19c: {  	v52 =	vld [tilespmem:$0x47A0];
	[tilespmem:$0x4790] =	vst v0  }
0x19d: {  	v53 =	vld [tilespmem:s23+$0x4820];
	_ =	sdelay $0x4  }
0x19e: {  	v0 =	vadd.f32 v53, v52;
	_ =	sdelay $0x1  }
0x19f: {  	v54 =	vld [tilespmem:$0x47B0];
	[tilespmem:$0x47A0] =	vst v0  }
0x1a0: {  	v55 =	vld [tilespmem:s23+$0x4830];
	_ =	sdelay $0x4  }
0x1a1: {  	v0 =	vadd.f32 v55, v54;
	_ =	sdelay $0x1  }
0x1a2: {  	v56 =	vld [tilespmem:$0x47C0];
	[tilespmem:$0x47B0] =	vst v0  }
0x1a3: {  	v57 =	vld [tilespmem:s23+$0x4840];
	_ =	sdelay $0x4  }
0x1a4: {  	v0 =	vadd.f32 v57, v56;
	_ =	sdelay $0x1  }
0x1a5: {  	v58 =	vld [tilespmem:$0x47D0];
	[tilespmem:$0x47C0] =	vst v0  }
0x1a6: {  	v59 =	vld [tilespmem:s23+$0x4850];
	_ =	sdelay $0x4  }
0x1a7: {  	v0 =	vadd.f32 v59, v58;
	_ =	sdelay $0x1  }
0x1a8: {  	v60 =	vld [tilespmem:$0x47E0];
	[tilespmem:$0x47D0] =	vst v0  }
0x1a9: {  	v61 =	vld [tilespmem:s23+$0x4860];
	_ =	sdelay $0x4  }
0x1aa: {  	v0 =	vadd.f32 v61, v60;
	_ =	sdelay $0x1  }
0x1ab: {  	v62 =	vld [tilespmem:$0x47F0];
	[tilespmem:$0x47E0] =	vst v0  }
0x1ac: {  	v63 =	vld [tilespmem:s23+$0x4870];
	_ =	sdelay $0x4  }
0x1ad: {  	v0 =	vadd.f32 v63, v62;
	_ =	sdelay $0x1  }
0x1ae: {  	s25 =	simm.s32 $0x4900;
	[tilespmem:$0x47F0] =	vst v0  }
0x1af: {  	[tilespmem:s25], [sflag:$0x1] =	stream.indirect.gather [hbm4b:s1+s24], $0x80, s7, s24, $0xb8;
	[tilespmem:$0x14900] =	vst v63  }
0x1b0: {  	s8 =	simm.s32 $0x0;
	s28 =	simm.s32 $0x8900  }
0x1b1: {  	[tilespmem:s28], [sflag:$0x2] =	stream.indirect.gather [hbm4b:s1+s24], $0x80, s24, s24, $0xb8;
	[tilespmem:$0x14900] =	vst v63  }
.LBB2_2:
0x1b2: {  	s7 =	sshll.u32 s8, $0x2;
	p1 =	seq.s32 s8, $0x0  }
0x1b3: {  	s5 =	sadd.s32 @!p1 $0xFFFFFFFC, s7  }
0x1b4: {  	s5 =	sshra.s32 @!p1 s5, $0x3  }
0x1b5: {  	p2 =	sge.s32 @!p1 s5, s26  }
0x1b6: {  	p2 =	por p2, p1  }
0x1b7: {  	s28 =	sor.u32 $0x2, s7;
	s9 =	simm.s32 @!p2 $0x7  }
0x1b8: {  	s11 =	sshll.u32 s28, $0x7;
	s5 =	sshll.u32 s8, $0x9;
	_ =	swait.ge @!p2 [sflag:s9], $0x4000  }
0x1b9: {  	s11 =	sand.u32 $0x300, s11;
	s10 =	sand.u32 $0x3C00, s5;
	[sflag:s9] =	ssyncset.done @!p2 $0x0  }
0x1ba: {  	s14 =	sor.u32 s11, s10;
	[sflag:s9] =	ssyncadd.s32 @!p2 $0xFFFFC000  }
0x1bb: {  	[tilespmem:s3], [sflag:$0x3] =	stream.indirect.gather [hbm4b:s1+s24], $0x80, s14, s24, $0xb8;
	[tilespmem:$0x14900] =	vst v63  }
0x1bc: {  	_ =	swait.ge [sflag:s2], $0x4000  }
0x1bd: {  	s25 =	sshll.u32 s8, $0x6;
	[sflag:s2] =	ssyncset.done $0x0  }
0x1be: {  	s25 =	sand.u32 $0x3FFFFF80, s25;
	[sflag:s2] =	ssyncadd.s32 $0xFFFFC000  }
0x1bf: {  	v5 =	vld [tilespmem:s25+$0x4000]  }
0x1c0: {  	v6 =	vld [tilespmem:s25+$0x4010]  }
0x1c1: {  	v4 =	vld [tilespmem:s25+$0x4020]  }
0x1c2: {  	v7 =	vld [tilespmem:s25+$0x4070]  }
0x1c3: {  	v3 =	vld [tilespmem:s25+$0x4030]  }
0x1c4: {  	v2 =	vld [tilespmem:s25+$0x4040]  }
0x1c5: {  	v1 =	vld [tilespmem:s25+$0x4050]  }
0x1c6: {  	s12 =	simm.s32 $0x0;
	s11 =	simm.s32 $0x800;
	s9 =	sshrl.u32 s8, $0x1;
	v0 =	vld [tilespmem:s25+$0x4060]  }
.LBB2_3:
0x1c7: {  	p1 =	sne.s32 s11, $0xF800;
	[tilespmem:s12+$0x4AF0] =	vst.add.f32.msk $0xffff, v7  }
0x1c8: {  	[tilespmem:s12+$0x4900] =	vst.add.f32.msk $0xffff, v5  }
0x1c9: {  	[tilespmem:s12+$0x4910] =	vst.add.f32.msk $0xffff, v6  }
0x1ca: {  	[tilespmem:s12+$0x4920] =	vst.add.f32.msk $0xffff, v4  }
0x1cb: {  	[tilespmem:s12+$0x4930] =	vst.add.f32.msk $0xffff, v3  }
0x1cc: {  	[tilespmem:s12+$0x4940] =	vst.add.f32.msk $0xffff, v2  }
0x1cd: {  	[tilespmem:s12+$0x4950] =	vst.add.f32.msk $0xffff, v1  }
0x1ce: {  	[tilespmem:s12+$0x4960] =	vst.add.f32.msk $0xffff, v0  }
0x1cf: {  	[tilespmem:s12+$0x4970] =	vst.add.f32.msk $0xffff, v7  }
0x1d0: {  	[tilespmem:s12+$0x4980] =	vst.add.f32.msk $0xffff, v5  }
0x1d1: {  	[tilespmem:s12+$0x4990] =	vst.add.f32.msk $0xffff, v6  }
0x1d2: {  	[tilespmem:s12+$0x49A0] =	vst.add.f32.msk $0xffff, v4  }
0x1d3: {  	[tilespmem:s12+$0x49B0] =	vst.add.f32.msk $0xffff, v3  }
0x1d4: {  	[tilespmem:s12+$0x49C0] =	vst.add.f32.msk $0xffff, v2  }
0x1d5: {  	[tilespmem:s12+$0x49D0] =	vst.add.f32.msk $0xffff, v1  }
0x1d6: {  	[tilespmem:s12+$0x49E0] =	vst.add.f32.msk $0xffff, v0  }
0x1d7: {  	[tilespmem:s12+$0x49F0] =	vst.add.f32.msk $0xffff, v7  }
0x1d8: {  	[tilespmem:s12+$0x4A00] =	vst.add.f32.msk $0xffff, v5  }
0x1d9: {  	[tilespmem:s12+$0x4A10] =	vst.add.f32.msk $0xffff, v6  }
0x1da: {  	[tilespmem:s12+$0x4A20] =	vst.add.f32.msk $0xffff, v4  }
0x1db: {  	[tilespmem:s12+$0x4A30] =	vst.add.f32.msk $0xffff, v3  }
0x1dc: {  	[tilespmem:s12+$0x4A40] =	vst.add.f32.msk $0xffff, v2  }
0x1dd: {  	[tilespmem:s12+$0x4A50] =	vst.add.f32.msk $0xffff, v1  }
0x1de: {  	[tilespmem:s12+$0x4A60] =	vst.add.f32.msk $0xffff, v0  }
0x1df: {  	[tilespmem:s12+$0x4A70] =	vst.add.f32.msk $0xffff, v7  }
0x1e0: {  	[tilespmem:s12+$0x4A80] =	vst.add.f32.msk $0xffff, v5  }
0x1e1: {  	[tilespmem:s12+$0x4A90] =	vst.add.f32.msk $0xffff, v6  }
.Ltmp0:
0x1e2: {  	[tilespmem:s12+$0x4AA0] =	vst.add.f32.msk $0xffff, v4;
	(pc) =	sbr.rel @p1 .LBB2_3-.Ltmp0, $4  }
0x1e3: {  	[tilespmem:s12+$0x4AB0] =	vst.add.f32.msk $0xffff, v3  }
0x1e4: {  	[tilespmem:s12+$0x4AC0] =	vst.add.f32.msk $0xffff, v2  }
0x1e5: {  	[tilespmem:s12+$0x4AD0] =	vst.add.f32.msk $0xffff, v1  }
0x1e6: {  	[tilespmem:s12+$0x4AE0] =	vst.add.f32.msk $0xffff, v0;
	s12 =	sshra.s32 s11, $0x2;
	s11 =	sadd.s32 $0x800, s11  }
0x1e7: {  	[tilespmem:s12+$0x4AF0] =	vst.add.f32.msk $0xffff, v7  }
0x1e8: {  	[tilespmem:s12+$0x4900] =	vst.add.f32.msk $0xffff, v5  }
0x1e9: {  	[tilespmem:s12+$0x4910] =	vst.add.f32.msk $0xffff, v6  }
0x1ea: {  	[tilespmem:s12+$0x4920] =	vst.add.f32.msk $0xffff, v4  }
0x1eb: {  	[tilespmem:s12+$0x4930] =	vst.add.f32.msk $0xffff, v3  }
0x1ec: {  	[tilespmem:s12+$0x4940] =	vst.add.f32.msk $0xffff, v2  }
0x1ed: {  	[tilespmem:s12+$0x4950] =	vst.add.f32.msk $0xffff, v1  }
0x1ee: {  	[tilespmem:s12+$0x4960] =	vst.add.f32.msk $0xffff, v0  }
0x1ef: {  	[tilespmem:s12+$0x4970] =	vst.add.f32.msk $0xffff, v7  }
0x1f0: {  	[tilespmem:s12+$0x4980] =	vst.add.f32.msk $0xffff, v5  }
0x1f1: {  	[tilespmem:s12+$0x4990] =	vst.add.f32.msk $0xffff, v6  }
0x1f2: {  	[tilespmem:s12+$0x49A0] =	vst.add.f32.msk $0xffff, v4  }
0x1f3: {  	[tilespmem:s12+$0x49B0] =	vst.add.f32.msk $0xffff, v3  }
0x1f4: {  	[tilespmem:s12+$0x49C0] =	vst.add.f32.msk $0xffff, v2  }
0x1f5: {  	[tilespmem:s12+$0x49D0] =	vst.add.f32.msk $0xffff, v1  }
0x1f6: {  	[tilespmem:s12+$0x49E0] =	vst.add.f32.msk $0xffff, v0  }
0x1f7: {  	[tilespmem:s12+$0x49F0] =	vst.add.f32.msk $0xffff, v7  }
0x1f8: {  	[tilespmem:s12+$0x4A00] =	vst.add.f32.msk $0xffff, v5  }
0x1f9: {  	[tilespmem:s12+$0x4A10] =	vst.add.f32.msk $0xffff, v6  }
0x1fa: {  	[tilespmem:s12+$0x4A20] =	vst.add.f32.msk $0xffff, v4  }
0x1fb: {  	[tilespmem:s12+$0x4A30] =	vst.add.f32.msk $0xffff, v3  }
0x1fc: {  	[tilespmem:s12+$0x4A40] =	vst.add.f32.msk $0xffff, v2  }
0x1fd: {  	[tilespmem:s12+$0x4A50] =	vst.add.f32.msk $0xffff, v1  }
0x1fe: {  	[tilespmem:s12+$0x4A60] =	vst.add.f32.msk $0xffff, v0  }
0x1ff: {  	[tilespmem:s12+$0x4A70] =	vst.add.f32.msk $0xffff, v7  }
0x200: {  	[tilespmem:s12+$0x4A80] =	vst.add.f32.msk $0xffff, v5  }
0x201: {  	[tilespmem:s12+$0x4A90] =	vst.add.f32.msk $0xffff, v6;
	s9 =	sor.u32 s6, s9  }
0x202: {  	[tilespmem:s12+$0x4AA0] =	vst.add.f32.msk $0xffff, v4;
	p1 =	sgt.u32 s9, $0x1FE  }
0x203: {  	[tilespmem:s12+$0x4AB0] =	vst.add.f32.msk $0xffff, v3;
	s11 =	sshll.u32 @!p1 s8, $0xD  }
0x204: {  	[tilespmem:s12+$0x4AC0] =	vst.add.f32.msk $0xffff, v2;
	s11 =	sand.u32 @!p1 $0x2000, s11  }
0x205: {  	[tilespmem:s12+$0x4AD0] =	vst.add.f32.msk $0xffff, v1;
	s9 =	sshll.u32 @!p1 s9, $0xE;
	s13 =	sadd.s32 @!p1 s4, s11  }
0x206: {  	[tilespmem:s12+$0x4AE0] =	vst.add.f32.msk $0xffff, v0;
	s14 =	simm.s32 @!p1 $0x4900;
	s12 =	sadd.s32 @!p1 s9, s13;
	s13 =	simm.s32 @!p1 $0x0  }
0x207: {  	[hbm4b:s12+s13] =	stream.linear.scatter @!p1 [tilespmem:s14], [sflag:$0x5], $0x4000, $0x38;
	[tilespmem:$0x14900] =	vst v63  }
0x208: {  	s7 =	sor.u32 $0x3, s7;
	s12 =	simm.s32 @!p2 $0x8  }
0x209: {  	s14 =	sshll.u32 s7, $0x7;
	_ =	swait.ge @!p2 [sflag:s12], $0x4000  }
0x20a: {  	s13 =	sand.u32 $0x380, s14;
	[sflag:s12] =	ssyncset.done @!p2 $0x0  }
0x20b: {  	s10 =	sadd.s32 s13, s10;
	[sflag:s12] =	ssyncadd.s32 @!p2 $0xFFFFC000  }
0x20c: {  	[tilespmem:s29], [sflag:$0x4] =	stream.indirect.gather [hbm4b:s1+s24], $0x80, s10, s24, $0xb8;
	[tilespmem:$0x14900] =	vst v63  }
0x20d: {  	_ =	swait.ge [sflag:s30], $0x4000  }
0x20e: {  	[sflag:s30] =	ssyncset.done $0x0  }
0x20f: {  	[sflag:s30] =	ssyncadd.s32 $0xFFFFC000  }
0x210: {  	v2 =	vld [tilespmem:s25+$0x4000]  }
0x211: {  	v3 =	vld [tilespmem:s25+$0x4010]  }
0x212: {  	v4 =	vld [tilespmem:s25+$0x4020]  }
0x213: {  	v7 =	vld [tilespmem:s25+$0x4070]  }
0x214: {  	v5 =	vld [tilespmem:s25+$0x4030]  }
0x215: {  	v6 =	vld [tilespmem:s25+$0x4040]  }
0x216: {  	v1 =	vld [tilespmem:s25+$0x4050]  }
0x217: {  	s12 =	simm.s32 $0x800;
	s10 =	simm.s32 $0x0;
	v0 =	vld [tilespmem:s25+$0x4060]  }
.LBB2_5:
0x218: {  	p2 =	sne.s32 s12, $0xF800;
	[tilespmem:s10+$0x8AF0] =	vst.add.f32.msk $0xffff, v7  }
0x219: {  	[tilespmem:s10+$0x8900] =	vst.add.f32.msk $0xffff, v2  }
0x21a: {  	[tilespmem:s10+$0x8910] =	vst.add.f32.msk $0xffff, v3  }
0x21b: {  	[tilespmem:s10+$0x8920] =	vst.add.f32.msk $0xffff, v4  }
0x21c: {  	[tilespmem:s10+$0x8930] =	vst.add.f32.msk $0xffff, v5  }
0x21d: {  	[tilespmem:s10+$0x8940] =	vst.add.f32.msk $0xffff, v6  }
0x21e: {  	[tilespmem:s10+$0x8950] =	vst.add.f32.msk $0xffff, v1  }
0x21f: {  	[tilespmem:s10+$0x8960] =	vst.add.f32.msk $0xffff, v0  }
0x220: {  	[tilespmem:s10+$0x8970] =	vst.add.f32.msk $0xffff, v7  }
0x221: {  	[tilespmem:s10+$0x8980] =	vst.add.f32.msk $0xffff, v2  }
0x222: {  	[tilespmem:s10+$0x8990] =	vst.add.f32.msk $0xffff, v3  }
0x223: {  	[tilespmem:s10+$0x89A0] =	vst.add.f32.msk $0xffff, v4  }
0x224: {  	[tilespmem:s10+$0x89B0] =	vst.add.f32.msk $0xffff, v5  }
0x225: {  	[tilespmem:s10+$0x89C0] =	vst.add.f32.msk $0xffff, v6  }
0x226: {  	[tilespmem:s10+$0x89D0] =	vst.add.f32.msk $0xffff, v1  }
0x227: {  	[tilespmem:s10+$0x89E0] =	vst.add.f32.msk $0xffff, v0  }
0x228: {  	[tilespmem:s10+$0x89F0] =	vst.add.f32.msk $0xffff, v7  }
0x229: {  	[tilespmem:s10+$0x8A00] =	vst.add.f32.msk $0xffff, v2  }
0x22a: {  	[tilespmem:s10+$0x8A10] =	vst.add.f32.msk $0xffff, v3  }
0x22b: {  	[tilespmem:s10+$0x8A20] =	vst.add.f32.msk $0xffff, v4  }
0x22c: {  	[tilespmem:s10+$0x8A30] =	vst.add.f32.msk $0xffff, v5  }
0x22d: {  	[tilespmem:s10+$0x8A40] =	vst.add.f32.msk $0xffff, v6  }
0x22e: {  	[tilespmem:s10+$0x8A50] =	vst.add.f32.msk $0xffff, v1  }
0x22f: {  	[tilespmem:s10+$0x8A60] =	vst.add.f32.msk $0xffff, v0  }
0x230: {  	[tilespmem:s10+$0x8A70] =	vst.add.f32.msk $0xffff, v7  }
0x231: {  	[tilespmem:s10+$0x8A80] =	vst.add.f32.msk $0xffff, v2  }
0x232: {  	[tilespmem:s10+$0x8A90] =	vst.add.f32.msk $0xffff, v3  }
.Ltmp1:
0x233: {  	[tilespmem:s10+$0x8AA0] =	vst.add.f32.msk $0xffff, v4;
	(pc) =	sbr.rel @p2 .LBB2_5-.Ltmp1, $4  }
0x234: {  	[tilespmem:s10+$0x8AB0] =	vst.add.f32.msk $0xffff, v5  }
0x235: {  	[tilespmem:s10+$0x8AC0] =	vst.add.f32.msk $0xffff, v6  }
0x236: {  	[tilespmem:s10+$0x8AD0] =	vst.add.f32.msk $0xffff, v1  }
0x237: {  	[tilespmem:s10+$0x8AE0] =	vst.add.f32.msk $0xffff, v0;
	s10 =	sshra.s32 s12, $0x2;
	s12 =	sadd.s32 $0x800, s12  }
0x238: {  	[tilespmem:s10+$0x8AF0] =	vst.add.f32.msk $0xffff, v7  }
0x239: {  	[tilespmem:s10+$0x8900] =	vst.add.f32.msk $0xffff, v2  }
0x23a: {  	[tilespmem:s10+$0x8910] =	vst.add.f32.msk $0xffff, v3  }
0x23b: {  	[tilespmem:s10+$0x8920] =	vst.add.f32.msk $0xffff, v4  }
0x23c: {  	[tilespmem:s10+$0x8930] =	vst.add.f32.msk $0xffff, v5  }
0x23d: {  	[tilespmem:s10+$0x8940] =	vst.add.f32.msk $0xffff, v6  }
0x23e: {  	[tilespmem:s10+$0x8950] =	vst.add.f32.msk $0xffff, v1  }
0x23f: {  	[tilespmem:s10+$0x8960] =	vst.add.f32.msk $0xffff, v0  }
0x240: {  	[tilespmem:s10+$0x8970] =	vst.add.f32.msk $0xffff, v7  }
0x241: {  	[tilespmem:s10+$0x8980] =	vst.add.f32.msk $0xffff, v2  }
0x242: {  	[tilespmem:s10+$0x8990] =	vst.add.f32.msk $0xffff, v3  }
0x243: {  	[tilespmem:s10+$0x89A0] =	vst.add.f32.msk $0xffff, v4  }
0x244: {  	[tilespmem:s10+$0x89B0] =	vst.add.f32.msk $0xffff, v5  }
0x245: {  	[tilespmem:s10+$0x89C0] =	vst.add.f32.msk $0xffff, v6  }
0x246: {  	[tilespmem:s10+$0x89D0] =	vst.add.f32.msk $0xffff, v1  }
0x247: {  	[tilespmem:s10+$0x89E0] =	vst.add.f32.msk $0xffff, v0  }
0x248: {  	[tilespmem:s10+$0x89F0] =	vst.add.f32.msk $0xffff, v7  }
0x249: {  	[tilespmem:s10+$0x8A00] =	vst.add.f32.msk $0xffff, v2  }
0x24a: {  	[tilespmem:s10+$0x8A10] =	vst.add.f32.msk $0xffff, v3  }
0x24b: {  	[tilespmem:s10+$0x8A20] =	vst.add.f32.msk $0xffff, v4  }
0x24c: {  	[tilespmem:s10+$0x8A30] =	vst.add.f32.msk $0xffff, v5  }
0x24d: {  	[tilespmem:s10+$0x8A40] =	vst.add.f32.msk $0xffff, v6  }
0x24e: {  	[tilespmem:s10+$0x8A50] =	vst.add.f32.msk $0xffff, v1  }
0x24f: {  	[tilespmem:s10+$0x8A60] =	vst.add.f32.msk $0xffff, v0  }
0x250: {  	[tilespmem:s10+$0x8A70] =	vst.add.f32.msk $0xffff, v7  }
0x251: {  	[tilespmem:s10+$0x8A80] =	vst.add.f32.msk $0xffff, v2  }
0x252: {  	[tilespmem:s10+$0x8A90] =	vst.add.f32.msk $0xffff, v3  }
0x253: {  	[tilespmem:s10+$0x8AA0] =	vst.add.f32.msk $0xffff, v4  }
0x254: {  	[tilespmem:s10+$0x8AB0] =	vst.add.f32.msk $0xffff, v5  }
0x255: {  	[tilespmem:s10+$0x8AC0] =	vst.add.f32.msk $0xffff, v6;
	s11 =	sadd.s32 @!p1 s11, s4  }
0x256: {  	[tilespmem:s10+$0x8AD0] =	vst.add.f32.msk $0xffff, v1;
	s11 =	sadd.s32 @!p1 s9, s11  }
0x257: {  	[tilespmem:s10+$0x8AE0] =	vst.add.f32.msk $0xffff, v0;
	s12 =	simm.s32 @!p1 $0x8900;
	s10 =	sadd.s32 @!p1 $0x800, s11;
	s11 =	simm.s32 @!p1 $0x0  }
0x258: {  	[hbm4b:s10+s11] =	stream.linear.scatter @!p1 [tilespmem:s12], [sflag:$0x6], $0x4000, $0x38;
	[tilespmem:$0x14900] =	vst v63  }
0x259: {  	s10 =	simm.s32 @!p1 $0x5  }
0x25a: {  	_ =	swait.ge @!p1 [sflag:s10], $0x4000  }
0x25b: {  	p2 =	seq.s32 s8, $0x1F;
	[sflag:s10] =	ssyncset.done @!p1 $0x0  }
0x25c: {  	[sflag:s10] =	ssyncadd.s32 @!p1 $0xFFFFC000;
	s10 =	sadd.s32 @!p2 $0x200, s5  }
0x25d: {  	s11 =	simm.s32 @!p2 $0x80;
	s12 =	simm.s32 @!p2 $0x4900;
	s10 =	sand.u32 @!p2 $0x7E00, s10  }
0x25e: {  	[tilespmem:s12], [sflag:$0x1] =	stream.indirect.gather @!p2 [hbm4b:s1+s11], $0x80, s10, s11, $0xb8;
	[tilespmem:$0x14900] =	vst v63  }
0x25f: {  	_ =	swait.ge [sflag:s31], $0x4000  }
0x260: {  	[sflag:s31] =	ssyncset.done $0x0  }
0x261: {  	[sflag:s31] =	ssyncadd.s32 $0xFFFFC000  }
0x262: {  	v2 =	vld [tilespmem:s25+$0x4000]  }
0x263: {  	v3 =	vld [tilespmem:s25+$0x4010]  }
0x264: {  	v4 =	vld [tilespmem:s25+$0x4020]  }
0x265: {  	v7 =	vld [tilespmem:s25+$0x4070]  }
0x266: {  	v5 =	vld [tilespmem:s25+$0x4030]  }
0x267: {  	v6 =	vld [tilespmem:s25+$0x4040]  }
0x268: {  	v1 =	vld [tilespmem:s25+$0x4050]  }
0x269: {  	s10 =	simm.s32 $0x0;
	s11 =	simm.s32 $0x800;
	v0 =	vld [tilespmem:s25+$0x4060]  }
.LBB2_7:
0x26a: {  	p3 =	sne.s32 s11, $0xF800;
	[tilespmem:s10+$0xCAF0] =	vst.add.f32.msk $0xffff, v7  }
0x26b: {  	[tilespmem:s10+$0xC900] =	vst.add.f32.msk $0xffff, v2  }
0x26c: {  	[tilespmem:s10+$0xC910] =	vst.add.f32.msk $0xffff, v3  }
0x26d: {  	[tilespmem:s10+$0xC920] =	vst.add.f32.msk $0xffff, v4  }
0x26e: {  	[tilespmem:s10+$0xC930] =	vst.add.f32.msk $0xffff, v5  }
0x26f: {  	[tilespmem:s10+$0xC940] =	vst.add.f32.msk $0xffff, v6  }
0x270: {  	[tilespmem:s10+$0xC950] =	vst.add.f32.msk $0xffff, v1  }
0x271: {  	[tilespmem:s10+$0xC960] =	vst.add.f32.msk $0xffff, v0  }
0x272: {  	[tilespmem:s10+$0xC970] =	vst.add.f32.msk $0xffff, v7  }
0x273: {  	[tilespmem:s10+$0xC980] =	vst.add.f32.msk $0xffff, v2  }
0x274: {  	[tilespmem:s10+$0xC990] =	vst.add.f32.msk $0xffff, v3  }
0x275: {  	[tilespmem:s10+$0xC9A0] =	vst.add.f32.msk $0xffff, v4  }
0x276: {  	[tilespmem:s10+$0xC9B0] =	vst.add.f32.msk $0xffff, v5  }
0x277: {  	[tilespmem:s10+$0xC9C0] =	vst.add.f32.msk $0xffff, v6  }
0x278: {  	[tilespmem:s10+$0xC9D0] =	vst.add.f32.msk $0xffff, v1  }
0x279: {  	[tilespmem:s10+$0xC9E0] =	vst.add.f32.msk $0xffff, v0  }
0x27a: {  	[tilespmem:s10+$0xC9F0] =	vst.add.f32.msk $0xffff, v7  }
0x27b: {  	[tilespmem:s10+$0xCA00] =	vst.add.f32.msk $0xffff, v2  }
0x27c: {  	[tilespmem:s10+$0xCA10] =	vst.add.f32.msk $0xffff, v3  }
0x27d: {  	[tilespmem:s10+$0xCA20] =	vst.add.f32.msk $0xffff, v4  }
0x27e: {  	[tilespmem:s10+$0xCA30] =	vst.add.f32.msk $0xffff, v5  }
0x27f: {  	[tilespmem:s10+$0xCA40] =	vst.add.f32.msk $0xffff, v6  }
0x280: {  	[tilespmem:s10+$0xCA50] =	vst.add.f32.msk $0xffff, v1  }
0x281: {  	[tilespmem:s10+$0xCA60] =	vst.add.f32.msk $0xffff, v0  }
0x282: {  	[tilespmem:s10+$0xCA70] =	vst.add.f32.msk $0xffff, v7  }
0x283: {  	[tilespmem:s10+$0xCA80] =	vst.add.f32.msk $0xffff, v2  }
0x284: {  	[tilespmem:s10+$0xCA90] =	vst.add.f32.msk $0xffff, v3  }
.Ltmp2:
0x285: {  	[tilespmem:s10+$0xCAA0] =	vst.add.f32.msk $0xffff, v4;
	(pc) =	sbr.rel @p3 .LBB2_7-.Ltmp2, $4  }
0x286: {  	[tilespmem:s10+$0xCAB0] =	vst.add.f32.msk $0xffff, v5  }
0x287: {  	[tilespmem:s10+$0xCAC0] =	vst.add.f32.msk $0xffff, v6  }
0x288: {  	[tilespmem:s10+$0xCAD0] =	vst.add.f32.msk $0xffff, v1  }
0x289: {  	[tilespmem:s10+$0xCAE0] =	vst.add.f32.msk $0xffff, v0;
	s10 =	sshra.s32 s11, $0x2;
	s11 =	sadd.s32 $0x800, s11  }
0x28a: {  	[tilespmem:s10+$0xCAF0] =	vst.add.f32.msk $0xffff, v7  }
0x28b: {  	[tilespmem:s10+$0xC900] =	vst.add.f32.msk $0xffff, v2  }
0x28c: {  	[tilespmem:s10+$0xC910] =	vst.add.f32.msk $0xffff, v3  }
0x28d: {  	[tilespmem:s10+$0xC920] =	vst.add.f32.msk $0xffff, v4  }
0x28e: {  	[tilespmem:s10+$0xC930] =	vst.add.f32.msk $0xffff, v5  }
0x28f: {  	[tilespmem:s10+$0xC940] =	vst.add.f32.msk $0xffff, v6  }
0x290: {  	[tilespmem:s10+$0xC950] =	vst.add.f32.msk $0xffff, v1  }
0x291: {  	[tilespmem:s10+$0xC960] =	vst.add.f32.msk $0xffff, v0  }
0x292: {  	[tilespmem:s10+$0xC970] =	vst.add.f32.msk $0xffff, v7  }
0x293: {  	[tilespmem:s10+$0xC980] =	vst.add.f32.msk $0xffff, v2  }
0x294: {  	[tilespmem:s10+$0xC990] =	vst.add.f32.msk $0xffff, v3  }
0x295: {  	[tilespmem:s10+$0xC9A0] =	vst.add.f32.msk $0xffff, v4  }
0x296: {  	[tilespmem:s10+$0xC9B0] =	vst.add.f32.msk $0xffff, v5  }
0x297: {  	[tilespmem:s10+$0xC9C0] =	vst.add.f32.msk $0xffff, v6  }
0x298: {  	[tilespmem:s10+$0xC9D0] =	vst.add.f32.msk $0xffff, v1  }
0x299: {  	[tilespmem:s10+$0xC9E0] =	vst.add.f32.msk $0xffff, v0  }
0x29a: {  	[tilespmem:s10+$0xC9F0] =	vst.add.f32.msk $0xffff, v7  }
0x29b: {  	[tilespmem:s10+$0xCA00] =	vst.add.f32.msk $0xffff, v2  }
0x29c: {  	[tilespmem:s10+$0xCA10] =	vst.add.f32.msk $0xffff, v3  }
0x29d: {  	[tilespmem:s10+$0xCA20] =	vst.add.f32.msk $0xffff, v4  }
0x29e: {  	[tilespmem:s10+$0xCA30] =	vst.add.f32.msk $0xffff, v5  }
0x29f: {  	[tilespmem:s10+$0xCA40] =	vst.add.f32.msk $0xffff, v6  }
0x2a0: {  	[tilespmem:s10+$0xCA50] =	vst.add.f32.msk $0xffff, v1  }
0x2a1: {  	[tilespmem:s10+$0xCA60] =	vst.add.f32.msk $0xffff, v0  }
0x2a2: {  	[tilespmem:s10+$0xCA70] =	vst.add.f32.msk $0xffff, v7  }
0x2a3: {  	[tilespmem:s10+$0xCA80] =	vst.add.f32.msk $0xffff, v2  }
0x2a4: {  	[tilespmem:s10+$0xCA90] =	vst.add.f32.msk $0xffff, v3  }
0x2a5: {  	[tilespmem:s10+$0xCAA0] =	vst.add.f32.msk $0xffff, v4  }
0x2a6: {  	[tilespmem:s10+$0xCAB0] =	vst.add.f32.msk $0xffff, v5  }
0x2a7: {  	[tilespmem:s10+$0xCAC0] =	vst.add.f32.msk $0xffff, v6;
	s11 =	sshll.u32 @!p1 s28, $0xB  }
0x2a8: {  	[tilespmem:s10+$0xCAD0] =	vst.add.f32.msk $0xffff, v1;
	s9 =	sadd.s32 @!p1 s4, s9;
	s11 =	sand.u32 @!p1 $0x3000, s11  }
0x2a9: {  	[tilespmem:s10+$0xCAE0] =	vst.add.f32.msk $0xffff, v0;
	s12 =	simm.s32 @!p1 $0xC900;
	s10 =	sadd.s32 @!p1 s11, s9;
	s11 =	simm.s32 @!p1 $0x0  }
0x2aa: {  	[hbm4b:s10+s11] =	stream.linear.scatter @!p1 [tilespmem:s12], [sflag:$0x7], $0x4000, $0x38;
	[tilespmem:$0x14900] =	vst v63  }
0x2ab: {  	s10 =	simm.s32 @!p1 $0x6  }
0x2ac: {  	s5 =	sadd.s32 @!p2 $0x280, s5;
	_ =	swait.ge @!p1 [sflag:s10], $0x4000  }
0x2ad: {  	s5 =	sand.u32 @!p2 $0x7E80, s5;
	[sflag:s10] =	ssyncset.done @!p1 $0x0  }
0x2ae: {  	s11 =	simm.s32 @!p2 $0x8900;
	[sflag:s10] =	ssyncadd.s32 @!p1 $0xFFFFC000;
	s10 =	simm.s32 @!p2 $0x80  }
0x2af: {  	[tilespmem:s11], [sflag:$0x2] =	stream.indirect.gather @!p2 [hbm4b:s1+s10], $0x80, s5, s10, $0xb8;
	[tilespmem:$0x14900] =	vst v63  }
0x2b0: {  	_ =	swait.ge [sflag:s0], $0x4000  }
0x2b1: {  	[sflag:s0] =	ssyncset.done $0x0  }
0x2b2: {  	[sflag:s0] =	ssyncadd.s32 $0xFFFFC000  }
0x2b3: {  	v2 =	vld [tilespmem:s25+$0x4000]  }
0x2b4: {  	v3 =	vld [tilespmem:s25+$0x4010]  }
0x2b5: {  	v4 =	vld [tilespmem:s25+$0x4020]  }
0x2b6: {  	v7 =	vld [tilespmem:s25+$0x4070]  }
0x2b7: {  	v5 =	vld [tilespmem:s25+$0x4030]  }
0x2b8: {  	v6 =	vld [tilespmem:s25+$0x4040]  }
0x2b9: {  	v1 =	vld [tilespmem:s25+$0x4050]  }
0x2ba: {  	s5 =	simm.s32 $0x0;
	s10 =	simm.s32 $0x800;
	v0 =	vld [tilespmem:s25+$0x4060]  }
.LBB2_9:
0x2bb: {  	p2 =	sne.s32 s10, $0xF800;
	[tilespmem:s5+$0x10AF0] =	vst.add.f32.msk $0xffff, v7  }
0x2bc: {  	[tilespmem:s5+$0x10900] =	vst.add.f32.msk $0xffff, v2  }
0x2bd: {  	[tilespmem:s5+$0x10910] =	vst.add.f32.msk $0xffff, v3  }
0x2be: {  	[tilespmem:s5+$0x10920] =	vst.add.f32.msk $0xffff, v4  }
0x2bf: {  	[tilespmem:s5+$0x10930] =	vst.add.f32.msk $0xffff, v5  }
0x2c0: {  	[tilespmem:s5+$0x10940] =	vst.add.f32.msk $0xffff, v6  }
0x2c1: {  	[tilespmem:s5+$0x10950] =	vst.add.f32.msk $0xffff, v1  }
0x2c2: {  	[tilespmem:s5+$0x10960] =	vst.add.f32.msk $0xffff, v0  }
0x2c3: {  	[tilespmem:s5+$0x10970] =	vst.add.f32.msk $0xffff, v7  }
0x2c4: {  	[tilespmem:s5+$0x10980] =	vst.add.f32.msk $0xffff, v2  }
0x2c5: {  	[tilespmem:s5+$0x10990] =	vst.add.f32.msk $0xffff, v3  }
0x2c6: {  	[tilespmem:s5+$0x109A0] =	vst.add.f32.msk $0xffff, v4  }
0x2c7: {  	[tilespmem:s5+$0x109B0] =	vst.add.f32.msk $0xffff, v5  }
0x2c8: {  	[tilespmem:s5+$0x109C0] =	vst.add.f32.msk $0xffff, v6  }
0x2c9: {  	[tilespmem:s5+$0x109D0] =	vst.add.f32.msk $0xffff, v1  }
0x2ca: {  	[tilespmem:s5+$0x109E0] =	vst.add.f32.msk $0xffff, v0  }
0x2cb: {  	[tilespmem:s5+$0x109F0] =	vst.add.f32.msk $0xffff, v7  }
0x2cc: {  	[tilespmem:s5+$0x10A00] =	vst.add.f32.msk $0xffff, v2  }
0x2cd: {  	[tilespmem:s5+$0x10A10] =	vst.add.f32.msk $0xffff, v3  }
0x2ce: {  	[tilespmem:s5+$0x10A20] =	vst.add.f32.msk $0xffff, v4  }
0x2cf: {  	[tilespmem:s5+$0x10A30] =	vst.add.f32.msk $0xffff, v5  }
0x2d0: {  	[tilespmem:s5+$0x10A40] =	vst.add.f32.msk $0xffff, v6  }
0x2d1: {  	[tilespmem:s5+$0x10A50] =	vst.add.f32.msk $0xffff, v1  }
0x2d2: {  	[tilespmem:s5+$0x10A60] =	vst.add.f32.msk $0xffff, v0  }
0x2d3: {  	[tilespmem:s5+$0x10A70] =	vst.add.f32.msk $0xffff, v7  }
0x2d4: {  	[tilespmem:s5+$0x10A80] =	vst.add.f32.msk $0xffff, v2  }
0x2d5: {  	[tilespmem:s5+$0x10A90] =	vst.add.f32.msk $0xffff, v3  }
.Ltmp3:
0x2d6: {  	[tilespmem:s5+$0x10AA0] =	vst.add.f32.msk $0xffff, v4;
	(pc) =	sbr.rel @p2 .LBB2_9-.Ltmp3, $4  }
0x2d7: {  	[tilespmem:s5+$0x10AB0] =	vst.add.f32.msk $0xffff, v5  }
0x2d8: {  	[tilespmem:s5+$0x10AC0] =	vst.add.f32.msk $0xffff, v6  }
0x2d9: {  	[tilespmem:s5+$0x10AD0] =	vst.add.f32.msk $0xffff, v1  }
0x2da: {  	[tilespmem:s5+$0x10AE0] =	vst.add.f32.msk $0xffff, v0;
	s5 =	sshra.s32 s10, $0x2;
	s10 =	sadd.s32 $0x800, s10  }
0x2db: {  	[tilespmem:s5+$0x10AF0] =	vst.add.f32.msk $0xffff, v7  }
0x2dc: {  	[tilespmem:s5+$0x10900] =	vst.add.f32.msk $0xffff, v2  }
0x2dd: {  	[tilespmem:s5+$0x10910] =	vst.add.f32.msk $0xffff, v3  }
0x2de: {  	[tilespmem:s5+$0x10920] =	vst.add.f32.msk $0xffff, v4  }
0x2df: {  	[tilespmem:s5+$0x10930] =	vst.add.f32.msk $0xffff, v5  }
0x2e0: {  	[tilespmem:s5+$0x10940] =	vst.add.f32.msk $0xffff, v6  }
0x2e1: {  	[tilespmem:s5+$0x10950] =	vst.add.f32.msk $0xffff, v1  }
0x2e2: {  	[tilespmem:s5+$0x10960] =	vst.add.f32.msk $0xffff, v0  }
0x2e3: {  	[tilespmem:s5+$0x10970] =	vst.add.f32.msk $0xffff, v7  }
0x2e4: {  	[tilespmem:s5+$0x10980] =	vst.add.f32.msk $0xffff, v2  }
0x2e5: {  	[tilespmem:s5+$0x10990] =	vst.add.f32.msk $0xffff, v3  }
0x2e6: {  	[tilespmem:s5+$0x109A0] =	vst.add.f32.msk $0xffff, v4  }
0x2e7: {  	[tilespmem:s5+$0x109B0] =	vst.add.f32.msk $0xffff, v5  }
0x2e8: {  	[tilespmem:s5+$0x109C0] =	vst.add.f32.msk $0xffff, v6  }
0x2e9: {  	[tilespmem:s5+$0x109D0] =	vst.add.f32.msk $0xffff, v1  }
0x2ea: {  	[tilespmem:s5+$0x109E0] =	vst.add.f32.msk $0xffff, v0  }
0x2eb: {  	[tilespmem:s5+$0x109F0] =	vst.add.f32.msk $0xffff, v7  }
0x2ec: {  	[tilespmem:s5+$0x10A00] =	vst.add.f32.msk $0xffff, v2  }
0x2ed: {  	[tilespmem:s5+$0x10A10] =	vst.add.f32.msk $0xffff, v3  }
0x2ee: {  	[tilespmem:s5+$0x10A20] =	vst.add.f32.msk $0xffff, v4  }
0x2ef: {  	[tilespmem:s5+$0x10A30] =	vst.add.f32.msk $0xffff, v5  }
0x2f0: {  	[tilespmem:s5+$0x10A40] =	vst.add.f32.msk $0xffff, v6  }
0x2f1: {  	[tilespmem:s5+$0x10A50] =	vst.add.f32.msk $0xffff, v1  }
0x2f2: {  	[tilespmem:s5+$0x10A60] =	vst.add.f32.msk $0xffff, v0  }
0x2f3: {  	[tilespmem:s5+$0x10A70] =	vst.add.f32.msk $0xffff, v7  }
0x2f4: {  	[tilespmem:s5+$0x10A80] =	vst.add.f32.msk $0xffff, v2  }
0x2f5: {  	[tilespmem:s5+$0x10A90] =	vst.add.f32.msk $0xffff, v3  }
0x2f6: {  	[tilespmem:s5+$0x10AA0] =	vst.add.f32.msk $0xffff, v4  }
0x2f7: {  	[tilespmem:s5+$0x10AB0] =	vst.add.f32.msk $0xffff, v5  }
0x2f8: {  	[tilespmem:s5+$0x10AC0] =	vst.add.f32.msk $0xffff, v6;
	s7 =	sshll.u32 @!p1 s7, $0xB  }
0x2f9: {  	[tilespmem:s5+$0x10AD0] =	vst.add.f32.msk $0xffff, v1;
	s8 =	sadd.s32 $0x1, s8;
	s7 =	sand.u32 @!p1 $0x3800, s7  }
0x2fa: {  	[tilespmem:s5+$0x10AE0] =	vst.add.f32.msk $0xffff, v0;
	s5 =	sadd.s32 @!p1 s7, s9;
	s7 =	simm.s32 @!p1 $0x0;
	s9 =	simm.s32 @!p1 $0x10900  }
0x2fb: {  	[hbm4b:s5+s7] =	stream.linear.scatter @!p1 [tilespmem:s9], [sflag:$0x8], $0x4000, $0x38;
	[tilespmem:$0x14900] =	vst v63  }
0x2fc: {  	p1 =	sne.s32 s8, $0x20  }
.Ltmp4:
0x2fd: {  	_ = 	snop;
	(pc) =	sbr.rel @p1 .LBB2_2-.Ltmp4, $1  }
0x2fe: {  	_ =	sdelay $0x3  }
0x2ff: {  	s5 =	simm.s32 @!p0 $0x7  }
0x300: {  	_ =	swait.ge @!p0 [sflag:s5], $0x4000  }
0x301: {  	[sflag:s5] =	ssyncset.done @!p0 $0x0  }
0x302: {  	[sflag:s5] =	ssyncadd.s32 @!p0 $0xFFFFC000;
	s5 =	simm.s32 @!p0 $0x8  }
0x303: {  	_ =	swait.ge @!p0 [sflag:s5], $0x4000  }
0x304: {  	s8 =	rddreg [dreg:$0xf]  }
0x305: {  	s7 =	rddreg [dreg:$0xe];
	s8 =	sadd.s32 $0x1, s8  }
0x306: {  	p1 =	sne.s32 s8, s7  }
.Ltmp5:
0x307: {  	_ = 	snop;
	(pc) =	sbr.rel @p1 .LBB2_1-.Ltmp5, $3  }
0x308: {  	_ =	sdelay $0x1  }
0x309: {  	[sflag:s5] =	ssyncset.done @!p0 $0x0  }
0x30a: {  	[sflag:s5] =	ssyncadd.s32 @!p0 $0xFFFFC000  }
0x30b: {  	_ =	sfence.sel $0x180000  }
0x30c: {  	[bflag:$0x0] =	sbarrier.arrive $0xFFFF  }
0x30d: {  	_ =	strace $0x90000047  }
0x30e: {  	s0 =	stileid.u32;
	[bflag:$0x2] =	sbarrier.arrive $0xFFFF  }
0x30f: {  	p0 =	sne.s32 s0, $0x0;
	s0 =	rddreg [dreg:$0x5]  }
0x310: {  	s0 =	sadd.s32 @!p0 $0x100000, s0  }
0x311: {  	[sflag:s0] =	ssyncadd.tile.s32 @!p0 $0x1;
	_ =	shalt  }
.Lfunc_end2:
_tile_overlayer_lowered:
.L_overlay_start_2:
0x312: {  	(tag) =	ssettag $0x2  }
0x313: {  	s0 =	rddreg [dreg:$0x0];
	s2 =	stileid.u32  }
0x314: {  	s1 =	rddreg [dreg:$0x1];
	p0 =	sne.s32 s2, $0x0  }
0x315: {  	s3 =	rddreg [dreg:$0x2];
	[bflag:$0x3] =	sbarrier.arrive $0xFFFF;
	s2 =	simm.s32 @!p0 $0x1C09  }
0x316: {  	[timem:s3], [sflag:s2] =	dma.local @!p0 [hbm:s0], s1  }
0x317: {  	s0 =	simm.s32 @!p0 $0x9  }
0x318: {  	_ =	swait.ge @!p0 [sflag:s0], s1  }
0x319: {  	s1 =	ssub.s32 @!p0 $0x0, s1;
	[sflag:s0] =	ssyncset.done @!p0 $0x0  }
0x31a: {  	[sflag:s0] =	ssyncadd.s32 @!p0 s1  }
0x31b: {  	[bflag:$0x3] =	sbarrier.arrive $0xFFFF  }
0x31c: {  	_ =	shalt  }

</sc_bundles>
